<compile_context>
chip_gen: v7x
topology: tpu7x:2x2x1
jax: 0.10.2.dev20260603
libtpu: 0.0.44.dev20260713+nightly
codegen_flags: <defaults>
</compile_context>

<pallas_src>
import functools

import jax
import jax.numpy as jnp
from jax import lax
from jax.experimental import pallas as pl
from jax.experimental.pallas import tpu as pltpu
from jax.experimental.pallas import tpu_sc as plsc

N = 10000
D = 256
DH = 128
N_PAD = 10240
ROWS_PER_TILE = 640
E_PAD = 161792
EDGES_PER_TILE = 10112
K = 128
NCHUNK = EDGES_PER_TILE // K
TRASH = 10016

def _deg_body(srcp, dstp, cnt_src, cnt_dst, sbuf, dbuf, tbuf, ones_b,
              obuf, acc):
    c = lax.axis_index("c")
    s = lax.axis_index("s")
    base_r = s * ROWS_PER_TILE
    ebase = s * EDGES_PER_TILE

    one16 = jnp.ones((16,), jnp.float32)
    zero16 = jnp.zeros((16,), jnp.float32)
    for j in range(K):
        ones_b[j] = one16
    for j in range(K):
        obuf[j] = zero16

    def zinit(k, carry):
        pltpu.sync_copy(obuf, acc.at[pl.ds(base_r + k * K, K)])
        return carry
    lax.fori_loop(0, ROWS_PER_TILE // K, zinit, 0)
    plsc.subcore_barrier()

    def run(use_src):
        def chunk(g, carry):
            off = ebase + g * K
            pltpu.sync_copy(srcp.at[pl.ds(off, K)], sbuf)
            pltpu.sync_copy(dstp.at[pl.ds(off, K)], dbuf)
            for j in range(K // 16):
                sv = sbuf[pl.ds(j * 16, 16)]
                dv = dbuf[pl.ds(j * 16, 16)]
                key = sv if use_src else dv
                tbuf[pl.ds(j * 16, 16)] = jnp.where(sv != dv, key, TRASH)
            pltpu.sync_copy(ones_b, acc.at[tbuf], add=True)
            return carry
        lax.fori_loop(0, NCHUNK, chunk, 0)

    @pl.when(c == 0)
    def _():
        run(True)

    @pl.when(c == 1)
    def _():
        run(False)

    plsc.subcore_barrier()

    def wb(k, carry):
        pltpu.sync_copy(acc.at[pl.ds(base_r + k * K, K)], obuf)

        @pl.when(c == 0)
        def _():
            pltpu.sync_copy(obuf, cnt_src.at[pl.ds(base_r + k * K, K)])

        @pl.when(c == 1)
        def _():
            pltpu.sync_copy(obuf, cnt_dst.at[pl.ds(base_r + k * K, K)])
        return carry
    lax.fori_loop(0, ROWS_PER_TILE // K, wb, 0)


def _agg_body(h_lo, h_hi, srcp, dstp, agg_lo, agg_hi, sbuf, dbuf, tbuf,
              rows, ibuf, acc, sem):
    c = lax.axis_index("c")
    s = lax.axis_index("s")
    base_r = s * ROWS_PER_TILE
    ebase = s * EDGES_PER_TILE

    def run(h_ref, out_ref):
        def init_k(k, carry):
            pltpu.sync_copy(h_ref.at[pl.ds(base_r + k * K, K)], ibuf)
            pltpu.sync_copy(ibuf, acc.at[pl.ds(base_r + k * K, K)])
            return carry
        lax.fori_loop(0, ROWS_PER_TILE // K, init_k, 0)
        plsc.subcore_barrier()

        def chunk(g, carry):
            off = ebase + g * K
            pltpu.sync_copy(srcp.at[pl.ds(off, K)], sbuf)
            pltpu.sync_copy(dstp.at[pl.ds(off, K)], dbuf)
            for j in range(K // 16):
                sv = sbuf[pl.ds(j * 16, 16)]
                dv = dbuf[pl.ds(j * 16, 16)]
                tbuf[pl.ds(j * 16, 16)] = jnp.where(sv != dv, dv, TRASH)
            pltpu.async_copy(h_ref.at[sbuf], rows, sem).wait()
            pltpu.sync_copy(rows, acc.at[tbuf], add=True)
            return carry
        lax.fori_loop(0, NCHUNK, chunk, 0)
        plsc.subcore_barrier()

        def wb(k, carry):
            pltpu.sync_copy(acc.at[pl.ds(base_r + k * K, K)], ibuf)
            pltpu.sync_copy(ibuf, out_ref.at[pl.ds(base_r + k * K, K)])
            return carry
        lax.fori_loop(0, ROWS_PER_TILE // K, wb, 0)

    @pl.when(c == 0)
    def _():
        run(h_lo, agg_lo)

    @pl.when(c == 1)
    def _():
        run(h_hi, agg_hi)


_BLK = 1024
_GRID = N_PAD // _BLK


def _mm0_body(x_ref, cs_ref, w_ref, lo_ref, hi_ref):
    scale = lax.rsqrt(cs_ref[:, 0:1] + 1.0)
    h = jnp.dot(x_ref[:] * scale, w_ref[:],
                preferred_element_type=jnp.float32)
    lo_ref[:] = h[:, :DH]
    hi_ref[:] = h[:, DH:]


def _mid_body(lo_ref, hi_ref, cd_ref, cs_ref, b_ref, w_ref, olo_ref,
              ohi_ref):
    agg = jnp.concatenate([lo_ref[:], hi_ref[:]], axis=1)
    iscale = lax.rsqrt(cd_ref[:, 0:1] + 1.0)
    x2 = jnp.maximum(agg * iscale + b_ref[:], 0.0)
    oscale = lax.rsqrt(cs_ref[:, 0:1] + 1.0)
    h = jnp.dot(x2 * oscale, w_ref[:], preferred_element_type=jnp.float32)
    olo_ref[:] = h[:, :DH]
    ohi_ref[:] = h[:, DH:]


def _fin_body(lo_ref, hi_ref, cd_ref, b_ref, out_ref):
    agg = jnp.concatenate([lo_ref[:], hi_ref[:]], axis=1)
    iscale = lax.rsqrt(cd_ref[:, 0:1] + 1.0)
    out_ref[:] = jnp.maximum(agg * iscale + b_ref[:], 0.0)


def _rows_spec(width):
    return pl.BlockSpec((_BLK, width), lambda i: (i, 0))


def _full_spec(shape):
    return pl.BlockSpec(shape, lambda i: (0,) * len(shape))


_mm0 = pl.pallas_call(
    _mm0_body,
    grid=(_GRID,),
    in_specs=[_rows_spec(D), _rows_spec(16), _full_spec((D, D))],
    out_specs=[_rows_spec(DH), _rows_spec(DH)],
    out_shape=[jax.ShapeDtypeStruct((N_PAD, DH), jnp.float32),
               jax.ShapeDtypeStruct((N_PAD, DH), jnp.float32)],
)

_mid = pl.pallas_call(
    _mid_body,
    grid=(_GRID,),
    in_specs=[_rows_spec(DH), _rows_spec(DH), _rows_spec(16),
              _rows_spec(16), _full_spec((1, D)), _full_spec((D, D))],
    out_specs=[_rows_spec(DH), _rows_spec(DH)],
    out_shape=[jax.ShapeDtypeStruct((N_PAD, DH), jnp.float32),
               jax.ShapeDtypeStruct((N_PAD, DH), jnp.float32)],
)

_FBLK = 1000
_fin = pl.pallas_call(
    _fin_body,
    grid=(N // _FBLK,),
    in_specs=[pl.BlockSpec((_FBLK, DH), lambda i: (i, 0)),
              pl.BlockSpec((_FBLK, DH), lambda i: (i, 0)),
              pl.BlockSpec((_FBLK, 16), lambda i: (i, 0)),
              _full_spec((1, D))],
    out_specs=pl.BlockSpec((_FBLK, D), lambda i: (i, 0)),
    out_shape=jax.ShapeDtypeStruct((N, D), jnp.float32),
)


@functools.cache
def _sc_kernels():
    mesh = plsc.VectorSubcoreMesh(core_axis_name="c", subcore_axis_name="s")
    deg = pl.kernel(
        _deg_body,
        mesh=mesh,
        out_type=(
            jax.ShapeDtypeStruct((N_PAD, 16), jnp.float32),
            jax.ShapeDtypeStruct((N_PAD, 16), jnp.float32),
        ),
        scratch_types=[
            pltpu.VMEM((K,), jnp.int32),
            pltpu.VMEM((K,), jnp.int32),
            pltpu.VMEM((K,), jnp.int32),
            pltpu.VMEM((K, 16), jnp.float32),
            pltpu.VMEM((K, 16), jnp.float32),
            pltpu.VMEM_SHARED((N_PAD, 16), jnp.float32),
        ],
    )
    agg = pl.kernel(
        _agg_body,
        mesh=mesh,
        out_type=(
            jax.ShapeDtypeStruct((N_PAD, DH), jnp.float32),
            jax.ShapeDtypeStruct((N_PAD, DH), jnp.float32),
        ),
        scratch_types=[
            pltpu.VMEM((K,), jnp.int32),
            pltpu.VMEM((K,), jnp.int32),
            pltpu.VMEM((K,), jnp.int32),
            pltpu.VMEM((K, DH), jnp.float32),
            pltpu.VMEM((K, DH), jnp.float32),
            pltpu.VMEM_SHARED((N_PAD, DH), jnp.float32),
            pltpu.SemaphoreType.DMA,
        ],
    )
    return deg, agg


def kernel(in_feat, edge_index, W0, b0, W1, b1, W2, b2):
    _deg_kernel, _agg_kernel = _sc_kernels()
    src = edge_index[0]
    dst = edge_index[1]
    pad = jnp.zeros((E_PAD - src.shape[0],), jnp.int32)
    srcp = jnp.concatenate([src, pad])
    dstp = jnp.concatenate([dst, pad])
    x_pad = jnp.pad(in_feat, ((0, N_PAD - N), (0, 0)))
    b0r = b0.reshape(1, D)
    b1r = b1.reshape(1, D)
    b2r = b2.reshape(1, D)

    cnt_src, cnt_dst = _deg_kernel(srcp, dstp)

    h_lo, h_hi = _mm0(x_pad, cnt_src, W0)
    a_lo, a_hi = _agg_kernel(h_lo, h_hi, srcp, dstp)
    h_lo, h_hi = _mid(a_lo, a_hi, cnt_dst, cnt_src, b0r, W1)
    a_lo, a_hi = _agg_kernel(h_lo, h_hi, srcp, dstp)
    h_lo, h_hi = _mid(a_lo, a_hi, cnt_dst, cnt_src, b1r, W2)
    a_lo, a_hi = _agg_kernel(h_lo, h_hi, srcp, dstp)
    return _fin(a_lo, a_hi, cnt_dst, b2r)

# --- scband reference (transcript-rebuilt; emitter-appended) ---
"""Pipeline reference for scband-dgl-gcn-10282151707713 (READ-ONLY COPY).

The authoritative reference and input builder live on the scoring server;
editing this copy changes nothing except your own understanding.
"""

import jax, jax.numpy as jnp
import numpy as np


def _gcn_layer(x, src, dst, w, W, b, n):
    # DGL GraphConv with norm='both': D_in^{-1/2} A D_out^{-1/2} X W + b
    out_deg = jax.ops.segment_sum(w, src, num_segments=n)
    out_deg = jnp.clip(out_deg, 1.0, None)
    in_deg = jax.ops.segment_sum(w, dst, num_segments=n)
    in_deg = jnp.clip(in_deg, 1.0, None)
    h = x * (out_deg ** -0.5)[:, None]
    h = h @ W  # in_feats == out_feats, order is mathematically equivalent
    agg = jax.ops.segment_sum(h[src] * w[:, None], dst, num_segments=n)
    agg = agg * (in_deg ** -0.5)[:, None]
    return agg + b


def setup_inputs(seed: int = 0):
    key = jax.random.key(seed)
    ks = jax.random.split(key, 10)
    n, e, d = 10000, 160000, 256
    x = jax.random.normal(ks[0], (n, d), dtype=jnp.float32)
    edge_index = jax.random.randint(ks[1], (2, e), 0, n, dtype=jnp.int32)
    scale = 0.05
    W0 = jax.random.normal(ks[2], (d, d), dtype=jnp.float32) * scale
    b0 = jnp.zeros((d,), dtype=jnp.float32)
    W1 = jax.random.normal(ks[3], (d, d), dtype=jnp.float32) * scale
    b1 = jnp.zeros((d,), dtype=jnp.float32)
    W2 = jax.random.normal(ks[4], (d, d), dtype=jnp.float32) * scale
    b2 = jnp.zeros((d,), dtype=jnp.float32)
    return {"in_feat": x, "edge_index": edge_index, "W0": W0, "b0": b0, "W1": W1, "b1": b1, "W2": W2, "b2": b2}


def reference(in_feat, edge_index, W0, b0, W1, b1, W2, b2):
    n = in_feat.shape[0]
    src, dst = edge_index[0], edge_index[1]
    # dgl.remove_self_loop
    mask = (src != dst).astype(in_feat.dtype)
    # dgl.add_self_loop
    loop = jnp.arange(n, dtype=src.dtype)
    src = jnp.concatenate([src, loop])
    dst = jnp.concatenate([dst, loop])
    w = jnp.concatenate([mask, jnp.ones(n, dtype=in_feat.dtype)])
    h = jax.nn.relu(_gcn_layer(in_feat, src, dst, w, W0, b0, n))
    h = jax.nn.relu(_gcn_layer(h, src, dst, w, W1, b1, n))
    h = jax.nn.relu(_gcn_layer(h, src, dst, w, W2, b2, n))
    return h

if __name__ == "__main__":
    import jax
    _d = setup_inputs()
    print(jax.jit(kernel)(*tuple(_d.values())))

</pallas_src>

<mosaic_0001>
#map = affine_map<(d0, d1) -> (0, 0)>
#map1 = affine_map<(d0, d1) -> (0)>
module attributes {stable_mosaic.version = 14 : i64} {
  func.func @_agg_body(%arg0: i32, %arg1: i32, %arg2: memref<10240x128xf32, #tpu.memory_space<hbm>>, %arg3: memref<10240x128xf32, #tpu.memory_space<hbm>>, %arg4: memref<161792xi32, #tpu.memory_space<hbm>>, %arg5: memref<161792xi32, #tpu.memory_space<hbm>>, %arg6: memref<10240x128xf32, #tpu.memory_space<hbm>>, %arg7: memref<10240x128xf32, #tpu.memory_space<hbm>>, %arg8: memref<128xi32, #tpu.memory_space<vmem>>, %arg9: memref<128xi32, #tpu.memory_space<vmem>>, %arg10: memref<128xi32, #tpu.memory_space<vmem>>, %arg11: memref<128x128xf32, #tpu.memory_space<vmem>>, %arg12: memref<128x128xf32, #tpu.memory_space<vmem>>, %arg13: memref<10240x128xf32, #tpu.memory_space<vmem_shared>>, %arg14: memref<!tpu.dma_semaphore, #tpu.memory_space<semaphore_mem>>) attributes {dimension_semantics = [#tpu.dimension_semantics<core_parallel>, #tpu.dimension_semantics<subcore_parallel>], iteration_bounds = array<i64: 2, 16>, scalar_prefetch = 0 : i64, scratch_operands = 7 : i64, tpu.core_type = #tpu.core_type<sc_vector_subcore>, window_params = [{transform_indices = #map}, {transform_indices = #map}, {transform_indices = #map1}, {transform_indices = #map1}, {transform_indices = #map}, {transform_indices = #map}]} {
    %mul3A = arith.constant 640 : i32
    %mul3A_0 = arith.muli %arg1, %mul3A : i32
    %mul3A_1 = arith.constant 10112 : i32
    %mul3A_2 = arith.muli %arg1, %mul3A_1 : i32
    %eq3A = arith.constant 0 : i32
    %eq3A_3 = arith.cmpi eq, %arg0, %eq3A : i32
    %convert_element_type3A = arith.extui %eq3A_3 : i1 to i32
    %cond3A = arith.constant 0 : i32
    %cond3A_4 = arith.cmpi ne, %convert_element_type3A, %cond3A : i32
    scf.if %cond3A_4 {
      %scan3A = arith.constant 0 : i32
      %scan3A_10 = arith.constant 0 : i32
      %scan3A_11 = arith.constant 5 : i32
      %scan3A_12 = arith.addi %scan3A_10, %scan3A_11 : i32
      %scan3A_13 = arith.constant 1 : i32
      scf.for %scan3A_28 = %scan3A_10 to %scan3A_12 step %scan3A_13  : i32 {
        %mul3A_29 = arith.constant 128 : i32
        %mul3A_30 = arith.muli %scan3A_28, %mul3A_29 : i32
        %add3A = arith.addi %mul3A_0, %mul3A_30 : i32
        "tpu.region"() ({
          %run_scoped3A = tpu.sem_alloc : memref<!tpu.dma_semaphore, #tpu.memory_space<semaphore_mem>>
          %dma_start3A = arith.constant 0 : i32
          %dma_start3A_34 = tpu.memref_slice %arg2[%add3A, %dma_start3A] : memref<10240x128xf32, #tpu.memory_space<hbm>> -> memref<128x128xf32, #tpu.memory_space<hbm>>
          %dma_start3A_35 = arith.constant 0 : i32
          %dma_start3A_36 = tpu.memref_slice %arg2[%add3A, %dma_start3A_35] : memref<10240x128xf32, #tpu.memory_space<hbm>> -> memref<128x128xf32, #tpu.memory_space<hbm>>
          tpu.enqueue_dma source(%dma_start3A_36 : memref<128x128xf32, #tpu.memory_space<hbm>>) target(%arg12 : memref<128x128xf32, #tpu.memory_space<vmem>>) target_semaphore(%run_scoped3A : memref<!tpu.dma_semaphore, #tpu.memory_space<semaphore_mem>>)
          %dma_wait3A = arith.constant 0 : i32
          %dma_wait3A_37 = tpu.memref_slice %arg2[%add3A, %dma_wait3A] : memref<10240x128xf32, #tpu.memory_space<hbm>> -> memref<128x128xf32, #tpu.memory_space<hbm>>
          %dma_wait3A_38 = arith.constant 0 : i32
          %dma_wait3A_39 = tpu.memref_slice %arg2[%add3A, %dma_wait3A_38] : memref<10240x128xf32, #tpu.memory_space<hbm>> -> memref<128x128xf32, #tpu.memory_space<hbm>>
          tpu.wait_dma2 semaphore(%run_scoped3A : memref<!tpu.dma_semaphore, #tpu.memory_space<semaphore_mem>>) src(%dma_wait3A_39 : memref<128x128xf32, #tpu.memory_space<hbm>>) dst(%arg12 : memref<128x128xf32, #tpu.memory_space<vmem>>)
          tpu.yield
        }) : () -> ()
        %mul3A_31 = arith.constant 128 : i32
        %mul3A_32 = arith.muli %scan3A_28, %mul3A_31 : i32
        %add3A_33 = arith.addi %mul3A_0, %mul3A_32 : i32
        "tpu.region"() ({
          %run_scoped3A = tpu.sem_alloc : memref<!tpu.dma_semaphore, #tpu.memory_space<semaphore_mem>>
          %dma_start3A = arith.constant 0 : i32
          %dma_start3A_34 = tpu.memref_slice %arg13[%add3A_33, %dma_start3A] : memref<10240x128xf32, #tpu.memory_space<vmem_shared>> -> memref<128x128xf32, #tpu.memory_space<vmem_shared>>
          %dma_start3A_35 = arith.constant 0 : i32
          %dma_start3A_36 = tpu.memref_slice %arg13[%add3A_33, %dma_start3A_35] : memref<10240x128xf32, #tpu.memory_space<vmem_shared>> -> memref<128x128xf32, #tpu.memory_space<vmem_shared>>
          tpu.enqueue_dma source(%arg12 : memref<128x128xf32, #tpu.memory_space<vmem>>) target(%dma_start3A_36 : memref<128x128xf32, #tpu.memory_space<vmem_shared>>) target_semaphore(%run_scoped3A : memref<!tpu.dma_semaphore, #tpu.memory_space<semaphore_mem>>)
          %dma_wait3A = arith.constant 0 : i32
          %dma_wait3A_37 = tpu.memref_slice %arg13[%add3A_33, %dma_wait3A] : memref<10240x128xf32, #tpu.memory_space<vmem_shared>> -> memref<128x128xf32, #tpu.memory_space<vmem_shared>>
          %dma_wait3A_38 = arith.constant 0 : i32
          %dma_wait3A_39 = tpu.memref_slice %arg13[%add3A_33, %dma_wait3A_38] : memref<10240x128xf32, #tpu.memory_space<vmem_shared>> -> memref<128x128xf32, #tpu.memory_space<vmem_shared>>
          tpu.wait_dma2 semaphore(%run_scoped3A : memref<!tpu.dma_semaphore, #tpu.memory_space<semaphore_mem>>) src(%arg12 : memref<128x128xf32, #tpu.memory_space<vmem>>) dst(%dma_wait3A_39 : memref<128x128xf32, #tpu.memory_space<vmem_shared>>)
          tpu.yield
        }) : () -> ()
      }
      %scan3A_14 = arith.constant 5 : i32
      %barrier3A = arith.constant 0 : index
      tpu.barrier barrier_id(%barrier3A)
      %scan3A_15 = arith.constant 0 : i32
      %scan3A_16 = arith.constant 0 : i32
      %scan3A_17 = arith.constant 79 : i32
      %scan3A_18 = arith.addi %scan3A_16, %scan3A_17 : i32
      %scan3A_19 = arith.constant 1 : i32
      scf.for %scan3A_28 = %scan3A_16 to %scan3A_18 step %scan3A_19  : i32 {
        %mul3A_29 = arith.constant 128 : i32
        %mul3A_30 = arith.muli %scan3A_28, %mul3A_29 : i32
        %add3A = arith.addi %mul3A_2, %mul3A_30 : i32
        "tpu.region"() ({
          %run_scoped3A = tpu.sem_alloc : memref<!tpu.dma_semaphore, #tpu.memory_space<semaphore_mem>>
          %dma_start3A_141 = tpu.memref_slice %arg4[%add3A] : memref<161792xi32, #tpu.memory_space<hbm>> -> memref<128xi32, #tpu.memory_space<hbm>>
          %dma_start3A_142 = tpu.memref_slice %arg4[%add3A] : memref<161792xi32, #tpu.memory_space<hbm>> -> memref<128xi32, #tpu.memory_space<hbm>>
          tpu.enqueue_dma source(%dma_start3A_142 : memref<128xi32, #tpu.memory_space<hbm>>) target(%arg8 : memref<128xi32, #tpu.memory_space<vmem>>) target_semaphore(%run_scoped3A : memref<!tpu.dma_semaphore, #tpu.memory_space<semaphore_mem>>)
          %dma_wait3A_143 = tpu.memref_slice %arg4[%add3A] : memref<161792xi32, #tpu.memory_space<hbm>> -> memref<128xi32, #tpu.memory_space<hbm>>
          %dma_wait3A_144 = tpu.memref_slice %arg4[%add3A] : memref<161792xi32, #tpu.memory_space<hbm>> -> memref<128xi32, #tpu.memory_space<hbm>>
          tpu.wait_dma2 semaphore(%run_scoped3A : memref<!tpu.dma_semaphore, #tpu.memory_space<semaphore_mem>>) src(%dma_wait3A_144 : memref<128xi32, #tpu.memory_space<hbm>>) dst(%arg8 : memref<128xi32, #tpu.memory_space<vmem>>)
          tpu.yield
        }) : () -> ()
        "tpu.region"() ({
          %run_scoped3A = tpu.sem_alloc : memref<!tpu.dma_semaphore, #tpu.memory_space<semaphore_mem>>
          %dma_start3A_141 = tpu.memref_slice %arg5[%add3A] : memref<161792xi32, #tpu.memory_space<hbm>> -> memref<128xi32, #tpu.memory_space<hbm>>
          %dma_start3A_142 = tpu.memref_slice %arg5[%add3A] : memref<161792xi32, #tpu.memory_space<hbm>> -> memref<128xi32, #tpu.memory_space<hbm>>
          tpu.enqueue_dma source(%dma_start3A_142 : memref<128xi32, #tpu.memory_space<hbm>>) target(%arg9 : memref<128xi32, #tpu.memory_space<vmem>>) target_semaphore(%run_scoped3A : memref<!tpu.dma_semaphore, #tpu.memory_space<semaphore_mem>>)
          %dma_wait3A_143 = tpu.memref_slice %arg5[%add3A] : memref<161792xi32, #tpu.memory_space<hbm>> -> memref<128xi32, #tpu.memory_space<hbm>>
          %dma_wait3A_144 = tpu.memref_slice %arg5[%add3A] : memref<161792xi32, #tpu.memory_space<hbm>> -> memref<128xi32, #tpu.memory_space<hbm>>
          tpu.wait_dma2 semaphore(%run_scoped3A : memref<!tpu.dma_semaphore, #tpu.memory_space<semaphore_mem>>) src(%dma_wait3A_144 : memref<128xi32, #tpu.memory_space<hbm>>) dst(%arg9 : memref<128xi32, #tpu.memory_space<vmem>>)
          tpu.yield
        }) : () -> ()
        %get3A = arith.constant 0 : index
        %get3A_31 = tpu.vector_load %arg8[%get3A] {strides = array<i32>} : memref<128xi32, #tpu.memory_space<vmem>>, vector<16xi32>,
        %get3A_32 = vector.shape_cast %get3A_31 : vector<16xi32> to vector<16xi32>
        %get3A_33 = arith.constant 0 : index
        %get3A_34 = tpu.vector_load %arg9[%get3A_33] {strides = array<i32>} : memref<128xi32, #tpu.memory_space<vmem>>, vector<16xi32>,
        %get3A_35 = vector.shape_cast %get3A_34 : vector<16xi32> to vector<16xi32>
        %ne3A = arith.cmpi ne, %get3A_32, %get3A_35 : vector<16xi32>
        %jit3A = arith.constant 10016 : i32
        %broadcast_in_dim3A = vector.broadcast %jit3A : i32 to vector<16xi32>
        %select_n3A = arith.select %ne3A, %get3A_35, %broadcast_in_dim3A : vector<16xi1>, vector<16xi32>
        %swap3A = arith.constant 0 : index
        %swap3A_36 = tpu.vector_load %arg10[%swap3A] {strides = array<i32>} : memref<128xi32, #tpu.memory_space<vmem>>, vector<16xi32>,
        %swap3A_37 = vector.shape_cast %swap3A_36 : vector<16xi32> to vector<16xi32>
        %swap3A_38 = vector.shape_cast %select_n3A : vector<16xi32> to vector<16xi32>
        tpu.vector_store %arg10[%swap3A], %swap3A_38 {strides = array<i32>} : memref<128xi32, #tpu.memory_space<vmem>>, vector<16xi32>,
        %get3A_39 = arith.constant 16 : index
        %get3A_40 = tpu.vector_load %arg8[%get3A_39] {strides = array<i32>} : memref<128xi32, #tpu.memory_space<vmem>>, vector<16xi32>,
        %get3A_41 = vector.shape_cast %get3A_40 : vector<16xi32> to vector<16xi32>
        %get3A_42 = arith.constant 16 : index
        %get3A_43 = tpu.vector_load %arg9[%get3A_42] {strides = array<i32>} : memref<128xi32, #tpu.memory_space<vmem>>, vector<16xi32>,
        %get3A_44 = vector.shape_cast %get3A_43 : vector<16xi32> to vector<16xi32>
        %ne3A_45 = arith.cmpi ne, %get3A_41, %get3A_44 : vector<16xi32>
        %jit3A_46 = arith.constant 10016 : i32
        %broadcast_in_dim3A_47 = vector.broadcast %jit3A_46 : i32 to vector<16xi32>
        %select_n3A_48 = arith.select %ne3A_45, %get3A_44, %broadcast_in_dim3A_47 : vector<16xi1>, vector<16xi32>
        %swap3A_49 = arith.constant 16 : index
        %swap3A_50 = tpu.vector_load %arg10[%swap3A_49] {strides = array<i32>} : memref<128xi32, #tpu.memory_space<vmem>>, vector<16xi32>,
        %swap3A_51 = vector.shape_cast %swap3A_50 : vector<16xi32> to vector<16xi32>
        %swap3A_52 = vector.shape_cast %select_n3A_48 : vector<16xi32> to vector<16xi32>
        tpu.vector_store %arg10[%swap3A_49], %swap3A_52 {strides = array<i32>} : memref<128xi32, #tpu.memory_space<vmem>>, vector<16xi32>,
        %get3A_53 = arith.constant 32 : index
        %get3A_54 = tpu.vector_load %arg8[%get3A_53] {strides = array<i32>} : memref<128xi32, #tpu.memory_space<vmem>>, vector<16xi32>,
        %get3A_55 = vector.shape_cast %get3A_54 : vector<16xi32> to vector<16xi32>
        %get3A_56 = arith.constant 32 : index
        %get3A_57 = tpu.vector_load %arg9[%get3A_56] {strides = array<i32>} : memref<128xi32, #tpu.memory_space<vmem>>, vector<16xi32>,
        %get3A_58 = vector.shape_cast %get3A_57 : vector<16xi32> to vector<16xi32>
        %ne3A_59 = arith.cmpi ne, %get3A_55, %get3A_58 : vector<16xi32>
        %jit3A_60 = arith.constant 10016 : i32
        %broadcast_in_dim3A_61 = vector.broadcast %jit3A_60 : i32 to vector<16xi32>
        %select_n3A_62 = arith.select %ne3A_59, %get3A_58, %broadcast_in_dim3A_61 : vector<16xi1>, vector<16xi32>
        %swap3A_63 = arith.constant 32 : index
        %swap3A_64 = tpu.vector_load %arg10[%swap3A_63] {strides = array<i32>} : memref<128xi32, #tpu.memory_space<vmem>>, vector<16xi32>,
        %swap3A_65 = vector.shape_cast %swap3A_64 : vector<16xi32> to vector<16xi32>
        %swap3A_66 = vector.shape_cast %select_n3A_62 : vector<16xi32> to vector<16xi32>
        tpu.vector_store %arg10[%swap3A_63], %swap3A_66 {strides = array<i32>} : memref<128xi32, #tpu.memory_space<vmem>>, vector<16xi32>,
        %get3A_67 = arith.constant 48 : index
        %get3A_68 = tpu.vector_load %arg8[%get3A_67] {strides = array<i32>} : memref<128xi32, #tpu.memory_space<vmem>>, vector<16xi32>,
        %get3A_69 = vector.shape_cast %get3A_68 : vector<16xi32> to vector<16xi32>
        %get3A_70 = arith.constant 48 : index
        %get3A_71 = tpu.vector_load %arg9[%get3A_70] {strides = array<i32>} : memref<128xi32, #tpu.memory_space<vmem>>, vector<16xi32>,
        %get3A_72 = vector.shape_cast %get3A_71 : vector<16xi32> to vector<16xi32>
        %ne3A_73 = arith.cmpi ne, %get3A_69, %get3A_72 : vector<16xi32>
        %jit3A_74 = arith.constant 10016 : i32
        %broadcast_in_dim3A_75 = vector.broadcast %jit3A_74 : i32 to vector<16xi32>
        %select_n3A_76 = arith.select %ne3A_73, %get3A_72, %broadcast_in_dim3A_75 : vector<16xi1>, vector<16xi32>
        %swap3A_77 = arith.constant 48 : index
        %swap3A_78 = tpu.vector_load %arg10[%swap3A_77] {strides = array<i32>} : memref<128xi32, #tpu.memory_space<vmem>>, vector<16xi32>,
        %swap3A_79 = vector.shape_cast %swap3A_78 : vector<16xi32> to vector<16xi32>
        %swap3A_80 = vector.shape_cast %select_n3A_76 : vector<16xi32> to vector<16xi32>
        tpu.vector_store %arg10[%swap3A_77], %swap3A_80 {strides = array<i32>} : memref<128xi32, #tpu.memory_space<vmem>>, vector<16xi32>,
        %get3A_81 = arith.constant 64 : index
        %get3A_82 = tpu.vector_load %arg8[%get3A_81] {strides = array<i32>} : memref<128xi32, #tpu.memory_space<vmem>>, vector<16xi32>,
        %get3A_83 = vector.shape_cast %get3A_82 : vector<16xi32> to vector<16xi32>
        %get3A_84 = arith.constant 64 : index
        %get3A_85 = tpu.vector_load %arg9[%get3A_84] {strides = array<i32>} : memref<128xi32, #tpu.memory_space<vmem>>, vector<16xi32>,
        %get3A_86 = vector.shape_cast %get3A_85 : vector<16xi32> to vector<16xi32>
        %ne3A_87 = arith.cmpi ne, %get3A_83, %get3A_86 : vector<16xi32>
        %jit3A_88 = arith.constant 10016 : i32
        %broadcast_in_dim3A_89 = vector.broadcast %jit3A_88 : i32 to vector<16xi32>
        %select_n3A_90 = arith.select %ne3A_87, %get3A_86, %broadcast_in_dim3A_89 : vector<16xi1>, vector<16xi32>
        %swap3A_91 = arith.constant 64 : index
        %swap3A_92 = tpu.vector_load %arg10[%swap3A_91] {strides = array<i32>} : memref<128xi32, #tpu.memory_space<vmem>>, vector<16xi32>,
        %swap3A_93 = vector.shape_cast %swap3A_92 : vector<16xi32> to vector<16xi32>
        %swap3A_94 = vector.shape_cast %select_n3A_90 : vector<16xi32> to vector<16xi32>
        tpu.vector_store %arg10[%swap3A_91], %swap3A_94 {strides = array<i32>} : memref<128xi32, #tpu.memory_space<vmem>>, vector<16xi32>,
        %get3A_95 = arith.constant 80 : index
        %get3A_96 = tpu.vector_load %arg8[%get3A_95] {strides = array<i32>} : memref<128xi32, #tpu.memory_space<vmem>>, vector<16xi32>,
        %get3A_97 = vector.shape_cast %get3A_96 : vector<16xi32> to vector<16xi32>
        %get3A_98 = arith.constant 80 : index
        %get3A_99 = tpu.vector_load %arg9[%get3A_98] {strides = array<i32>} : memref<128xi32, #tpu.memory_space<vmem>>, vector<16xi32>,
        %get3A_100 = vector.shape_cast %get3A_99 : vector<16xi32> to vector<16xi32>
        %ne3A_101 = arith.cmpi ne, %get3A_97, %get3A_100 : vector<16xi32>
        %jit3A_102 = arith.constant 10016 : i32
        %broadcast_in_dim3A_103 = vector.broadcast %jit3A_102 : i32 to vector<16xi32>
        %select_n3A_104 = arith.select %ne3A_101, %get3A_100, %broadcast_in_dim3A_103 : vector<16xi1>, vector<16xi32>
        %swap3A_105 = arith.constant 80 : index
        %swap3A_106 = tpu.vector_load %arg10[%swap3A_105] {strides = array<i32>} : memref<128xi32, #tpu.memory_space<vmem>>, vector<16xi32>,
        %swap3A_107 = vector.shape_cast %swap3A_106 : vector<16xi32> to vector<16xi32>
        %swap3A_108 = vector.shape_cast %select_n3A_104 : vector<16xi32> to vector<16xi32>
        tpu.vector_store %arg10[%swap3A_105], %swap3A_108 {strides = array<i32>} : memref<128xi32, #tpu.memory_space<vmem>>, vector<16xi32>,
        %get3A_109 = arith.constant 96 : index
        %get3A_110 = tpu.vector_load %arg8[%get3A_109] {strides = array<i32>} : memref<128xi32, #tpu.memory_space<vmem>>, vector<16xi32>,
        %get3A_111 = vector.shape_cast %get3A_110 : vector<16xi32> to vector<16xi32>
        %get3A_112 = arith.constant 96 : index
        %get3A_113 = tpu.vector_load %arg9[%get3A_112] {strides = array<i32>} : memref<128xi32, #tpu.memory_space<vmem>>, vector<16xi32>,
        %get3A_114 = vector.shape_cast %get3A_113 : vector<16xi32> to vector<16xi32>
        %ne3A_115 = arith.cmpi ne, %get3A_111, %get3A_114 : vector<16xi32>
        %jit3A_116 = arith.constant 10016 : i32
        %broadcast_in_dim3A_117 = vector.broadcast %jit3A_116 : i32 to vector<16xi32>
        %select_n3A_118 = arith.select %ne3A_115, %get3A_114, %broadcast_in_dim3A_117 : vector<16xi1>, vector<16xi32>
        %swap3A_119 = arith.constant 96 : index
        %swap3A_120 = tpu.vector_load %arg10[%swap3A_119] {strides = array<i32>} : memref<128xi32, #tpu.memory_space<vmem>>, vector<16xi32>,
        %swap3A_121 = vector.shape_cast %swap3A_120 : vector<16xi32> to vector<16xi32>
        %swap3A_122 = vector.shape_cast %select_n3A_118 : vector<16xi32> to vector<16xi32>
        tpu.vector_store %arg10[%swap3A_119], %swap3A_122 {strides = array<i32>} : memref<128xi32, #tpu.memory_space<vmem>>, vector<16xi32>,
        %get3A_123 = arith.constant 112 : index
        %get3A_124 = tpu.vector_load %arg8[%get3A_123] {strides = array<i32>} : memref<128xi32, #tpu.memory_space<vmem>>, vector<16xi32>,
        %get3A_125 = vector.shape_cast %get3A_124 : vector<16xi32> to vector<16xi32>
        %get3A_126 = arith.constant 112 : index
        %get3A_127 = tpu.vector_load %arg9[%get3A_126] {strides = array<i32>} : memref<128xi32, #tpu.memory_space<vmem>>, vector<16xi32>,
        %get3A_128 = vector.shape_cast %get3A_127 : vector<16xi32> to vector<16xi32>
        %ne3A_129 = arith.cmpi ne, %get3A_125, %get3A_128 : vector<16xi32>
        %jit3A_130 = arith.constant 10016 : i32
        %broadcast_in_dim3A_131 = vector.broadcast %jit3A_130 : i32 to vector<16xi32>
        %select_n3A_132 = arith.select %ne3A_129, %get3A_128, %broadcast_in_dim3A_131 : vector<16xi1>, vector<16xi32>
        %swap3A_133 = arith.constant 112 : index
        %swap3A_134 = tpu.vector_load %arg10[%swap3A_133] {strides = array<i32>} : memref<128xi32, #tpu.memory_space<vmem>>, vector<16xi32>,
        %swap3A_135 = vector.shape_cast %swap3A_134 : vector<16xi32> to vector<16xi32>
        %swap3A_136 = vector.shape_cast %select_n3A_132 : vector<16xi32> to vector<16xi32>
        tpu.vector_store %arg10[%swap3A_133], %swap3A_136 {strides = array<i32>} : memref<128xi32, #tpu.memory_space<vmem>>, vector<16xi32>,
        %dma_start3A = arith.constant 0 : i32
        %dma_start3A_137 = arith.constant 0 : i32
        %dma_start3A_138 = tpu.memref_slice %arg2[%dma_start3A, %dma_start3A_137] : memref<10240x128xf32, #tpu.memory_space<hbm>> -> memref<10240x128xf32, #tpu.memory_space<hbm>>
        tpu.enqueue_indirect_dma source(%dma_start3A_138 : memref<10240x128xf32, #tpu.memory_space<hbm>>) target(%arg11 : memref<128x128xf32, #tpu.memory_space<vmem>>) offsets(%arg8 : memref<128xi32, #tpu.memory_space<vmem>>) semaphore(%arg14 : memref<!tpu.dma_semaphore, #tpu.memory_space<semaphore_mem>>)
        %dma_wait3A = arith.constant 0 : i32
        %dma_wait3A_139 = arith.constant 0 : i32
        %dma_wait3A_140 = tpu.memref_slice %arg2[%dma_wait3A, %dma_wait3A_139] : memref<10240x128xf32, #tpu.memory_space<hbm>> -> memref<10240x128xf32, #tpu.memory_space<hbm>>
        tpu.wait_indirect_dma semaphore(%arg14 : memref<!tpu.dma_semaphore, #tpu.memory_space<semaphore_mem>>) src(%dma_wait3A_140 : memref<10240x128xf32, #tpu.memory_space<hbm>>) dst(%arg11 : memref<128x128xf32, #tpu.memory_space<vmem>>)
        "tpu.region"() ({
          %run_scoped3A = tpu.sem_alloc : memref<!tpu.dma_semaphore, #tpu.memory_space<semaphore_mem>>
          %dma_start3A_141 = arith.constant 0 : i32
          %dma_start3A_142 = arith.constant 0 : i32
          %dma_start3A_143 = tpu.memref_slice %arg13[%dma_start3A_141, %dma_start3A_142] : memref<10240x128xf32, #tpu.memory_space<vmem_shared>> -> memref<10240x128xf32, #tpu.memory_space<vmem_shared>>
          tpu.enqueue_indirect_dma source(%arg11 : memref<128x128xf32, #tpu.memory_space<vmem>>) target(%dma_start3A_143 : memref<10240x128xf32, #tpu.memory_space<vmem_shared>>) offsets(%arg10 : memref<128xi32, #tpu.memory_space<vmem>>) semaphore(%run_scoped3A : memref<!tpu.dma_semaphore, #tpu.memory_space<semaphore_mem>>) {add = true}
          %dma_wait3A_144 = arith.constant 0 : i32
          %dma_wait3A_145 = arith.constant 0 : i32
          %dma_wait3A_146 = tpu.memref_slice %arg13[%dma_wait3A_144, %dma_wait3A_145] : memref<10240x128xf32, #tpu.memory_space<vmem_shared>> -> memref<10240x128xf32, #tpu.memory_space<vmem_shared>>
          tpu.wait_indirect_dma semaphore(%run_scoped3A : memref<!tpu.dma_semaphore, #tpu.memory_space<semaphore_mem>>) src(%arg11 : memref<128x128xf32, #tpu.memory_space<vmem>>) dst(%dma_wait3A_146 : memref<10240x128xf32, #tpu.memory_space<vmem_shared>>)
          tpu.yield
        }) : () -> ()
      }
      %scan3A_20 = arith.constant 79 : i32
      %barrier3A_21 = arith.constant 0 : index
      tpu.barrier barrier_id(%barrier3A_21)
      %scan3A_22 = arith.constant 0 : i32
      %scan3A_23 = arith.constant 0 : i32
      %scan3A_24 = arith.constant 5 : i32
      %scan3A_25 = arith.addi %scan3A_23, %scan3A_24 : i32
      %scan3A_26 = arith.constant 1 : i32
      scf.for %scan3A_28 = %scan3A_23 to %scan3A_25 step %scan3A_26  : i32 {
        %mul3A_29 = arith.constant 128 : i32
        %mul3A_30 = arith.muli %scan3A_28, %mul3A_29 : i32
        %add3A = arith.addi %mul3A_0, %mul3A_30 : i32
        "tpu.region"() ({
          %run_scoped3A = tpu.sem_alloc : memref<!tpu.dma_semaphore, #tpu.memory_space<semaphore_mem>>
          %dma_start3A = arith.constant 0 : i32
          %dma_start3A_34 = tpu.memref_slice %arg13[%add3A, %dma_start3A] : memref<10240x128xf32, #tpu.memory_space<vmem_shared>> -> memref<128x128xf32, #tpu.memory_space<vmem_shared>>
          %dma_start3A_35 = arith.constant 0 : i32
          %dma_start3A_36 = tpu.memref_slice %arg13[%add3A, %dma_start3A_35] : memref<10240x128xf32, #tpu.memory_space<vmem_shared>> -> memref<128x128xf32, #tpu.memory_space<vmem_shared>>
          tpu.enqueue_dma source(%dma_start3A_36 : memref<128x128xf32, #tpu.memory_space<vmem_shared>>) target(%arg12 : memref<128x128xf32, #tpu.memory_space<vmem>>) target_semaphore(%run_scoped3A : memref<!tpu.dma_semaphore, #tpu.memory_space<semaphore_mem>>)
          %dma_wait3A = arith.constant 0 : i32
          %dma_wait3A_37 = tpu.memref_slice %arg13[%add3A, %dma_wait3A] : memref<10240x128xf32, #tpu.memory_space<vmem_shared>> -> memref<128x128xf32, #tpu.memory_space<vmem_shared>>
          %dma_wait3A_38 = arith.constant 0 : i32
          %dma_wait3A_39 = tpu.memref_slice %arg13[%add3A, %dma_wait3A_38] : memref<10240x128xf32, #tpu.memory_space<vmem_shared>> -> memref<128x128xf32, #tpu.memory_space<vmem_shared>>
          tpu.wait_dma2 semaphore(%run_scoped3A : memref<!tpu.dma_semaphore, #tpu.memory_space<semaphore_mem>>) src(%dma_wait3A_39 : memref<128x128xf32, #tpu.memory_space<vmem_shared>>) dst(%arg12 : memref<128x128xf32, #tpu.memory_space<vmem>>)
          tpu.yield
        }) : () -> ()
        %mul3A_31 = arith.constant 128 : i32
        %mul3A_32 = arith.muli %scan3A_28, %mul3A_31 : i32
        %add3A_33 = arith.addi %mul3A_0, %mul3A_32 : i32
        "tpu.region"() ({
          %run_scoped3A = tpu.sem_alloc : memref<!tpu.dma_semaphore, #tpu.memory_space<semaphore_mem>>
          %dma_start3A = arith.constant 0 : i32
          %dma_start3A_34 = tpu.memref_slice %arg6[%add3A_33, %dma_start3A] : memref<10240x128xf32, #tpu.memory_space<hbm>> -> memref<128x128xf32, #tpu.memory_space<hbm>>
          %dma_start3A_35 = arith.constant 0 : i32
          %dma_start3A_36 = tpu.memref_slice %arg6[%add3A_33, %dma_start3A_35] : memref<10240x128xf32, #tpu.memory_space<hbm>> -> memref<128x128xf32, #tpu.memory_space<hbm>>
          tpu.enqueue_dma source(%arg12 : memref<128x128xf32, #tpu.memory_space<vmem>>) target(%dma_start3A_36 : memref<128x128xf32, #tpu.memory_space<hbm>>) target_semaphore(%run_scoped3A : memref<!tpu.dma_semaphore, #tpu.memory_space<semaphore_mem>>)
          %dma_wait3A = arith.constant 0 : i32
          %dma_wait3A_37 = tpu.memref_slice %arg6[%add3A_33, %dma_wait3A] : memref<10240x128xf32, #tpu.memory_space<hbm>> -> memref<128x128xf32, #tpu.memory_space<hbm>>
          %dma_wait3A_38 = arith.constant 0 : i32
          %dma_wait3A_39 = tpu.memref_slice %arg6[%add3A_33, %dma_wait3A_38] : memref<10240x128xf32, #tpu.memory_space<hbm>> -> memref<128x128xf32, #tpu.memory_space<hbm>>
          tpu.wait_dma2 semaphore(%run_scoped3A : memref<!tpu.dma_semaphore, #tpu.memory_space<semaphore_mem>>) src(%arg12 : memref<128x128xf32, #tpu.memory_space<vmem>>) dst(%dma_wait3A_39 : memref<128x128xf32, #tpu.memory_space<hbm>>)
          tpu.yield
        }) : () -> ()
      }
      %scan3A_27 = arith.constant 5 : i32
    } else {
    }
    %eq3A_5 = arith.constant 1 : i32
    %eq3A_6 = arith.cmpi eq, %arg0, %eq3A_5 : i32
    %convert_element_type3A_7 = arith.extui %eq3A_6 : i1 to i32
    %cond3A_8 = arith.constant 0 : i32
    %cond3A_9 = arith.cmpi ne, %convert_element_type3A_7, %cond3A_8 : i32
    scf.if %cond3A_9 {
      %scan3A = arith.constant 0 : i32
      %scan3A_10 = arith.constant 0 : i32
      %scan3A_11 = arith.constant 5 : i32
      %scan3A_12 = arith.addi %scan3A_10, %scan3A_11 : i32
      %scan3A_13 = arith.constant 1 : i32
      scf.for %scan3A_28 = %scan3A_10 to %scan3A_12 step %scan3A_13  : i32 {
        %mul3A_29 = arith.constant 128 : i32
        %mul3A_30 = arith.muli %scan3A_28, %mul3A_29 : i32
        %add3A = arith.addi %mul3A_0, %mul3A_30 : i32
        "tpu.region"() ({
          %run_scoped3A = tpu.sem_alloc : memref<!tpu.dma_semaphore, #tpu.memory_space<semaphore_mem>>
          %dma_start3A = arith.constant 0 : i32
          %dma_start3A_34 = tpu.memref_slice %arg3[%add3A, %dma_start3A] : memref<10240x128xf32, #tpu.memory_space<hbm>> -> memref<128x128xf32, #tpu.memory_space<hbm>>
          %dma_start3A_35 = arith.constant 0 : i32
          %dma_start3A_36 = tpu.memref_slice %arg3[%add3A, %dma_start3A_35] : memref<10240x128xf32, #tpu.memory_space<hbm>> -> memref<128x128xf32, #tpu.memory_space<hbm>>
          tpu.enqueue_dma source(%dma_start3A_36 : memref<128x128xf32, #tpu.memory_space<hbm>>) target(%arg12 : memref<128x128xf32, #tpu.memory_space<vmem>>) target_semaphore(%run_scoped3A : memref<!tpu.dma_semaphore, #tpu.memory_space<semaphore_mem>>)
          %dma_wait3A = arith.constant 0 : i32
          %dma_wait3A_37 = tpu.memref_slice %arg3[%add3A, %dma_wait3A] : memref<10240x128xf32, #tpu.memory_space<hbm>> -> memref<128x128xf32, #tpu.memory_space<hbm>>
          %dma_wait3A_38 = arith.constant 0 : i32
          %dma_wait3A_39 = tpu.memref_slice %arg3[%add3A, %dma_wait3A_38] : memref<10240x128xf32, #tpu.memory_space<hbm>> -> memref<128x128xf32, #tpu.memory_space<hbm>>
          tpu.wait_dma2 semaphore(%run_scoped3A : memref<!tpu.dma_semaphore, #tpu.memory_space<semaphore_mem>>) src(%dma_wait3A_39 : memref<128x128xf32, #tpu.memory_space<hbm>>) dst(%arg12 : memref<128x128xf32, #tpu.memory_space<vmem>>)
          tpu.yield
        }) : () -> ()
        %mul3A_31 = arith.constant 128 : i32
        %mul3A_32 = arith.muli %scan3A_28, %mul3A_31 : i32
        %add3A_33 = arith.addi %mul3A_0, %mul3A_32 : i32
        "tpu.region"() ({
          %run_scoped3A = tpu.sem_alloc : memref<!tpu.dma_semaphore, #tpu.memory_space<semaphore_mem>>
          %dma_start3A = arith.constant 0 : i32
          %dma_start3A_34 = tpu.memref_slice %arg13[%add3A_33, %dma_start3A] : memref<10240x128xf32, #tpu.memory_space<vmem_shared>> -> memref<128x128xf32, #tpu.memory_space<vmem_shared>>
          %dma_start3A_35 = arith.constant 0 : i32
          %dma_start3A_36 = tpu.memref_slice %arg13[%add3A_33, %dma_start3A_35] : memref<10240x128xf32, #tpu.memory_space<vmem_shared>> -> memref<128x128xf32, #tpu.memory_space<vmem_shared>>
          tpu.enqueue_dma source(%arg12 : memref<128x128xf32, #tpu.memory_space<vmem>>) target(%dma_start3A_36 : memref<128x128xf32, #tpu.memory_space<vmem_shared>>) target_semaphore(%run_scoped3A : memref<!tpu.dma_semaphore, #tpu.memory_space<semaphore_mem>>)
          %dma_wait3A = arith.constant 0 : i32
          %dma_wait3A_37 = tpu.memref_slice %arg13[%add3A_33, %dma_wait3A] : memref<10240x128xf32, #tpu.memory_space<vmem_shared>> -> memref<128x128xf32, #tpu.memory_space<vmem_shared>>
          %dma_wait3A_38 = arith.constant 0 : i32
          %dma_wait3A_39 = tpu.memref_slice %arg13[%add3A_33, %dma_wait3A_38] : memref<10240x128xf32, #tpu.memory_space<vmem_shared>> -> memref<128x128xf32, #tpu.memory_space<vmem_shared>>
          tpu.wait_dma2 semaphore(%run_scoped3A : memref<!tpu.dma_semaphore, #tpu.memory_space<semaphore_mem>>) src(%arg12 : memref<128x128xf32, #tpu.memory_space<vmem>>) dst(%dma_wait3A_39 : memref<128x128xf32, #tpu.memory_space<vmem_shared>>)
          tpu.yield
        }) : () -> ()
      }
      %scan3A_14 = arith.constant 5 : i32
      %barrier3A = arith.constant 0 : index
      tpu.barrier barrier_id(%barrier3A)
      %scan3A_15 = arith.constant 0 : i32
      %scan3A_16 = arith.constant 0 : i32
      %scan3A_17 = arith.constant 79 : i32
      %scan3A_18 = arith.addi %scan3A_16, %scan3A_17 : i32
      %scan3A_19 = arith.constant 1 : i32
      scf.for %scan3A_28 = %scan3A_16 to %scan3A_18 step %scan3A_19  : i32 {
        %mul3A_29 = arith.constant 128 : i32
        %mul3A_30 = arith.muli %scan3A_28, %mul3A_29 : i32
        %add3A = arith.addi %mul3A_2, %mul3A_30 : i32
        "tpu.region"() ({
          %run_scoped3A = tpu.sem_alloc : memref<!tpu.dma_semaphore, #tpu.memory_space<semaphore_mem>>
          %dma_start3A_141 = tpu.memref_slice %arg4[%add3A] : memref<161792xi32, #tpu.memory_space<hbm>> -> memref<128xi32, #tpu.memory_space<hbm>>
          %dma_start3A_142 = tpu.memref_slice %arg4[%add3A] : memref<161792xi32, #tpu.memory_space<hbm>> -> memref<128xi32, #tpu.memory_space<hbm>>
          tpu.enqueue_dma source(%dma_start3A_142 : memref<128xi32, #tpu.memory_space<hbm>>) target(%arg8 : memref<128xi32, #tpu.memory_space<vmem>>) target_semaphore(%run_scoped3A : memref<!tpu.dma_semaphore, #tpu.memory_space<semaphore_mem>>)
          %dma_wait3A_143 = tpu.memref_slice %arg4[%add3A] : memref<161792xi32, #tpu.memory_space<hbm>> -> memref<128xi32, #tpu.memory_space<hbm>>
          %dma_wait3A_144 = tpu.memref_slice %arg4[%add3A] : memref<161792xi32, #tpu.memory_space<hbm>> -> memref<128xi32, #tpu.memory_space<hbm>>
          tpu.wait_dma2 semaphore(%run_scoped3A : memref<!tpu.dma_semaphore, #tpu.memory_space<semaphore_mem>>) src(%dma_wait3A_144 : memref<128xi32, #tpu.memory_space<hbm>>) dst(%arg8 : memref<128xi32, #tpu.memory_space<vmem>>)
          tpu.yield
        }) : () -> ()
        "tpu.region"() ({
          %run_scoped3A = tpu.sem_alloc : memref<!tpu.dma_semaphore, #tpu.memory_space<semaphore_mem>>
          %dma_start3A_141 = tpu.memref_slice %arg5[%add3A] : memref<161792xi32, #tpu.memory_space<hbm>> -> memref<128xi32, #tpu.memory_space<hbm>>
          %dma_start3A_142 = tpu.memref_slice %arg5[%add3A] : memref<161792xi32, #tpu.memory_space<hbm>> -> memref<128xi32, #tpu.memory_space<hbm>>
          tpu.enqueue_dma source(%dma_start3A_142 : memref<128xi32, #tpu.memory_space<hbm>>) target(%arg9 : memref<128xi32, #tpu.memory_space<vmem>>) target_semaphore(%run_scoped3A : memref<!tpu.dma_semaphore, #tpu.memory_space<semaphore_mem>>)
          %dma_wait3A_143 = tpu.memref_slice %arg5[%add3A] : memref<161792xi32, #tpu.memory_space<hbm>> -> memref<128xi32, #tpu.memory_space<hbm>>
          %dma_wait3A_144 = tpu.memref_slice %arg5[%add3A] : memref<161792xi32, #tpu.memory_space<hbm>> -> memref<128xi32, #tpu.memory_space<hbm>>
          tpu.wait_dma2 semaphore(%run_scoped3A : memref<!tpu.dma_semaphore, #tpu.memory_space<semaphore_mem>>) src(%dma_wait3A_144 : memref<128xi32, #tpu.memory_space<hbm>>) dst(%arg9 : memref<128xi32, #tpu.memory_space<vmem>>)
          tpu.yield
        }) : () -> ()
        %get3A = arith.constant 0 : index
        %get3A_31 = tpu.vector_load %arg8[%get3A] {strides = array<i32>} : memref<128xi32, #tpu.memory_space<vmem>>, vector<16xi32>,
        %get3A_32 = vector.shape_cast %get3A_31 : vector<16xi32> to vector<16xi32>
        %get3A_33 = arith.constant 0 : index
        %get3A_34 = tpu.vector_load %arg9[%get3A_33] {strides = array<i32>} : memref<128xi32, #tpu.memory_space<vmem>>, vector<16xi32>,
        %get3A_35 = vector.shape_cast %get3A_34 : vector<16xi32> to vector<16xi32>
        %ne3A = arith.cmpi ne, %get3A_32, %get3A_35 : vector<16xi32>
        %jit3A = arith.constant 10016 : i32
        %broadcast_in_dim3A = vector.broadcast %jit3A : i32 to vector<16xi32>
        %select_n3A = arith.select %ne3A, %get3A_35, %broadcast_in_dim3A : vector<16xi1>, vector<16xi32>
        %swap3A = arith.constant 0 : index
        %swap3A_36 = tpu.vector_load %arg10[%swap3A] {strides = array<i32>} : memref<128xi32, #tpu.memory_space<vmem>>, vector<16xi32>,
        %swap3A_37 = vector.shape_cast %swap3A_36 : vector<16xi32> to vector<16xi32>
        %swap3A_38 = vector.shape_cast %select_n3A : vector<16xi32> to vector<16xi32>
        tpu.vector_store %arg10[%swap3A], %swap3A_38 {strides = array<i32>} : memref<128xi32, #tpu.memory_space<vmem>>, vector<16xi32>,
        %get3A_39 = arith.constant 16 : index
        %get3A_40 = tpu.vector_load %arg8[%get3A_39] {strides = array<i32>} : memref<128xi32, #tpu.memory_space<vmem>>, vector<16xi32>,
        %get3A_41 = vector.shape_cast %get3A_40 : vector<16xi32> to vector<16xi32>
        %get3A_42 = arith.constant 16 : index
        %get3A_43 = tpu.vector_load %arg9[%get3A_42] {strides = array<i32>} : memref<128xi32, #tpu.memory_space<vmem>>, vector<16xi32>,
        %get3A_44 = vector.shape_cast %get3A_43 : vector<16xi32> to vector<16xi32>
        %ne3A_45 = arith.cmpi ne, %get3A_41, %get3A_44 : vector<16xi32>
        %jit3A_46 = arith.constant 10016 : i32
        %broadcast_in_dim3A_47 = vector.broadcast %jit3A_46 : i32 to vector<16xi32>
        %select_n3A_48 = arith.select %ne3A_45, %get3A_44, %broadcast_in_dim3A_47 : vector<16xi1>, vector<16xi32>
        %swap3A_49 = arith.constant 16 : index
        %swap3A_50 = tpu.vector_load %arg10[%swap3A_49] {strides = array<i32>} : memref<128xi32, #tpu.memory_space<vmem>>, vector<16xi32>,
        %swap3A_51 = vector.shape_cast %swap3A_50 : vector<16xi32> to vector<16xi32>
        %swap3A_52 = vector.shape_cast %select_n3A_48 : vector<16xi32> to vector<16xi32>
        tpu.vector_store %arg10[%swap3A_49], %swap3A_52 {strides = array<i32>} : memref<128xi32, #tpu.memory_space<vmem>>, vector<16xi32>,
        %get3A_53 = arith.constant 32 : index
        %get3A_54 = tpu.vector_load %arg8[%get3A_53] {strides = array<i32>} : memref<128xi32, #tpu.memory_space<vmem>>, vector<16xi32>,
        %get3A_55 = vector.shape_cast %get3A_54 : vector<16xi32> to vector<16xi32>
        %get3A_56 = arith.constant 32 : index
        %get3A_57 = tpu.vector_load %arg9[%get3A_56] {strides = array<i32>} : memref<128xi32, #tpu.memory_space<vmem>>, vector<16xi32>,
        %get3A_58 = vector.shape_cast %get3A_57 : vector<16xi32> to vector<16xi32>
        %ne3A_59 = arith.cmpi ne, %get3A_55, %get3A_58 : vector<16xi32>
        %jit3A_60 = arith.constant 10016 : i32
        %broadcast_in_dim3A_61 = vector.broadcast %jit3A_60 : i32 to vector<16xi32>
        %select_n3A_62 = arith.select %ne3A_59, %get3A_58, %broadcast_in_dim3A_61 : vector<16xi1>, vector<16xi32>
        %swap3A_63 = arith.constant 32 : index
        %swap3A_64 = tpu.vector_load %arg10[%swap3A_63] {strides = array<i32>} : memref<128xi32, #tpu.memory_space<vmem>>, vector<16xi32>,
        %swap3A_65 = vector.shape_cast %swap3A_64 : vector<16xi32> to vector<16xi32>
        %swap3A_66 = vector.shape_cast %select_n3A_62 : vector<16xi32> to vector<16xi32>
        tpu.vector_store %arg10[%swap3A_63], %swap3A_66 {strides = array<i32>} : memref<128xi32, #tpu.memory_space<vmem>>, vector<16xi32>,
        %get3A_67 = arith.constant 48 : index
        %get3A_68 = tpu.vector_load %arg8[%get3A_67] {strides = array<i32>} : memref<128xi32, #tpu.memory_space<vmem>>, vector<16xi32>,
        %get3A_69 = vector.shape_cast %get3A_68 : vector<16xi32> to vector<16xi32>
        %get3A_70 = arith.constant 48 : index
        %get3A_71 = tpu.vector_load %arg9[%get3A_70] {strides = array<i32>} : memref<128xi32, #tpu.memory_space<vmem>>, vector<16xi32>,
        %get3A_72 = vector.shape_cast %get3A_71 : vector<16xi32> to vector<16xi32>
        %ne3A_73 = arith.cmpi ne, %get3A_69, %get3A_72 : vector<16xi32>
        %jit3A_74 = arith.constant 10016 : i32
        %broadcast_in_dim3A_75 = vector.broadcast %jit3A_74 : i32 to vector<16xi32>
        %select_n3A_76 = arith.select %ne3A_73, %get3A_72, %broadcast_in_dim3A_75 : vector<16xi1>, vector<16xi32>
        %swap3A_77 = arith.constant 48 : index
        %swap3A_78 = tpu.vector_load %arg10[%swap3A_77] {strides = array<i32>} : memref<128xi32, #tpu.memory_space<vmem>>, vector<16xi32>,
        %swap3A_79 = vector.shape_cast %swap3A_78 : vector<16xi32> to vector<16xi32>
        %swap3A_80 = vector.shape_cast %select_n3A_76 : vector<16xi32> to vector<16xi32>
        tpu.vector_store %arg10[%swap3A_77], %swap3A_80 {strides = array<i32>} : memref<128xi32, #tpu.memory_space<vmem>>, vector<16xi32>,
        %get3A_81 = arith.constant 64 : index
        %get3A_82 = tpu.vector_load %arg8[%get3A_81] {strides = array<i32>} : memref<128xi32, #tpu.memory_space<vmem>>, vector<16xi32>,
        %get3A_83 = vector.shape_cast %get3A_82 : vector<16xi32> to vector<16xi32>
        %get3A_84 = arith.constant 64 : index
        %get3A_85 = tpu.vector_load %arg9[%get3A_84] {strides = array<i32>} : memref<128xi32, #tpu.memory_space<vmem>>, vector<16xi32>,
        %get3A_86 = vector.shape_cast %get3A_85 : vector<16xi32> to vector<16xi32>
        %ne3A_87 = arith.cmpi ne, %get3A_83, %get3A_86 : vector<16xi32>
        %jit3A_88 = arith.constant 10016 : i32
        %broadcast_in_dim3A_89 = vector.broadcast %jit3A_88 : i32 to vector<16xi32>
        %select_n3A_90 = arith.select %ne3A_87, %get3A_86, %broadcast_in_dim3A_89 : vector<16xi1>, vector<16xi32>
        %swap3A_91 = arith.constant 64 : index
        %swap3A_92 = tpu.vector_load %arg10[%swap3A_91] {strides = array<i32>} : memref<128xi32, #tpu.memory_space<vmem>>, vector<16xi32>,
        %swap3A_93 = vector.shape_cast %swap3A_92 : vector<16xi32> to vector<16xi32>
        %swap3A_94 = vector.shape_cast %select_n3A_90 : vector<16xi32> to vector<16xi32>
        tpu.vector_store %arg10[%swap3A_91], %swap3A_94 {strides = array<i32>} : memref<128xi32, #tpu.memory_space<vmem>>, vector<16xi32>,
        %get3A_95 = arith.constant 80 : index
        %get3A_96 = tpu.vector_load %arg8[%get3A_95] {strides = array<i32>} : memref<128xi32, #tpu.memory_space<vmem>>, vector<16xi32>,
        %get3A_97 = vector.shape_cast %get3A_96 : vector<16xi32> to vector<16xi32>
        %get3A_98 = arith.constant 80 : index
        %get3A_99 = tpu.vector_load %arg9[%get3A_98] {strides = array<i32>} : memref<128xi32, #tpu.memory_space<vmem>>, vector<16xi32>,
        %get3A_100 = vector.shape_cast %get3A_99 : vector<16xi32> to vector<16xi32>
        %ne3A_101 = arith.cmpi ne, %get3A_97, %get3A_100 : vector<16xi32>
        %jit3A_102 = arith.constant 10016 : i32
        %broadcast_in_dim3A_103 = vector.broadcast %jit3A_102 : i32 to vector<16xi32>
        %select_n3A_104 = arith.select %ne3A_101, %get3A_100, %broadcast_in_dim3A_103 : vector<16xi1>, vector<16xi32>
        %swap3A_105 = arith.constant 80 : index
        %swap3A_106 = tpu.vector_load %arg10[%swap3A_105] {strides = array<i32>} : memref<128xi32, #tpu.memory_space<vmem>>, vector<16xi32>,
        %swap3A_107 = vector.shape_cast %swap3A_106 : vector<16xi32> to vector<16xi32>
        %swap3A_108 = vector.shape_cast %select_n3A_104 : vector<16xi32> to vector<16xi32>
        tpu.vector_store %arg10[%swap3A_105], %swap3A_108 {strides = array<i32>} : memref<128xi32, #tpu.memory_space<vmem>>, vector<16xi32>,
        %get3A_109 = arith.constant 96 : index
        %get3A_110 = tpu.vector_load %arg8[%get3A_109] {strides = array<i32>} : memref<128xi32, #tpu.memory_space<vmem>>, vector<16xi32>,
        %get3A_111 = vector.shape_cast %get3A_110 : vector<16xi32> to vector<16xi32>
        %get3A_112 = arith.constant 96 : index
        %get3A_113 = tpu.vector_load %arg9[%get3A_112] {strides = array<i32>} : memref<128xi32, #tpu.memory_space<vmem>>, vector<16xi32>,
        %get3A_114 = vector.shape_cast %get3A_113 : vector<16xi32> to vector<16xi32>
        %ne3A_115 = arith.cmpi ne, %get3A_111, %get3A_114 : vector<16xi32>
        %jit3A_116 = arith.constant 10016 : i32
        %broadcast_in_dim3A_117 = vector.broadcast %jit3A_116 : i32 to vector<16xi32>
        %select_n3A_118 = arith.select %ne3A_115, %get3A_114, %broadcast_in_dim3A_117 : vector<16xi1>, vector<16xi32>
        %swap3A_119 = arith.constant 96 : index
        %swap3A_120 = tpu.vector_load %arg10[%swap3A_119] {strides = array<i32>} : memref<128xi32, #tpu.memory_space<vmem>>, vector<16xi32>,
        %swap3A_121 = vector.shape_cast %swap3A_120 : vector<16xi32> to vector<16xi32>
        %swap3A_122 = vector.shape_cast %select_n3A_118 : vector<16xi32> to vector<16xi32>
        tpu.vector_store %arg10[%swap3A_119], %swap3A_122 {strides = array<i32>} : memref<128xi32, #tpu.memory_space<vmem>>, vector<16xi32>,
        %get3A_123 = arith.constant 112 : index
        %get3A_124 = tpu.vector_load %arg8[%get3A_123] {strides = array<i32>} : memref<128xi32, #tpu.memory_space<vmem>>, vector<16xi32>,
        %get3A_125 = vector.shape_cast %get3A_124 : vector<16xi32> to vector<16xi32>
        %get3A_126 = arith.constant 112 : index
        %get3A_127 = tpu.vector_load %arg9[%get3A_126] {strides = array<i32>} : memref<128xi32, #tpu.memory_space<vmem>>, vector<16xi32>,
        %get3A_128 = vector.shape_cast %get3A_127 : vector<16xi32> to vector<16xi32>
        %ne3A_129 = arith.cmpi ne, %get3A_125, %get3A_128 : vector<16xi32>
        %jit3A_130 = arith.constant 10016 : i32
        %broadcast_in_dim3A_131 = vector.broadcast %jit3A_130 : i32 to vector<16xi32>
        %select_n3A_132 = arith.select %ne3A_129, %get3A_128, %broadcast_in_dim3A_131 : vector<16xi1>, vector<16xi32>
        %swap3A_133 = arith.constant 112 : index
        %swap3A_134 = tpu.vector_load %arg10[%swap3A_133] {strides = array<i32>} : memref<128xi32, #tpu.memory_space<vmem>>, vector<16xi32>,
        %swap3A_135 = vector.shape_cast %swap3A_134 : vector<16xi32> to vector<16xi32>
        %swap3A_136 = vector.shape_cast %select_n3A_132 : vector<16xi32> to vector<16xi32>
        tpu.vector_store %arg10[%swap3A_133], %swap3A_136 {strides = array<i32>} : memref<128xi32, #tpu.memory_space<vmem>>, vector<16xi32>,
        %dma_start3A = arith.constant 0 : i32
        %dma_start3A_137 = arith.constant 0 : i32
        %dma_start3A_138 = tpu.memref_slice %arg3[%dma_start3A, %dma_start3A_137] : memref<10240x128xf32, #tpu.memory_space<hbm>> -> memref<10240x128xf32, #tpu.memory_space<hbm>>
        tpu.enqueue_indirect_dma source(%dma_start3A_138 : memref<10240x128xf32, #tpu.memory_space<hbm>>) target(%arg11 : memref<128x128xf32, #tpu.memory_space<vmem>>) offsets(%arg8 : memref<128xi32, #tpu.memory_space<vmem>>) semaphore(%arg14 : memref<!tpu.dma_semaphore, #tpu.memory_space<semaphore_mem>>)
        %dma_wait3A = arith.constant 0 : i32
        %dma_wait3A_139 = arith.constant 0 : i32
        %dma_wait3A_140 = tpu.memref_slice %arg3[%dma_wait3A, %dma_wait3A_139] : memref<10240x128xf32, #tpu.memory_space<hbm>> -> memref<10240x128xf32, #tpu.memory_space<hbm>>
        tpu.wait_indirect_dma semaphore(%arg14 : memref<!tpu.dma_semaphore, #tpu.memory_space<semaphore_mem>>) src(%dma_wait3A_140 : memref<10240x128xf32, #tpu.memory_space<hbm>>) dst(%arg11 : memref<128x128xf32, #tpu.memory_space<vmem>>)
        "tpu.region"() ({
          %run_scoped3A = tpu.sem_alloc : memref<!tpu.dma_semaphore, #tpu.memory_space<semaphore_mem>>
          %dma_start3A_141 = arith.constant 0 : i32
          %dma_start3A_142 = arith.constant 0 : i32
          %dma_start3A_143 = tpu.memref_slice %arg13[%dma_start3A_141, %dma_start3A_142] : memref<10240x128xf32, #tpu.memory_space<vmem_shared>> -> memref<10240x128xf32, #tpu.memory_space<vmem_shared>>
          tpu.enqueue_indirect_dma source(%arg11 : memref<128x128xf32, #tpu.memory_space<vmem>>) target(%dma_start3A_143 : memref<10240x128xf32, #tpu.memory_space<vmem_shared>>) offsets(%arg10 : memref<128xi32, #tpu.memory_space<vmem>>) semaphore(%run_scoped3A : memref<!tpu.dma_semaphore, #tpu.memory_space<semaphore_mem>>) {add = true}
          %dma_wait3A_144 = arith.constant 0 : i32
          %dma_wait3A_145 = arith.constant 0 : i32
          %dma_wait3A_146 = tpu.memref_slice %arg13[%dma_wait3A_144, %dma_wait3A_145] : memref<10240x128xf32, #tpu.memory_space<vmem_shared>> -> memref<10240x128xf32, #tpu.memory_space<vmem_shared>>
          tpu.wait_indirect_dma semaphore(%run_scoped3A : memref<!tpu.dma_semaphore, #tpu.memory_space<semaphore_mem>>) src(%arg11 : memref<128x128xf32, #tpu.memory_space<vmem>>) dst(%dma_wait3A_146 : memref<10240x128xf32, #tpu.memory_space<vmem_shared>>)
          tpu.yield
        }) : () -> ()
      }
      %scan3A_20 = arith.constant 79 : i32
      %barrier3A_21 = arith.constant 0 : index
      tpu.barrier barrier_id(%barrier3A_21)
      %scan3A_22 = arith.constant 0 : i32
      %scan3A_23 = arith.constant 0 : i32
      %scan3A_24 = arith.constant 5 : i32
      %scan3A_25 = arith.addi %scan3A_23, %scan3A_24 : i32
      %scan3A_26 = arith.constant 1 : i32
      scf.for %scan3A_28 = %scan3A_23 to %scan3A_25 step %scan3A_26  : i32 {
        %mul3A_29 = arith.constant 128 : i32
        %mul3A_30 = arith.muli %scan3A_28, %mul3A_29 : i32
        %add3A = arith.addi %mul3A_0, %mul3A_30 : i32
        "tpu.region"() ({
          %run_scoped3A = tpu.sem_alloc : memref<!tpu.dma_semaphore, #tpu.memory_space<semaphore_mem>>
          %dma_start3A = arith.constant 0 : i32
          %dma_start3A_34 = tpu.memref_slice %arg13[%add3A, %dma_start3A] : memref<10240x128xf32, #tpu.memory_space<vmem_shared>> -> memref<128x128xf32, #tpu.memory_space<vmem_shared>>
          %dma_start3A_35 = arith.constant 0 : i32
          %dma_start3A_36 = tpu.memref_slice %arg13[%add3A, %dma_start3A_35] : memref<10240x128xf32, #tpu.memory_space<vmem_shared>> -> memref<128x128xf32, #tpu.memory_space<vmem_shared>>
          tpu.enqueue_dma source(%dma_start3A_36 : memref<128x128xf32, #tpu.memory_space<vmem_shared>>) target(%arg12 : memref<128x128xf32, #tpu.memory_space<vmem>>) target_semaphore(%run_scoped3A : memref<!tpu.dma_semaphore, #tpu.memory_space<semaphore_mem>>)
          %dma_wait3A = arith.constant 0 : i32
          %dma_wait3A_37 = tpu.memref_slice %arg13[%add3A, %dma_wait3A] : memref<10240x128xf32, #tpu.memory_space<vmem_shared>> -> memref<128x128xf32, #tpu.memory_space<vmem_shared>>
          %dma_wait3A_38 = arith.constant 0 : i32
          %dma_wait3A_39 = tpu.memref_slice %arg13[%add3A, %dma_wait3A_38] : memref<10240x128xf32, #tpu.memory_space<vmem_shared>> -> memref<128x128xf32, #tpu.memory_space<vmem_shared>>
          tpu.wait_dma2 semaphore(%run_scoped3A : memref<!tpu.dma_semaphore, #tpu.memory_space<semaphore_mem>>) src(%dma_wait3A_39 : memref<128x128xf32, #tpu.memory_space<vmem_shared>>) dst(%arg12 : memref<128x128xf32, #tpu.memory_space<vmem>>)
          tpu.yield
        }) : () -> ()
        %mul3A_31 = arith.constant 128 : i32
        %mul3A_32 = arith.muli %scan3A_28, %mul3A_31 : i32
        %add3A_33 = arith.addi %mul3A_0, %mul3A_32 : i32
        "tpu.region"() ({
          %run_scoped3A = tpu.sem_alloc : memref<!tpu.dma_semaphore, #tpu.memory_space<semaphore_mem>>
          %dma_start3A = arith.constant 0 : i32
          %dma_start3A_34 = tpu.memref_slice %arg7[%add3A_33, %dma_start3A] : memref<10240x128xf32, #tpu.memory_space<hbm>> -> memref<128x128xf32, #tpu.memory_space<hbm>>
          %dma_start3A_35 = arith.constant 0 : i32
          %dma_start3A_36 = tpu.memref_slice %arg7[%add3A_33, %dma_start3A_35] : memref<10240x128xf32, #tpu.memory_space<hbm>> -> memref<128x128xf32, #tpu.memory_space<hbm>>
          tpu.enqueue_dma source(%arg12 : memref<128x128xf32, #tpu.memory_space<vmem>>) target(%dma_start3A_36 : memref<128x128xf32, #tpu.memory_space<hbm>>) target_semaphore(%run_scoped3A : memref<!tpu.dma_semaphore, #tpu.memory_space<semaphore_mem>>)
          %dma_wait3A = arith.constant 0 : i32
          %dma_wait3A_37 = tpu.memref_slice %arg7[%add3A_33, %dma_wait3A] : memref<10240x128xf32, #tpu.memory_space<hbm>> -> memref<128x128xf32, #tpu.memory_space<hbm>>
          %dma_wait3A_38 = arith.constant 0 : i32
          %dma_wait3A_39 = tpu.memref_slice %arg7[%add3A_33, %dma_wait3A_38] : memref<10240x128xf32, #tpu.memory_space<hbm>> -> memref<128x128xf32, #tpu.memory_space<hbm>>
          tpu.wait_dma2 semaphore(%run_scoped3A : memref<!tpu.dma_semaphore, #tpu.memory_space<semaphore_mem>>) src(%arg12 : memref<128x128xf32, #tpu.memory_space<vmem>>) dst(%dma_wait3A_39 : memref<128x128xf32, #tpu.memory_space<hbm>>)
          tpu.yield
        }) : () -> ()
      }
      %scan3A_27 = arith.constant 5 : i32
    } else {
    }
    return
  }
}

#map = affine_map<(d0, d1) -> (0, 0)>
#map1 = affine_map<(d0, d1) -> (0)>
module attributes {stable_mosaic.version = 14 : i64} {
  func.func @_agg_body(%arg0: i32, %arg1: i32, %arg2: memref<10240x128xf32, #tpu.memory_space<hbm>>, %arg3: memref<10240x128xf32, #tpu.memory_space<hbm>>, %arg4: memref<161792xi32, #tpu.memory_space<hbm>>, %arg5: memref<161792xi32, #tpu.memory_space<hbm>>, %arg6: memref<10240x128xf32, #tpu.memory_space<hbm>>, %arg7: memref<10240x128xf32, #tpu.memory_space<hbm>>, %arg8: memref<128xi32, #tpu.memory_space<vmem>>, %arg9: memref<128xi32, #tpu.memory_space<vmem>>, %arg10: memref<128xi32, #tpu.memory_space<vmem>>, %arg11: memref<128x128xf32, #tpu.memory_space<vmem>>, %arg12: memref<128x128xf32, #tpu.memory_space<vmem>>, %arg13: memref<10240x128xf32, #tpu.memory_space<vmem_shared>>, %arg14: memref<!tpu.dma_semaphore, #tpu.memory_space<semaphore_mem>>) attributes {dimension_semantics = [#tpu.dimension_semantics<core_parallel>, #tpu.dimension_semantics<subcore_parallel>], iteration_bounds = array<i64: 2, 16>, scalar_prefetch = 0 : i64, scratch_operands = 7 : i64, tpu.core_type = #tpu.core_type<sc_vector_subcore>, window_params = [{transform_indices = #map}, {transform_indices = #map}, {transform_indices = #map1}, {transform_indices = #map1}, {transform_indices = #map}, {transform_indices = #map}]} {
    %mul3A = arith.constant 640 : i32
    %mul3A_0 = arith.muli %arg1, %mul3A : i32
    %mul3A_1 = arith.constant 10112 : i32
    %mul3A_2 = arith.muli %arg1, %mul3A_1 : i32
    %eq3A = arith.constant 0 : i32
    %eq3A_3 = arith.cmpi eq, %arg0, %eq3A : i32
    %convert_element_type3A = arith.extui %eq3A_3 : i1 to i32
    %cond3A = arith.constant 0 : i32
    %cond3A_4 = arith.cmpi ne, %convert_element_type3A, %cond3A : i32
    scf.if %cond3A_4 {
      %scan3A = arith.constant 0 : i32
      %scan3A_10 = arith.constant 0 : i32
      %scan3A_11 = arith.constant 5 : i32
      %scan3A_12 = arith.addi %scan3A_10, %scan3A_11 : i32
      %scan3A_13 = arith.constant 1 : i32
      scf.for %scan3A_28 = %scan3A_10 to %scan3A_12 step %scan3A_13  : i32 {
        %mul3A_29 = arith.constant 128 : i32
        %mul3A_30 = arith.muli %scan3A_28, %mul3A_29 : i32
        %add3A = arith.addi %mul3A_0, %mul3A_30 : i32
        "tpu.region"() ({
          %run_scoped3A = tpu.sem_alloc : memref<!tpu.dma_semaphore, #tpu.memory_space<semaphore_mem>>
          %dma_start3A = arith.constant 0 : i32
          %dma_start3A_34 = tpu.memref_slice %arg2[%add3A, %dma_start3A] : memref<10240x128xf32, #tpu.memory_space<hbm>> -> memref<128x128xf32, #tpu.memory_space<hbm>>
          %dma_start3A_35 = arith.constant 0 : i32
          %dma_start3A_36 = tpu.memref_slice %arg2[%add3A, %dma_start3A_35] : memref<10240x128xf32, #tpu.memory_space<hbm>> -> memref<128x128xf32, #tpu.memory_space<hbm>>
          tpu.enqueue_dma source(%dma_start3A_36 : memref<128x128xf32, #tpu.memory_space<hbm>>) target(%arg12 : memref<128x128xf32, #tpu.memory_space<vmem>>) target_semaphore(%run_scoped3A : memref<!tpu.dma_semaphore, #tpu.memory_space<semaphore_mem>>)
          %dma_wait3A = arith.constant 0 : i32
          %dma_wait3A_37 = tpu.memref_slice %arg2[%add3A, %dma_wait3A] : memref<10240x128xf32, #tpu.memory_space<hbm>> -> memref<128x128xf32, #tpu.memory_space<hbm>>
          %dma_wait3A_38 = arith.constant 0 : i32
          %dma_wait3A_39 = tpu.memref_slice %arg2[%add3A, %dma_wait3A_38] : memref<10240x128xf32, #tpu.memory_space<hbm>> -> memref<128x128xf32, #tpu.memory_space<hbm>>
          tpu.wait_dma2 semaphore(%run_scoped3A : memref<!tpu.dma_semaphore, #tpu.memory_space<semaphore_mem>>) src(%dma_wait3A_39 : memref<128x128xf32, #tpu.memory_space<hbm>>) dst(%arg12 : memref<128x128xf32, #tpu.memory_space<vmem>>)
          tpu.yield
        }) : () -> ()
        %mul3A_31 = arith.constant 128 : i32
        %mul3A_32 = arith.muli %scan3A_28, %mul3A_31 : i32
        %add3A_33 = arith.addi %mul3A_0, %mul3A_32 : i32
        "tpu.region"() ({
          %run_scoped3A = tpu.sem_alloc : memref<!tpu.dma_semaphore, #tpu.memory_space<semaphore_mem>>
          %dma_start3A = arith.constant 0 : i32
          %dma_start3A_34 = tpu.memref_slice %arg13[%add3A_33, %dma_start3A] : memref<10240x128xf32, #tpu.memory_space<vmem_shared>> -> memref<128x128xf32, #tpu.memory_space<vmem_shared>>
          %dma_start3A_35 = arith.constant 0 : i32
          %dma_start3A_36 = tpu.memref_slice %arg13[%add3A_33, %dma_start3A_35] : memref<10240x128xf32, #tpu.memory_space<vmem_shared>> -> memref<128x128xf32, #tpu.memory_space<vmem_shared>>
          tpu.enqueue_dma source(%arg12 : memref<128x128xf32, #tpu.memory_space<vmem>>) target(%dma_start3A_36 : memref<128x128xf32, #tpu.memory_space<vmem_shared>>) target_semaphore(%run_scoped3A : memref<!tpu.dma_semaphore, #tpu.memory_space<semaphore_mem>>)
          %dma_wait3A = arith.constant 0 : i32
          %dma_wait3A_37 = tpu.memref_slice %arg13[%add3A_33, %dma_wait3A] : memref<10240x128xf32, #tpu.memory_space<vmem_shared>> -> memref<128x128xf32, #tpu.memory_space<vmem_shared>>
          %dma_wait3A_38 = arith.constant 0 : i32
          %dma_wait3A_39 = tpu.memref_slice %arg13[%add3A_33, %dma_wait3A_38] : memref<10240x128xf32, #tpu.memory_space<vmem_shared>> -> memref<128x128xf32, #tpu.memory_space<vmem_shared>>
          tpu.wait_dma2 semaphore(%run_scoped3A : memref<!tpu.dma_semaphore, #tpu.memory_space<semaphore_mem>>) src(%arg12 : memref<128x128xf32, #tpu.memory_space<vmem>>) dst(%dma_wait3A_39 : memref<128x128xf32, #tpu.memory_space<vmem_shared>>)
          tpu.yield
        }) : () -> ()
      }
      %scan3A_14 = arith.constant 5 : i32
      %barrier3A = arith.constant 0 : index
      tpu.barrier barrier_id(%barrier3A)
      %scan3A_15 = arith.constant 0 : i32
      %scan3A_16 = arith.constant 0 : i32
      %scan3A_17 = arith.constant 79 : i32
      %scan3A_18 = arith.addi %scan3A_16, %scan3A_17 : i32
      %scan3A_19 = arith.constant 1 : i32
      scf.for %scan3A_28 = %scan3A_16 to %scan3A_18 step %scan3A_19  : i32 {
        %mul3A_29 = arith.constant 128 : i32
        %mul3A_30 = arith.muli %scan3A_28, %mul3A_29 : i32
        %add3A = arith.addi %mul3A_2, %mul3A_30 : i32
        "tpu.region"() ({
          %run_scoped3A = tpu.sem_alloc : memref<!tpu.dma_semaphore, #tpu.memory_space<semaphore_mem>>
          %dma_start3A_141 = tpu.memref_slice %arg4[%add3A] : memref<161792xi32, #tpu.memory_space<hbm>> -> memref<128xi32, #tpu.memory_space<hbm>>
          %dma_start3A_142 = tpu.memref_slice %arg4[%add3A] : memref<161792xi32, #tpu.memory_space<hbm>> -> memref<128xi32, #tpu.memory_space<hbm>>
          tpu.enqueue_dma source(%dma_start3A_142 : memref<128xi32, #tpu.memory_space<hbm>>) target(%arg8 : memref<128xi32, #tpu.memory_space<vmem>>) target_semaphore(%run_scoped3A : memref<!tpu.dma_semaphore, #tpu.memory_space<semaphore_mem>>)
          %dma_wait3A_143 = tpu.memref_slice %arg4[%add3A] : memref<161792xi32, #tpu.memory_space<hbm>> -> memref<128xi32, #tpu.memory_space<hbm>>
          %dma_wait3A_144 = tpu.memref_slice %arg4[%add3A] : memref<161792xi32, #tpu.memory_space<hbm>> -> memref<128xi32, #tpu.memory_space<hbm>>
          tpu.wait_dma2 semaphore(%run_scoped3A : memref<!tpu.dma_semaphore, #tpu.memory_space<semaphore_mem>>) src(%dma_wait3A_144 : memref<128xi32, #tpu.memory_space<hbm>>) dst(%arg8 : memref<128xi32, #tpu.memory_space<vmem>>)
          tpu.yield
        }) : () -> ()
        "tpu.region"() ({
          %run_scoped3A = tpu.sem_alloc : memref<!tpu.dma_semaphore, #tpu.memory_space<semaphore_mem>>
          %dma_start3A_141 = tpu.memref_slice %arg5[%add3A] : memref<161792xi32, #tpu.memory_space<hbm>> -> memref<128xi32, #tpu.memory_space<hbm>>
          %dma_start3A_142 = tpu.memref_slice %arg5[%add3A] : memref<161792xi32, #tpu.memory_space<hbm>> -> memref<128xi32, #tpu.memory_space<hbm>>
          tpu.enqueue_dma source(%dma_start3A_142 : memref<128xi32, #tpu.memory_space<hbm>>) target(%arg9 : memref<128xi32, #tpu.memory_space<vmem>>) target_semaphore(%run_scoped3A : memref<!tpu.dma_semaphore, #tpu.memory_space<semaphore_mem>>)
          %dma_wait3A_143 = tpu.memref_slice %arg5[%add3A] : memref<161792xi32, #tpu.memory_space<hbm>> -> memref<128xi32, #tpu.memory_space<hbm>>
          %dma_wait3A_144 = tpu.memref_slice %arg5[%add3A] : memref<161792xi32, #tpu.memory_space<hbm>> -> memref<128xi32, #tpu.memory_space<hbm>>
          tpu.wait_dma2 semaphore(%run_scoped3A : memref<!tpu.dma_semaphore, #tpu.memory_space<semaphore_mem>>) src(%dma_wait3A_144 : memref<128xi32, #tpu.memory_space<hbm>>) dst(%arg9 : memref<128xi32, #tpu.memory_space<vmem>>)
          tpu.yield
        }) : () -> ()
        %get3A = arith.constant 0 : index
        %get3A_31 = tpu.vector_load %arg8[%get3A] {strides = array<i32>} : memref<128xi32, #tpu.memory_space<vmem>>, vector<16xi32>,
        %get3A_32 = vector.shape_cast %get3A_31 : vector<16xi32> to vector<16xi32>
        %get3A_33 = arith.constant 0 : index
        %get3A_34 = tpu.vector_load %arg9[%get3A_33] {strides = array<i32>} : memref<128xi32, #tpu.memory_space<vmem>>, vector<16xi32>,
        %get3A_35 = vector.shape_cast %get3A_34 : vector<16xi32> to vector<16xi32>
        %ne3A = arith.cmpi ne, %get3A_32, %get3A_35 : vector<16xi32>
        %jit3A = arith.constant 10016 : i32
        %broadcast_in_dim3A = vector.broadcast %jit3A : i32 to vector<16xi32>
        %select_n3A = arith.select %ne3A, %get3A_35, %broadcast_in_dim3A : vector<16xi1>, vector<16xi32>
        %swap3A = arith.constant 0 : index
        %swap3A_36 = tpu.vector_load %arg10[%swap3A] {strides = array<i32>} : memref<128xi32, #tpu.memory_space<vmem>>, vector<16xi32>,
        %swap3A_37 = vector.shape_cast %swap3A_36 : vector<16xi32> to vector<16xi32>
        %swap3A_38 = vector.shape_cast %select_n3A : vector<16xi32> to vector<16xi32>
        tpu.vector_store %arg10[%swap3A], %swap3A_38 {strides = array<i32>} : memref<128xi32, #tpu.memory_space<vmem>>, vector<16xi32>,
        %get3A_39 = arith.constant 16 : index
        %get3A_40 = tpu.vector_load %arg8[%get3A_39] {strides = array<i32>} : memref<128xi32, #tpu.memory_space<vmem>>, vector<16xi32>,
        %get3A_41 = vector.shape_cast %get3A_40 : vector<16xi32> to vector<16xi32>
        %get3A_42 = arith.constant 16 : index
        %get3A_43 = tpu.vector_load %arg9[%get3A_42] {strides = array<i32>} : memref<128xi32, #tpu.memory_space<vmem>>, vector<16xi32>,
        %get3A_44 = vector.shape_cast %get3A_43 : vector<16xi32> to vector<16xi32>
        %ne3A_45 = arith.cmpi ne, %get3A_41, %get3A_44 : vector<16xi32>
        %jit3A_46 = arith.constant 10016 : i32
        %broadcast_in_dim3A_47 = vector.broadcast %jit3A_46 : i32 to vector<16xi32>
        %select_n3A_48 = arith.select %ne3A_45, %get3A_44, %broadcast_in_dim3A_47 : vector<16xi1>, vector<16xi32>
        %swap3A_49 = arith.constant 16 : index
        %swap3A_50 = tpu.vector_load %arg10[%swap3A_49] {strides = array<i32>} : memref<128xi32, #tpu.memory_space<vmem>>, vector<16xi32>,
        %swap3A_51 = vector.shape_cast %swap3A_50 : vector<16xi32> to vector<16xi32>
        %swap3A_52 = vector.shape_cast %select_n3A_48 : vector<16xi32> to vector<16xi32>
        tpu.vector_store %arg10[%swap3A_49], %swap3A_52 {strides = array<i32>} : memref<128xi32, #tpu.memory_space<vmem>>, vector<16xi32>,
        %get3A_53 = arith.constant 32 : index
        %get3A_54 = tpu.vector_load %arg8[%get3A_53] {strides = array<i32>} : memref<128xi32, #tpu.memory_space<vmem>>, vector<16xi32>,
        %get3A_55 = vector.shape_cast %get3A_54 : vector<16xi32> to vector<16xi32>
        %get3A_56 = arith.constant 32 : index
        %get3A_57 = tpu.vector_load %arg9[%get3A_56] {strides = array<i32>} : memref<128xi32, #tpu.memory_space<vmem>>, vector<16xi32>,
        %get3A_58 = vector.shape_cast %get3A_57 : vector<16xi32> to vector<16xi32>
        %ne3A_59 = arith.cmpi ne, %get3A_55, %get3A_58 : vector<16xi32>
        %jit3A_60 = arith.constant 10016 : i32
        %broadcast_in_dim3A_61 = vector.broadcast %jit3A_60 : i32 to vector<16xi32>
        %select_n3A_62 = arith.select %ne3A_59, %get3A_58, %broadcast_in_dim3A_61 : vector<16xi1>, vector<16xi32>
        %swap3A_63 = arith.constant 32 : index
        %swap3A_64 = tpu.vector_load %arg10[%swap3A_63] {strides = array<i32>} : memref<128xi32, #tpu.memory_space<vmem>>, vector<16xi32>,
        %swap3A_65 = vector.shape_cast %swap3A_64 : vector<16xi32> to vector<16xi32>
        %swap3A_66 = vector.shape_cast %select_n3A_62 : vector<16xi32> to vector<16xi32>
        tpu.vector_store %arg10[%swap3A_63], %swap3A_66 {strides = array<i32>} : memref<128xi32, #tpu.memory_space<vmem>>, vector<16xi32>,
        %get3A_67 = arith.constant 48 : index
        %get3A_68 = tpu.vector_load %arg8[%get3A_67] {strides = array<i32>} : memref<128xi32, #tpu.memory_space<vmem>>, vector<16xi32>,
        %get3A_69 = vector.shape_cast %get3A_68 : vector<16xi32> to vector<16xi32>
        %get3A_70 = arith.constant 48 : index
        %get3A_71 = tpu.vector_load %arg9[%get3A_70] {strides = array<i32>} : memref<128xi32, #tpu.memory_space<vmem>>, vector<16xi32>,
        %get3A_72 = vector.shape_cast %get3A_71 : vector<16xi32> to vector<16xi32>
        %ne3A_73 = arith.cmpi ne, %get3A_69, %get3A_72 : vector<16xi32>
        %jit3A_74 = arith.constant 10016 : i32
        %broadcast_in_dim3A_75 = vector.broadcast %jit3A_74 : i32 to vector<16xi32>
        %select_n3A_76 = arith.select %ne3A_73, %get3A_72, %broadcast_in_dim3A_75 : vector<16xi1>, vector<16xi32>
        %swap3A_77 = arith.constant 48 : index
        %swap3A_78 = tpu.vector_load %arg10[%swap3A_77] {strides = array<i32>} : memref<128xi32, #tpu.memory_space<vmem>>, vector<16xi32>,
        %swap3A_79 = vector.shape_cast %swap3A_78 : vector<16xi32> to vector<16xi32>
        %swap3A_80 = vector.shape_cast %select_n3A_76 : vector<16xi32> to vector<16xi32>
        tpu.vector_store %arg10[%swap3A_77], %swap3A_80 {strides = array<i32>} : memref<128xi32, #tpu.memory_space<vmem>>, vector<16xi32>,
        %get3A_81 = arith.constant 64 : index
        %get3A_82 = tpu.vector_load %arg8[%get3A_81] {strides = array<i32>} : memref<128xi32, #tpu.memory_space<vmem>>, vector<16xi32>,
        %get3A_83 = vector.shape_cast %get3A_82 : vector<16xi32> to vector<16xi32>
        %get3A_84 = arith.constant 64 : index
        %get3A_85 = tpu.vector_load %arg9[%get3A_84] {strides = array<i32>} : memref<128xi32, #tpu.memory_space<vmem>>, vector<16xi32>,
        %get3A_86 = vector.shape_cast %get3A_85 : vector<16xi32> to vector<16xi32>
        %ne3A_87 = arith.cmpi ne, %get3A_83, %get3A_86 : vector<16xi32>
        %jit3A_88 = arith.constant 10016 : i32
        %broadcast_in_dim3A_89 = vector.broadcast %jit3A_88 : i32 to vector<16xi32>
        %select_n3A_90 = arith.select %ne3A_87, %get3A_86, %broadcast_in_dim3A_89 : vector<16xi1>, vector<16xi32>
        %swap3A_91 = arith.constant 64 : index
        %swap3A_92 = tpu.vector_load %arg10[%swap3A_91] {strides = array<i32>} : memref<128xi32, #tpu.memory_space<vmem>>, vector<16xi32>,
        %swap3A_93 = vector.shape_cast %swap3A_92 : vector<16xi32> to vector<16xi32>
        %swap3A_94 = vector.shape_cast %select_n3A_90 : vector<16xi32> to vector<16xi32>
        tpu.vector_store %arg10[%swap3A_91], %swap3A_94 {strides = array<i32>} : memref<128xi32, #tpu.memory_space<vmem>>, vector<16xi32>,
        %get3A_95 = arith.constant 80 : index
        %get3A_96 = tpu.vector_load %arg8[%get3A_95] {strides = array<i32>} : memref<128xi32, #tpu.memory_space<vmem>>, vector<16xi32>,
        %get3A_97 = vector.shape_cast %get3A_96 : vector<16xi32> to vector<16xi32>
        %get3A_98 = arith.constant 80 : index
        %get3A_99 = tpu.vector_load %arg9[%get3A_98] {strides = array<i32>} : memref<128xi32, #tpu.memory_space<vmem>>, vector<16xi32>,
        %get3A_100 = vector.shape_cast %get3A_99 : vector<16xi32> to vector<16xi32>
        %ne3A_101 = arith.cmpi ne, %get3A_97, %get3A_100 : vector<16xi32>
        %jit3A_102 = arith.constant 10016 : i32
        %broadcast_in_dim3A_103 = vector.broadcast %jit3A_102 : i32 to vector<16xi32>
        %select_n3A_104 = arith.select %ne3A_101, %get3A_100, %broadcast_in_dim3A_103 : vector<16xi1>, vector<16xi32>
        %swap3A_105 = arith.constant 80 : index
        %swap3A_106 = tpu.vector_load %arg10[%swap3A_105] {strides = array<i32>} : memref<128xi32, #tpu.memory_space<vmem>>, vector<16xi32>,
        %swap3A_107 = vector.shape_cast %swap3A_106 : vector<16xi32> to vector<16xi32>
        %swap3A_108 = vector.shape_cast %select_n3A_104 : vector<16xi32> to vector<16xi32>
        tpu.vector_store %arg10[%swap3A_105], %swap3A_108 {strides = array<i32>} : memref<128xi32, #tpu.memory_space<vmem>>, vector<16xi32>,
        %get3A_109 = arith.constant 96 : index
        %get3A_110 = tpu.vector_load %arg8[%get3A_109] {strides = array<i32>} : memref<128xi32, #tpu.memory_space<vmem>>, vector<16xi32>,
        %get3A_111 = vector.shape_cast %get3A_110 : vector<16xi32> to vector<16xi32>
        %get3A_112 = arith.constant 96 : index
        %get3A_113 = tpu.vector_load %arg9[%get3A_112] {strides = array<i32>} : memref<128xi32, #tpu.memory_space<vmem>>, vector<16xi32>,
        %get3A_114 = vector.shape_cast %get3A_113 : vector<16xi32> to vector<16xi32>
        %ne3A_115 = arith.cmpi ne, %get3A_111, %get3A_114 : vector<16xi32>
        %jit3A_116 = arith.constant 10016 : i32
        %broadcast_in_dim3A_117 = vector.broadcast %jit3A_116 : i32 to vector<16xi32>
        %select_n3A_118 = arith.select %ne3A_115, %get3A_114, %broadcast_in_dim3A_117 : vector<16xi1>, vector<16xi32>
        %swap3A_119 = arith.constant 96 : index
        %swap3A_120 = tpu.vector_load %arg10[%swap3A_119] {strides = array<i32>} : memref<128xi32, #tpu.memory_space<vmem>>, vector<16xi32>,
        %swap3A_121 = vector.shape_cast %swap3A_120 : vector<16xi32> to vector<16xi32>
        %swap3A_122 = vector.shape_cast %select_n3A_118 : vector<16xi32> to vector<16xi32>
        tpu.vector_store %arg10[%swap3A_119], %swap3A_122 {strides = array<i32>} : memref<128xi32, #tpu.memory_space<vmem>>, vector<16xi32>,
        %get3A_123 = arith.constant 112 : index
        %get3A_124 = tpu.vector_load %arg8[%get3A_123] {strides = array<i32>} : memref<128xi32, #tpu.memory_space<vmem>>, vector<16xi32>,
        %get3A_125 = vector.shape_cast %get3A_124 : vector<16xi32> to vector<16xi32>
        %get3A_126 = arith.constant 112 : index
        %get3A_127 = tpu.vector_load %arg9[%get3A_126] {strides = array<i32>} : memref<128xi32, #tpu.memory_space<vmem>>, vector<16xi32>,
        %get3A_128 = vector.shape_cast %get3A_127 : vector<16xi32> to vector<16xi32>
        %ne3A_129 = arith.cmpi ne, %get3A_125, %get3A_128 : vector<16xi32>
        %jit3A_130 = arith.constant 10016 : i32
        %broadcast_in_dim3A_131 = vector.broadcast %jit3A_130 : i32 to vector<16xi32>
        %select_n3A_132 = arith.select %ne3A_129, %get3A_128, %broadcast_in_dim3A_131 : vector<16xi1>, vector<16xi32>
        %swap3A_133 = arith.constant 112 : index
        %swap3A_134 = tpu.vector_load %arg10[%swap3A_133] {strides = array<i32>} : memref<128xi32, #tpu.memory_space<vmem>>, vector<16xi32>,
        %swap3A_135 = vector.shape_cast %swap3A_134 : vector<16xi32> to vector<16xi32>
        %swap3A_136 = vector.shape_cast %select_n3A_132 : vector<16xi32> to vector<16xi32>
        tpu.vector_store %arg10[%swap3A_133], %swap3A_136 {strides = array<i32>} : memref<128xi32, #tpu.memory_space<vmem>>, vector<16xi32>,
        %dma_start3A = arith.constant 0 : i32
        %dma_start3A_137 = arith.constant 0 : i32
        %dma_start3A_138 = tpu.memref_slice %arg2[%dma_start3A, %dma_start3A_137] : memref<10240x128xf32, #tpu.memory_space<hbm>> -> memref<10240x128xf32, #tpu.memory_space<hbm>>
        tpu.enqueue_indirect_dma source(%dma_start3A_138 : memref<10240x128xf32, #tpu.memory_space<hbm>>) target(%arg11 : memref<128x128xf32, #tpu.memory_space<vmem>>) offsets(%arg8 : memref<128xi32, #tpu.memory_space<vmem>>) semaphore(%arg14 : memref<!tpu.dma_semaphore, #tpu.memory_space<semaphore_mem>>)
        %dma_wait3A = arith.constant 0 : i32
        %dma_wait3A_139 = arith.constant 0 : i32
        %dma_wait3A_140 = tpu.memref_slice %arg2[%dma_wait3A, %dma_wait3A_139] : memref<10240x128xf32, #tpu.memory_space<hbm>> -> memref<10240x128xf32, #tpu.memory_space<hbm>>
        tpu.wait_indirect_dma semaphore(%arg14 : memref<!tpu.dma_semaphore, #tpu.memory_space<semaphore_mem>>) src(%dma_wait3A_140 : memref<10240x128xf32, #tpu.memory_space<hbm>>) dst(%arg11 : memref<128x128xf32, #tpu.memory_space<vmem>>)
        "tpu.region"() ({
          %run_scoped3A = tpu.sem_alloc : memref<!tpu.dma_semaphore, #tpu.memory_space<semaphore_mem>>
          %dma_start3A_141 = arith.constant 0 : i32
          %dma_start3A_142 = arith.constant 0 : i32
          %dma_start3A_143 = tpu.memref_slice %arg13[%dma_start3A_141, %dma_start3A_142] : memref<10240x128xf32, #tpu.memory_space<vmem_shared>> -> memref<10240x128xf32, #tpu.memory_space<vmem_shared>>
          tpu.enqueue_indirect_dma source(%arg11 : memref<128x128xf32, #tpu.memory_space<vmem>>) target(%dma_start3A_143 : memref<10240x128xf32, #tpu.memory_space<vmem_shared>>) offsets(%arg10 : memref<128xi32, #tpu.memory_space<vmem>>) semaphore(%run_scoped3A : memref<!tpu.dma_semaphore, #tpu.memory_space<semaphore_mem>>) {add = true}
          %dma_wait3A_144 = arith.constant 0 : i32
          %dma_wait3A_145 = arith.constant 0 : i32
          %dma_wait3A_146 = tpu.memref_slice %arg13[%dma_wait3A_144, %dma_wait3A_145] : memref<10240x128xf32, #tpu.memory_space<vmem_shared>> -> memref<10240x128xf32, #tpu.memory_space<vmem_shared>>
          tpu.wait_indirect_dma semaphore(%run_scoped3A : memref<!tpu.dma_semaphore, #tpu.memory_space<semaphore_mem>>) src(%arg11 : memref<128x128xf32, #tpu.memory_space<vmem>>) dst(%dma_wait3A_146 : memref<10240x128xf32, #tpu.memory_space<vmem_shared>>)
          tpu.yield
        }) : () -> ()
      }
      %scan3A_20 = arith.constant 79 : i32
      %barrier3A_21 = arith.constant 0 : index
      tpu.barrier barrier_id(%barrier3A_21)
      %scan3A_22 = arith.constant 0 : i32
      %scan3A_23 = arith.constant 0 : i32
      %scan3A_24 = arith.constant 5 : i32
      %scan3A_25 = arith.addi %scan3A_23, %scan3A_24 : i32
      %scan3A_26 = arith.constant 1 : i32
      scf.for %scan3A_28 = %scan3A_23 to %scan3A_25 step %scan3A_26  : i32 {
        %mul3A_29 = arith.constant 128 : i32
        %mul3A_30 = arith.muli %scan3A_28, %mul3A_29 : i32
        %add3A = arith.addi %mul3A_0, %mul3A_30 : i32
        "tpu.region"() ({
          %run_scoped3A = tpu.sem_alloc : memref<!tpu.dma_semaphore, #tpu.memory_space<semaphore_mem>>
          %dma_start3A = arith.constant 0 : i32
          %dma_start3A_34 = tpu.memref_slice %arg13[%add3A, %dma_start3A] : memref<10240x128xf32, #tpu.memory_space<vmem_shared>> -> memref<128x128xf32, #tpu.memory_space<vmem_shared>>
          %dma_start3A_35 = arith.constant 0 : i32
          %dma_start3A_36 = tpu.memref_slice %arg13[%add3A, %dma_start3A_35] : memref<10240x128xf32, #tpu.memory_space<vmem_shared>> -> memref<128x128xf32, #tpu.memory_space<vmem_shared>>
          tpu.enqueue_dma source(%dma_start3A_36 : memref<128x128xf32, #tpu.memory_space<vmem_shared>>) target(%arg12 : memref<128x128xf32, #tpu.memory_space<vmem>>) target_semaphore(%run_scoped3A : memref<!tpu.dma_semaphore, #tpu.memory_space<semaphore_mem>>)
          %dma_wait3A = arith.constant 0 : i32
          %dma_wait3A_37 = tpu.memref_slice %arg13[%add3A, %dma_wait3A] : memref<10240x128xf32, #tpu.memory_space<vmem_shared>> -> memref<128x128xf32, #tpu.memory_space<vmem_shared>>
          %dma_wait3A_38 = arith.constant 0 : i32
          %dma_wait3A_39 = tpu.memref_slice %arg13[%add3A, %dma_wait3A_38] : memref<10240x128xf32, #tpu.memory_space<vmem_shared>> -> memref<128x128xf32, #tpu.memory_space<vmem_shared>>
          tpu.wait_dma2 semaphore(%run_scoped3A : memref<!tpu.dma_semaphore, #tpu.memory_space<semaphore_mem>>) src(%dma_wait3A_39 : memref<128x128xf32, #tpu.memory_space<vmem_shared>>) dst(%arg12 : memref<128x128xf32, #tpu.memory_space<vmem>>)
          tpu.yield
        }) : () -> ()
        %mul3A_31 = arith.constant 128 : i32
        %mul3A_32 = arith.muli %scan3A_28, %mul3A_31 : i32
        %add3A_33 = arith.addi %mul3A_0, %mul3A_32 : i32
        "tpu.region"() ({
          %run_scoped3A = tpu.sem_alloc : memref<!tpu.dma_semaphore, #tpu.memory_space<semaphore_mem>>
          %dma_start3A = arith.constant 0 : i32
          %dma_start3A_34 = tpu.memref_slice %arg6[%add3A_33, %dma_start3A] : memref<10240x128xf32, #tpu.memory_space<hbm>> -> memref<128x128xf32, #tpu.memory_space<hbm>>
          %dma_start3A_35 = arith.constant 0 : i32
          %dma_start3A_36 = tpu.memref_slice %arg6[%add3A_33, %dma_start3A_35] : memref<10240x128xf32, #tpu.memory_space<hbm>> -> memref<128x128xf32, #tpu.memory_space<hbm>>
          tpu.enqueue_dma source(%arg12 : memref<128x128xf32, #tpu.memory_space<vmem>>) target(%dma_start3A_36 : memref<128x128xf32, #tpu.memory_space<hbm>>) target_semaphore(%run_scoped3A : memref<!tpu.dma_semaphore, #tpu.memory_space<semaphore_mem>>)
          %dma_wait3A = arith.constant 0 : i32
          %dma_wait3A_37 = tpu.memref_slice %arg6[%add3A_33, %dma_wait3A] : memref<10240x128xf32, #tpu.memory_space<hbm>> -> memref<128x128xf32, #tpu.memory_space<hbm>>
          %dma_wait3A_38 = arith.constant 0 : i32
          %dma_wait3A_39 = tpu.memref_slice %arg6[%add3A_33, %dma_wait3A_38] : memref<10240x128xf32, #tpu.memory_space<hbm>> -> memref<128x128xf32, #tpu.memory_space<hbm>>
          tpu.wait_dma2 semaphore(%run_scoped3A : memref<!tpu.dma_semaphore, #tpu.memory_space<semaphore_mem>>) src(%arg12 : memref<128x128xf32, #tpu.memory_space<vmem>>) dst(%dma_wait3A_39 : memref<128x128xf32, #tpu.memory_space<hbm>>)
          tpu.yield
        }) : () -> ()
      }
      %scan3A_27 = arith.constant 5 : i32
    } else {
    }
    %eq3A_5 = arith.constant 1 : i32
    %eq3A_6 = arith.cmpi eq, %arg0, %eq3A_5 : i32
    %convert_element_type3A_7 = arith.extui %eq3A_6 : i1 to i32
    %cond3A_8 = arith.constant 0 : i32
    %cond3A_9 = arith.cmpi ne, %convert_element_type3A_7, %cond3A_8 : i32
    scf.if %cond3A_9 {
      %scan3A = arith.constant 0 : i32
      %scan3A_10 = arith.constant 0 : i32
      %scan3A_11 = arith.constant 5 : i32
      %scan3A_12 = arith.addi %scan3A_10, %scan3A_11 : i32
      %scan3A_13 = arith.constant 1 : i32
      scf.for %scan3A_28 = %scan3A_10 to %scan3A_12 step %scan3A_13  : i32 {
        %mul3A_29 = arith.constant 128 : i32
        %mul3A_30 = arith.muli %scan3A_28, %mul3A_29 : i32
        %add3A = arith.addi %mul3A_0, %mul3A_30 : i32
        "tpu.region"() ({
          %run_scoped3A = tpu.sem_alloc : memref<!tpu.dma_semaphore, #tpu.memory_space<semaphore_mem>>
          %dma_start3A = arith.constant 0 : i32
          %dma_start3A_34 = tpu.memref_slice %arg3[%add3A, %dma_start3A] : memref<10240x128xf32, #tpu.memory_space<hbm>> -> memref<128x128xf32, #tpu.memory_space<hbm>>
          %dma_start3A_35 = arith.constant 0 : i32
          %dma_start3A_36 = tpu.memref_slice %arg3[%add3A, %dma_start3A_35] : memref<10240x128xf32, #tpu.memory_space<hbm>> -> memref<128x128xf32, #tpu.memory_space<hbm>>
          tpu.enqueue_dma source(%dma_start3A_36 : memref<128x128xf32, #tpu.memory_space<hbm>>) target(%arg12 : memref<128x128xf32, #tpu.memory_space<vmem>>) target_semaphore(%run_scoped3A : memref<!tpu.dma_semaphore, #tpu.memory_space<semaphore_mem>>)
          %dma_wait3A = arith.constant 0 : i32
          %dma_wait3A_37 = tpu.memref_slice %arg3[%add3A, %dma_wait3A] : memref<10240x128xf32, #tpu.memory_space<hbm>> -> memref<128x128xf32, #tpu.memory_space<hbm>>
          %dma_wait3A_38 = arith.constant 0 : i32
          %dma_wait3A_39 = tpu.memref_slice %arg3[%add3A, %dma_wait3A_38] : memref<10240x128xf32, #tpu.memory_space<hbm>> -> memref<128x128xf32, #tpu.memory_space<hbm>>
          tpu.wait_dma2 semaphore(%run_scoped3A : memref<!tpu.dma_semaphore, #tpu.memory_space<semaphore_mem>>) src(%dma_wait3A_39 : memref<128x128xf32, #tpu.memory_space<hbm>>) dst(%arg12 : memref<128x128xf32, #tpu.memory_space<vmem>>)
          tpu.yield
        }) : () -> ()
        %mul3A_31 = arith.constant 128 : i32
        %mul3A_32 = arith.muli %scan3A_28, %mul3A_31 : i32
        %add3A_33 = arith.addi %mul3A_0, %mul3A_32 : i32
        "tpu.region"() ({
          %run_scoped3A = tpu.sem_alloc : memref<!tpu.dma_semaphore, #tpu.memory_space<semaphore_mem>>
          %dma_start3A = arith.constant 0 : i32
          %dma_start3A_34 = tpu.memref_slice %arg13[%add3A_33, %dma_start3A] : memref<10240x128xf32, #tpu.memory_space<vmem_shared>> -> memref<128x128xf32, #tpu.memory_space<vmem_shared>>
          %dma_start3A_35 = arith.constant 0 : i32
          %dma_start3A_36 = tpu.memref_slice %arg13[%add3A_33, %dma_start3A_35] : memref<10240x128xf32, #tpu.memory_space<vmem_shared>> -> memref<128x128xf32, #tpu.memory_space<vmem_shared>>
          tpu.enqueue_dma source(%arg12 : memref<128x128xf32, #tpu.memory_space<vmem>>) target(%dma_start3A_36 : memref<128x128xf32, #tpu.memory_space<vmem_shared>>) target_semaphore(%run_scoped3A : memref<!tpu.dma_semaphore, #tpu.memory_space<semaphore_mem>>)
          %dma_wait3A = arith.constant 0 : i32
          %dma_wait3A_37 = tpu.memref_slice %arg13[%add3A_33, %dma_wait3A] : memref<10240x128xf32, #tpu.memory_space<vmem_shared>> -> memref<128x128xf32, #tpu.memory_space<vmem_shared>>
          %dma_wait3A_38 = arith.constant 0 : i32
          %dma_wait3A_39 = tpu.memref_slice %arg13[%add3A_33, %dma_wait3A_38] : memref<10240x128xf32, #tpu.memory_space<vmem_shared>> -> memref<128x128xf32, #tpu.memory_space<vmem_shared>>
          tpu.wait_dma2 semaphore(%run_scoped3A : memref<!tpu.dma_semaphore, #tpu.memory_space<semaphore_mem>>) src(%arg12 : memref<128x128xf32, #tpu.memory_space<vmem>>) dst(%dma_wait3A_39 : memref<128x128xf32, #tpu.memory_space<vmem_shared>>)
          tpu.yield
        }) : () -> ()
      }
      %scan3A_14 = arith.constant 5 : i32
      %barrier3A = arith.constant 0 : index
      tpu.barrier barrier_id(%barrier3A)
      %scan3A_15 = arith.constant 0 : i32
      %scan3A_16 = arith.constant 0 : i32
      %scan3A_17 = arith.constant 79 : i32
      %scan3A_18 = arith.addi %scan3A_16, %scan3A_17 : i32
      %scan3A_19 = arith.constant 1 : i32
      scf.for %scan3A_28 = %scan3A_16 to %scan3A_18 step %scan3A_19  : i32 {
        %mul3A_29 = arith.constant 128 : i32
        %mul3A_30 = arith.muli %scan3A_28, %mul3A_29 : i32
        %add3A = arith.addi %mul3A_2, %mul3A_30 : i32
        "tpu.region"() ({
          %run_scoped3A = tpu.sem_alloc : memref<!tpu.dma_semaphore, #tpu.memory_space<semaphore_mem>>
          %dma_start3A_141 = tpu.memref_slice %arg4[%add3A] : memref<161792xi32, #tpu.memory_space<hbm>> -> memref<128xi32, #tpu.memory_space<hbm>>
          %dma_start3A_142 = tpu.memref_slice %arg4[%add3A] : memref<161792xi32, #tpu.memory_space<hbm>> -> memref<128xi32, #tpu.memory_space<hbm>>
          tpu.enqueue_dma source(%dma_start3A_142 : memref<128xi32, #tpu.memory_space<hbm>>) target(%arg8 : memref<128xi32, #tpu.memory_space<vmem>>) target_semaphore(%run_scoped3A : memref<!tpu.dma_semaphore, #tpu.memory_space<semaphore_mem>>)
          %dma_wait3A_143 = tpu.memref_slice %arg4[%add3A] : memref<161792xi32, #tpu.memory_space<hbm>> -> memref<128xi32, #tpu.memory_space<hbm>>
          %dma_wait3A_144 = tpu.memref_slice %arg4[%add3A] : memref<161792xi32, #tpu.memory_space<hbm>> -> memref<128xi32, #tpu.memory_space<hbm>>
          tpu.wait_dma2 semaphore(%run_scoped3A : memref<!tpu.dma_semaphore, #tpu.memory_space<semaphore_mem>>) src(%dma_wait3A_144 : memref<128xi32, #tpu.memory_space<hbm>>) dst(%arg8 : memref<128xi32, #tpu.memory_space<vmem>>)
          tpu.yield
        }) : () -> ()
        "tpu.region"() ({
          %run_scoped3A = tpu.sem_alloc : memref<!tpu.dma_semaphore, #tpu.memory_space<semaphore_mem>>
          %dma_start3A_141 = tpu.memref_slice %arg5[%add3A] : memref<161792xi32, #tpu.memory_space<hbm>> -> memref<128xi32, #tpu.memory_space<hbm>>
          %dma_start3A_142 = tpu.memref_slice %arg5[%add3A] : memref<161792xi32, #tpu.memory_space<hbm>> -> memref<128xi32, #tpu.memory_space<hbm>>
          tpu.enqueue_dma source(%dma_start3A_142 : memref<128xi32, #tpu.memory_space<hbm>>) target(%arg9 : memref<128xi32, #tpu.memory_space<vmem>>) target_semaphore(%run_scoped3A : memref<!tpu.dma_semaphore, #tpu.memory_space<semaphore_mem>>)
          %dma_wait3A_143 = tpu.memref_slice %arg5[%add3A] : memref<161792xi32, #tpu.memory_space<hbm>> -> memref<128xi32, #tpu.memory_space<hbm>>
          %dma_wait3A_144 = tpu.memref_slice %arg5[%add3A] : memref<161792xi32, #tpu.memory_space<hbm>> -> memref<128xi32, #tpu.memory_space<hbm>>
          tpu.wait_dma2 semaphore(%run_scoped3A : memref<!tpu.dma_semaphore, #tpu.memory_space<semaphore_mem>>) src(%dma_wait3A_144 : memref<128xi32, #tpu.memory_space<hbm>>) dst(%arg9 : memref<128xi32, #tpu.memory_space<vmem>>)
          tpu.yield
        }) : () -> ()
        %get3A = arith.constant 0 : index
        %get3A_31 = tpu.vector_load %arg8[%get3A] {strides = array<i32>} : memref<128xi32, #tpu.memory_space<vmem>>, vector<16xi32>,
        %get3A_32 = vector.shape_cast %get3A_31 : vector<16xi32> to vector<16xi32>
        %get3A_33 = arith.constant 0 : index
        %get3A_34 = tpu.vector_load %arg9[%get3A_33] {strides = array<i32>} : memref<128xi32, #tpu.memory_space<vmem>>, vector<16xi32>,
        %get3A_35 = vector.shape_cast %get3A_34 : vector<16xi32> to vector<16xi32>
        %ne3A = arith.cmpi ne, %get3A_32, %get3A_35 : vector<16xi32>
        %jit3A = arith.constant 10016 : i32
        %broadcast_in_dim3A = vector.broadcast %jit3A : i32 to vector<16xi32>
        %select_n3A = arith.select %ne3A, %get3A_35, %broadcast_in_dim3A : vector<16xi1>, vector<16xi32>
        %swap3A = arith.constant 0 : index
        %swap3A_36 = tpu.vector_load %arg10[%swap3A] {strides = array<i32>} : memref<128xi32, #tpu.memory_space<vmem>>, vector<16xi32>,
        %swap3A_37 = vector.shape_cast %swap3A_36 : vector<16xi32> to vector<16xi32>
        %swap3A_38 = vector.shape_cast %select_n3A : vector<16xi32> to vector<16xi32>
        tpu.vector_store %arg10[%swap3A], %swap3A_38 {strides = array<i32>} : memref<128xi32, #tpu.memory_space<vmem>>, vector<16xi32>,
        %get3A_39 = arith.constant 16 : index
        %get3A_40 = tpu.vector_load %arg8[%get3A_39] {strides = array<i32>} : memref<128xi32, #tpu.memory_space<vmem>>, vector<16xi32>,
        %get3A_41 = vector.shape_cast %get3A_40 : vector<16xi32> to vector<16xi32>
        %get3A_42 = arith.constant 16 : index
        %get3A_43 = tpu.vector_load %arg9[%get3A_42] {strides = array<i32>} : memref<128xi32, #tpu.memory_space<vmem>>, vector<16xi32>,
        %get3A_44 = vector.shape_cast %get3A_43 : vector<16xi32> to vector<16xi32>
        %ne3A_45 = arith.cmpi ne, %get3A_41, %get3A_44 : vector<16xi32>
        %jit3A_46 = arith.constant 10016 : i32
        %broadcast_in_dim3A_47 = vector.broadcast %jit3A_46 : i32 to vector<16xi32>
        %select_n3A_48 = arith.select %ne3A_45, %get3A_44, %broadcast_in_dim3A_47 : vector<16xi1>, vector<16xi32>
        %swap3A_49 = arith.constant 16 : index
        %swap3A_50 = tpu.vector_load %arg10[%swap3A_49] {strides = array<i32>} : memref<128xi32, #tpu.memory_space<vmem>>, vector<16xi32>,
        %swap3A_51 = vector.shape_cast %swap3A_50 : vector<16xi32> to vector<16xi32>
        %swap3A_52 = vector.shape_cast %select_n3A_48 : vector<16xi32> to vector<16xi32>
        tpu.vector_store %arg10[%swap3A_49], %swap3A_52 {strides = array<i32>} : memref<128xi32, #tpu.memory_space<vmem>>, vector<16xi32>,
        %get3A_53 = arith.constant 32 : index
        %get3A_54 = tpu.vector_load %arg8[%get3A_53] {strides = array<i32>} : memref<128xi32, #tpu.memory_space<vmem>>, vector<16xi32>,
        %get3A_55 = vector.shape_cast %get3A_54 : vector<16xi32> to vector<16xi32>
        %get3A_56 = arith.constant 32 : index
        %get3A_57 = tpu.vector_load %arg9[%get3A_56] {strides = array<i32>} : memref<128xi32, #tpu.memory_space<vmem>>, vector<16xi32>,
        %get3A_58 = vector.shape_cast %get3A_57 : vector<16xi32> to vector<16xi32>
        %ne3A_59 = arith.cmpi ne, %get3A_55, %get3A_58 : vector<16xi32>
        %jit3A_60 = arith.constant 10016 : i32
        %broadcast_in_dim3A_61 = vector.broadcast %jit3A_60 : i32 to vector<16xi32>
        %select_n3A_62 = arith.select %ne3A_59, %get3A_58, %broadcast_in_dim3A_61 : vector<16xi1>, vector<16xi32>
        %swap3A_63 = arith.constant 32 : index
        %swap3A_64 = tpu.vector_load %arg10[%swap3A_63] {strides = array<i32>} : memref<128xi32, #tpu.memory_space<vmem>>, vector<16xi32>,
        %swap3A_65 = vector.shape_cast %swap3A_64 : vector<16xi32> to vector<16xi32>
        %swap3A_66 = vector.shape_cast %select_n3A_62 : vector<16xi32> to vector<16xi32>
        tpu.vector_store %arg10[%swap3A_63], %swap3A_66 {strides = array<i32>} : memref<128xi32, #tpu.memory_space<vmem>>, vector<16xi32>,
        %get3A_67 = arith.constant 48 : index
        %get3A_68 = tpu.vector_load %arg8[%get3A_67] {strides = array<i32>} : memref<128xi32, #tpu.memory_space<vmem>>, vector<16xi32>,
        %get3A_69 = vector.shape_cast %get3A_68 : vector<16xi32> to vector<16xi32>
        %get3A_70 = arith.constant 48 : index
        %get3A_71 = tpu.vector_load %arg9[%get3A_70] {strides = array<i32>} : memref<128xi32, #tpu.memory_space<vmem>>, vector<16xi32>,
        %get3A_72 = vector.shape_cast %get3A_71 : vector<16xi32> to vector<16xi32>
        %ne3A_73 = arith.cmpi ne, %get3A_69, %get3A_72 : vector<16xi32>
        %jit3A_74 = arith.constant 10016 : i32
        %broadcast_in_dim3A_75 = vector.broadcast %jit3A_74 : i32 to vector<16xi32>
        %select_n3A_76 = arith.select %ne3A_73, %get3A_72, %broadcast_in_dim3A_75 : vector<16xi1>, vector<16xi32>
        %swap3A_77 = arith.constant 48 : index
        %swap3A_78 = tpu.vector_load %arg10[%swap3A_77] {strides = array<i32>} : memref<128xi32, #tpu.memory_space<vmem>>, vector<16xi32>,
        %swap3A_79 = vector.shape_cast %swap3A_78 : vector<16xi32> to vector<16xi32>
        %swap3A_80 = vector.shape_cast %select_n3A_76 : vector<16xi32> to vector<16xi32>
        tpu.vector_store %arg10[%swap3A_77], %swap3A_80 {strides = array<i32>} : memref<128xi32, #tpu.memory_space<vmem>>, vector<16xi32>,
        %get3A_81 = arith.constant 64 : index
        %get3A_82 = tpu.vector_load %arg8[%get3A_81] {strides = array<i32>} : memref<128xi32, #tpu.memory_space<vmem>>, vector<16xi32>,
        %get3A_83 = vector.shape_cast %get3A_82 : vector<16xi32> to vector<16xi32>
        %get3A_84 = arith.constant 64 : index
        %get3A_85 = tpu.vector_load %arg9[%get3A_84] {strides = array<i32>} : memref<128xi32, #tpu.memory_space<vmem>>, vector<16xi32>,
        %get3A_86 = vector.shape_cast %get3A_85 : vector<16xi32> to vector<16xi32>
        %ne3A_87 = arith.cmpi ne, %get3A_83, %get3A_86 : vector<16xi32>
        %jit3A_88 = arith.constant 10016 : i32
        %broadcast_in_dim3A_89 = vector.broadcast %jit3A_88 : i32 to vector<16xi32>
        %select_n3A_90 = arith.select %ne3A_87, %get3A_86, %broadcast_in_dim3A_89 : vector<16xi1>, vector<16xi32>
        %swap3A_91 = arith.constant 64 : index
        %swap3A_92 = tpu.vector_load %arg10[%swap3A_91] {strides = array<i32>} : memref<128xi32, #tpu.memory_space<vmem>>, vector<16xi32>,
        %swap3A_93 = vector.shape_cast %swap3A_92 : vector<16xi32> to vector<16xi32>
        %swap3A_94 = vector.shape_cast %select_n3A_90 : vector<16xi32> to vector<16xi32>
        tpu.vector_store %arg10[%swap3A_91], %swap3A_94 {strides = array<i32>} : memref<128xi32, #tpu.memory_space<vmem>>, vector<16xi32>,
        %get3A_95 = arith.constant 80 : index
        %get3A_96 = tpu.vector_load %arg8[%get3A_95] {strides = array<i32>} : memref<128xi32, #tpu.memory_space<vmem>>, vector<16xi32>,
        %get3A_97 = vector.shape_cast %get3A_96 : vector<16xi32> to vector<16xi32>
        %get3A_98 = arith.constant 80 : index
        %get3A_99 = tpu.vector_load %arg9[%get3A_98] {strides = array<i32>} : memref<128xi32, #tpu.memory_space<vmem>>, vector<16xi32>,
        %get3A_100 = vector.shape_cast %get3A_99 : vector<16xi32> to vector<16xi32>
        %ne3A_101 = arith.cmpi ne, %get3A_97, %get3A_100 : vector<16xi32>
        %jit3A_102 = arith.constant 10016 : i32
        %broadcast_in_dim3A_103 = vector.broadcast %jit3A_102 : i32 to vector<16xi32>
        %select_n3A_104 = arith.select %ne3A_101, %get3A_100, %broadcast_in_dim3A_103 : vector<16xi1>, vector<16xi32>
        %swap3A_105 = arith.constant 80 : index
        %swap3A_106 = tpu.vector_load %arg10[%swap3A_105] {strides = array<i32>} : memref<128xi32, #tpu.memory_space<vmem>>, vector<16xi32>,
        %swap3A_107 = vector.shape_cast %swap3A_106 : vector<16xi32> to vector<16xi32>
        %swap3A_108 = vector.shape_cast %select_n3A_104 : vector<16xi32> to vector<16xi32>
        tpu.vector_store %arg10[%swap3A_105], %swap3A_108 {strides = array<i32>} : memref<128xi32, #tpu.memory_space<vmem>>, vector<16xi32>,
        %get3A_109 = arith.constant 96 : index
        %get3A_110 = tpu.vector_load %arg8[%get3A_109] {strides = array<i32>} : memref<128xi32, #tpu.memory_space<vmem>>, vector<16xi32>,
        %get3A_111 = vector.shape_cast %get3A_110 : vector<16xi32> to vector<16xi32>
        %get3A_112 = arith.constant 96 : index
        %get3A_113 = tpu.vector_load %arg9[%get3A_112] {strides = array<i32>} : memref<128xi32, #tpu.memory_space<vmem>>, vector<16xi32>,
        %get3A_114 = vector.shape_cast %get3A_113 : vector<16xi32> to vector<16xi32>
        %ne3A_115 = arith.cmpi ne, %get3A_111, %get3A_114 : vector<16xi32>
        %jit3A_116 = arith.constant 10016 : i32
        %broadcast_in_dim3A_117 = vector.broadcast %jit3A_116 : i32 to vector<16xi32>
        %select_n3A_118 = arith.select %ne3A_115, %get3A_114, %broadcast_in_dim3A_117 : vector<16xi1>, vector<16xi32>
        %swap3A_119 = arith.constant 96 : index
        %swap3A_120 = tpu.vector_load %arg10[%swap3A_119] {strides = array<i32>} : memref<128xi32, #tpu.memory_space<vmem>>, vector<16xi32>,
        %swap3A_121 = vector.shape_cast %swap3A_120 : vector<16xi32> to vector<16xi32>
        %swap3A_122 = vector.shape_cast %select_n3A_118 : vector<16xi32> to vector<16xi32>
        tpu.vector_store %arg10[%swap3A_119], %swap3A_122 {strides = array<i32>} : memref<128xi32, #tpu.memory_space<vmem>>, vector<16xi32>,
        %get3A_123 = arith.constant 112 : index
        %get3A_124 = tpu.vector_load %arg8[%get3A_123] {strides = array<i32>} : memref<128xi32, #tpu.memory_space<vmem>>, vector<16xi32>,
        %get3A_125 = vector.shape_cast %get3A_124 : vector<16xi32> to vector<16xi32>
        %get3A_126 = arith.constant 112 : index
        %get3A_127 = tpu.vector_load %arg9[%get3A_126] {strides = array<i32>} : memref<128xi32, #tpu.memory_space<vmem>>, vector<16xi32>,
        %get3A_128 = vector.shape_cast %get3A_127 : vector<16xi32> to vector<16xi32>
        %ne3A_129 = arith.cmpi ne, %get3A_125, %get3A_128 : vector<16xi32>
        %jit3A_130 = arith.constant 10016 : i32
        %broadcast_in_dim3A_131 = vector.broadcast %jit3A_130 : i32 to vector<16xi32>
        %select_n3A_132 = arith.select %ne3A_129, %get3A_128, %broadcast_in_dim3A_131 : vector<16xi1>, vector<16xi32>
        %swap3A_133 = arith.constant 112 : index
        %swap3A_134 = tpu.vector_load %arg10[%swap3A_133] {strides = array<i32>} : memref<128xi32, #tpu.memory_space<vmem>>, vector<16xi32>,
        %swap3A_135 = vector.shape_cast %swap3A_134 : vector<16xi32> to vector<16xi32>
        %swap3A_136 = vector.shape_cast %select_n3A_132 : vector<16xi32> to vector<16xi32>
        tpu.vector_store %arg10[%swap3A_133], %swap3A_136 {strides = array<i32>} : memref<128xi32, #tpu.memory_space<vmem>>, vector<16xi32>,
        %dma_start3A = arith.constant 0 : i32
        %dma_start3A_137 = arith.constant 0 : i32
        %dma_start3A_138 = tpu.memref_slice %arg3[%dma_start3A, %dma_start3A_137] : memref<10240x128xf32, #tpu.memory_space<hbm>> -> memref<10240x128xf32, #tpu.memory_space<hbm>>
        tpu.enqueue_indirect_dma source(%dma_start3A_138 : memref<10240x128xf32, #tpu.memory_space<hbm>>) target(%arg11 : memref<128x128xf32, #tpu.memory_space<vmem>>) offsets(%arg8 : memref<128xi32, #tpu.memory_space<vmem>>) semaphore(%arg14 : memref<!tpu.dma_semaphore, #tpu.memory_space<semaphore_mem>>)
        %dma_wait3A = arith.constant 0 : i32
        %dma_wait3A_139 = arith.constant 0 : i32
        %dma_wait3A_140 = tpu.memref_slice %arg3[%dma_wait3A, %dma_wait3A_139] : memref<10240x128xf32, #tpu.memory_space<hbm>> -> memref<10240x128xf32, #tpu.memory_space<hbm>>
        tpu.wait_indirect_dma semaphore(%arg14 : memref<!tpu.dma_semaphore, #tpu.memory_space<semaphore_mem>>) src(%dma_wait3A_140 : memref<10240x128xf32, #tpu.memory_space<hbm>>) dst(%arg11 : memref<128x128xf32, #tpu.memory_space<vmem>>)
        "tpu.region"() ({
          %run_scoped3A = tpu.sem_alloc : memref<!tpu.dma_semaphore, #tpu.memory_space<semaphore_mem>>
          %dma_start3A_141 = arith.constant 0 : i32
          %dma_start3A_142 = arith.constant 0 : i32
          %dma_start3A_143 = tpu.memref_slice %arg13[%dma_start3A_141, %dma_start3A_142] : memref<10240x128xf32, #tpu.memory_space<vmem_shared>> -> memref<10240x128xf32, #tpu.memory_space<vmem_shared>>
          tpu.enqueue_indirect_dma source(%arg11 : memref<128x128xf32, #tpu.memory_space<vmem>>) target(%dma_start3A_143 : memref<10240x128xf32, #tpu.memory_space<vmem_shared>>) offsets(%arg10 : memref<128xi32, #tpu.memory_space<vmem>>) semaphore(%run_scoped3A : memref<!tpu.dma_semaphore, #tpu.memory_space<semaphore_mem>>) {add = true}
          %dma_wait3A_144 = arith.constant 0 : i32
          %dma_wait3A_145 = arith.constant 0 : i32
          %dma_wait3A_146 = tpu.memref_slice %arg13[%dma_wait3A_144, %dma_wait3A_145] : memref<10240x128xf32, #tpu.memory_space<vmem_shared>> -> memref<10240x128xf32, #tpu.memory_space<vmem_shared>>
          tpu.wait_indirect_dma semaphore(%run_scoped3A : memref<!tpu.dma_semaphore, #tpu.memory_space<semaphore_mem>>) src(%arg11 : memref<128x128xf32, #tpu.memory_space<vmem>>) dst(%dma_wait3A_146 : memref<10240x128xf32, #tpu.memory_space<vmem_shared>>)
          tpu.yield
        }) : () -> ()
      }
      %scan3A_20 = arith.constant 79 : i32
      %barrier3A_21 = arith.constant 0 : index
      tpu.barrier barrier_id(%barrier3A_21)
      %scan3A_22 = arith.constant 0 : i32
      %scan3A_23 = arith.constant 0 : i32
      %scan3A_24 = arith.constant 5 : i32
      %scan3A_25 = arith.addi %scan3A_23, %scan3A_24 : i32
      %scan3A_26 = arith.constant 1 : i32
      scf.for %scan3A_28 = %scan3A_23 to %scan3A_25 step %scan3A_26  : i32 {
        %mul3A_29 = arith.constant 128 : i32
        %mul3A_30 = arith.muli %scan3A_28, %mul3A_29 : i32
        %add3A = arith.addi %mul3A_0, %mul3A_30 : i32
        "tpu.region"() ({
          %run_scoped3A = tpu.sem_alloc : memref<!tpu.dma_semaphore, #tpu.memory_space<semaphore_mem>>
          %dma_start3A = arith.constant 0 : i32
          %dma_start3A_34 = tpu.memref_slice %arg13[%add3A, %dma_start3A] : memref<10240x128xf32, #tpu.memory_space<vmem_shared>> -> memref<128x128xf32, #tpu.memory_space<vmem_shared>>
          %dma_start3A_35 = arith.constant 0 : i32
          %dma_start3A_36 = tpu.memref_slice %arg13[%add3A, %dma_start3A_35] : memref<10240x128xf32, #tpu.memory_space<vmem_shared>> -> memref<128x128xf32, #tpu.memory_space<vmem_shared>>
          tpu.enqueue_dma source(%dma_start3A_36 : memref<128x128xf32, #tpu.memory_space<vmem_shared>>) target(%arg12 : memref<128x128xf32, #tpu.memory_space<vmem>>) target_semaphore(%run_scoped3A : memref<!tpu.dma_semaphore, #tpu.memory_space<semaphore_mem>>)
          %dma_wait3A = arith.constant 0 : i32
          %dma_wait3A_37 = tpu.memref_slice %arg13[%add3A, %dma_wait3A] : memref<10240x128xf32, #tpu.memory_space<vmem_shared>> -> memref<128x128xf32, #tpu.memory_space<vmem_shared>>
          %dma_wait3A_38 = arith.constant 0 : i32
          %dma_wait3A_39 = tpu.memref_slice %arg13[%add3A, %dma_wait3A_38] : memref<10240x128xf32, #tpu.memory_space<vmem_shared>> -> memref<128x128xf32, #tpu.memory_space<vmem_shared>>
          tpu.wait_dma2 semaphore(%run_scoped3A : memref<!tpu.dma_semaphore, #tpu.memory_space<semaphore_mem>>) src(%dma_wait3A_39 : memref<128x128xf32, #tpu.memory_space<vmem_shared>>) dst(%arg12 : memref<128x128xf32, #tpu.memory_space<vmem>>)
          tpu.yield
        }) : () -> ()
        %mul3A_31 = arith.constant 128 : i32
        %mul3A_32 = arith.muli %scan3A_28, %mul3A_31 : i32
        %add3A_33 = arith.addi %mul3A_0, %mul3A_32 : i32
        "tpu.region"() ({
          %run_scoped3A = tpu.sem_alloc : memref<!tpu.dma_semaphore, #tpu.memory_space<semaphore_mem>>
          %dma_start3A = arith.constant 0 : i32
          %dma_start3A_34 = tpu.memref_slice %arg7[%add3A_33, %dma_start3A] : memref<10240x128xf32, #tpu.memory_space<hbm>> -> memref<128x128xf32, #tpu.memory_space<hbm>>
          %dma_start3A_35 = arith.constant 0 : i32
          %dma_start3A_36 = tpu.memref_slice %arg7[%add3A_33, %dma_start3A_35] : memref<10240x128xf32, #tpu.memory_space<hbm>> -> memref<128x128xf32, #tpu.memory_space<hbm>>
          tpu.enqueue_dma source(%arg12 : memref<128x128xf32, #tpu.memory_space<vmem>>) target(%dma_start3A_36 : memref<128x128xf32, #tpu.memory_space<hbm>>) target_semaphore(%run_scoped3A : memref<!tpu.dma_semaphore, #tpu.memory_space<semaphore_mem>>)
          %dma_wait3A = arith.constant 0 : i32
          %dma_wait3A_37 = tpu.memref_slice %arg7[%add3A_33, %dma_wait3A] : memref<10240x128xf32, #tpu.memory_space<hbm>> -> memref<128x128xf32, #tpu.memory_space<hbm>>
          %dma_wait3A_38 = arith.constant 0 : i32
          %dma_wait3A_39 = tpu.memref_slice %arg7[%add3A_33, %dma_wait3A_38] : memref<10240x128xf32, #tpu.memory_space<hbm>> -> memref<128x128xf32, #tpu.memory_space<hbm>>
          tpu.wait_dma2 semaphore(%run_scoped3A : memref<!tpu.dma_semaphore, #tpu.memory_space<semaphore_mem>>) src(%arg12 : memref<128x128xf32, #tpu.memory_space<vmem>>) dst(%dma_wait3A_39 : memref<128x128xf32, #tpu.memory_space<hbm>>)
          tpu.yield
        }) : () -> ()
      }
      %scan3A_27 = arith.constant 5 : i32
    } else {
    }
    return
  }
}

#map = affine_map<(d0, d1) -> (0)>
#map1 = affine_map<(d0, d1) -> (0, 0)>
module attributes {stable_mosaic.version = 14 : i64} {
  func.func @_deg_body(%arg0: i32, %arg1: i32, %arg2: memref<161792xi32, #tpu.memory_space<hbm>>, %arg3: memref<161792xi32, #tpu.memory_space<hbm>>, %arg4: memref<10240x16xf32, #tpu.memory_space<hbm>>, %arg5: memref<10240x16xf32, #tpu.memory_space<hbm>>, %arg6: memref<128xi32, #tpu.memory_space<vmem>>, %arg7: memref<128xi32, #tpu.memory_space<vmem>>, %arg8: memref<128xi32, #tpu.memory_space<vmem>>, %arg9: memref<128x16xf32, #tpu.memory_space<vmem>>, %arg10: memref<128x16xf32, #tpu.memory_space<vmem>>, %arg11: memref<10240x16xf32, #tpu.memory_space<vmem_shared>>) attributes {dimension_semantics = [#tpu.dimension_semantics<core_parallel>, #tpu.dimension_semantics<subcore_parallel>], iteration_bounds = array<i64: 2, 16>, scalar_prefetch = 0 : i64, scratch_operands = 6 : i64, tpu.core_type = #tpu.core_type<sc_vector_subcore>, window_params = [{transform_indices = #map}, {transform_indices = #map}, {transform_indices = #map1}, {transform_indices = #map1}]} {
    %mul3A = arith.constant 640 : i32
    %mul3A_0 = arith.muli %arg1, %mul3A : i32
    %mul3A_1 = arith.constant 10112 : i32
    %mul3A_2 = arith.muli %arg1, %mul3A_1 : i32
    %broadcast_in_dim3A = arith.constant 1.000000e+00 : f32
    %broadcast_in_dim3A_3 = vector.broadcast %broadcast_in_dim3A : f32 to vector<16xf32>
    %broadcast_in_dim3A_4 = arith.constant 0.000000e+00 : f32
    %broadcast_in_dim3A_5 = vector.broadcast %broadcast_in_dim3A_4 : f32 to vector<16xf32>
    %swap3A = arith.constant 0 : i32
    %swap3A_6 = arith.index_cast %swap3A : i32 to index
    %swap3A_7 = arith.constant 0 : index
    %swap3A_8 = tpu.vector_load %arg9[%swap3A_6, %swap3A_7] {strides = array<i32>} : memref<128x16xf32, #tpu.memory_space<vmem>>, vector<1x16xf32>,
    %swap3A_9 = vector.shape_cast %swap3A_8 : vector<1x16xf32> to vector<16xf32>
    %swap3A_10 = vector.shape_cast %broadcast_in_dim3A_3 : vector<16xf32> to vector<1x16xf32>
    tpu.vector_store %arg9[%swap3A_6, %swap3A_7], %swap3A_10 {strides = array<i32>} : memref<128x16xf32, #tpu.memory_space<vmem>>, vector<1x16xf32>,
    %swap3A_11 = arith.constant 1 : i32
    %swap3A_12 = arith.index_cast %swap3A_11 : i32 to index
    %swap3A_13 = arith.constant 0 : index
    %swap3A_14 = tpu.vector_load %arg9[%swap3A_12, %swap3A_13] {strides = array<i32>} : memref<128x16xf32, #tpu.memory_space<vmem>>, vector<1x16xf32>,
    %swap3A_15 = vector.shape_cast %swap3A_14 : vector<1x16xf32> to vector<16xf32>
    %swap3A_16 = vector.shape_cast %broadcast_in_dim3A_3 : vector<16xf32> to vector<1x16xf32>
    tpu.vector_store %arg9[%swap3A_12, %swap3A_13], %swap3A_16 {strides = array<i32>} : memref<128x16xf32, #tpu.memory_space<vmem>>, vector<1x16xf32>,
    %swap3A_17 = arith.constant 2 : i32
    %swap3A_18 = arith.index_cast %swap3A_17 : i32 to index
    %swap3A_19 = arith.constant 0 : index
    %swap3A_20 = tpu.vector_load %arg9[%swap3A_18, %swap3A_19] {strides = array<i32>} : memref<128x16xf32, #tpu.memory_space<vmem>>, vector<1x16xf32>,
    %swap3A_21 = vector.shape_cast %swap3A_20 : vector<1x16xf32> to vector<16xf32>
    %swap3A_22 = vector.shape_cast %broadcast_in_dim3A_3 : vector<16xf32> to vector<1x16xf32>
    tpu.vector_store %arg9[%swap3A_18, %swap3A_19], %swap3A_22 {strides = array<i32>} : memref<128x16xf32, #tpu.memory_space<vmem>>, vector<1x16xf32>,
    %swap3A_23 = arith.constant 3 : i32
    %swap3A_24 = arith.index_cast %swap3A_23 : i32 to index
    %swap3A_25 = arith.constant 0 : index
    %swap3A_26 = tpu.vector_load %arg9[%swap3A_24, %swap3A_25] {strides = array<i32>} : memref<128x16xf32, #tpu.memory_space<vmem>>, vector<1x16xf32>,
    %swap3A_27 = vector.shape_cast %swap3A_26 : vector<1x16xf32> to vector<16xf32>
    %swap3A_28 = vector.shape_cast %broadcast_in_dim3A_3 : vector<16xf32> to vector<1x16xf32>
    tpu.vector_store %arg9[%swap3A_24, %swap3A_25], %swap3A_28 {strides = array<i32>} : memref<128x16xf32, #tpu.memory_space<vmem>>, vector<1x16xf32>,
    %swap3A_29 = arith.constant 4 : i32
    %swap3A_30 = arith.index_cast %swap3A_29 : i32 to index
    %swap3A_31 = arith.constant 0 : index
    %swap3A_32 = tpu.vector_load %arg9[%swap3A_30, %swap3A_31] {strides = array<i32>} : memref<128x16xf32, #tpu.memory_space<vmem>>, vector<1x16xf32>,
    %swap3A_33 = vector.shape_cast %swap3A_32 : vector<1x16xf32> to vector<16xf32>
    %swap3A_34 = vector.shape_cast %broadcast_in_dim3A_3 : vector<16xf32> to vector<1x16xf32>
    tpu.vector_store %arg9[%swap3A_30, %swap3A_31], %swap3A_34 {strides = array<i32>} : memref<128x16xf32, #tpu.memory_space<vmem>>, vector<1x16xf32>,
    %swap3A_35 = arith.constant 5 : i32
    %swap3A_36 = arith.index_cast %swap3A_35 : i32 to index
    %swap3A_37 = arith.constant 0 : index
    %swap3A_38 = tpu.vector_load %arg9[%swap3A_36, %swap3A_37] {strides = array<i32>} : memref<128x16xf32, #tpu.memory_space<vmem>>, vector<1x16xf32>,
    %swap3A_39 = vector.shape_cast %swap3A_38 : vector<1x16xf32> to vector<16xf32>
    %swap3A_40 = vector.shape_cast %broadcast_in_dim3A_3 : vector<16xf32> to vector<1x16xf32>
    tpu.vector_store %arg9[%swap3A_36, %swap3A_37], %swap3A_40 {strides = array<i32>} : memref<128x16xf32, #tpu.memory_space<vmem>>, vector<1x16xf32>,
    %swap3A_41 = arith.constant 6 : i32
    %swap3A_42 = arith.index_cast %swap3A_41 : i32 to index
    %swap3A_43 = arith.constant 0 : index
    %swap3A_44 = tpu.vector_load %arg9[%swap3A_42, %swap3A_43] {strides = array<i32>} : memref<128x16xf32, #tpu.memory_space<vmem>>, vector<1x16xf32>,
    %swap3A_45 = vector.shape_cast %swap3A_44 : vector<1x16xf32> to vector<16xf32>
    %swap3A_46 = vector.shape_cast %broadcast_in_dim3A_3 : vector<16xf32> to vector<1x16xf32>
    tpu.vector_store %arg9[%swap3A_42, %swap3A_43], %swap3A_46 {strides = array<i32>} : memref<128x16xf32, #tpu.memory_space<vmem>>, vector<1x16xf32>,
    %swap3A_47 = arith.constant 7 : i32
    %swap3A_48 = arith.index_cast %swap3A_47 : i32 to index
    %swap3A_49 = arith.constant 0 : index
    %swap3A_50 = tpu.vector_load %arg9[%swap3A_48, %swap3A_49] {strides = array<i32>} : memref<128x16xf32, #tpu.memory_space<vmem>>, vector<1x16xf32>,
    %swap3A_51 = vector.shape_cast %swap3A_50 : vector<1x16xf32> to vector<16xf32>
    %swap3A_52 = vector.shape_cast %broadcast_in_dim3A_3 : vector<16xf32> to vector<1x16xf32>
    tpu.vector_store %arg9[%swap3A_48, %swap3A_49], %swap3A_52 {strides = array<i32>} : memref<128x16xf32, #tpu.memory_space<vmem>>, vector<1x16xf32>,
    %swap3A_53 = arith.constant 8 : i32
    %swap3A_54 = arith.index_cast %swap3A_53 : i32 to index
    %swap3A_55 = arith.constant 0 : index
    %swap3A_56 = tpu.vector_load %arg9[%swap3A_54, %swap3A_55] {strides = array<i32>} : memref<128x16xf32, #tpu.memory_space<vmem>>, vector<1x16xf32>,
    %swap3A_57 = vector.shape_cast %swap3A_56 : vector<1x16xf32> to vector<16xf32>
    %swap3A_58 = vector.shape_cast %broadcast_in_dim3A_3 : vector<16xf32> to vector<1x16xf32>
    tpu.vector_store %arg9[%swap3A_54, %swap3A_55], %swap3A_58 {strides = array<i32>} : memref<128x16xf32, #tpu.memory_space<vmem>>, vector<1x16xf32>,
    %swap3A_59 = arith.constant 9 : i32
    %swap3A_60 = arith.index_cast %swap3A_59 : i32 to index
    %swap3A_61 = arith.constant 0 : index
    %swap3A_62 = tpu.vector_load %arg9[%swap3A_60, %swap3A_61] {strides = array<i32>} : memref<128x16xf32, #tpu.memory_space<vmem>>, vector<1x16xf32>,
    %swap3A_63 = vector.shape_cast %swap3A_62 : vector<1x16xf32> to vector<16xf32>
    %swap3A_64 = vector.shape_cast %broadcast_in_dim3A_3 : vector<16xf32> to vector<1x16xf32>
    tpu.vector_store %arg9[%swap3A_60, %swap3A_61], %swap3A_64 {strides = array<i32>} : memref<128x16xf32, #tpu.memory_space<vmem>>, vector<1x16xf32>,
    %swap3A_65 = arith.constant 10 : i32
    %swap3A_66 = arith.index_cast %swap3A_65 : i32 to index
    %swap3A_67 = arith.constant 0 : index
    %swap3A_68 = tpu.vector_load %arg9[%swap3A_66, %swap3A_67] {strides = array<i32>} : memref<128x16xf32, #tpu.memory_space<vmem>>, vector<1x16xf32>,
    %swap3A_69 = vector.shape_cast %swap3A_68 : vector<1x16xf32> to vector<16xf32>
    %swap3A_70 = vector.shape_cast %broadcast_in_dim3A_3 : vector<16xf32> to vector<1x16xf32>
    tpu.vector_store %arg9[%swap3A_66, %swap3A_67], %swap3A_70 {strides = array<i32>} : memref<128x16xf32, #tpu.memory_space<vmem>>, vector<1x16xf32>,
    %swap3A_71 = arith.constant 11 : i32
    %swap3A_72 = arith.index_cast %swap3A_71 : i32 to index
    %swap3A_73 = arith.constant 0 : index
    %swap3A_74 = tpu.vector_load %arg9[%swap3A_72, %swap3A_73] {strides = array<i32>} : memref<128x16xf32, #tpu.memory_space<vmem>>, vector<1x16xf32>,
    %swap3A_75 = vector.shape_cast %swap3A_74 : vector<1x16xf32> to vector<16xf32>
    %swap3A_76 = vector.shape_cast %broadcast_in_dim3A_3 : vector<16xf32> to vector<1x16xf32>
    tpu.vector_store %arg9[%swap3A_72, %swap3A_73], %swap3A_76 {strides = array<i32>} : memref<128x16xf32, #tpu.memory_space<vmem>>, vector<1x16xf32>,
    %swap3A_77 = arith.constant 12 : i32
    %swap3A_78 = arith.index_cast %swap3A_77 : i32 to index
    %swap3A_79 = arith.constant 0 : index
    %swap3A_80 = tpu.vector_load %arg9[%swap3A_78, %swap3A_79] {strides = array<i32>} : memref<128x16xf32, #tpu.memory_space<vmem>>, vector<1x16xf32>,
    %swap3A_81 = vector.shape_cast %swap3A_80 : vector<1x16xf32> to vector<16xf32>
    %swap3A_82 = vector.shape_cast %broadcast_in_dim3A_3 : vector<16xf32> to vector<1x16xf32>
    tpu.vector_store %arg9[%swap3A_78, %swap3A_79], %swap3A_82 {strides = array<i32>} : memref<128x16xf32, #tpu.memory_space<vmem>>, vector<1x16xf32>,
    %swap3A_83 = arith.constant 13 : i32
    %swap3A_84 = arith.index_cast %swap3A_83 : i32 to index
    %swap3A_85 = arith.constant 0 : index
    %swap3A_86 = tpu.vector_load %arg9[%swap3A_84, %swap3A_85] {strides = array<i32>} : memref<128x16xf32, #tpu.memory_space<vmem>>, vector<1x16xf32>,
    %swap3A_87 = vector.shape_cast %swap3A_86 : vector<1x16xf32> to vector<16xf32>
    %swap3A_88 = vector.shape_cast %broadcast_in_dim3A_3 : vector<16xf32> to vector<1x16xf32>
    tpu.vector_store %arg9[%swap3A_84, %swap3A_85], %swap3A_88 {strides = array<i32>} : memref<128x16xf32, #tpu.memory_space<vmem>>, vector<1x16xf32>,
    %swap3A_89 = arith.constant 14 : i32
    %swap3A_90 = arith.index_cast %swap3A_89 : i32 to index
    %swap3A_91 = arith.constant 0 : index
    %swap3A_92 = tpu.vector_load %arg9[%swap3A_90, %swap3A_91] {strides = array<i32>} : memref<128x16xf32, #tpu.memory_space<vmem>>, vector<1x16xf32>,
    %swap3A_93 = vector.shape_cast %swap3A_92 : vector<1x16xf32> to vector<16xf32>
    %swap3A_94 = vector.shape_cast %broadcast_in_dim3A_3 : vector<16xf32> to vector<1x16xf32>
    tpu.vector_store %arg9[%swap3A_90, %swap3A_91], %swap3A_94 {strides = array<i32>} : memref<128x16xf32, #tpu.memory_space<vmem>>, vector<1x16xf32>,
    %swap3A_95 = arith.constant 15 : i32
    %swap3A_96 = arith.index_cast %swap3A_95 : i32 to index
    %swap3A_97 = arith.constant 0 : index
    %swap3A_98 = tpu.vector_load %arg9[%swap3A_96, %swap3A_97] {strides = array<i32>} : memref<128x16xf32, #tpu.memory_space<vmem>>, vector<1x16xf32>,
    %swap3A_99 = vector.shape_cast %swap3A_98 : vector<1x16xf32> to vector<16xf32>
    %swap3A_100 = vector.shape_cast %broadcast_in_dim3A_3 : vector<16xf32> to vector<1x16xf32>
    tpu.vector_store %arg9[%swap3A_96, %swap3A_97], %swap3A_100 {strides = array<i32>} : memref<128x16xf32, #tpu.memory_space<vmem>>, vector<1x16xf32>,
    %swap3A_101 = arith.constant 16 : i32
    %swap3A_102 = arith.index_cast %swap3A_101 : i32 to index
    %swap3A_103 = arith.constant 0 : index
    %swap3A_104 = tpu.vector_load %arg9[%swap3A_102, %swap3A_103] {strides = array<i32>} : memref<128x16xf32, #tpu.memory_space<vmem>>, vector<1x16xf32>,
    %swap3A_105 = vector.shape_cast %swap3A_104 : vector<1x16xf32> to vector<16xf32>
    %swap3A_106 = vector.shape_cast %broadcast_in_dim3A_3 : vector<16xf32> to vector<1x16xf32>
    tpu.vector_store %arg9[%swap3A_102, %swap3A_103], %swap3A_106 {strides = array<i32>} : memref<128x16xf32, #tpu.memory_space<vmem>>, vector<1x16xf32>,
    %swap3A_107 = arith.constant 17 : i32
    %swap3A_108 = arith.index_cast %swap3A_107 : i32 to index
    %swap3A_109 = arith.constant 0 : index
    %swap3A_110 = tpu.vector_load %arg9[%swap3A_108, %swap3A_109] {strides = array<i32>} : memref<128x16xf32, #tpu.memory_space<vmem>>, vector<1x16xf32>,
    %swap3A_111 = vector.shape_cast %swap3A_110 : vector<1x16xf32> to vector<16xf32>
    %swap3A_112 = vector.shape_cast %broadcast_in_dim3A_3 : vector<16xf32> to vector<1x16xf32>
    tpu.vector_store %arg9[%swap3A_108, %swap3A_109], %swap3A_112 {strides = array<i32>} : memref<128x16xf32, #tpu.memory_space<vmem>>, vector<1x16xf32>,
    %swap3A_113 = arith.constant 18 : i32
    %swap3A_114 = arith.index_cast %swap3A_113 : i32 to index
    %swap3A_115 = arith.constant 0 : index
    %swap3A_116 = tpu.vector_load %arg9[%swap3A_114, %swap3A_115] {strides = array<i32>} : memref<128x16xf32, #tpu.memory_space<vmem>>, vector<1x16xf32>,
    %swap3A_117 = vector.shape_cast %swap3A_116 : vector<1x16xf32> to vector<16xf32>
    %swap3A_118 = vector.shape_cast %broadcast_in_dim3A_3 : vector<16xf32> to vector<1x16xf32>
    tpu.vector_store %arg9[%swap3A_114, %swap3A_115], %swap3A_118 {strides = array<i32>} : memref<128x16xf32, #tpu.memory_space<vmem>>, vector<1x16xf32>,
    %swap3A_119 = arith.constant 19 : i32
    %swap3A_120 = arith.index_cast %swap3A_119 : i32 to index
    %swap3A_121 = arith.constant 0 : index
    %swap3A_122 = tpu.vector_load %arg9[%swap3A_120, %swap3A_121] {strides = array<i32>} : memref<128x16xf32, #tpu.memory_space<vmem>>, vector<1x16xf32>,
    %swap3A_123 = vector.shape_cast %swap3A_122 : vector<1x16xf32> to vector<16xf32>
    %swap3A_124 = vector.shape_cast %broadcast_in_dim3A_3 : vector<16xf32> to vector<1x16xf32>
    tpu.vector_store %arg9[%swap3A_120, %swap3A_121], %swap3A_124 {strides = array<i32>} : memref<128x16xf32, #tpu.memory_space<vmem>>, vector<1x16xf32>,
    %swap3A_125 = arith.constant 20 : i32
    %swap3A_126 = arith.index_cast %swap3A_125 : i32 to index
    %swap3A_127 = arith.constant 0 : index
    %swap3A_128 = tpu.vector_load %arg9[%swap3A_126, %swap3A_127] {strides = array<i32>} : memref<128x16xf32, #tpu.memory_space<vmem>>, vector<1x16xf32>,
    %swap3A_129 = vector.shape_cast %swap3A_128 : vector<1x16xf32> to vector<16xf32>
    %swap3A_130 = vector.shape_cast %broadcast_in_dim3A_3 : vector<16xf32> to vector<1x16xf32>
    tpu.vector_store %arg9[%swap3A_126, %swap3A_127], %swap3A_130 {strides = array<i32>} : memref<128x16xf32, #tpu.memory_space<vmem>>, vector<1x16xf32>,
    %swap3A_131 = arith.constant 21 : i32
    %swap3A_132 = arith.index_cast %swap3A_131 : i32 to index
    %swap3A_133 = arith.constant 0 : index
    %swap3A_134 = tpu.vector_load %arg9[%swap3A_132, %swap3A_133] {strides = array<i32>} : memref<128x16xf32, #tpu.memory_space<vmem>>, vector<1x16xf32>,
    %swap3A_135 = vector.shape_cast %swap3A_134 : vector<1x16xf32> to vector<16xf32>
    %swap3A_136 = vector.shape_cast %broadcast_in_dim3A_3 : vector<16xf32> to vector<1x16xf32>
    tpu.vector_store %arg9[%swap3A_132, %swap3A_133], %swap3A_136 {strides = array<i32>} : memref<128x16xf32, #tpu.memory_space<vmem>>, vector<1x16xf32>,
    %swap3A_137 = arith.constant 22 : i32
    %swap3A_138 = arith.index_cast %swap3A_137 : i32 to index
    %swap3A_139 = arith.constant 0 : index
    %swap3A_140 = tpu.vector_load %arg9[%swap3A_138, %swap3A_139] {strides = array<i32>} : memref<128x16xf32, #tpu.memory_space<vmem>>, vector<1x16xf32>,
    %swap3A_141 = vector.shape_cast %swap3A_140 : vector<1x16xf32> to vector<16xf32>
    %swap3A_142 = vector.shape_cast %broadcast_in_dim3A_3 : vector<16xf32> to vector<1x16xf32>
    tpu.vector_store %arg9[%swap3A_138, %swap3A_139], %swap3A_142 {strides = array<i32>} : memref<128x16xf32, #tpu.memory_space<vmem>>, vector<1x16xf32>,
    %swap3A_143 = arith.constant 23 : i32
    %swap3A_144 = arith.index_cast %swap3A_143 : i32 to index
    %swap3A_145 = arith.constant 0 : index
    %swap3A_146 = tpu.vector_load %arg9[%swap3A_144, %swap3A_145] {strides = array<i32>} : memref<128x16xf32, #tpu.memory_space<vmem>>, vector<1x16xf32>,
    %swap3A_147 = vector.shape_cast %swap3A_146 : vector<1x16xf32> to vector<16xf32>
    %swap3A_148 = vector.shape_cast %broadcast_in_dim3A_3 : vector<16xf32> to vector<1x16xf32>
    tpu.vector_store %arg9[%swap3A_144, %swap3A_145], %swap3A_148 {strides = array<i32>} : memref<128x16xf32, #tpu.memory_space<vmem>>, vector<1x16xf32>,
    %swap3A_149 = arith.constant 24 : i32
    %swap3A_150 = arith.index_cast %swap3A_149 : i32 to index
    %swap3A_151 = arith.constant 0 : index
    %swap3A_152 = tpu.vector_load %arg9[%swap3A_150, %swap3A_151] {strides = array<i32>} : memref<128x16xf32, #tpu.memory_space<vmem>>, vector<1x16xf32>,
    %swap3A_153 = vector.shape_cast %swap3A_152 : vector<1x16xf32> to vector<16xf32>
    %swap3A_154 = vector.shape_cast %broadcast_in_dim3A_3 : vector<16xf32> to vector<1x16xf32>
    tpu.vector_store %arg9[%swap3A_150, %swap3A_151], %swap3A_154 {strides = array<i32>} : memref<128x16xf32, #tpu.memory_space<vmem>>, vector<1x16xf32>,
    %swap3A_155 = arith.constant 25 : i32
    %swap3A_156 = arith.index_cast %swap3A_155 : i32 to index
    %swap3A_157 = arith.constant 0 : index
    %swap3A_158 = tpu.vector_load %arg9[%swap3A_156, %swap3A_157] {strides = array<i32>} : memref<128x16xf32, #tpu.memory_space<vmem>>, vector<1x16xf32>,
    %swap3A_159 = vector.shape_cast %swap3A_158 : vector<1x16xf32> to vector<16xf32>
    %swap3A_160 = vector.shape_cast %broadcast_in_dim3A_3 : vector<16xf32> to vector<1x16xf32>
    tpu.vector_store %arg9[%swap3A_156, %swap3A_157], %swap3A_160 {strides = array<i32>} : memref<128x16xf32, #tpu.memory_space<vmem>>, vector<1x16xf32>,
    %swap3A_161 = arith.constant 26 : i32
    %swap3A_162 = arith.index_cast %swap3A_161 : i32 to index
    %swap3A_163 = arith.constant 0 : index
    %swap3A_164 = tpu.vector_load %arg9[%swap3A_162, %swap3A_163] {strides = array<i32>} : memref<128x16xf32, #tpu.memory_space<vmem>>, vector<1x16xf32>,
    %swap3A_165 = vector.shape_cast %swap3A_164 : vector<1x16xf32> to vector<16xf32>
    %swap3A_166 = vector.shape_cast %broadcast_in_dim3A_3 : vector<16xf32> to vector<1x16xf32>
    tpu.vector_store %arg9[%swap3A_162, %swap3A_163], %swap3A_166 {strides = array<i32>} : memref<128x16xf32, #tpu.memory_space<vmem>>, vector<1x16xf32>,
    %swap3A_167 = arith.constant 27 : i32
    %swap3A_168 = arith.index_cast %swap3A_167 : i32 to index
    %swap3A_169 = arith.constant 0 : index
    %swap3A_170 = tpu.vector_load %arg9[%swap3A_168, %swap3A_169] {strides = array<i32>} : memref<128x16xf32, #tpu.memory_space<vmem>>, vector<1x16xf32>,
    %swap3A_171 = vector.shape_cast %swap3A_170 : vector<1x16xf32> to vector<16xf32>
    %swap3A_172 = vector.shape_cast %broadcast_in_dim3A_3 : vector<16xf32> to vector<1x16xf32>
    tpu.vector_store %arg9[%swap3A_168, %swap3A_169], %swap3A_172 {strides = array<i32>} : memref<128x16xf32, #tpu.memory_space<vmem>>, vector<1x16xf32>,
    %swap3A_173 = arith.constant 28 : i32
    %swap3A_174 = arith.index_cast %swap3A_173 : i32 to index
    %swap3A_175 = arith.constant 0 : index
    %swap3A_176 = tpu.vector_load %arg9[%swap3A_174, %swap3A_175] {strides = array<i32>} : memref<128x16xf32, #tpu.memory_space<vmem>>, vector<1x16xf32>,
    %swap3A_177 = vector.shape_cast %swap3A_176 : vector<1x16xf32> to vector<16xf32>
    %swap3A_178 = vector.shape_cast %broadcast_in_dim3A_3 : vector<16xf32> to vector<1x16xf32>
    tpu.vector_store %arg9[%swap3A_174, %swap3A_175], %swap3A_178 {strides = array<i32>} : memref<128x16xf32, #tpu.memory_space<vmem>>, vector<1x16xf32>,
    %swap3A_179 = arith.constant 29 : i32
    %swap3A_180 = arith.index_cast %swap3A_179 : i32 to index
    %swap3A_181 = arith.constant 0 : index
    %swap3A_182 = tpu.vector_load %arg9[%swap3A_180, %swap3A_181] {strides = array<i32>} : memref<128x16xf32, #tpu.memory_space<vmem>>, vector<1x16xf32>,
    %swap3A_183 = vector.shape_cast %swap3A_182 : vector<1x16xf32> to vector<16xf32>
    %swap3A_184 = vector.shape_cast %broadcast_in_dim3A_3 : vector<16xf32> to vector<1x16xf32>
    tpu.vector_store %arg9[%swap3A_180, %swap3A_181], %swap3A_184 {strides = array<i32>} : memref<128x16xf32, #tpu.memory_space<vmem>>, vector<1x16xf32>,
    %swap3A_185 = arith.constant 30 : i32
    %swap3A_186 = arith.index_cast %swap3A_185 : i32 to index
    %swap3A_187 = arith.constant 0 : index
    %swap3A_188 = tpu.vector_load %arg9[%swap3A_186, %swap3A_187] {strides = array<i32>} : memref<128x16xf32, #tpu.memory_space<vmem>>, vector<1x16xf32>,
    %swap3A_189 = vector.shape_cast %swap3A_188 : vector<1x16xf32> to vector<16xf32>
    %swap3A_190 = vector.shape_cast %broadcast_in_dim3A_3 : vector<16xf32> to vector<1x16xf32>
    tpu.vector_store %arg9[%swap3A_186, %swap3A_187], %swap3A_190 {strides = array<i32>} : memref<128x16xf32, #tpu.memory_space<vmem>>, vector<1x16xf32>,
    %swap3A_191 = arith.constant 31 : i32
    %swap3A_192 = arith.index_cast %swap3A_191 : i32 to index
    %swap3A_193 = arith.constant 0 : index
    %swap3A_194 = tpu.vector_load %arg9[%swap3A_192, %swap3A_193] {strides = array<i32>} : memref<128x16xf32, #tpu.memory_space<vmem>>, vector<1x16xf32>,
    %swap3A_195 = vector.shape_cast %swap3A_194 : vector<1x16xf32> to vector<16xf32>
    %swap3A_196 = vector.shape_cast %broadcast_in_dim3A_3 : vector<16xf32> to vector<1x16xf32>
    tpu.vector_store %arg9[%swap3A_192, %swap3A_193], %swap3A_196 {strides = array<i32>} : memref<128x16xf32, #tpu.memory_space<vmem>>, vector<1x16xf32>,
    %swap3A_197 = arith.constant 32 : i32
    %swap3A_198 = arith.index_cast %swap3A_197 : i32 to index
    %swap3A_199 = arith.constant 0 : index
    %swap3A_200 = tpu.vector_load %arg9[%swap3A_198, %swap3A_199] {strides = array<i32>} : memref<128x16xf32, #tpu.memory_space<vmem>>, vector<1x16xf32>,
    %swap3A_201 = vector.shape_cast %swap3A_200 : vector<1x16xf32> to vector<16xf32>
    %swap3A_202 = vector.shape_cast %broadcast_in_dim3A_3 : vector<16xf32> to vector<1x16xf32>
    tpu.vector_store %arg9[%swap3A_198, %swap3A_199], %swap3A_202 {strides = array<i32>} : memref<128x16xf32, #tpu.memory_space<vmem>>, vector<1x16xf32>,
    %swap3A_203 = arith.constant 33 : i32
    %swap3A_204 = arith.index_cast %swap3A_203 : i32 to index
    %swap3A_205 = arith.constant 0 : index
    %swap3A_206 = tpu.vector_load %arg9[%swap3A_204, %swap3A_205] {strides = array<i32>} : memref<128x16xf32, #tpu.memory_space<vmem>>, vector<1x16xf32>,
    %swap3A_207 = vector.shape_cast %swap3A_206 : vector<1x16xf32> to vector<16xf32>
    %swap3A_208 = vector.shape_cast %broadcast_in_dim3A_3 : vector<16xf32> to vector<1x16xf32>
    tpu.vector_store %arg9[%swap3A_204, %swap3A_205], %swap3A_208 {strides = array<i32>} : memref<128x16xf32, #tpu.memory_space<vmem>>, vector<1x16xf32>,
    %swap3A_209 = arith.constant 34 : i32
    %swap3A_210 = arith.index_cast %swap3A_209 : i32 to index
    %swap3A_211 = arith.constant 0 : index
    %swap3A_212 = tpu.vector_load %arg9[%swap3A_210, %swap3A_211] {strides = array<i32>} : memref<128x16xf32, #tpu.memory_space<vmem>>, vector<1x16xf32>,
    %swap3A_213 = vector.shape_cast %swap3A_212 : vector<1x16xf32> to vector<16xf32>
    %swap3A_214 = vector.shape_cast %broadcast_in_dim3A_3 : vector<16xf32> to vector<1x16xf32>
    tpu.vector_store %arg9[%swap3A_210, %swap3A_211], %swap3A_214 {strides = array<i32>} : memref<128x16xf32, #tpu.memory_space<vmem>>, vector<1x16xf32>,
    %swap3A_215 = arith.constant 35 : i32
    %swap3A_216 = arith.index_cast %swap3A_215 : i32 to index
    %swap3A_217 = arith.constant 0 : index
    %swap3A_218 = tpu.vector_load %arg9[%swap3A_216, %swap3A_217] {strides = array<i32>} : memref<128x16xf32, #tpu.memory_space<vmem>>, vector<1x16xf32>,
    %swap3A_219 = vector.shape_cast %swap3A_218 : vector<1x16xf32> to vector<16xf32>
    %swap3A_220 = vector.shape_cast %broadcast_in_dim3A_3 : vector<16xf32> to vector<1x16xf32>
    tpu.vector_store %arg9[%swap3A_216, %swap3A_217], %swap3A_220 {strides = array<i32>} : memref<128x16xf32, #tpu.memory_space<vmem>>, vector<1x16xf32>,
    %swap3A_221 = arith.constant 36 : i32
    %swap3A_222 = arith.index_cast %swap3A_221 : i32 to index
    %swap3A_223 = arith.constant 0 : index
    %swap3A_224 = tpu.vector_load %arg9[%swap3A_222, %swap3A_223] {strides = array<i32>} : memref<128x16xf32, #tpu.memory_space<vmem>>, vector<1x16xf32>,
    %swap3A_225 = vector.shape_cast %swap3A_224 : vector<1x16xf32> to vector<16xf32>
    %swap3A_226 = vector.shape_cast %broadcast_in_dim3A_3 : vector<16xf32> to vector<1x16xf32>
    tpu.vector_store %arg9[%swap3A_222, %swap3A_223], %swap3A_226 {strides = array<i32>} : memref<128x16xf32, #tpu.memory_space<vmem>>, vector<1x16xf32>,
    %swap3A_227 = arith.constant 37 : i32
    %swap3A_228 = arith.index_cast %swap3A_227 : i32 to index
    %swap3A_229 = arith.constant 0 : index
    %swap3A_230 = tpu.vector_load %arg9[%swap3A_228, %swap3A_229] {strides = array<i32>} : memref<128x16xf32, #tpu.memory_space<vmem>>, vector<1x16xf32>,
    %swap3A_231 = vector.shape_cast %swap3A_230 : vector<1x16xf32> to vector<16xf32>
    %swap3A_232 = vector.shape_cast %broadcast_in_dim3A_3 : vector<16xf32> to vector<1x16xf32>
    tpu.vector_store %arg9[%swap3A_228, %swap3A_229], %swap3A_232 {strides = array<i32>} : memref<128x16xf32, #tpu.memory_space<vmem>>, vector<1x16xf32>,
    %swap3A_233 = arith.constant 38 : i32
    %swap3A_234 = arith.index_cast %swap3A_233 : i32 to index
    %swap3A_235 = arith.constant 0 : index
    %swap3A_236 = tpu.vector_load %arg9[%swap3A_234, %swap3A_235] {strides = array<i32>} : memref<128x16xf32, #tpu.memory_space<vmem>>, vector<1x16xf32>,
    %swap3A_237 = vector.shape_cast %swap3A_236 : vector<1x16xf32> to vector<16xf32>
    %swap3A_238 = vector.shape_cast %broadcast_in_dim3A_3 : vector<16xf32> to vector<1x16xf32>
    tpu.vector_store %arg9[%swap3A_234, %swap3A_235], %swap3A_238 {strides = array<i32>} : memref<128x16xf32, #tpu.memory_space<vmem>>, vector<1x16xf32>,
    %swap3A_239 = arith.constant 39 : i32
    %swap3A_240 = arith.index_cast %swap3A_239 : i32 to index
    %swap3A_241 = arith.constant 0 : index
    %swap3A_242 = tpu.vector_load %arg9[%swap3A_240, %swap3A_241] {strides = array<i32>} : memref<128x16xf32, #tpu.memory_space<vmem>>, vector<1x16xf32>,
    %swap3A_243 = vector.shape_cast %swap3A_242 : vector<1x16xf32> to vector<16xf32>
    %swap3A_244 = vector.shape_cast %broadcast_in_dim3A_3 : vector<16xf32> to vector<1x16xf32>
    tpu.vector_store %arg9[%swap3A_240, %swap3A_241], %swap3A_244 {strides = array<i32>} : memref<128x16xf32, #tpu.memory_space<vmem>>, vector<1x16xf32>,
    %swap3A_245 = arith.constant 40 : i32
    %swap3A_246 = arith.index_cast %swap3A_245 : i32 to index
    %swap3A_247 = arith.constant 0 : index
    %swap3A_248 = tpu.vector_load %arg9[%swap3A_246, %swap3A_247] {strides = array<i32>} : memref<128x16xf32, #tpu.memory_space<vmem>>, vector<1x16xf32>,
    %swap3A_249 = vector.shape_cast %swap3A_248 : vector<1x16xf32> to vector<16xf32>
    %swap3A_250 = vector.shape_cast %broadcast_in_dim3A_3 : vector<16xf32> to vector<1x16xf32>
    tpu.vector_store %arg9[%swap3A_246, %swap3A_247], %swap3A_250 {strides = array<i32>} : memref<128x16xf32, #tpu.memory_space<vmem>>, vector<1x16xf32>,
    %swap3A_251 = arith.constant 41 : i32
    %swap3A_252 = arith.index_cast %swap3A_251 : i32 to index
    %swap3A_253 = arith.constant 0 : index
    %swap3A_254 = tpu.vector_load %arg9[%swap3A_252, %swap3A_253] {strides = array<i32>} : memref<128x16xf32, #tpu.memory_space<vmem>>, vector<1x16xf32>,
    %swap3A_255 = vector.shape_cast %swap3A_254 : vector<1x16xf32> to vector<16xf32>
    %swap3A_256 = vector.shape_cast %broadcast_in_dim3A_3 : vector<16xf32> to vector<1x16xf32>
    tpu.vector_store %arg9[%swap3A_252, %swap3A_253], %swap3A_256 {strides = array<i32>} : memref<128x16xf32, #tpu.memory_space<vmem>>, vector<1x16xf32>,
    %swap3A_257 = arith.constant 42 : i32
    %swap3A_258 = arith.index_cast %swap3A_257 : i32 to index
    %swap3A_259 = arith.constant 0 : index
    %swap3A_260 = tpu.vector_load %arg9[%swap3A_258, %swap3A_259] {strides = array<i32>} : memref<128x16xf32, #tpu.memory_space<vmem>>, vector<1x16xf32>,
    %swap3A_261 = vector.shape_cast %swap3A_260 : vector<1x16xf32> to vector<16xf32>
    %swap3A_262 = vector.shape_cast %broadcast_in_dim3A_3 : vector<16xf32> to vector<1x16xf32>
    tpu.vector_store %arg9[%swap3A_258, %swap3A_259], %swap3A_262 {strides = array<i32>} : memref<128x16xf32, #tpu.memory_space<vmem>>, vector<1x16xf32>,
    %swap3A_263 = arith.constant 43 : i32
    %swap3A_264 = arith.index_cast %swap3A_263 : i32 to index
    %swap3A_265 = arith.constant 0 : index
    %swap3A_266 = tpu.vector_load %arg9[%swap3A_264, %swap3A_265] {strides = array<i32>} : memref<128x16xf32, #tpu.memory_space<vmem>>, vector<1x16xf32>,
    %swap3A_267 = vector.shape_cast %swap3A_266 : vector<1x16xf32> to vector<16xf32>
    %swap3A_268 = vector.shape_cast %broadcast_in_dim3A_3 : vector<16xf32> to vector<1x16xf32>
    tpu.vector_store %arg9[%swap3A_264, %swap3A_265], %swap3A_268 {strides = array<i32>} : memref<128x16xf32, #tpu.memory_space<vmem>>, vector<1x16xf32>,
    %swap3A_269 = arith.constant 44 : i32
    %swap3A_270 = arith.index_cast %swap3A_269 : i32 to index
    %swap3A_271 = arith.constant 0 : index
    %swap3A_272 = tpu.vector_load %arg9[%swap3A_270, %swap3A_271] {strides = array<i32>} : memref<128x16xf32, #tpu.memory_space<vmem>>, vector<1x16xf32>,
    %swap3A_273 = vector.shape_cast %swap3A_272 : vector<1x16xf32> to vector<16xf32>
    %swap3A_274 = vector.shape_cast %broadcast_in_dim3A_3 : vector<16xf32> to vector<1x16xf32>
    tpu.vector_store %arg9[%swap3A_270, %swap3A_271], %swap3A_274 {strides = array<i32>} : memref<128x16xf32, #tpu.memory_space<vmem>>, vector<1x16xf32>,
    %swap3A_275 = arith.constant 45 : i32
    %swap3A_276 = arith.index_cast %swap3A_275 : i32 to index
    %swap3A_277 = arith.constant 0 : index
    %swap3A_278 = tpu.vector_load %arg9[%swap3A_276, %swap3A_277] {strides = array<i32>} : memref<128x16xf32, #tpu.memory_space<vmem>>, vector<1x16xf32>,
    %swap3A_279 = vector.shape_cast %swap3A_278 : vector<1x16xf32> to vector<16xf32>
    %swap3A_280 = vector.shape_cast %broadcast_in_dim3A_3 : vector<16xf32> to vector<1x16xf32>
    tpu.vector_store %arg9[%swap3A_276, %swap3A_277], %swap3A_280 {strides = array<i32>} : memref<128x16xf32, #tpu.memory_space<vmem>>, vector<1x16xf32>,
    %swap3A_281 = arith.constant 46 : i32
    %swap3A_282 = arith.index_cast %swap3A_281 : i32 to index
    %swap3A_283 = arith.constant 0 : index
    %swap3A_284 = tpu.vector_load %arg9[%swap3A_282, %swap3A_283] {strides = array<i32>} : memref<128x16xf32, #tpu.memory_space<vmem>>, vector<1x16xf32>,
    %swap3A_285 = vector.shape_cast %swap3A_284 : vector<1x16xf32> to vector<16xf32>
    %swap3A_286 = vector.shape_cast %broadcast_in_dim3A_3 : vector<16xf32> to vector<1x16xf32>
    tpu.vector_store %arg9[%swap3A_282, %swap3A_283], %swap3A_286 {strides = array<i32>} : memref<128x16xf32, #tpu.memory_space<vmem>>, vector<1x16xf32>,
    %swap3A_287 = arith.constant 47 : i32
    %swap3A_288 = arith.index_cast %swap3A_287 : i32 to index
    %swap3A_289 = arith.constant 0 : index
    %swap3A_290 = tpu.vector_load %arg9[%swap3A_288, %swap3A_289] {strides = array<i32>} : memref<128x16xf32, #tpu.memory_space<vmem>>, vector<1x16xf32>,
    %swap3A_291 = vector.shape_cast %swap3A_290 : vector<1x16xf32> to vector<16xf32>
    %swap3A_292 = vector.shape_cast %broadcast_in_dim3A_3 : vector<16xf32> to vector<1x16xf32>
    tpu.vector_store %arg9[%swap3A_288, %swap3A_289], %swap3A_292 {strides = array<i32>} : memref<128x16xf32, #tpu.memory_space<vmem>>, vector<1x16xf32>,
    %swap3A_293 = arith.constant 48 : i32
    %swap3A_294 = arith.index_cast %swap3A_293 : i32 to index
    %swap3A_295 = arith.constant 0 : index
    %swap3A_296 = tpu.vector_load %arg9[%swap3A_294, %swap3A_295] {strides = array<i32>} : memref<128x16xf32, #tpu.memory_space<vmem>>, vector<1x16xf32>,
    %swap3A_297 = vector.shape_cast %swap3A_296 : vector<1x16xf32> to vector<16xf32>
    %swap3A_298 = vector.shape_cast %broadcast_in_dim3A_3 : vector<16xf32> to vector<1x16xf32>
    tpu.vector_store %arg9[%swap3A_294, %swap3A_295], %swap3A_298 {strides = array<i32>} : memref<128x16xf32, #tpu.memory_space<vmem>>, vector<1x16xf32>,
    %swap3A_299 = arith.constant 49 : i32
    %swap3A_300 = arith.index_cast %swap3A_299 : i32 to index
    %swap3A_301 = arith.constant 0 : index
    %swap3A_302 = tpu.vector_load %arg9[%swap3A_300, %swap3A_301] {strides = array<i32>} : memref<128x16xf32, #tpu.memory_space<vmem>>, vector<1x16xf32>,
    %swap3A_303 = vector.shape_cast %swap3A_302 : vector<1x16xf32> to vector<16xf32>
    %swap3A_304 = vector.shape_cast %broadcast_in_dim3A_3 : vector<16xf32> to vector<1x16xf32>
    tpu.vector_store %arg9[%swap3A_300, %swap3A_301], %swap3A_304 {strides = array<i32>} : memref<128x16xf32, #tpu.memory_space<vmem>>, vector<1x16xf32>,
    %swap3A_305 = arith.constant 50 : i32
    %swap3A_306 = arith.index_cast %swap3A_305 : i32 to index
    %swap3A_307 = arith.constant 0 : index
    %swap3A_308 = tpu.vector_load %arg9[%swap3A_306, %swap3A_307] {strides = array<i32>} : memref<128x16xf32, #tpu.memory_space<vmem>>, vector<1x16xf32>,
    %swap3A_309 = vector.shape_cast %swap3A_308 : vector<1x16xf32> to vector<16xf32>
    %swap3A_310 = vector.shape_cast %broadcast_in_dim3A_3 : vector<16xf32> to vector<1x16xf32>
    tpu.vector_store %arg9[%swap3A_306, %swap3A_307], %swap3A_310 {strides = array<i32>} : memref<128x16xf32, #tpu.memory_space<vmem>>, vector<1x16xf32>,
    %swap3A_311 = arith.constant 51 : i32
    %swap3A_312 = arith.index_cast %swap3A_311 : i32 to index
    %swap3A_313 = arith.constant 0 : index
    %swap3A_314 = tpu.vector_load %arg9[%swap3A_312, %swap3A_313] {strides = array<i32>} : memref<128x16xf32, #tpu.memory_space<vmem>>, vector<1x16xf32>,
    %swap3A_315 = vector.shape_cast %swap3A_314 : vector<1x16xf32> to vector<16xf32>
    %swap3A_316 = vector.shape_cast %broadcast_in_dim3A_3 : vector<16xf32> to vector<1x16xf32>
    tpu.vector_store %arg9[%swap3A_312, %swap3A_313], %swap3A_316 {strides = array<i32>} : memref<128x16xf32, #tpu.memory_space<vmem>>, vector<1x16xf32>,
    %swap3A_317 = arith.constant 52 : i32
    %swap3A_318 = arith.index_cast %swap3A_317 : i32 to index
    %swap3A_319 = arith.constant 0 : index
    %swap3A_320 = tpu.vector_load %arg9[%swap3A_318, %swap3A_319] {strides = array<i32>} : memref<128x16xf32, #tpu.memory_space<vmem>>, vector<1x16xf32>,
    %swap3A_321 = vector.shape_cast %swap3A_320 : vector<1x16xf32> to vector<16xf32>
    %swap3A_322 = vector.shape_cast %broadcast_in_dim3A_3 : vector<16xf32> to vector<1x16xf32>
    tpu.vector_store %arg9[%swap3A_318, %swap3A_319], %swap3A_322 {strides = array<i32>} : memref<128x16xf32, #tpu.memory_space<vmem>>, vector<1x16xf32>,
    %swap3A_323 = arith.constant 53 : i32
    %swap3A_324 = arith.index_cast %swap3A_323 : i32 to index
    %swap3A_325 = arith.constant 0 : index
    %swap3A_326 = tpu.vector_load %arg9[%swap3A_324, %swap3A_325] {strides = array<i32>} : memref<128x16xf32, #tpu.memory_space<vmem>>, vector<1x16xf32>,
    %swap3A_327 = vector.shape_cast %swap3A_326 : vector<1x16xf32> to vector<16xf32>
    %swap3A_328 = vector.shape_cast %broadcast_in_dim3A_3 : vector<16xf32> to vector<1x16xf32>
    tpu.vector_store %arg9[%swap3A_324, %swap3A_325], %swap3A_328 {strides = array<i32>} : memref<128x16xf32, #tpu.memory_space<vmem>>, vector<1x16xf32>,
    %swap3A_329 = arith.constant 54 : i32
    %swap3A_330 = arith.index_cast %swap3A_329 : i32 to index
    %swap3A_331 = arith.constant 0 : index
    %swap3A_332 = tpu.vector_load %arg9[%swap3A_330, %swap3A_331] {strides = array<i32>} : memref<128x16xf32, #tpu.memory_space<vmem>>, vector<1x16xf32>,
    %swap3A_333 = vector.shape_cast %swap3A_332 : vector<1x16xf32> to vector<16xf32>
    %swap3A_334 = vector.shape_cast %broadcast_in_dim3A_3 : vector<16xf32> to vector<1x16xf32>
    tpu.vector_store %arg9[%swap3A_330, %swap3A_331], %swap3A_334 {strides = array<i32>} : memref<128x16xf32, #tpu.memory_space<vmem>>, vector<1x16xf32>,
    %swap3A_335 = arith.constant 55 : i32
    %swap3A_336 = arith.index_cast %swap3A_335 : i32 to index
    %swap3A_337 = arith.constant 0 : index
    %swap3A_338 = tpu.vector_load %arg9[%swap3A_336, %swap3A_337] {strides = array<i32>} : memref<128x16xf32, #tpu.memory_space<vmem>>, vector<1x16xf32>,
    %swap3A_339 = vector.shape_cast %swap3A_338 : vector<1x16xf32> to vector<16xf32>
    %swap3A_340 = vector.shape_cast %broadcast_in_dim3A_3 : vector<16xf32> to vector<1x16xf32>
    tpu.vector_store %arg9[%swap3A_336, %swap3A_337], %swap3A_340 {strides = array<i32>} : memref<128x16xf32, #tpu.memory_space<vmem>>, vector<1x16xf32>,
    %swap3A_341 = arith.constant 56 : i32
    %swap3A_342 = arith.index_cast %swap3A_341 : i32 to index
    %swap3A_343 = arith.constant 0 : index
    %swap3A_344 = tpu.vector_load %arg9[%swap3A_342, %swap3A_343] {strides = array<i32>} : memref<128x16xf32, #tpu.memory_space<vmem>>, vector<1x16xf32>,
    %swap3A_345 = vector.shape_cast %swap3A_344 : vector<1x16xf32> to vector<16xf32>
    %swap3A_346 = vector.shape_cast %broadcast_in_dim3A_3 : vector<16xf32> to vector<1x16xf32>
    tpu.vector_store %arg9[%swap3A_342, %swap3A_343], %swap3A_346 {strides = array<i32>} : memref<128x16xf32, #tpu.memory_space<vmem>>, vector<1x16xf32>,
    %swap3A_347 = arith.constant 57 : i32
    %swap3A_348 = arith.index_cast %swap3A_347 : i32 to index
    %swap3A_349 = arith.constant 0 : index
    %swap3A_350 = tpu.vector_load %arg9[%swap3A_348, %swap3A_349] {strides = array<i32>} : memref<128x16xf32, #tpu.memory_space<vmem>>, vector<1x16xf32>,
    %swap3A_351 = vector.shape_cast %swap3A_350 : vector<1x16xf32> to vector<16xf32>
    %swap3A_352 = vector.shape_cast %broadcast_in_dim3A_3 : vector<16xf32> to vector<1x16xf32>
    tpu.vector_store %arg9[%swap3A_348, %swap3A_349], %swap3A_352 {strides = array<i32>} : memref<128x16xf32, #tpu.memory_space<vmem>>, vector<1x16xf32>,
    %swap3A_353 = arith.constant 58 : i32
    %swap3A_354 = arith.index_cast %swap3A_353 : i32 to index
    %swap3A_355 = arith.constant 0 : index
    %swap3A_356 = tpu.vector_load %arg9[%swap3A_354, %swap3A_355] {strides = array<i32>} : memref<128x16xf32, #tpu.memory_space<vmem>>, vector<1x16xf32>,
    %swap3A_357 = vector.shape_cast %swap3A_356 : vector<1x16xf32> to vector<16xf32>
    %swap3A_358 = vector.shape_cast %broadcast_in_dim3A_3 : vector<16xf32> to vector<1x16xf32>
    tpu.vector_store %arg9[%swap3A_354, %swap3A_355], %swap3A_358 {strides = array<i32>} : memref<128x16xf32, #tpu.memory_space<vmem>>, vector<1x16xf32>,
    %swap3A_359 = arith.constant 59 : i32
    %swap3A_360 = arith.index_cast %swap3A_359 : i32 to index
    %swap3A_361 = arith.constant 0 : index
    %swap3A_362 = tpu.vector_load %arg9[%swap3A_360, %swap3A_361] {strides = array<i32>} : memref<128x16xf32, #tpu.memory_space<vmem>>, vector<1x16xf32>,
    %swap3A_363 = vector.shape_cast %swap3A_362 : vector<1x16xf32> to vector<16xf32>
    %swap3A_364 = vector.shape_cast %broadcast_in_dim3A_3 : vector<16xf32> to vector<1x16xf32>
    tpu.vector_store %arg9[%swap3A_360, %swap3A_361], %swap3A_364 {strides = array<i32>} : memref<128x16xf32, #tpu.memory_space<vmem>>, vector<1x16xf32>,
    %swap3A_365 = arith.constant 60 : i32
    %swap3A_366 = arith.index_cast %swap3A_365 : i32 to index
    %swap3A_367 = arith.constant 0 : index
    %swap3A_368 = tpu.vector_load %arg9[%swap3A_366, %swap3A_367] {strides = array<i32>} : memref<128x16xf32, #tpu.memory_space<vmem>>, vector<1x16xf32>,
    %swap3A_369 = vector.shape_cast %swap3A_368 : vector<1x16xf32> to vector<16xf32>
    %swap3A_370 = vector.shape_cast %broadcast_in_dim3A_3 : vector<16xf32> to vector<1x16xf32>
    tpu.vector_store %arg9[%swap3A_366, %swap3A_367], %swap3A_370 {strides = array<i32>} : memref<128x16xf32, #tpu.memory_space<vmem>>, vector<1x16xf32>,
    %swap3A_371 = arith.constant 61 : i32
    %swap3A_372 = arith.index_cast %swap3A_371 : i32 to index
    %swap3A_373 = arith.constant 0 : index
    %swap3A_374 = tpu.vector_load %arg9[%swap3A_372, %swap3A_373] {strides = array<i32>} : memref<128x16xf32, #tpu.memory_space<vmem>>, vector<1x16xf32>,
    %swap3A_375 = vector.shape_cast %swap3A_374 : vector<1x16xf32> to vector<16xf32>
    %swap3A_376 = vector.shape_cast %broadcast_in_dim3A_3 : vector<16xf32> to vector<1x16xf32>
    tpu.vector_store %arg9[%swap3A_372, %swap3A_373], %swap3A_376 {strides = array<i32>} : memref<128x16xf32, #tpu.memory_space<vmem>>, vector<1x16xf32>,
    %swap3A_377 = arith.constant 62 : i32
    %swap3A_378 = arith.index_cast %swap3A_377 : i32 to index
    %swap3A_379 = arith.constant 0 : index
    %swap3A_380 = tpu.vector_load %arg9[%swap3A_378, %swap3A_379] {strides = array<i32>} : memref<128x16xf32, #tpu.memory_space<vmem>>, vector<1x16xf32>,
    %swap3A_381 = vector.shape_cast %swap3A_380 : vector<1x16xf32> to vector<16xf32>
    %swap3A_382 = vector.shape_cast %broadcast_in_dim3A_3 : vector<16xf32> to vector<1x16xf32>
    tpu.vector_store %arg9[%swap3A_378, %swap3A_379], %swap3A_382 {strides = array<i32>} : memref<128x16xf32, #tpu.memory_space<vmem>>, vector<1x16xf32>,
    %swap3A_383 = arith.constant 63 : i32
    %swap3A_384 = arith.index_cast %swap3A_383 : i32 to index
    %swap3A_385 = arith.constant 0 : index
    %swap3A_386 = tpu.vector_load %arg9[%swap3A_384, %swap3A_385] {strides = array<i32>} : memref<128x16xf32, #tpu.memory_space<vmem>>, vector<1x16xf32>,
    %swap3A_387 = vector.shape_cast %swap3A_386 : vector<1x16xf32> to vector<16xf32>
    %swap3A_388 = vector.shape_cast %broadcast_in_dim3A_3 : vector<16xf32> to vector<1x16xf32>
    tpu.vector_store %arg9[%swap3A_384, %swap3A_385], %swap3A_388 {strides = array<i32>} : memref<128x16xf32, #tpu.memory_space<vmem>>, vector<1x16xf32>,
    %swap3A_389 = arith.constant 64 : i32
    %swap3A_390 = arith.index_cast %swap3A_389 : i32 to index
    %swap3A_391 = arith.constant 0 : index
    %swap3A_392 = tpu.vector_load %arg9[%swap3A_390, %swap3A_391] {strides = array<i32>} : memref<128x16xf32, #tpu.memory_space<vmem>>, vector<1x16xf32>,
    %swap3A_393 = vector.shape_cast %swap3A_392 : vector<1x16xf32> to vector<16xf32>
    %swap3A_394 = vector.shape_cast %broadcast_in_dim3A_3 : vector<16xf32> to vector<1x16xf32>
    tpu.vector_store %arg9[%swap3A_390, %swap3A_391], %swap3A_394 {strides = array<i32>} : memref<128x16xf32, #tpu.memory_space<vmem>>, vector<1x16xf32>,
    %swap3A_395 = arith.constant 65 : i32
    %swap3A_396 = arith.index_cast %swap3A_395 : i32 to index
    %swap3A_397 = arith.constant 0 : index
    %swap3A_398 = tpu.vector_load %arg9[%swap3A_396, %swap3A_397] {strides = array<i32>} : memref<128x16xf32, #tpu.memory_space<vmem>>, vector<1x16xf32>,
    %swap3A_399 = vector.shape_cast %swap3A_398 : vector<1x16xf32> to vector<16xf32>
    %swap3A_400 = vector.shape_cast %broadcast_in_dim3A_3 : vector<16xf32> to vector<1x16xf32>
    tpu.vector_store %arg9[%swap3A_396, %swap3A_397], %swap3A_400 {strides = array<i32>} : memref<128x16xf32, #tpu.memory_space<vmem>>, vector<1x16xf32>,
    %swap3A_401 = arith.constant 66 : i32
    %swap3A_402 = arith.index_cast %swap3A_401 : i32 to index
    %swap3A_403 = arith.constant 0 : index
    %swap3A_404 = tpu.vector_load %arg9[%swap3A_402, %swap3A_403] {strides = array<i32>} : memref<128x16xf32, #tpu.memory_space<vmem>>, vector<1x16xf32>,
    %swap3A_405 = vector.shape_cast %swap3A_404 : vector<1x16xf32> to vector<16xf32>
    %swap3A_406 = vector.shape_cast %broadcast_in_dim3A_3 : vector<16xf32> to vector<1x16xf32>
    tpu.vector_store %arg9[%swap3A_402, %swap3A_403], %swap3A_406 {strides = array<i32>} : memref<128x16xf32, #tpu.memory_space<vmem>>, vector<1x16xf32>,
    %swap3A_407 = arith.constant 67 : i32
    %swap3A_408 = arith.index_cast %swap3A_407 : i32 to index
    %swap3A_409 = arith.constant 0 : index
    %swap3A_410 = tpu.vector_load %arg9[%swap3A_408, %swap3A_409] {strides = array<i32>} : memref<128x16xf32, #tpu.memory_space<vmem>>, vector<1x16xf32>,
    %swap3A_411 = vector.shape_cast %swap3A_410 : vector<1x16xf32> to vector<16xf32>
    %swap3A_412 = vector.shape_cast %broadcast_in_dim3A_3 : vector<16xf32> to vector<1x16xf32>
    tpu.vector_store %arg9[%swap3A_408, %swap3A_409], %swap3A_412 {strides = array<i32>} : memref<128x16xf32, #tpu.memory_space<vmem>>, vector<1x16xf32>,
    %swap3A_413 = arith.constant 68 : i32
    %swap3A_414 = arith.index_cast %swap3A_413 : i32 to index
    %swap3A_415 = arith.constant 0 : index
    %swap3A_416 = tpu.vector_load %arg9[%swap3A_414, %swap3A_415] {strides = array<i32>} : memref<128x16xf32, #tpu.memory_space<vmem>>, vector<1x16xf32>,
    %swap3A_417 = vector.shape_cast %swap3A_416 : vector<1x16xf32> to vector<16xf32>
    %swap3A_418 = vector.shape_cast %broadcast_in_dim3A_3 : vector<16xf32> to vector<1x16xf32>
    tpu.vector_store %arg9[%swap3A_414, %swap3A_415], %swap3A_418 {strides = array<i32>} : memref<128x16xf32, #tpu.memory_space<vmem>>, vector<1x16xf32>,
    %swap3A_419 = arith.constant 69 : i32
    %swap3A_420 = arith.index_cast %swap3A_419 : i32 to index
    %swap3A_421 = arith.constant 0 : index
    %swap3A_422 = tpu.vector_load %arg9[%swap3A_420, %swap3A_421] {strides = array<i32>} : memref<128x16xf32, #tpu.memory_space<vmem>>, vector<1x16xf32>,
    %swap3A_423 = vector.shape_cast %swap3A_422 : vector<1x16xf32> to vector<16xf32>
    %swap3A_424 = vector.shape_cast %broadcast_in_dim3A_3 : vector<16xf32> to vector<1x16xf32>
    tpu.vector_store %arg9[%swap3A_420, %swap3A_421], %swap3A_424 {strides = array<i32>} : memref<128x16xf32, #tpu.memory_space<vmem>>, vector<1x16xf32>,
    %swap3A_425 = arith.constant 70 : i32
    %swap3A_426 = arith.index_cast %swap3A_425 : i32 to index
    %swap3A_427 = arith.constant 0 : index
    %swap3A_428 = tpu.vector_load %arg9[%swap3A_426, %swap3A_427] {strides = array<i32>} : memref<128x16xf32, #tpu.memory_space<vmem>>, vector<1x16xf32>,
    %swap3A_429 = vector.shape_cast %swap3A_428 : vector<1x16xf32> to vector<16xf32>
    %swap3A_430 = vector.shape_cast %broadcast_in_dim3A_3 : vector<16xf32> to vector<1x16xf32>
    tpu.vector_store %arg9[%swap3A_426, %swap3A_427], %swap3A_430 {strides = array<i32>} : memref<128x16xf32, #tpu.memory_space<vmem>>, vector<1x16xf32>,
    %swap3A_431 = arith.constant 71 : i32
    %swap3A_432 = arith.index_cast %swap3A_431 : i32 to index
    %swap3A_433 = arith.constant 0 : index
    %swap3A_434 = tpu.vector_load %arg9[%swap3A_432, %swap3A_433] {strides = array<i32>} : memref<128x16xf32, #tpu.memory_space<vmem>>, vector<1x16xf32>,
    %swap3A_435 = vector.shape_cast %swap3A_434 : vector<1x16xf32> to vector<16xf32>
    %swap3A_436 = vector.shape_cast %broadcast_in_dim3A_3 : vector<16xf32> to vector<1x16xf32>
    tpu.vector_store %arg9[%swap3A_432, %swap3A_433], %swap3A_436 {strides = array<i32>} : memref<128x16xf32, #tpu.memory_space<vmem>>, vector<1x16xf32>,
    %swap3A_437 = arith.constant 72 : i32
    %swap3A_438 = arith.index_cast %swap3A_437 : i32 to index
    %swap3A_439 = arith.constant 0 : index
    %swap3A_440 = tpu.vector_load %arg9[%swap3A_438, %swap3A_439] {strides = array<i32>} : memref<128x16xf32, #tpu.memory_space<vmem>>, vector<1x16xf32>,
    %swap3A_441 = vector.shape_cast %swap3A_440 : vector<1x16xf32> to vector<16xf32>
    %swap3A_442 = vector.shape_cast %broadcast_in_dim3A_3 : vector<16xf32> to vector<1x16xf32>
    tpu.vector_store %arg9[%swap3A_438, %swap3A_439], %swap3A_442 {strides = array<i32>} : memref<128x16xf32, #tpu.memory_space<vmem>>, vector<1x16xf32>,
    %swap3A_443 = arith.constant 73 : i32
    %swap3A_444 = arith.index_cast %swap3A_443 : i32 to index
    %swap3A_445 = arith.constant 0 : index
    %swap3A_446 = tpu.vector_load %arg9[%swap3A_444, %swap3A_445] {strides = array<i32>} : memref<128x16xf32, #tpu.memory_space<vmem>>, vector<1x16xf32>,
    %swap3A_447 = vector.shape_cast %swap3A_446 : vector<1x16xf32> to vector<16xf32>
    %swap3A_448 = vector.shape_cast %broadcast_in_dim3A_3 : vector<16xf32> to vector<1x16xf32>
    tpu.vector_store %arg9[%swap3A_444, %swap3A_445], %swap3A_448 {strides = array<i32>} : memref<128x16xf32, #tpu.memory_space<vmem>>, vector<1x16xf32>,
    %swap3A_449 = arith.constant 74 : i32
    %swap3A_450 = arith.index_cast %swap3A_449 : i32 to index
    %swap3A_451 = arith.constant 0 : index
    %swap3A_452 = tpu.vector_load %arg9[%swap3A_450, %swap3A_451] {strides = array<i32>} : memref<128x16xf32, #tpu.memory_space<vmem>>, vector<1x16xf32>,
    %swap3A_453 = vector.shape_cast %swap3A_452 : vector<1x16xf32> to vector<16xf32>
    %swap3A_454 = vector.shape_cast %broadcast_in_dim3A_3 : vector<16xf32> to vector<1x16xf32>
    tpu.vector_store %arg9[%swap3A_450, %swap3A_451], %swap3A_454 {strides = array<i32>} : memref<128x16xf32, #tpu.memory_space<vmem>>, vector<1x16xf32>,
    %swap3A_455 = arith.constant 75 : i32
    %swap3A_456 = arith.index_cast %swap3A_455 : i32 to index
    %swap3A_457 = arith.constant 0 : index
    %swap3A_458 = tpu.vector_load %arg9[%swap3A_456, %swap3A_457] {strides = array<i32>} : memref<128x16xf32, #tpu.memory_space<vmem>>, vector<1x16xf32>,
    %swap3A_459 = vector.shape_cast %swap3A_458 : vector<1x16xf32> to vector<16xf32>
    %swap3A_460 = vector.shape_cast %broadcast_in_dim3A_3 : vector<16xf32> to vector<1x16xf32>
    tpu.vector_store %arg9[%swap3A_456, %swap3A_457], %swap3A_460 {strides = array<i32>} : memref<128x16xf32, #tpu.memory_space<vmem>>, vector<1x16xf32>,
    %swap3A_461 = arith.constant 76 : i32
    %swap3A_462 = arith.index_cast %swap3A_461 : i32 to index
    %swap3A_463 = arith.constant 0 : index
    %swap3A_464 = tpu.vector_load %arg9[%swap3A_462, %swap3A_463] {strides = array<i32>} : memref<128x16xf32, #tpu.memory_space<vmem>>, vector<1x16xf32>,
    %swap3A_465 = vector.shape_cast %swap3A_464 : vector<1x16xf32> to vector<16xf32>
    %swap3A_466 = vector.shape_cast %broadcast_in_dim3A_3 : vector<16xf32> to vector<1x16xf32>
    tpu.vector_store %arg9[%swap3A_462, %swap3A_463], %swap3A_466 {strides = array<i32>} : memref<128x16xf32, #tpu.memory_space<vmem>>, vector<1x16xf32>,
    %swap3A_467 = arith.constant 77 : i32
    %swap3A_468 = arith.index_cast %swap3A_467 : i32 to index
    %swap3A_469 = arith.constant 0 : index
    %swap3A_470 = tpu.vector_load %arg9[%swap3A_468, %swap3A_469] {strides = array<i32>} : memref<128x16xf32, #tpu.memory_space<vmem>>, vector<1x16xf32>,
    %swap3A_471 = vector.shape_cast %swap3A_470 : vector<1x16xf32> to vector<16xf32>
    %swap3A_472 = vector.shape_cast %broadcast_in_dim3A_3 : vector<16xf32> to vector<1x16xf32>
    tpu.vector_store %arg9[%swap3A_468, %swap3A_469], %swap3A_472 {strides = array<i32>} : memref<128x16xf32, #tpu.memory_space<vmem>>, vector<1x16xf32>,
    %swap3A_473 = arith.constant 78 : i32
    %swap3A_474 = arith.index_cast %swap3A_473 : i32 to index
    %swap3A_475 = arith.constant 0 : index
    %swap3A_476 = tpu.vector_load %arg9[%swap3A_474, %swap3A_475] {strides = array<i32>} : memref<128x16xf32, #tpu.memory_space<vmem>>, vector<1x16xf32>,
    %swap3A_477 = vector.shape_cast %swap3A_476 : vector<1x16xf32> to vector<16xf32>
    %swap3A_478 = vector.shape_cast %broadcast_in_dim3A_3 : vector<16xf32> to vector<1x16xf32>
    tpu.vector_store %arg9[%swap3A_474, %swap3A_475], %swap3A_478 {strides = array<i32>} : memref<128x16xf32, #tpu.memory_space<vmem>>, vector<1x16xf32>,
    %swap3A_479 = arith.constant 79 : i32
    %swap3A_480 = arith.index_cast %swap3A_479 : i32 to index
    %swap3A_481 = arith.constant 0 : index
    %swap3A_482 = tpu.vector_load %arg9[%swap3A_480, %swap3A_481] {strides = array<i32>} : memref<128x16xf32, #tpu.memory_space<vmem>>, vector<1x16xf32>,
    %swap3A_483 = vector.shape_cast %swap3A_482 : vector<1x16xf32> to vector<16xf32>
    %swap3A_484 = vector.shape_cast %broadcast_in_dim3A_3 : vector<16xf32> to vector<1x16xf32>
    tpu.vector_store %arg9[%swap3A_480, %swap3A_481], %swap3A_484 {strides = array<i32>} : memref<128x16xf32, #tpu.memory_space<vmem>>, vector<1x16xf32>,
    %swap3A_485 = arith.constant 80 : i32
    %swap3A_486 = arith.index_cast %swap3A_485 : i32 to index
    %swap3A_487 = arith.constant 0 : index
    %swap3A_488 = tpu.vector_load %arg9[%swap3A_486, %swap3A_487] {strides = array<i32>} : memref<128x16xf32, #tpu.memory_space<vmem>>, vector<1x16xf32>,
    %swap3A_489 = vector.shape_cast %swap3A_488 : vector<1x16xf32> to vector<16xf32>
    %swap3A_490 = vector.shape_cast %broadcast_in_dim3A_3 : vector<16xf32> to vector<1x16xf32>
    tpu.vector_store %arg9[%swap3A_486, %swap3A_487], %swap3A_490 {strides = array<i32>} : memref<128x16xf32, #tpu.memory_space<vmem>>, vector<1x16xf32>,
    %swap3A_491 = arith.constant 81 : i32
    %swap3A_492 = arith.index_cast %swap3A_491 : i32 to index
    %swap3A_493 = arith.constant 0 : index
    %swap3A_494 = tpu.vector_load %arg9[%swap3A_492, %swap3A_493] {strides = array<i32>} : memref<128x16xf32, #tpu.memory_space<vmem>>, vector<1x16xf32>,
    %swap3A_495 = vector.shape_cast %swap3A_494 : vector<1x16xf32> to vector<16xf32>
    %swap3A_496 = vector.shape_cast %broadcast_in_dim3A_3 : vector<16xf32> to vector<1x16xf32>
    tpu.vector_store %arg9[%swap3A_492, %swap3A_493], %swap3A_496 {strides = array<i32>} : memref<128x16xf32, #tpu.memory_space<vmem>>, vector<1x16xf32>,
    %swap3A_497 = arith.constant 82 : i32
    %swap3A_498 = arith.index_cast %swap3A_497 : i32 to index
    %swap3A_499 = arith.constant 0 : index
    %swap3A_500 = tpu.vector_load %arg9[%swap3A_498, %swap3A_499] {strides = array<i32>} : memref<128x16xf32, #tpu.memory_space<vmem>>, vector<1x16xf32>,
    %swap3A_501 = vector.shape_cast %swap3A_500 : vector<1x16xf32> to vector<16xf32>
    %swap3A_502 = vector.shape_cast %broadcast_in_dim3A_3 : vector<16xf32> to vector<1x16xf32>
    tpu.vector_store %arg9[%swap3A_498, %swap3A_499], %swap3A_502 {strides = array<i32>} : memref<128x16xf32, #tpu.memory_space<vmem>>, vector<1x16xf32>,
    %swap3A_503 = arith.constant 83 : i32
    %swap3A_504 = arith.index_cast %swap3A_503 : i32 to index
    %swap3A_505 = arith.constant 0 : index
    %swap3A_506 = tpu.vector_load %arg9[%swap3A_504, %swap3A_505] {strides = array<i32>} : memref<128x16xf32, #tpu.memory_space<vmem>>, vector<1x16xf32>,
    %swap3A_507 = vector.shape_cast %swap3A_506 : vector<1x16xf32> to vector<16xf32>
    %swap3A_508 = vector.shape_cast %broadcast_in_dim3A_3 : vector<16xf32> to vector<1x16xf32>
    tpu.vector_store %arg9[%swap3A_504, %swap3A_505], %swap3A_508 {strides = array<i32>} : memref<128x16xf32, #tpu.memory_space<vmem>>, vector<1x16xf32>,
    %swap3A_509 = arith.constant 84 : i32
    %swap3A_510 = arith.index_cast %swap3A_509 : i32 to index
    %swap3A_511 = arith.constant 0 : index
    %swap3A_512 = tpu.vector_load %arg9[%swap3A_510, %swap3A_511] {strides = array<i32>} : memref<128x16xf32, #tpu.memory_space<vmem>>, vector<1x16xf32>,
    %swap3A_513 = vector.shape_cast %swap3A_512 : vector<1x16xf32> to vector<16xf32>
    %swap3A_514 = vector.shape_cast %broadcast_in_dim3A_3 : vector<16xf32> to vector<1x16xf32>
    tpu.vector_store %arg9[%swap3A_510, %swap3A_511], %swap3A_514 {strides = array<i32>} : memref<128x16xf32, #tpu.memory_space<vmem>>, vector<1x16xf32>,
    %swap3A_515 = arith.constant 85 : i32
    %swap3A_516 = arith.index_cast %swap3A_515 : i32 to index
    %swap3A_517 = arith.constant 0 : index
    %swap3A_518 = tpu.vector_load %arg9[%swap3A_516, %swap3A_517] {strides = array<i32>} : memref<128x16xf32, #tpu.memory_space<vmem>>, vector<1x16xf32>,
    %swap3A_519 = vector.shape_cast %swap3A_518 : vector<1x16xf32> to vector<16xf32>
    %swap3A_520 = vector.shape_cast %broadcast_in_dim3A_3 : vector<16xf32> to vector<1x16xf32>
    tpu.vector_store %arg9[%swap3A_516, %swap3A_517], %swap3A_520 {strides = array<i32>} : memref<128x16xf32, #tpu.memory_space<vmem>>, vector<1x16xf32>,
    %swap3A_521 = arith.constant 86 : i32
    %swap3A_522 = arith.index_cast %swap3A_521 : i32 to index
    %swap3A_523 = arith.constant 0 : index
    %swap3A_524 = tpu.vector_load %arg9[%swap3A_522, %swap3A_523] {strides = array<i32>} : memref<128x16xf32, #tpu.memory_space<vmem>>, vector<1x16xf32>,
    %swap3A_525 = vector.shape_cast %swap3A_524 : vector<1x16xf32> to vector<16xf32>
    %swap3A_526 = vector.shape_cast %broadcast_in_dim3A_3 : vector<16xf32> to vector<1x16xf32>
    tpu.vector_store %arg9[%swap3A_522, %swap3A_523], %swap3A_526 {strides = array<i32>} : memref<128x16xf32, #tpu.memory_space<vmem>>, vector<1x16xf32>,
    %swap3A_527 = arith.constant 87 : i32
    %swap3A_528 = arith.index_cast %swap3A_527 : i32 to index
    %swap3A_529 = arith.constant 0 : index
    %swap3A_530 = tpu.vector_load %arg9[%swap3A_528, %swap3A_529] {strides = array<i32>} : memref<128x16xf32, #tpu.memory_space<vmem>>, vector<1x16xf32>,
    %swap3A_531 = vector.shape_cast %swap3A_530 : vector<1x16xf32> to vector<16xf32>
    %swap3A_532 = vector.shape_cast %broadcast_in_dim3A_3 : vector<16xf32> to vector<1x16xf32>
    tpu.vector_store %arg9[%swap3A_528, %swap3A_529], %swap3A_532 {strides = array<i32>} : memref<128x16xf32, #tpu.memory_space<vmem>>, vector<1x16xf32>,
    %swap3A_533 = arith.constant 88 : i32
    %swap3A_534 = arith.index_cast %swap3A_533 : i32 to index
    %swap3A_535 = arith.constant 0 : index
    %swap3A_536 = tpu.vector_load %arg9[%swap3A_534, %swap3A_535] {strides = array<i32>} : memref<128x16xf32, #tpu.memory_space<vmem>>, vector<1x16xf32>,
    %swap3A_537 = vector.shape_cast %swap3A_536 : vector<1x16xf32> to vector<16xf32>
    %swap3A_538 = vector.shape_cast %broadcast_in_dim3A_3 : vector<16xf32> to vector<1x16xf32>
    tpu.vector_store %arg9[%swap3A_534, %swap3A_535], %swap3A_538 {strides = array<i32>} : memref<128x16xf32, #tpu.memory_space<vmem>>, vector<1x16xf32>,
    %swap3A_539 = arith.constant 89 : i32
    %swap3A_540 = arith.index_cast %swap3A_539 : i32 to index
    %swap3A_541 = arith.constant 0 : index
    %swap3A_542 = tpu.vector_load %arg9[%swap3A_540, %swap3A_541] {strides = array<i32>} : memref<128x16xf32, #tpu.memory_space<vmem>>, vector<1x16xf32>,
    %swap3A_543 = vector.shape_cast %swap3A_542 : vector<1x16xf32> to vector<16xf32>
    %swap3A_544 = vector.shape_cast %broadcast_in_dim3A_3 : vector<16xf32> to vector<1x16xf32>
    tpu.vector_store %arg9[%swap3A_540, %swap3A_541], %swap3A_544 {strides = array<i32>} : memref<128x16xf32, #tpu.memory_space<vmem>>, vector<1x16xf32>,
    %swap3A_545 = arith.constant 90 : i32
    %swap3A_546 = arith.index_cast %swap3A_545 : i32 to index
    %swap3A_547 = arith.constant 0 : index
    %swap3A_548 = tpu.vector_load %arg9[%swap3A_546, %swap3A_547] {strides = array<i32>} : memref<128x16xf32, #tpu.memory_space<vmem>>, vector<1x16xf32>,
    %swap3A_549 = vector.shape_cast %swap3A_548 : vector<1x16xf32> to vector<16xf32>
    %swap3A_550 = vector.shape_cast %broadcast_in_dim3A_3 : vector<16xf32> to vector<1x16xf32>
    tpu.vector_store %arg9[%swap3A_546, %swap3A_547], %swap3A_550 {strides = array<i32>} : memref<128x16xf32, #tpu.memory_space<vmem>>, vector<1x16xf32>,
    %swap3A_551 = arith.constant 91 : i32
    %swap3A_552 = arith.index_cast %swap3A_551 : i32 to index
    %swap3A_553 = arith.constant 0 : index
    %swap3A_554 = tpu.vector_load %arg9[%swap3A_552, %swap3A_553] {strides = array<i32>} : memref<128x16xf32, #tpu.memory_space<vmem>>, vector<1x16xf32>,
    %swap3A_555 = vector.shape_cast %swap3A_554 : vector<1x16xf32> to vector<16xf32>
    %swap3A_556 = vector.shape_cast %broadcast_in_dim3A_3 : vector<16xf32> to vector<1x16xf32>
    tpu.vector_store %arg9[%swap3A_552, %swap3A_553], %swap3A_556 {strides = array<i32>} : memref<128x16xf32, #tpu.memory_space<vmem>>, vector<1x16xf32>,
    %swap3A_557 = arith.constant 92 : i32
    %swap3A_558 = arith.index_cast %swap3A_557 : i32 to index
    %swap3A_559 = arith.constant 0 : index
    %swap3A_560 = tpu.vector_load %arg9[%swap3A_558, %swap3A_559] {strides = array<i32>} : memref<128x16xf32, #tpu.memory_space<vmem>>, vector<1x16xf32>,
    %swap3A_561 = vector.shape_cast %swap3A_560 : vector<1x16xf32> to vector<16xf32>
    %swap3A_562 = vector.shape_cast %broadcast_in_dim3A_3 : vector<16xf32> to vector<1x16xf32>
    tpu.vector_store %arg9[%swap3A_558, %swap3A_559], %swap3A_562 {strides = array<i32>} : memref<128x16xf32, #tpu.memory_space<vmem>>, vector<1x16xf32>,
    %swap3A_563 = arith.constant 93 : i32
    %swap3A_564 = arith.index_cast %swap3A_563 : i32 to index
    %swap3A_565 = arith.constant 0 : index
    %swap3A_566 = tpu.vector_load %arg9[%swap3A_564, %swap3A_565] {strides = array<i32>} : memref<128x16xf32, #tpu.memory_space<vmem>>, vector<1x16xf32>,
    %swap3A_567 = vector.shape_cast %swap3A_566 : vector<1x16xf32> to vector<16xf32>
    %swap3A_568 = vector.shape_cast %broadcast_in_dim3A_3 : vector<16xf32> to vector<1x16xf32>
    tpu.vector_store %arg9[%swap3A_564, %swap3A_565], %swap3A_568 {strides = array<i32>} : memref<128x16xf32, #tpu.memory_space<vmem>>, vector<1x16xf32>,
    %swap3A_569 = arith.constant 94 : i32
    %swap3A_570 = arith.index_cast %swap3A_569 : i32 to index
    %swap3A_571 = arith.constant 0 : index
    %swap3A_572 = tpu.vector_load %arg9[%swap3A_570, %swap3A_571] {strides = array<i32>} : memref<128x16xf32, #tpu.memory_space<vmem>>, vector<1x16xf32>,
    %swap3A_573 = vector.shape_cast %swap3A_572 : vector<1x16xf32> to vector<16xf32>
    %swap3A_574 = vector.shape_cast %broadcast_in_dim3A_3 : vector<16xf32> to vector<1x16xf32>
    tpu.vector_store %arg9[%swap3A_570, %swap3A_571], %swap3A_574 {strides = array<i32>} : memref<128x16xf32, #tpu.memory_space<vmem>>, vector<1x16xf32>,
    %swap3A_575 = arith.constant 95 : i32
    %swap3A_576 = arith.index_cast %swap3A_575 : i32 to index
    %swap3A_577 = arith.constant 0 : index
    %swap3A_578 = tpu.vector_load %arg9[%swap3A_576, %swap3A_577] {strides = array<i32>} : memref<128x16xf32, #tpu.memory_space<vmem>>, vector<1x16xf32>,
    %swap3A_579 = vector.shape_cast %swap3A_578 : vector<1x16xf32> to vector<16xf32>
    %swap3A_580 = vector.shape_cast %broadcast_in_dim3A_3 : vector<16xf32> to vector<1x16xf32>
    tpu.vector_store %arg9[%swap3A_576, %swap3A_577], %swap3A_580 {strides = array<i32>} : memref<128x16xf32, #tpu.memory_space<vmem>>, vector<1x16xf32>,
    %swap3A_581 = arith.constant 96 : i32
    %swap3A_582 = arith.index_cast %swap3A_581 : i32 to index
    %swap3A_583 = arith.constant 0 : index
    %swap3A_584 = tpu.vector_load %arg9[%swap3A_582, %swap3A_583] {strides = array<i32>} : memref<128x16xf32, #tpu.memory_space<vmem>>, vector<1x16xf32>,
    %swap3A_585 = vector.shape_cast %swap3A_584 : vector<1x16xf32> to vector<16xf32>
    %swap3A_586 = vector.shape_cast %broadcast_in_dim3A_3 : vector<16xf32> to vector<1x16xf32>
    tpu.vector_store %arg9[%swap3A_582, %swap3A_583], %swap3A_586 {strides = array<i32>} : memref<128x16xf32, #tpu.memory_space<vmem>>, vector<1x16xf32>,
    %swap3A_587 = arith.constant 97 : i32
    %swap3A_588 = arith.index_cast %swap3A_587 : i32 to index
    %swap3A_589 = arith.constant 0 : index
    %swap3A_590 = tpu.vector_load %arg9[%swap3A_588, %swap3A_589] {strides = array<i32>} : memref<128x16xf32, #tpu.memory_space<vmem>>, vector<1x16xf32>,
    %swap3A_591 = vector.shape_cast %swap3A_590 : vector<1x16xf32> to vector<16xf32>
    %swap3A_592 = vector.shape_cast %broadcast_in_dim3A_3 : vector<16xf32> to vector<1x16xf32>
    tpu.vector_store %arg9[%swap3A_588, %swap3A_589], %swap3A_592 {strides = array<i32>} : memref<128x16xf32, #tpu.memory_space<vmem>>, vector<1x16xf32>,
    %swap3A_593 = arith.constant 98 : i32
    %swap3A_594 = arith.index_cast %swap3A_593 : i32 to index
    %swap3A_595 = arith.constant 0 : index
    %swap3A_596 = tpu.vector_load %arg9[%swap3A_594, %swap3A_595] {strides = array<i32>} : memref<128x16xf32, #tpu.memory_space<vmem>>, vector<1x16xf32>,
    %swap3A_597 = vector.shape_cast %swap3A_596 : vector<1x16xf32> to vector<16xf32>
    %swap3A_598 = vector.shape_cast %broadcast_in_dim3A_3 : vector<16xf32> to vector<1x16xf32>
    tpu.vector_store %arg9[%swap3A_594, %swap3A_595], %swap3A_598 {strides = array<i32>} : memref<128x16xf32, #tpu.memory_space<vmem>>, vector<1x16xf32>,
    %swap3A_599 = arith.constant 99 : i32
    %swap3A_600 = arith.index_cast %swap3A_599 : i32 to index
    %swap3A_601 = arith.constant 0 : index
    %swap3A_602 = tpu.vector_load %arg9[%swap3A_600, %swap3A_601] {strides = array<i32>} : memref<128x16xf32, #tpu.memory_space<vmem>>, vector<1x16xf32>,
    %swap3A_603 = vector.shape_cast %swap3A_602 : vector<1x16xf32> to vector<16xf32>
    %swap3A_604 = vector.shape_cast %broadcast_in_dim3A_3 : vector<16xf32> to vector<1x16xf32>
    tpu.vector_store %arg9[%swap3A_600, %swap3A_601], %swap3A_604 {strides = array<i32>} : memref<128x16xf32, #tpu.memory_space<vmem>>, vector<1x16xf32>,
    %swap3A_605 = arith.constant 100 : i32
    %swap3A_606 = arith.index_cast %swap3A_605 : i32 to index
    %swap3A_607 = arith.constant 0 : index
    %swap3A_608 = tpu.vector_load %arg9[%swap3A_606, %swap3A_607] {strides = array<i32>} : memref<128x16xf32, #tpu.memory_space<vmem>>, vector<1x16xf32>,
    %swap3A_609 = vector.shape_cast %swap3A_608 : vector<1x16xf32> to vector<16xf32>
    %swap3A_610 = vector.shape_cast %broadcast_in_dim3A_3 : vector<16xf32> to vector<1x16xf32>
    tpu.vector_store %arg9[%swap3A_606, %swap3A_607], %swap3A_610 {strides = array<i32>} : memref<128x16xf32, #tpu.memory_space<vmem>>, vector<1x16xf32>,
    %swap3A_611 = arith.constant 101 : i32
    %swap3A_612 = arith.index_cast %swap3A_611 : i32 to index
    %swap3A_613 = arith.constant 0 : index
    %swap3A_614 = tpu.vector_load %arg9[%swap3A_612, %swap3A_613] {strides = array<i32>} : memref<128x16xf32, #tpu.memory_space<vmem>>, vector<1x16xf32>,
    %swap3A_615 = vector.shape_cast %swap3A_614 : vector<1x16xf32> to vector<16xf32>
    %swap3A_616 = vector.shape_cast %broadcast_in_dim3A_3 : vector<16xf32> to vector<1x16xf32>
    tpu.vector_store %arg9[%swap3A_612, %swap3A_613], %swap3A_616 {strides = array<i32>} : memref<128x16xf32, #tpu.memory_space<vmem>>, vector<1x16xf32>,
    %swap3A_617 = arith.constant 102 : i32
    %swap3A_618 = arith.index_cast %swap3A_617 : i32 to index
    %swap3A_619 = arith.constant 0 : index
    %swap3A_620 = tpu.vector_load %arg9[%swap3A_618, %swap3A_619] {strides = array<i32>} : memref<128x16xf32, #tpu.memory_space<vmem>>, vector<1x16xf32>,
    %swap3A_621 = vector.shape_cast %swap3A_620 : vector<1x16xf32> to vector<16xf32>
    %swap3A_622 = vector.shape_cast %broadcast_in_dim3A_3 : vector<16xf32> to vector<1x16xf32>
    tpu.vector_store %arg9[%swap3A_618, %swap3A_619], %swap3A_622 {strides = array<i32>} : memref<128x16xf32, #tpu.memory_space<vmem>>, vector<1x16xf32>,
    %swap3A_623 = arith.constant 103 : i32
    %swap3A_624 = arith.index_cast %swap3A_623 : i32 to index
    %swap3A_625 = arith.constant 0 : index
    %swap3A_626 = tpu.vector_load %arg9[%swap3A_624, %swap3A_625] {strides = array<i32>} : memref<128x16xf32, #tpu.memory_space<vmem>>, vector<1x16xf32>,
    %swap3A_627 = vector.shape_cast %swap3A_626 : vector<1x16xf32> to vector<16xf32>
    %swap3A_628 = vector.shape_cast %broadcast_in_dim3A_3 : vector<16xf32> to vector<1x16xf32>
    tpu.vector_store %arg9[%swap3A_624, %swap3A_625], %swap3A_628 {strides = array<i32>} : memref<128x16xf32, #tpu.memory_space<vmem>>, vector<1x16xf32>,
    %swap3A_629 = arith.constant 104 : i32
    %swap3A_630 = arith.index_cast %swap3A_629 : i32 to index
    %swap3A_631 = arith.constant 0 : index
    %swap3A_632 = tpu.vector_load %arg9[%swap3A_630, %swap3A_631] {strides = array<i32>} : memref<128x16xf32, #tpu.memory_space<vmem>>, vector<1x16xf32>,
    %swap3A_633 = vector.shape_cast %swap3A_632 : vector<1x16xf32> to vector<16xf32>
    %swap3A_634 = vector.shape_cast %broadcast_in_dim3A_3 : vector<16xf32> to vector<1x16xf32>
    tpu.vector_store %arg9[%swap3A_630, %swap3A_631], %swap3A_634 {strides = array<i32>} : memref<128x16xf32, #tpu.memory_space<vmem>>, vector<1x16xf32>,
    %swap3A_635 = arith.constant 105 : i32
    %swap3A_636 = arith.index_cast %swap3A_635 : i32 to index
    %swap3A_637 = arith.constant 0 : index
    %swap3A_638 = tpu.vector_load %arg9[%swap3A_636, %swap3A_637] {strides = array<i32>} : memref<128x16xf32, #tpu.memory_space<vmem>>, vector<1x16xf32>,
    %swap3A_639 = vector.shape_cast %swap3A_638 : vector<1x16xf32> to vector<16xf32>
    %swap3A_640 = vector.shape_cast %broadcast_in_dim3A_3 : vector<16xf32> to vector<1x16xf32>
    tpu.vector_store %arg9[%swap3A_636, %swap3A_637], %swap3A_640 {strides = array<i32>} : memref<128x16xf32, #tpu.memory_space<vmem>>, vector<1x16xf32>,
    %swap3A_641 = arith.constant 106 : i32
    %swap3A_642 = arith.index_cast %swap3A_641 : i32 to index
    %swap3A_643 = arith.constant 0 : index
    %swap3A_644 = tpu.vector_load %arg9[%swap3A_642, %swap3A_643] {strides = array<i32>} : memref<128x16xf32, #tpu.memory_space<vmem>>, vector<1x16xf32>,
    %swap3A_645 = vector.shape_cast %swap3A_644 : vector<1x16xf32> to vector<16xf32>
    %swap3A_646 = vector.shape_cast %broadcast_in_dim3A_3 : vector<16xf32> to vector<1x16xf32>
    tpu.vector_store %arg9[%swap3A_642, %swap3A_643], %swap3A_646 {strides = array<i32>} : memref<128x16xf32, #tpu.memory_space<vmem>>, vector<1x16xf32>,
    %swap3A_647 = arith.constant 107 : i32
    %swap3A_648 = arith.index_cast %swap3A_647 : i32 to index
    %swap3A_649 = arith.constant 0 : index
    %swap3A_650 = tpu.vector_load %arg9[%swap3A_648, %swap3A_649] {strides = array<i32>} : memref<128x16xf32, #tpu.memory_space<vmem>>, vector<1x16xf32>,
    %swap3A_651 = vector.shape_cast %swap3A_650 : vector<1x16xf32> to vector<16xf32>
    %swap3A_652 = vector.shape_cast %broadcast_in_dim3A_3 : vector<16xf32> to vector<1x16xf32>
    tpu.vector_store %arg9[%swap3A_648, %swap3A_649], %swap3A_652 {strides = array<i32>} : memref<128x16xf32, #tpu.memory_space<vmem>>, vector<1x16xf32>,
    %swap3A_653 = arith.constant 108 : i32
    %swap3A_654 = arith.index_cast %swap3A_653 : i32 to index
    %swap3A_655 = arith.constant 0 : index
    %swap3A_656 = tpu.vector_load %arg9[%swap3A_654, %swap3A_655] {strides = array<i32>} : memref<128x16xf32, #tpu.memory_space<vmem>>, vector<1x16xf32>,
    %swap3A_657 = vector.shape_cast %swap3A_656 : vector<1x16xf32> to vector<16xf32>
    %swap3A_658 = vector.shape_cast %broadcast_in_dim3A_3 : vector<16xf32> to vector<1x16xf32>
    tpu.vector_store %arg9[%swap3A_654, %swap3A_655], %swap3A_658 {strides = array<i32>} : memref<128x16xf32, #tpu.memory_space<vmem>>, vector<1x16xf32>,
    %swap3A_659 = arith.constant 109 : i32
    %swap3A_660 = arith.index_cast %swap3A_659 : i32 to index
    %swap3A_661 = arith.constant 0 : index
    %swap3A_662 = tpu.vector_load %arg9[%swap3A_660, %swap3A_661] {strides = array<i32>} : memref<128x16xf32, #tpu.memory_space<vmem>>, vector<1x16xf32>,
    %swap3A_663 = vector.shape_cast %swap3A_662 : vector<1x16xf32> to vector<16xf32>
    %swap3A_664 = vector.shape_cast %broadcast_in_dim3A_3 : vector<16xf32> to vector<1x16xf32>
    tpu.vector_store %arg9[%swap3A_660, %swap3A_661], %swap3A_664 {strides = array<i32>} : memref<128x16xf32, #tpu.memory_space<vmem>>, vector<1x16xf32>,
    %swap3A_665 = arith.constant 110 : i32
    %swap3A_666 = arith.index_cast %swap3A_665 : i32 to index
    %swap3A_667 = arith.constant 0 : index
    %swap3A_668 = tpu.vector_load %arg9[%swap3A_666, %swap3A_667] {strides = array<i32>} : memref<128x16xf32, #tpu.memory_space<vmem>>, vector<1x16xf32>,
    %swap3A_669 = vector.shape_cast %swap3A_668 : vector<1x16xf32> to vector<16xf32>
    %swap3A_670 = vector.shape_cast %broadcast_in_dim3A_3 : vector<16xf32> to vector<1x16xf32>
    tpu.vector_store %arg9[%swap3A_666, %swap3A_667], %swap3A_670 {strides = array<i32>} : memref<128x16xf32, #tpu.memory_space<vmem>>, vector<1x16xf32>,
    %swap3A_671 = arith.constant 111 : i32
    %swap3A_672 = arith.index_cast %swap3A_671 : i32 to index
    %swap3A_673 = arith.constant 0 : index
    %swap3A_674 = tpu.vector_load %arg9[%swap3A_672, %swap3A_673] {strides = array<i32>} : memref<128x16xf32, #tpu.memory_space<vmem>>, vector<1x16xf32>,
    %swap3A_675 = vector.shape_cast %swap3A_674 : vector<1x16xf32> to vector<16xf32>
    %swap3A_676 = vector.shape_cast %broadcast_in_dim3A_3 : vector<16xf32> to vector<1x16xf32>
    tpu.vector_store %arg9[%swap3A_672, %swap3A_673], %swap3A_676 {strides = array<i32>} : memref<128x16xf32, #tpu.memory_space<vmem>>, vector<1x16xf32>,
    %swap3A_677 = arith.constant 112 : i32
    %swap3A_678 = arith.index_cast %swap3A_677 : i32 to index
    %swap3A_679 = arith.constant 0 : index
    %swap3A_680 = tpu.vector_load %arg9[%swap3A_678, %swap3A_679] {strides = array<i32>} : memref<128x16xf32, #tpu.memory_space<vmem>>, vector<1x16xf32>,
    %swap3A_681 = vector.shape_cast %swap3A_680 : vector<1x16xf32> to vector<16xf32>
    %swap3A_682 = vector.shape_cast %broadcast_in_dim3A_3 : vector<16xf32> to vector<1x16xf32>
    tpu.vector_store %arg9[%swap3A_678, %swap3A_679], %swap3A_682 {strides = array<i32>} : memref<128x16xf32, #tpu.memory_space<vmem>>, vector<1x16xf32>,
    %swap3A_683 = arith.constant 113 : i32
    %swap3A_684 = arith.index_cast %swap3A_683 : i32 to index
    %swap3A_685 = arith.constant 0 : index
    %swap3A_686 = tpu.vector_load %arg9[%swap3A_684, %swap3A_685] {strides = array<i32>} : memref<128x16xf32, #tpu.memory_space<vmem>>, vector<1x16xf32>,
    %swap3A_687 = vector.shape_cast %swap3A_686 : vector<1x16xf32> to vector<16xf32>
    %swap3A_688 = vector.shape_cast %broadcast_in_dim3A_3 : vector<16xf32> to vector<1x16xf32>
    tpu.vector_store %arg9[%swap3A_684, %swap3A_685], %swap3A_688 {strides = array<i32>} : memref<128x16xf32, #tpu.memory_space<vmem>>, vector<1x16xf32>,
    %swap3A_689 = arith.constant 114 : i32
    %swap3A_690 = arith.index_cast %swap3A_689 : i32 to index
    %swap3A_691 = arith.constant 0 : index
    %swap3A_692 = tpu.vector_load %arg9[%swap3A_690, %swap3A_691] {strides = array<i32>} : memref<128x16xf32, #tpu.memory_space<vmem>>, vector<1x16xf32>,
    %swap3A_693 = vector.shape_cast %swap3A_692 : vector<1x16xf32> to vector<16xf32>
    %swap3A_694 = vector.shape_cast %broadcast_in_dim3A_3 : vector<16xf32> to vector<1x16xf32>
    tpu.vector_store %arg9[%swap3A_690, %swap3A_691], %swap3A_694 {strides = array<i32>} : memref<128x16xf32, #tpu.memory_space<vmem>>, vector<1x16xf32>,
    %swap3A_695 = arith.constant 115 : i32
    %swap3A_696 = arith.index_cast %swap3A_695 : i32 to index
    %swap3A_697 = arith.constant 0 : index
    %swap3A_698 = tpu.vector_load %arg9[%swap3A_696, %swap3A_697] {strides = array<i32>} : memref<128x16xf32, #tpu.memory_space<vmem>>, vector<1x16xf32>,
    %swap3A_699 = vector.shape_cast %swap3A_698 : vector<1x16xf32> to vector<16xf32>
    %swap3A_700 = vector.shape_cast %broadcast_in_dim3A_3 : vector<16xf32> to vector<1x16xf32>
    tpu.vector_store %arg9[%swap3A_696, %swap3A_697], %swap3A_700 {strides = array<i32>} : memref<128x16xf32, #tpu.memory_space<vmem>>, vector<1x16xf32>,
    %swap3A_701 = arith.constant 116 : i32
    %swap3A_702 = arith.index_cast %swap3A_701 : i32 to index
    %swap3A_703 = arith.constant 0 : index
    %swap3A_704 = tpu.vector_load %arg9[%swap3A_702, %swap3A_703] {strides = array<i32>} : memref<128x16xf32, #tpu.memory_space<vmem>>, vector<1x16xf32>,
    %swap3A_705 = vector.shape_cast %swap3A_704 : vector<1x16xf32> to vector<16xf32>
    %swap3A_706 = vector.shape_cast %broadcast_in_dim3A_3 : vector<16xf32> to vector<1x16xf32>
    tpu.vector_store %arg9[%swap3A_702, %swap3A_703], %swap3A_706 {strides = array<i32>} : memref<128x16xf32, #tpu.memory_space<vmem>>, vector<1x16xf32>,
    %swap3A_707 = arith.constant 117 : i32
    %swap3A_708 = arith.index_cast %swap3A_707 : i32 to index
    %swap3A_709 = arith.constant 0 : index
    %swap3A_710 = tpu.vector_load %arg9[%swap3A_708, %swap3A_709] {strides = array<i32>} : memref<128x16xf32, #tpu.memory_space<vmem>>, vector<1x16xf32>,
    %swap3A_711 = vector.shape_cast %swap3A_710 : vector<1x16xf32> to vector<16xf32>
    %swap3A_712 = vector.shape_cast %broadcast_in_dim3A_3 : vector<16xf32> to vector<1x16xf32>
    tpu.vector_store %arg9[%swap3A_708, %swap3A_709], %swap3A_712 {strides = array<i32>} : memref<128x16xf32, #tpu.memory_space<vmem>>, vector<1x16xf32>,
    %swap3A_713 = arith.constant 118 : i32
    %swap3A_714 = arith.index_cast %swap3A_713 : i32 to index
    %swap3A_715 = arith.constant 0 : index
    %swap3A_716 = tpu.vector_load %arg9[%swap3A_714, %swap3A_715] {strides = array<i32>} : memref<128x16xf32, #tpu.memory_space<vmem>>, vector<1x16xf32>,
    %swap3A_717 = vector.shape_cast %swap3A_716 : vector<1x16xf32> to vector<16xf32>
    %swap3A_718 = vector.shape_cast %broadcast_in_dim3A_3 : vector<16xf32> to vector<1x16xf32>
    tpu.vector_store %arg9[%swap3A_714, %swap3A_715], %swap3A_718 {strides = array<i32>} : memref<128x16xf32, #tpu.memory_space<vmem>>, vector<1x16xf32>,
    %swap3A_719 = arith.constant 119 : i32
    %swap3A_720 = arith.index_cast %swap3A_719 : i32 to index
    %swap3A_721 = arith.constant 0 : index
    %swap3A_722 = tpu.vector_load %arg9[%swap3A_720, %swap3A_721] {strides = array<i32>} : memref<128x16xf32, #tpu.memory_space<vmem>>, vector<1x16xf32>,
    %swap3A_723 = vector.shape_cast %swap3A_722 : vector<1x16xf32> to vector<16xf32>
    %swap3A_724 = vector.shape_cast %broadcast_in_dim3A_3 : vector<16xf32> to vector<1x16xf32>
    tpu.vector_store %arg9[%swap3A_720, %swap3A_721], %swap3A_724 {strides = array<i32>} : memref<128x16xf32, #tpu.memory_space<vmem>>, vector<1x16xf32>,
    %swap3A_725 = arith.constant 120 : i32
    %swap3A_726 = arith.index_cast %swap3A_725 : i32 to index
    %swap3A_727 = arith.constant 0 : index
    %swap3A_728 = tpu.vector_load %arg9[%swap3A_726, %swap3A_727] {strides = array<i32>} : memref<128x16xf32, #tpu.memory_space<vmem>>, vector<1x16xf32>,
    %swap3A_729 = vector.shape_cast %swap3A_728 : vector<1x16xf32> to vector<16xf32>
    %swap3A_730 = vector.shape_cast %broadcast_in_dim3A_3 : vector<16xf32> to vector<1x16xf32>
    tpu.vector_store %arg9[%swap3A_726, %swap3A_727], %swap3A_730 {strides = array<i32>} : memref<128x16xf32, #tpu.memory_space<vmem>>, vector<1x16xf32>,
    %swap3A_731 = arith.constant 121 : i32
    %swap3A_732 = arith.index_cast %swap3A_731 : i32 to index
    %swap3A_733 = arith.constant 0 : index
    %swap3A_734 = tpu.vector_load %arg9[%swap3A_732, %swap3A_733] {strides = array<i32>} : memref<128x16xf32, #tpu.memory_space<vmem>>, vector<1x16xf32>,
    %swap3A_735 = vector.shape_cast %swap3A_734 : vector<1x16xf32> to vector<16xf32>
    %swap3A_736 = vector.shape_cast %broadcast_in_dim3A_3 : vector<16xf32> to vector<1x16xf32>
    tpu.vector_store %arg9[%swap3A_732, %swap3A_733], %swap3A_736 {strides = array<i32>} : memref<128x16xf32, #tpu.memory_space<vmem>>, vector<1x16xf32>,
    %swap3A_737 = arith.constant 122 : i32
    %swap3A_738 = arith.index_cast %swap3A_737 : i32 to index
    %swap3A_739 = arith.constant 0 : index
    %swap3A_740 = tpu.vector_load %arg9[%swap3A_738, %swap3A_739] {strides = array<i32>} : memref<128x16xf32, #tpu.memory_space<vmem>>, vector<1x16xf32>,
    %swap3A_741 = vector.shape_cast %swap3A_740 : vector<1x16xf32> to vector<16xf32>
    %swap3A_742 = vector.shape_cast %broadcast_in_dim3A_3 : vector<16xf32> to vector<1x16xf32>
    tpu.vector_store %arg9[%swap3A_738, %swap3A_739], %swap3A_742 {strides = array<i32>} : memref<128x16xf32, #tpu.memory_space<vmem>>, vector<1x16xf32>,
    %swap3A_743 = arith.constant 123 : i32
    %swap3A_744 = arith.index_cast %swap3A_743 : i32 to index
    %swap3A_745 = arith.constant 0 : index
    %swap3A_746 = tpu.vector_load %arg9[%swap3A_744, %swap3A_745] {strides = array<i32>} : memref<128x16xf32, #tpu.memory_space<vmem>>, vector<1x16xf32>,
    %swap3A_747 = vector.shape_cast %swap3A_746 : vector<1x16xf32> to vector<16xf32>
    %swap3A_748 = vector.shape_cast %broadcast_in_dim3A_3 : vector<16xf32> to vector<1x16xf32>
    tpu.vector_store %arg9[%swap3A_744, %swap3A_745], %swap3A_748 {strides = array<i32>} : memref<128x16xf32, #tpu.memory_space<vmem>>, vector<1x16xf32>,
    %swap3A_749 = arith.constant 124 : i32
    %swap3A_750 = arith.index_cast %swap3A_749 : i32 to index
    %swap3A_751 = arith.constant 0 : index
    %swap3A_752 = tpu.vector_load %arg9[%swap3A_750, %swap3A_751] {strides = array<i32>} : memref<128x16xf32, #tpu.memory_space<vmem>>, vector<1x16xf32>,
    %swap3A_753 = vector.shape_cast %swap3A_752 : vector<1x16xf32> to vector<16xf32>
    %swap3A_754 = vector.shape_cast %broadcast_in_dim3A_3 : vector<16xf32> to vector<1x16xf32>
    tpu.vector_store %arg9[%swap3A_750, %swap3A_751], %swap3A_754 {strides = array<i32>} : memref<128x16xf32, #tpu.memory_space<vmem>>, vector<1x16xf32>,
    %swap3A_755 = arith.constant 125 : i32
    %swap3A_756 = arith.index_cast %swap3A_755 : i32 to index
    %swap3A_757 = arith.constant 0 : index
    %swap3A_758 = tpu.vector_load %arg9[%swap3A_756, %swap3A_757] {strides = array<i32>} : memref<128x16xf32, #tpu.memory_space<vmem>>, vector<1x16xf32>,
    %swap3A_759 = vector.shape_cast %swap3A_758 : vector<1x16xf32> to vector<16xf32>
    %swap3A_760 = vector.shape_cast %broadcast_in_dim3A_3 : vector<16xf32> to vector<1x16xf32>
    tpu.vector_store %arg9[%swap3A_756, %swap3A_757], %swap3A_760 {strides = array<i32>} : memref<128x16xf32, #tpu.memory_space<vmem>>, vector<1x16xf32>,
    %swap3A_761 = arith.constant 126 : i32
    %swap3A_762 = arith.index_cast %swap3A_761 : i32 to index
    %swap3A_763 = arith.constant 0 : index
    %swap3A_764 = tpu.vector_load %arg9[%swap3A_762, %swap3A_763] {strides = array<i32>} : memref<128x16xf32, #tpu.memory_space<vmem>>, vector<1x16xf32>,
    %swap3A_765 = vector.shape_cast %swap3A_764 : vector<1x16xf32> to vector<16xf32>
    %swap3A_766 = vector.shape_cast %broadcast_in_dim3A_3 : vector<16xf32> to vector<1x16xf32>
    tpu.vector_store %arg9[%swap3A_762, %swap3A_763], %swap3A_766 {strides = array<i32>} : memref<128x16xf32, #tpu.memory_space<vmem>>, vector<1x16xf32>,
    %swap3A_767 = arith.constant 127 : i32
    %swap3A_768 = arith.index_cast %swap3A_767 : i32 to index
    %swap3A_769 = arith.constant 0 : index
    %swap3A_770 = tpu.vector_load %arg9[%swap3A_768, %swap3A_769] {strides = array<i32>} : memref<128x16xf32, #tpu.memory_space<vmem>>, vector<1x16xf32>,
    %swap3A_771 = vector.shape_cast %swap3A_770 : vector<1x16xf32> to vector<16xf32>
    %swap3A_772 = vector.shape_cast %broadcast_in_dim3A_3 : vector<16xf32> to vector<1x16xf32>
    tpu.vector_store %arg9[%swap3A_768, %swap3A_769], %swap3A_772 {strides = array<i32>} : memref<128x16xf32, #tpu.memory_space<vmem>>, vector<1x16xf32>,
    %swap3A_773 = arith.constant 0 : i32
    %swap3A_774 = arith.index_cast %swap3A_773 : i32 to index
    %swap3A_775 = arith.constant 0 : index
    %swap3A_776 = tpu.vector_load %arg10[%swap3A_774, %swap3A_775] {strides = array<i32>} : memref<128x16xf32, #tpu.memory_space<vmem>>, vector<1x16xf32>,
    %swap3A_777 = vector.shape_cast %swap3A_776 : vector<1x16xf32> to vector<16xf32>
    %swap3A_778 = vector.shape_cast %broadcast_in_dim3A_5 : vector<16xf32> to vector<1x16xf32>
    tpu.vector_store %arg10[%swap3A_774, %swap3A_775], %swap3A_778 {strides = array<i32>} : memref<128x16xf32, #tpu.memory_space<vmem>>, vector<1x16xf32>,
    %swap3A_779 = arith.constant 1 : i32
    %swap3A_780 = arith.index_cast %swap3A_779 : i32 to index
    %swap3A_781 = arith.constant 0 : index
    %swap3A_782 = tpu.vector_load %arg10[%swap3A_780, %swap3A_781] {strides = array<i32>} : memref<128x16xf32, #tpu.memory_space<vmem>>, vector<1x16xf32>,
    %swap3A_783 = vector.shape_cast %swap3A_782 : vector<1x16xf32> to vector<16xf32>
    %swap3A_784 = vector.shape_cast %broadcast_in_dim3A_5 : vector<16xf32> to vector<1x16xf32>
    tpu.vector_store %arg10[%swap3A_780, %swap3A_781], %swap3A_784 {strides = array<i32>} : memref<128x16xf32, #tpu.memory_space<vmem>>, vector<1x16xf32>,
    %swap3A_785 = arith.constant 2 : i32
    %swap3A_786 = arith.index_cast %swap3A_785 : i32 to index
    %swap3A_787 = arith.constant 0 : index
    %swap3A_788 = tpu.vector_load %arg10[%swap3A_786, %swap3A_787] {strides = array<i32>} : memref<128x16xf32, #tpu.memory_space<vmem>>, vector<1x16xf32>,
    %swap3A_789 = vector.shape_cast %swap3A_788 : vector<1x16xf32> to vector<16xf32>
    %swap3A_790 = vector.shape_cast %broadcast_in_dim3A_5 : vector<16xf32> to vector<1x16xf32>
    tpu.vector_store %arg10[%swap3A_786, %swap3A_787], %swap3A_790 {strides = array<i32>} : memref<128x16xf32, #tpu.memory_space<vmem>>, vector<1x16xf32>,
    %swap3A_791 = arith.constant 3 : i32
    %swap3A_792 = arith.index_cast %swap3A_791 : i32 to index
    %swap3A_793 = arith.constant 0 : index
    %swap3A_794 = tpu.vector_load %arg10[%swap3A_792, %swap3A_793] {strides = array<i32>} : memref<128x16xf32, #tpu.memory_space<vmem>>, vector<1x16xf32>,
    %swap3A_795 = vector.shape_cast %swap3A_794 : vector<1x16xf32> to vector<16xf32>
    %swap3A_796 = vector.shape_cast %broadcast_in_dim3A_5 : vector<16xf32> to vector<1x16xf32>
    tpu.vector_store %arg10[%swap3A_792, %swap3A_793], %swap3A_796 {strides = array<i32>} : memref<128x16xf32, #tpu.memory_space<vmem>>, vector<1x16xf32>,
    %swap3A_797 = arith.constant 4 : i32
    %swap3A_798 = arith.index_cast %swap3A_797 : i32 to index
    %swap3A_799 = arith.constant 0 : index
    %swap3A_800 = tpu.vector_load %arg10[%swap3A_798, %swap3A_799] {strides = array<i32>} : memref<128x16xf32, #tpu.memory_space<vmem>>, vector<1x16xf32>,
    %swap3A_801 = vector.shape_cast %swap3A_800 : vector<1x16xf32> to vector<16xf32>
    %swap3A_802 = vector.shape_cast %broadcast_in_dim3A_5 : vector<16xf32> to vector<1x16xf32>
    tpu.vector_store %arg10[%swap3A_798, %swap3A_799], %swap3A_802 {strides = array<i32>} : memref<128x16xf32, #tpu.memory_space<vmem>>, vector<1x16xf32>,
    %swap3A_803 = arith.constant 5 : i32
    %swap3A_804 = arith.index_cast %swap3A_803 : i32 to index
    %swap3A_805 = arith.constant 0 : index
    %swap3A_806 = tpu.vector_load %arg10[%swap3A_804, %swap3A_805] {strides = array<i32>} : memref<128x16xf32, #tpu.memory_space<vmem>>, vector<1x16xf32>,
    %swap3A_807 = vector.shape_cast %swap3A_806 : vector<1x16xf32> to vector<16xf32>
    %swap3A_808 = vector.shape_cast %broadcast_in_dim3A_5 : vector<16xf32> to vector<1x16xf32>
    tpu.vector_store %arg10[%swap3A_804, %swap3A_805], %swap3A_808 {strides = array<i32>} : memref<128x16xf32, #tpu.memory_space<vmem>>, vector<1x16xf32>,
    %swap3A_809 = arith.constant 6 : i32
    %swap3A_810 = arith.index_cast %swap3A_809 : i32 to index
    %swap3A_811 = arith.constant 0 : index
    %swap3A_812 = tpu.vector_load %arg10[%swap3A_810, %swap3A_811] {strides = array<i32>} : memref<128x16xf32, #tpu.memory_space<vmem>>, vector<1x16xf32>,
    %swap3A_813 = vector.shape_cast %swap3A_812 : vector<1x16xf32> to vector<16xf32>
    %swap3A_814 = vector.shape_cast %broadcast_in_dim3A_5 : vector<16xf32> to vector<1x16xf32>
    tpu.vector_store %arg10[%swap3A_810, %swap3A_811], %swap3A_814 {strides = array<i32>} : memref<128x16xf32, #tpu.memory_space<vmem>>, vector<1x16xf32>,
    %swap3A_815 = arith.constant 7 : i32
    %swap3A_816 = arith.index_cast %swap3A_815 : i32 to index
    %swap3A_817 = arith.constant 0 : index
    %swap3A_818 = tpu.vector_load %arg10[%swap3A_816, %swap3A_817] {strides = array<i32>} : memref<128x16xf32, #tpu.memory_space<vmem>>, vector<1x16xf32>,
    %swap3A_819 = vector.shape_cast %swap3A_818 : vector<1x16xf32> to vector<16xf32>
    %swap3A_820 = vector.shape_cast %broadcast_in_dim3A_5 : vector<16xf32> to vector<1x16xf32>
    tpu.vector_store %arg10[%swap3A_816, %swap3A_817], %swap3A_820 {strides = array<i32>} : memref<128x16xf32, #tpu.memory_space<vmem>>, vector<1x16xf32>,
    %swap3A_821 = arith.constant 8 : i32
    %swap3A_822 = arith.index_cast %swap3A_821 : i32 to index
    %swap3A_823 = arith.constant 0 : index
    %swap3A_824 = tpu.vector_load %arg10[%swap3A_822, %swap3A_823] {strides = array<i32>} : memref<128x16xf32, #tpu.memory_space<vmem>>, vector<1x16xf32>,
    %swap3A_825 = vector.shape_cast %swap3A_824 : vector<1x16xf32> to vector<16xf32>
    %swap3A_826 = vector.shape_cast %broadcast_in_dim3A_5 : vector<16xf32> to vector<1x16xf32>
    tpu.vector_store %arg10[%swap3A_822, %swap3A_823], %swap3A_826 {strides = array<i32>} : memref<128x16xf32, #tpu.memory_space<vmem>>, vector<1x16xf32>,
    %swap3A_827 = arith.constant 9 : i32
    %swap3A_828 = arith.index_cast %swap3A_827 : i32 to index
    %swap3A_829 = arith.constant 0 : index
    %swap3A_830 = tpu.vector_load %arg10[%swap3A_828, %swap3A_829] {strides = array<i32>} : memref<128x16xf32, #tpu.memory_space<vmem>>, vector<1x16xf32>,
    %swap3A_831 = vector.shape_cast %swap3A_830 : vector<1x16xf32> to vector<16xf32>
    %swap3A_832 = vector.shape_cast %broadcast_in_dim3A_5 : vector<16xf32> to vector<1x16xf32>
    tpu.vector_store %arg10[%swap3A_828, %swap3A_829], %swap3A_832 {strides = array<i32>} : memref<128x16xf32, #tpu.memory_space<vmem>>, vector<1x16xf32>,
    %swap3A_833 = arith.constant 10 : i32
    %swap3A_834 = arith.index_cast %swap3A_833 : i32 to index
    %swap3A_835 = arith.constant 0 : index
    %swap3A_836 = tpu.vector_load %arg10[%swap3A_834, %swap3A_835] {strides = array<i32>} : memref<128x16xf32, #tpu.memory_space<vmem>>, vector<1x16xf32>,
    %swap3A_837 = vector.shape_cast %swap3A_836 : vector<1x16xf32> to vector<16xf32>
    %swap3A_838 = vector.shape_cast %broadcast_in_dim3A_5 : vector<16xf32> to vector<1x16xf32>
    tpu.vector_store %arg10[%swap3A_834, %swap3A_835], %swap3A_838 {strides = array<i32>} : memref<128x16xf32, #tpu.memory_space<vmem>>, vector<1x16xf32>,
    %swap3A_839 = arith.constant 11 : i32
    %swap3A_840 = arith.index_cast %swap3A_839 : i32 to index
    %swap3A_841 = arith.constant 0 : index
    %swap3A_842 = tpu.vector_load %arg10[%swap3A_840, %swap3A_841] {strides = array<i32>} : memref<128x16xf32, #tpu.memory_space<vmem>>, vector<1x16xf32>,
    %swap3A_843 = vector.shape_cast %swap3A_842 : vector<1x16xf32> to vector<16xf32>
    %swap3A_844 = vector.shape_cast %broadcast_in_dim3A_5 : vector<16xf32> to vector<1x16xf32>
    tpu.vector_store %arg10[%swap3A_840, %swap3A_841], %swap3A_844 {strides = array<i32>} : memref<128x16xf32, #tpu.memory_space<vmem>>, vector<1x16xf32>,
    %swap3A_845 = arith.constant 12 : i32
    %swap3A_846 = arith.index_cast %swap3A_845 : i32 to index
    %swap3A_847 = arith.constant 0 : index
    %swap3A_848 = tpu.vector_load %arg10[%swap3A_846, %swap3A_847] {strides = array<i32>} : memref<128x16xf32, #tpu.memory_space<vmem>>, vector<1x16xf32>,
    %swap3A_849 = vector.shape_cast %swap3A_848 : vector<1x16xf32> to vector<16xf32>
    %swap3A_850 = vector.shape_cast %broadcast_in_dim3A_5 : vector<16xf32> to vector<1x16xf32>
    tpu.vector_store %arg10[%swap3A_846, %swap3A_847], %swap3A_850 {strides = array<i32>} : memref<128x16xf32, #tpu.memory_space<vmem>>, vector<1x16xf32>,
    %swap3A_851 = arith.constant 13 : i32
    %swap3A_852 = arith.index_cast %swap3A_851 : i32 to index
    %swap3A_853 = arith.constant 0 : index
    %swap3A_854 = tpu.vector_load %arg10[%swap3A_852, %swap3A_853] {strides = array<i32>} : memref<128x16xf32, #tpu.memory_space<vmem>>, vector<1x16xf32>,
    %swap3A_855 = vector.shape_cast %swap3A_854 : vector<1x16xf32> to vector<16xf32>
    %swap3A_856 = vector.shape_cast %broadcast_in_dim3A_5 : vector<16xf32> to vector<1x16xf32>
    tpu.vector_store %arg10[%swap3A_852, %swap3A_853], %swap3A_856 {strides = array<i32>} : memref<128x16xf32, #tpu.memory_space<vmem>>, vector<1x16xf32>,
    %swap3A_857 = arith.constant 14 : i32
    %swap3A_858 = arith.index_cast %swap3A_857 : i32 to index
    %swap3A_859 = arith.constant 0 : index
    %swap3A_860 = tpu.vector_load %arg10[%swap3A_858, %swap3A_859] {strides = array<i32>} : memref<128x16xf32, #tpu.memory_space<vmem>>, vector<1x16xf32>,
    %swap3A_861 = vector.shape_cast %swap3A_860 : vector<1x16xf32> to vector<16xf32>
    %swap3A_862 = vector.shape_cast %broadcast_in_dim3A_5 : vector<16xf32> to vector<1x16xf32>
    tpu.vector_store %arg10[%swap3A_858, %swap3A_859], %swap3A_862 {strides = array<i32>} : memref<128x16xf32, #tpu.memory_space<vmem>>, vector<1x16xf32>,
    %swap3A_863 = arith.constant 15 : i32
    %swap3A_864 = arith.index_cast %swap3A_863 : i32 to index
    %swap3A_865 = arith.constant 0 : index
    %swap3A_866 = tpu.vector_load %arg10[%swap3A_864, %swap3A_865] {strides = array<i32>} : memref<128x16xf32, #tpu.memory_space<vmem>>, vector<1x16xf32>,
    %swap3A_867 = vector.shape_cast %swap3A_866 : vector<1x16xf32> to vector<16xf32>
    %swap3A_868 = vector.shape_cast %broadcast_in_dim3A_5 : vector<16xf32> to vector<1x16xf32>
    tpu.vector_store %arg10[%swap3A_864, %swap3A_865], %swap3A_868 {strides = array<i32>} : memref<128x16xf32, #tpu.memory_space<vmem>>, vector<1x16xf32>,
    %swap3A_869 = arith.constant 16 : i32
    %swap3A_870 = arith.index_cast %swap3A_869 : i32 to index
    %swap3A_871 = arith.constant 0 : index
    %swap3A_872 = tpu.vector_load %arg10[%swap3A_870, %swap3A_871] {strides = array<i32>} : memref<128x16xf32, #tpu.memory_space<vmem>>, vector<1x16xf32>,
    %swap3A_873 = vector.shape_cast %swap3A_872 : vector<1x16xf32> to vector<16xf32>
    %swap3A_874 = vector.shape_cast %broadcast_in_dim3A_5 : vector<16xf32> to vector<1x16xf32>
    tpu.vector_store %arg10[%swap3A_870, %swap3A_871], %swap3A_874 {strides = array<i32>} : memref<128x16xf32, #tpu.memory_space<vmem>>, vector<1x16xf32>,
    %swap3A_875 = arith.constant 17 : i32
    %swap3A_876 = arith.index_cast %swap3A_875 : i32 to index
    %swap3A_877 = arith.constant 0 : index
    %swap3A_878 = tpu.vector_load %arg10[%swap3A_876, %swap3A_877] {strides = array<i32>} : memref<128x16xf32, #tpu.memory_space<vmem>>, vector<1x16xf32>,
    %swap3A_879 = vector.shape_cast %swap3A_878 : vector<1x16xf32> to vector<16xf32>
    %swap3A_880 = vector.shape_cast %broadcast_in_dim3A_5 : vector<16xf32> to vector<1x16xf32>
    tpu.vector_store %arg10[%swap3A_876, %swap3A_877], %swap3A_880 {strides = array<i32>} : memref<128x16xf32, #tpu.memory_space<vmem>>, vector<1x16xf32>,
    %swap3A_881 = arith.constant 18 : i32
    %swap3A_882 = arith.index_cast %swap3A_881 : i32 to index
    %swap3A_883 = arith.constant 0 : index
    %swap3A_884 = tpu.vector_load %arg10[%swap3A_882, %swap3A_883] {strides = array<i32>} : memref<128x16xf32, #tpu.memory_space<vmem>>, vector<1x16xf32>,
    %swap3A_885 = vector.shape_cast %swap3A_884 : vector<1x16xf32> to vector<16xf32>
    %swap3A_886 = vector.shape_cast %broadcast_in_dim3A_5 : vector<16xf32> to vector<1x16xf32>
    tpu.vector_store %arg10[%swap3A_882, %swap3A_883], %swap3A_886 {strides = array<i32>} : memref<128x16xf32, #tpu.memory_space<vmem>>, vector<1x16xf32>,
    %swap3A_887 = arith.constant 19 : i32
    %swap3A_888 = arith.index_cast %swap3A_887 : i32 to index
    %swap3A_889 = arith.constant 0 : index
    %swap3A_890 = tpu.vector_load %arg10[%swap3A_888, %swap3A_889] {strides = array<i32>} : memref<128x16xf32, #tpu.memory_space<vmem>>, vector<1x16xf32>,
    %swap3A_891 = vector.shape_cast %swap3A_890 : vector<1x16xf32> to vector<16xf32>
    %swap3A_892 = vector.shape_cast %broadcast_in_dim3A_5 : vector<16xf32> to vector<1x16xf32>
    tpu.vector_store %arg10[%swap3A_888, %swap3A_889], %swap3A_892 {strides = array<i32>} : memref<128x16xf32, #tpu.memory_space<vmem>>, vector<1x16xf32>,
    %swap3A_893 = arith.constant 20 : i32
    %swap3A_894 = arith.index_cast %swap3A_893 : i32 to index
    %swap3A_895 = arith.constant 0 : index
    %swap3A_896 = tpu.vector_load %arg10[%swap3A_894, %swap3A_895] {strides = array<i32>} : memref<128x16xf32, #tpu.memory_space<vmem>>, vector<1x16xf32>,
    %swap3A_897 = vector.shape_cast %swap3A_896 : vector<1x16xf32> to vector<16xf32>
    %swap3A_898 = vector.shape_cast %broadcast_in_dim3A_5 : vector<16xf32> to vector<1x16xf32>
    tpu.vector_store %arg10[%swap3A_894, %swap3A_895], %swap3A_898 {strides = array<i32>} : memref<128x16xf32, #tpu.memory_space<vmem>>, vector<1x16xf32>,
    %swap3A_899 = arith.constant 21 : i32
    %swap3A_900 = arith.index_cast %swap3A_899 : i32 to index
    %swap3A_901 = arith.constant 0 : index
    %swap3A_902 = tpu.vector_load %arg10[%swap3A_900, %swap3A_901] {strides = array<i32>} : memref<128x16xf32, #tpu.memory_space<vmem>>, vector<1x16xf32>,
    %swap3A_903 = vector.shape_cast %swap3A_902 : vector<1x16xf32> to vector<16xf32>
    %swap3A_904 = vector.shape_cast %broadcast_in_dim3A_5 : vector<16xf32> to vector<1x16xf32>
    tpu.vector_store %arg10[%swap3A_900, %swap3A_901], %swap3A_904 {strides = array<i32>} : memref<128x16xf32, #tpu.memory_space<vmem>>, vector<1x16xf32>,
    %swap3A_905 = arith.constant 22 : i32
    %swap3A_906 = arith.index_cast %swap3A_905 : i32 to index
    %swap3A_907 = arith.constant 0 : index
    %swap3A_908 = tpu.vector_load %arg10[%swap3A_906, %swap3A_907] {strides = array<i32>} : memref<128x16xf32, #tpu.memory_space<vmem>>, vector<1x16xf32>,
    %swap3A_909 = vector.shape_cast %swap3A_908 : vector<1x16xf32> to vector<16xf32>
    %swap3A_910 = vector.shape_cast %broadcast_in_dim3A_5 : vector<16xf32> to vector<1x16xf32>
    tpu.vector_store %arg10[%swap3A_906, %swap3A_907], %swap3A_910 {strides = array<i32>} : memref<128x16xf32, #tpu.memory_space<vmem>>, vector<1x16xf32>,
    %swap3A_911 = arith.constant 23 : i32
    %swap3A_912 = arith.index_cast %swap3A_911 : i32 to index
    %swap3A_913 = arith.constant 0 : index
    %swap3A_914 = tpu.vector_load %arg10[%swap3A_912, %swap3A_913] {strides = array<i32>} : memref<128x16xf32, #tpu.memory_space<vmem>>, vector<1x16xf32>,
    %swap3A_915 = vector.shape_cast %swap3A_914 : vector<1x16xf32> to vector<16xf32>
    %swap3A_916 = vector.shape_cast %broadcast_in_dim3A_5 : vector<16xf32> to vector<1x16xf32>
    tpu.vector_store %arg10[%swap3A_912, %swap3A_913], %swap3A_916 {strides = array<i32>} : memref<128x16xf32, #tpu.memory_space<vmem>>, vector<1x16xf32>,
    %swap3A_917 = arith.constant 24 : i32
    %swap3A_918 = arith.index_cast %swap3A_917 : i32 to index
    %swap3A_919 = arith.constant 0 : index
    %swap3A_920 = tpu.vector_load %arg10[%swap3A_918, %swap3A_919] {strides = array<i32>} : memref<128x16xf32, #tpu.memory_space<vmem>>, vector<1x16xf32>,
    %swap3A_921 = vector.shape_cast %swap3A_920 : vector<1x16xf32> to vector<16xf32>
    %swap3A_922 = vector.shape_cast %broadcast_in_dim3A_5 : vector<16xf32> to vector<1x16xf32>
    tpu.vector_store %arg10[%swap3A_918, %swap3A_919], %swap3A_922 {strides = array<i32>} : memref<128x16xf32, #tpu.memory_space<vmem>>, vector<1x16xf32>,
    %swap3A_923 = arith.constant 25 : i32
    %swap3A_924 = arith.index_cast %swap3A_923 : i32 to index
    %swap3A_925 = arith.constant 0 : index
    %swap3A_926 = tpu.vector_load %arg10[%swap3A_924, %swap3A_925] {strides = array<i32>} : memref<128x16xf32, #tpu.memory_space<vmem>>, vector<1x16xf32>,
    %swap3A_927 = vector.shape_cast %swap3A_926 : vector<1x16xf32> to vector<16xf32>
    %swap3A_928 = vector.shape_cast %broadcast_in_dim3A_5 : vector<16xf32> to vector<1x16xf32>
    tpu.vector_store %arg10[%swap3A_924, %swap3A_925], %swap3A_928 {strides = array<i32>} : memref<128x16xf32, #tpu.memory_space<vmem>>, vector<1x16xf32>,
    %swap3A_929 = arith.constant 26 : i32
    %swap3A_930 = arith.index_cast %swap3A_929 : i32 to index
    %swap3A_931 = arith.constant 0 : index
    %swap3A_932 = tpu.vector_load %arg10[%swap3A_930, %swap3A_931] {strides = array<i32>} : memref<128x16xf32, #tpu.memory_space<vmem>>, vector<1x16xf32>,
    %swap3A_933 = vector.shape_cast %swap3A_932 : vector<1x16xf32> to vector<16xf32>
    %swap3A_934 = vector.shape_cast %broadcast_in_dim3A_5 : vector<16xf32> to vector<1x16xf32>
    tpu.vector_store %arg10[%swap3A_930, %swap3A_931], %swap3A_934 {strides = array<i32>} : memref<128x16xf32, #tpu.memory_space<vmem>>, vector<1x16xf32>,
    %swap3A_935 = arith.constant 27 : i32
    %swap3A_936 = arith.index_cast %swap3A_935 : i32 to index
    %swap3A_937 = arith.constant 0 : index
    %swap3A_938 = tpu.vector_load %arg10[%swap3A_936, %swap3A_937] {strides = array<i32>} : memref<128x16xf32, #tpu.memory_space<vmem>>, vector<1x16xf32>,
    %swap3A_939 = vector.shape_cast %swap3A_938 : vector<1x16xf32> to vector<16xf32>
    %swap3A_940 = vector.shape_cast %broadcast_in_dim3A_5 : vector<16xf32> to vector<1x16xf32>
    tpu.vector_store %arg10[%swap3A_936, %swap3A_937], %swap3A_940 {strides = array<i32>} : memref<128x16xf32, #tpu.memory_space<vmem>>, vector<1x16xf32>,
    %swap3A_941 = arith.constant 28 : i32
    %swap3A_942 = arith.index_cast %swap3A_941 : i32 to index
    %swap3A_943 = arith.constant 0 : index
    %swap3A_944 = tpu.vector_load %arg10[%swap3A_942, %swap3A_943] {strides = array<i32>} : memref<128x16xf32, #tpu.memory_space<vmem>>, vector<1x16xf32>,
    %swap3A_945 = vector.shape_cast %swap3A_944 : vector<1x16xf32> to vector<16xf32>
    %swap3A_946 = vector.shape_cast %broadcast_in_dim3A_5 : vector<16xf32> to vector<1x16xf32>
    tpu.vector_store %arg10[%swap3A_942, %swap3A_943], %swap3A_946 {strides = array<i32>} : memref<128x16xf32, #tpu.memory_space<vmem>>, vector<1x16xf32>,
    %swap3A_947 = arith.constant 29 : i32
    %swap3A_948 = arith.index_cast %swap3A_947 : i32 to index
    %swap3A_949 = arith.constant 0 : index
    %swap3A_950 = tpu.vector_load %arg10[%swap3A_948, %swap3A_949] {strides = array<i32>} : memref<128x16xf32, #tpu.memory_space<vmem>>, vector<1x16xf32>,
    %swap3A_951 = vector.shape_cast %swap3A_950 : vector<1x16xf32> to vector<16xf32>
    %swap3A_952 = vector.shape_cast %broadcast_in_dim3A_5 : vector<16xf32> to vector<1x16xf32>
    tpu.vector_store %arg10[%swap3A_948, %swap3A_949], %swap3A_952 {strides = array<i32>} : memref<128x16xf32, #tpu.memory_space<vmem>>, vector<1x16xf32>,
    %swap3A_953 = arith.constant 30 : i32
    %swap3A_954 = arith.index_cast %swap3A_953 : i32 to index
    %swap3A_955 = arith.constant 0 : index
    %swap3A_956 = tpu.vector_load %arg10[%swap3A_954, %swap3A_955] {strides = array<i32>} : memref<128x16xf32, #tpu.memory_space<vmem>>, vector<1x16xf32>,
    %swap3A_957 = vector.shape_cast %swap3A_956 : vector<1x16xf32> to vector<16xf32>
    %swap3A_958 = vector.shape_cast %broadcast_in_dim3A_5 : vector<16xf32> to vector<1x16xf32>
    tpu.vector_store %arg10[%swap3A_954, %swap3A_955], %swap3A_958 {strides = array<i32>} : memref<128x16xf32, #tpu.memory_space<vmem>>, vector<1x16xf32>,
    %swap3A_959 = arith.constant 31 : i32
    %swap3A_960 = arith.index_cast %swap3A_959 : i32 to index
    %swap3A_961 = arith.constant 0 : index
    %swap3A_962 = tpu.vector_load %arg10[%swap3A_960, %swap3A_961] {strides = array<i32>} : memref<128x16xf32, #tpu.memory_space<vmem>>, vector<1x16xf32>,
    %swap3A_963 = vector.shape_cast %swap3A_962 : vector<1x16xf32> to vector<16xf32>
    %swap3A_964 = vector.shape_cast %broadcast_in_dim3A_5 : vector<16xf32> to vector<1x16xf32>
    tpu.vector_store %arg10[%swap3A_960, %swap3A_961], %swap3A_964 {strides = array<i32>} : memref<128x16xf32, #tpu.memory_space<vmem>>, vector<1x16xf32>,
    %swap3A_965 = arith.constant 32 : i32
    %swap3A_966 = arith.index_cast %swap3A_965 : i32 to index
    %swap3A_967 = arith.constant 0 : index
    %swap3A_968 = tpu.vector_load %arg10[%swap3A_966, %swap3A_967] {strides = array<i32>} : memref<128x16xf32, #tpu.memory_space<vmem>>, vector<1x16xf32>,
    %swap3A_969 = vector.shape_cast %swap3A_968 : vector<1x16xf32> to vector<16xf32>
    %swap3A_970 = vector.shape_cast %broadcast_in_dim3A_5 : vector<16xf32> to vector<1x16xf32>
    tpu.vector_store %arg10[%swap3A_966, %swap3A_967], %swap3A_970 {strides = array<i32>} : memref<128x16xf32, #tpu.memory_space<vmem>>, vector<1x16xf32>,
    %swap3A_971 = arith.constant 33 : i32
    %swap3A_972 = arith.index_cast %swap3A_971 : i32 to index
    %swap3A_973 = arith.constant 0 : index
    %swap3A_974 = tpu.vector_load %arg10[%swap3A_972, %swap3A_973] {strides = array<i32>} : memref<128x16xf32, #tpu.memory_space<vmem>>, vector<1x16xf32>,
    %swap3A_975 = vector.shape_cast %swap3A_974 : vector<1x16xf32> to vector<16xf32>
    %swap3A_976 = vector.shape_cast %broadcast_in_dim3A_5 : vector<16xf32> to vector<1x16xf32>
    tpu.vector_store %arg10[%swap3A_972, %swap3A_973], %swap3A_976 {strides = array<i32>} : memref<128x16xf32, #tpu.memory_space<vmem>>, vector<1x16xf32>,
    %swap3A_977 = arith.constant 34 : i32
    %swap3A_978 = arith.index_cast %swap3A_977 : i32 to index
    %swap3A_979 = arith.constant 0 : index
    %swap3A_980 = tpu.vector_load %arg10[%swap3A_978, %swap3A_979] {strides = array<i32>} : memref<128x16xf32, #tpu.memory_space<vmem>>, vector<1x16xf32>,
    %swap3A_981 = vector.shape_cast %swap3A_980 : vector<1x16xf32> to vector<16xf32>
    %swap3A_982 = vector.shape_cast %broadcast_in_dim3A_5 : vector<16xf32> to vector<1x16xf32>
    tpu.vector_store %arg10[%swap3A_978, %swap3A_979], %swap3A_982 {strides = array<i32>} : memref<128x16xf32, #tpu.memory_space<vmem>>, vector<1x16xf32>,
    %swap3A_983 = arith.constant 35 : i32
    %swap3A_984 = arith.index_cast %swap3A_983 : i32 to index
    %swap3A_985 = arith.constant 0 : index
    %swap3A_986 = tpu.vector_load %arg10[%swap3A_984, %swap3A_985] {strides = array<i32>} : memref<128x16xf32, #tpu.memory_space<vmem>>, vector<1x16xf32>,
    %swap3A_987 = vector.shape_cast %swap3A_986 : vector<1x16xf32> to vector<16xf32>
    %swap3A_988 = vector.shape_cast %broadcast_in_dim3A_5 : vector<16xf32> to vector<1x16xf32>
    tpu.vector_store %arg10[%swap3A_984, %swap3A_985], %swap3A_988 {strides = array<i32>} : memref<128x16xf32, #tpu.memory_space<vmem>>, vector<1x16xf32>,
    %swap3A_989 = arith.constant 36 : i32
    %swap3A_990 = arith.index_cast %swap3A_989 : i32 to index
    %swap3A_991 = arith.constant 0 : index
    %swap3A_992 = tpu.vector_load %arg10[%swap3A_990, %swap3A_991] {strides = array<i32>} : memref<128x16xf32, #tpu.memory_space<vmem>>, vector<1x16xf32>,
    %swap3A_993 = vector.shape_cast %swap3A_992 : vector<1x16xf32> to vector<16xf32>
    %swap3A_994 = vector.shape_cast %broadcast_in_dim3A_5 : vector<16xf32> to vector<1x16xf32>
    tpu.vector_store %arg10[%swap3A_990, %swap3A_991], %swap3A_994 {strides = array<i32>} : memref<128x16xf32, #tpu.memory_space<vmem>>, vector<1x16xf32>,
    %swap3A_995 = arith.constant 37 : i32
    %swap3A_996 = arith.index_cast %swap3A_995 : i32 to index
    %swap3A_997 = arith.constant 0 : index
    %swap3A_998 = tpu.vector_load %arg10[%swap3A_996, %swap3A_997] {strides = array<i32>} : memref<128x16xf32, #tpu.memory_space<vmem>>, vector<1x16xf32>,
    %swap3A_999 = vector.shape_cast %swap3A_998 : vector<1x16xf32> to vector<16xf32>
    %swap3A_1000 = vector.shape_cast %broadcast_in_dim3A_5 : vector<16xf32> to vector<1x16xf32>
    tpu.vector_store %arg10[%swap3A_996, %swap3A_997], %swap3A_1000 {strides = array<i32>} : memref<128x16xf32, #tpu.memory_space<vmem>>, vector<1x16xf32>,
    %swap3A_1001 = arith.constant 38 : i32
    %swap3A_1002 = arith.index_cast %swap3A_1001 : i32 to index
    %swap3A_1003 = arith.constant 0 : index
    %swap3A_1004 = tpu.vector_load %arg10[%swap3A_1002, %swap3A_1003] {strides = array<i32>} : memref<128x16xf32, #tpu.memory_space<vmem>>, vector<1x16xf32>,
    %swap3A_1005 = vector.shape_cast %swap3A_1004 : vector<1x16xf32> to vector<16xf32>
    %swap3A_1006 = vector.shape_cast %broadcast_in_dim3A_5 : vector<16xf32> to vector<1x16xf32>
    tpu.vector_store %arg10[%swap3A_1002, %swap3A_1003], %swap3A_1006 {strides = array<i32>} : memref<128x16xf32, #tpu.memory_space<vmem>>, vector<1x16xf32>,
    %swap3A_1007 = arith.constant 39 : i32
    %swap3A_1008 = arith.index_cast %swap3A_1007 : i32 to index
    %swap3A_1009 = arith.constant 0 : index
    %swap3A_1010 = tpu.vector_load %arg10[%swap3A_1008, %swap3A_1009] {strides = array<i32>} : memref<128x16xf32, #tpu.memory_space<vmem>>, vector<1x16xf32>,
    %swap3A_1011 = vector.shape_cast %swap3A_1010 : vector<1x16xf32> to vector<16xf32>
    %swap3A_1012 = vector.shape_cast %broadcast_in_dim3A_5 : vector<16xf32> to vector<1x16xf32>
    tpu.vector_store %arg10[%swap3A_1008, %swap3A_1009], %swap3A_1012 {strides = array<i32>} : memref<128x16xf32, #tpu.memory_space<vmem>>, vector<1x16xf32>,
    %swap3A_1013 = arith.constant 40 : i32
    %swap3A_1014 = arith.index_cast %swap3A_1013 : i32 to index
    %swap3A_1015 = arith.constant 0 : index
    %swap3A_1016 = tpu.vector_load %arg10[%swap3A_1014, %swap3A_1015] {strides = array<i32>} : memref<128x16xf32, #tpu.memory_space<vmem>>, vector<1x16xf32>,
    %swap3A_1017 = vector.shape_cast %swap3A_1016 : vector<1x16xf32> to vector<16xf32>
    %swap3A_1018 = vector.shape_cast %broadcast_in_dim3A_5 : vector<16xf32> to vector<1x16xf32>
    tpu.vector_store %arg10[%swap3A_1014, %swap3A_1015], %swap3A_1018 {strides = array<i32>} : memref<128x16xf32, #tpu.memory_space<vmem>>, vector<1x16xf32>,
    %swap3A_1019 = arith.constant 41 : i32
    %swap3A_1020 = arith.index_cast %swap3A_1019 : i32 to index
    %swap3A_1021 = arith.constant 0 : index
    %swap3A_1022 = tpu.vector_load %arg10[%swap3A_1020, %swap3A_1021] {strides = array<i32>} : memref<128x16xf32, #tpu.memory_space<vmem>>, vector<1x16xf32>,
    %swap3A_1023 = vector.shape_cast %swap3A_1022 : vector<1x16xf32> to vector<16xf32>
    %swap3A_1024 = vector.shape_cast %broadcast_in_dim3A_5 : vector<16xf32> to vector<1x16xf32>
    tpu.vector_store %arg10[%swap3A_1020, %swap3A_1021], %swap3A_1024 {strides = array<i32>} : memref<128x16xf32, #tpu.memory_space<vmem>>, vector<1x16xf32>,
    %swap3A_1025 = arith.constant 42 : i32
    %swap3A_1026 = arith.index_cast %swap3A_1025 : i32 to index
    %swap3A_1027 = arith.constant 0 : index
    %swap3A_1028 = tpu.vector_load %arg10[%swap3A_1026, %swap3A_1027] {strides = array<i32>} : memref<128x16xf32, #tpu.memory_space<vmem>>, vector<1x16xf32>,
    %swap3A_1029 = vector.shape_cast %swap3A_1028 : vector<1x16xf32> to vector<16xf32>
    %swap3A_1030 = vector.shape_cast %broadcast_in_dim3A_5 : vector<16xf32> to vector<1x16xf32>
    tpu.vector_store %arg10[%swap3A_1026, %swap3A_1027], %swap3A_1030 {strides = array<i32>} : memref<128x16xf32, #tpu.memory_space<vmem>>, vector<1x16xf32>,
    %swap3A_1031 = arith.constant 43 : i32
    %swap3A_1032 = arith.index_cast %swap3A_1031 : i32 to index
    %swap3A_1033 = arith.constant 0 : index
    %swap3A_1034 = tpu.vector_load %arg10[%swap3A_1032, %swap3A_1033] {strides = array<i32>} : memref<128x16xf32, #tpu.memory_space<vmem>>, vector<1x16xf32>,
    %swap3A_1035 = vector.shape_cast %swap3A_1034 : vector<1x16xf32> to vector<16xf32>
    %swap3A_1036 = vector.shape_cast %broadcast_in_dim3A_5 : vector<16xf32> to vector<1x16xf32>
    tpu.vector_store %arg10[%swap3A_1032, %swap3A_1033], %swap3A_1036 {strides = array<i32>} : memref<128x16xf32, #tpu.memory_space<vmem>>, vector<1x16xf32>,
    %swap3A_1037 = arith.constant 44 : i32
    %swap3A_1038 = arith.index_cast %swap3A_1037 : i32 to index
    %swap3A_1039 = arith.constant 0 : index
    %swap3A_1040 = tpu.vector_load %arg10[%swap3A_1038, %swap3A_1039] {strides = array<i32>} : memref<128x16xf32, #tpu.memory_space<vmem>>, vector<1x16xf32>,
    %swap3A_1041 = vector.shape_cast %swap3A_1040 : vector<1x16xf32> to vector<16xf32>
    %swap3A_1042 = vector.shape_cast %broadcast_in_dim3A_5 : vector<16xf32> to vector<1x16xf32>
    tpu.vector_store %arg10[%swap3A_1038, %swap3A_1039], %swap3A_1042 {strides = array<i32>} : memref<128x16xf32, #tpu.memory_space<vmem>>, vector<1x16xf32>,
    %swap3A_1043 = arith.constant 45 : i32
    %swap3A_1044 = arith.index_cast %swap3A_1043 : i32 to index
    %swap3A_1045 = arith.constant 0 : index
    %swap3A_1046 = tpu.vector_load %arg10[%swap3A_1044, %swap3A_1045] {strides = array<i32>} : memref<128x16xf32, #tpu.memory_space<vmem>>, vector<1x16xf32>,
    %swap3A_1047 = vector.shape_cast %swap3A_1046 : vector<1x16xf32> to vector<16xf32>
    %swap3A_1048 = vector.shape_cast %broadcast_in_dim3A_5 : vector<16xf32> to vector<1x16xf32>
    tpu.vector_store %arg10[%swap3A_1044, %swap3A_1045], %swap3A_1048 {strides = array<i32>} : memref<128x16xf32, #tpu.memory_space<vmem>>, vector<1x16xf32>,
    %swap3A_1049 = arith.constant 46 : i32
    %swap3A_1050 = arith.index_cast %swap3A_1049 : i32 to index
    %swap3A_1051 = arith.constant 0 : index
    %swap3A_1052 = tpu.vector_load %arg10[%swap3A_1050, %swap3A_1051] {strides = array<i32>} : memref<128x16xf32, #tpu.memory_space<vmem>>, vector<1x16xf32>,
    %swap3A_1053 = vector.shape_cast %swap3A_1052 : vector<1x16xf32> to vector<16xf32>
    %swap3A_1054 = vector.shape_cast %broadcast_in_dim3A_5 : vector<16xf32> to vector<1x16xf32>
    tpu.vector_store %arg10[%swap3A_1050, %swap3A_1051], %swap3A_1054 {strides = array<i32>} : memref<128x16xf32, #tpu.memory_space<vmem>>, vector<1x16xf32>,
    %swap3A_1055 = arith.constant 47 : i32
    %swap3A_1056 = arith.index_cast %swap3A_1055 : i32 to index
    %swap3A_1057 = arith.constant 0 : index
    %swap3A_1058 = tpu.vector_load %arg10[%swap3A_1056, %swap3A_1057] {strides = array<i32>} : memref<128x16xf32, #tpu.memory_space<vmem>>, vector<1x16xf32>,
    %swap3A_1059 = vector.shape_cast %swap3A_1058 : vector<1x16xf32> to vector<16xf32>
    %swap3A_1060 = vector.shape_cast %broadcast_in_dim3A_5 : vector<16xf32> to vector<1x16xf32>
    tpu.vector_store %arg10[%swap3A_1056, %swap3A_1057], %swap3A_1060 {strides = array<i32>} : memref<128x16xf32, #tpu.memory_space<vmem>>, vector<1x16xf32>,
    %swap3A_1061 = arith.constant 48 : i32
    %swap3A_1062 = arith.index_cast %swap3A_1061 : i32 to index
    %swap3A_1063 = arith.constant 0 : index
    %swap3A_1064 = tpu.vector_load %arg10[%swap3A_1062, %swap3A_1063] {strides = array<i32>} : memref<128x16xf32, #tpu.memory_space<vmem>>, vector<1x16xf32>,
    %swap3A_1065 = vector.shape_cast %swap3A_1064 : vector<1x16xf32> to vector<16xf32>
    %swap3A_1066 = vector.shape_cast %broadcast_in_dim3A_5 : vector<16xf32> to vector<1x16xf32>
    tpu.vector_store %arg10[%swap3A_1062, %swap3A_1063], %swap3A_1066 {strides = array<i32>} : memref<128x16xf32, #tpu.memory_space<vmem>>, vector<1x16xf32>,
    %swap3A_1067 = arith.constant 49 : i32
    %swap3A_1068 = arith.index_cast %swap3A_1067 : i32 to index
    %swap3A_1069 = arith.constant 0 : index
    %swap3A_1070 = tpu.vector_load %arg10[%swap3A_1068, %swap3A_1069] {strides = array<i32>} : memref<128x16xf32, #tpu.memory_space<vmem>>, vector<1x16xf32>,
    %swap3A_1071 = vector.shape_cast %swap3A_1070 : vector<1x16xf32> to vector<16xf32>
    %swap3A_1072 = vector.shape_cast %broadcast_in_dim3A_5 : vector<16xf32> to vector<1x16xf32>
    tpu.vector_store %arg10[%swap3A_1068, %swap3A_1069], %swap3A_1072 {strides = array<i32>} : memref<128x16xf32, #tpu.memory_space<vmem>>, vector<1x16xf32>,
    %swap3A_1073 = arith.constant 50 : i32
    %swap3A_1074 = arith.index_cast %swap3A_1073 : i32 to index
    %swap3A_1075 = arith.constant 0 : index
    %swap3A_1076 = tpu.vector_load %arg10[%swap3A_1074, %swap3A_1075] {strides = array<i32>} : memref<128x16xf32, #tpu.memory_space<vmem>>, vector<1x16xf32>,
    %swap3A_1077 = vector.shape_cast %swap3A_1076 : vector<1x16xf32> to vector<16xf32>
    %swap3A_1078 = vector.shape_cast %broadcast_in_dim3A_5 : vector<16xf32> to vector<1x16xf32>
    tpu.vector_store %arg10[%swap3A_1074, %swap3A_1075], %swap3A_1078 {strides = array<i32>} : memref<128x16xf32, #tpu.memory_space<vmem>>, vector<1x16xf32>,
    %swap3A_1079 = arith.constant 51 : i32
    %swap3A_1080 = arith.index_cast %swap3A_1079 : i32 to index
    %swap3A_1081 = arith.constant 0 : index
    %swap3A_1082 = tpu.vector_load %arg10[%swap3A_1080, %swap3A_1081] {strides = array<i32>} : memref<128x16xf32, #tpu.memory_space<vmem>>, vector<1x16xf32>,
    %swap3A_1083 = vector.shape_cast %swap3A_1082 : vector<1x16xf32> to vector<16xf32>
    %swap3A_1084 = vector.shape_cast %broadcast_in_dim3A_5 : vector<16xf32> to vector<1x16xf32>
    tpu.vector_store %arg10[%swap3A_1080, %swap3A_1081], %swap3A_1084 {strides = array<i32>} : memref<128x16xf32, #tpu.memory_space<vmem>>, vector<1x16xf32>,
    %swap3A_1085 = arith.constant 52 : i32
    %swap3A_1086 = arith.index_cast %swap3A_1085 : i32 to index
    %swap3A_1087 = arith.constant 0 : index
    %swap3A_1088 = tpu.vector_load %arg10[%swap3A_1086, %swap3A_1087] {strides = array<i32>} : memref<128x16xf32, #tpu.memory_space<vmem>>, vector<1x16xf32>,
    %swap3A_1089 = vector.shape_cast %swap3A_1088 : vector<1x16xf32> to vector<16xf32>
    %swap3A_1090 = vector.shape_cast %broadcast_in_dim3A_5 : vector<16xf32> to vector<1x16xf32>
    tpu.vector_store %arg10[%swap3A_1086, %swap3A_1087], %swap3A_1090 {strides = array<i32>} : memref<128x16xf32, #tpu.memory_space<vmem>>, vector<1x16xf32>,
    %swap3A_1091 = arith.constant 53 : i32
    %swap3A_1092 = arith.index_cast %swap3A_1091 : i32 to index
    %swap3A_1093 = arith.constant 0 : index
    %swap3A_1094 = tpu.vector_load %arg10[%swap3A_1092, %swap3A_1093] {strides = array<i32>} : memref<128x16xf32, #tpu.memory_space<vmem>>, vector<1x16xf32>,
    %swap3A_1095 = vector.shape_cast %swap3A_1094 : vector<1x16xf32> to vector<16xf32>
    %swap3A_1096 = vector.shape_cast %broadcast_in_dim3A_5 : vector<16xf32> to vector<1x16xf32>
    tpu.vector_store %arg10[%swap3A_1092, %swap3A_1093], %swap3A_1096 {strides = array<i32>} : memref<128x16xf32, #tpu.memory_space<vmem>>, vector<1x16xf32>,
    %swap3A_1097 = arith.constant 54 : i32
    %swap3A_1098 = arith.index_cast %swap3A_1097 : i32 to index
    %swap3A_1099 = arith.constant 0 : index
    %swap3A_1100 = tpu.vector_load %arg10[%swap3A_1098, %swap3A_1099] {strides = array<i32>} : memref<128x16xf32, #tpu.memory_space<vmem>>, vector<1x16xf32>,
    %swap3A_1101 = vector.shape_cast %swap3A_1100 : vector<1x16xf32> to vector<16xf32>
    %swap3A_1102 = vector.shape_cast %broadcast_in_dim3A_5 : vector<16xf32> to vector<1x16xf32>
    tpu.vector_store %arg10[%swap3A_1098, %swap3A_1099], %swap3A_1102 {strides = array<i32>} : memref<128x16xf32, #tpu.memory_space<vmem>>, vector<1x16xf32>,
    %swap3A_1103 = arith.constant 55 : i32
    %swap3A_1104 = arith.index_cast %swap3A_1103 : i32 to index
    %swap3A_1105 = arith.constant 0 : index
    %swap3A_1106 = tpu.vector_load %arg10[%swap3A_1104, %swap3A_1105] {strides = array<i32>} : memref<128x16xf32, #tpu.memory_space<vmem>>, vector<1x16xf32>,
    %swap3A_1107 = vector.shape_cast %swap3A_1106 : vector<1x16xf32> to vector<16xf32>
    %swap3A_1108 = vector.shape_cast %broadcast_in_dim3A_5 : vector<16xf32> to vector<1x16xf32>
    tpu.vector_store %arg10[%swap3A_1104, %swap3A_1105], %swap3A_1108 {strides = array<i32>} : memref<128x16xf32, #tpu.memory_space<vmem>>, vector<1x16xf32>,
    %swap3A_1109 = arith.constant 56 : i32
    %swap3A_1110 = arith.index_cast %swap3A_1109 : i32 to index
    %swap3A_1111 = arith.constant 0 : index
    %swap3A_1112 = tpu.vector_load %arg10[%swap3A_1110, %swap3A_1111] {strides = array<i32>} : memref<128x16xf32, #tpu.memory_space<vmem>>, vector<1x16xf32>,
    %swap3A_1113 = vector.shape_cast %swap3A_1112 : vector<1x16xf32> to vector<16xf32>
    %swap3A_1114 = vector.shape_cast %broadcast_in_dim3A_5 : vector<16xf32> to vector<1x16xf32>
    tpu.vector_store %arg10[%swap3A_1110, %swap3A_1111], %swap3A_1114 {strides = array<i32>} : memref<128x16xf32, #tpu.memory_space<vmem>>, vector<1x16xf32>,
    %swap3A_1115 = arith.constant 57 : i32
    %swap3A_1116 = arith.index_cast %swap3A_1115 : i32 to index
    %swap3A_1117 = arith.constant 0 : index
    %swap3A_1118 = tpu.vector_load %arg10[%swap3A_1116, %swap3A_1117] {strides = array<i32>} : memref<128x16xf32, #tpu.memory_space<vmem>>, vector<1x16xf32>,
    %swap3A_1119 = vector.shape_cast %swap3A_1118 : vector<1x16xf32> to vector<16xf32>
    %swap3A_1120 = vector.shape_cast %broadcast_in_dim3A_5 : vector<16xf32> to vector<1x16xf32>
    tpu.vector_store %arg10[%swap3A_1116, %swap3A_1117], %swap3A_1120 {strides = array<i32>} : memref<128x16xf32, #tpu.memory_space<vmem>>, vector<1x16xf32>,
    %swap3A_1121 = arith.constant 58 : i32
    %swap3A_1122 = arith.index_cast %swap3A_1121 : i32 to index
    %swap3A_1123 = arith.constant 0 : index
    %swap3A_1124 = tpu.vector_load %arg10[%swap3A_1122, %swap3A_1123] {strides = array<i32>} : memref<128x16xf32, #tpu.memory_space<vmem>>, vector<1x16xf32>,
    %swap3A_1125 = vector.shape_cast %swap3A_1124 : vector<1x16xf32> to vector<16xf32>
    %swap3A_1126 = vector.shape_cast %broadcast_in_dim3A_5 : vector<16xf32> to vector<1x16xf32>
    tpu.vector_store %arg10[%swap3A_1122, %swap3A_1123], %swap3A_1126 {strides = array<i32>} : memref<128x16xf32, #tpu.memory_space<vmem>>, vector<1x16xf32>,
    %swap3A_1127 = arith.constant 59 : i32
    %swap3A_1128 = arith.index_cast %swap3A_1127 : i32 to index
    %swap3A_1129 = arith.constant 0 : index
    %swap3A_1130 = tpu.vector_load %arg10[%swap3A_1128, %swap3A_1129] {strides = array<i32>} : memref<128x16xf32, #tpu.memory_space<vmem>>, vector<1x16xf32>,
    %swap3A_1131 = vector.shape_cast %swap3A_1130 : vector<1x16xf32> to vector<16xf32>
    %swap3A_1132 = vector.shape_cast %broadcast_in_dim3A_5 : vector<16xf32> to vector<1x16xf32>
    tpu.vector_store %arg10[%swap3A_1128, %swap3A_1129], %swap3A_1132 {strides = array<i32>} : memref<128x16xf32, #tpu.memory_space<vmem>>, vector<1x16xf32>,
    %swap3A_1133 = arith.constant 60 : i32
    %swap3A_1134 = arith.index_cast %swap3A_1133 : i32 to index
    %swap3A_1135 = arith.constant 0 : index
    %swap3A_1136 = tpu.vector_load %arg10[%swap3A_1134, %swap3A_1135] {strides = array<i32>} : memref<128x16xf32, #tpu.memory_space<vmem>>, vector<1x16xf32>,
    %swap3A_1137 = vector.shape_cast %swap3A_1136 : vector<1x16xf32> to vector<16xf32>
    %swap3A_1138 = vector.shape_cast %broadcast_in_dim3A_5 : vector<16xf32> to vector<1x16xf32>
    tpu.vector_store %arg10[%swap3A_1134, %swap3A_1135], %swap3A_1138 {strides = array<i32>} : memref<128x16xf32, #tpu.memory_space<vmem>>, vector<1x16xf32>,
    %swap3A_1139 = arith.constant 61 : i32
    %swap3A_1140 = arith.index_cast %swap3A_1139 : i32 to index
    %swap3A_1141 = arith.constant 0 : index
    %swap3A_1142 = tpu.vector_load %arg10[%swap3A_1140, %swap3A_1141] {strides = array<i32>} : memref<128x16xf32, #tpu.memory_space<vmem>>, vector<1x16xf32>,
    %swap3A_1143 = vector.shape_cast %swap3A_1142 : vector<1x16xf32> to vector<16xf32>
    %swap3A_1144 = vector.shape_cast %broadcast_in_dim3A_5 : vector<16xf32> to vector<1x16xf32>
    tpu.vector_store %arg10[%swap3A_1140, %swap3A_1141], %swap3A_1144 {strides = array<i32>} : memref<128x16xf32, #tpu.memory_space<vmem>>, vector<1x16xf32>,
    %swap3A_1145 = arith.constant 62 : i32
    %swap3A_1146 = arith.index_cast %swap3A_1145 : i32 to index
    %swap3A_1147 = arith.constant 0 : index
    %swap3A_1148 = tpu.vector_load %arg10[%swap3A_1146, %swap3A_1147] {strides = array<i32>} : memref<128x16xf32, #tpu.memory_space<vmem>>, vector<1x16xf32>,
    %swap3A_1149 = vector.shape_cast %swap3A_1148 : vector<1x16xf32> to vector<16xf32>
    %swap3A_1150 = vector.shape_cast %broadcast_in_dim3A_5 : vector<16xf32> to vector<1x16xf32>
    tpu.vector_store %arg10[%swap3A_1146, %swap3A_1147], %swap3A_1150 {strides = array<i32>} : memref<128x16xf32, #tpu.memory_space<vmem>>, vector<1x16xf32>,
    %swap3A_1151 = arith.constant 63 : i32
    %swap3A_1152 = arith.index_cast %swap3A_1151 : i32 to index
    %swap3A_1153 = arith.constant 0 : index
    %swap3A_1154 = tpu.vector_load %arg10[%swap3A_1152, %swap3A_1153] {strides = array<i32>} : memref<128x16xf32, #tpu.memory_space<vmem>>, vector<1x16xf32>,
    %swap3A_1155 = vector.shape_cast %swap3A_1154 : vector<1x16xf32> to vector<16xf32>
    %swap3A_1156 = vector.shape_cast %broadcast_in_dim3A_5 : vector<16xf32> to vector<1x16xf32>
    tpu.vector_store %arg10[%swap3A_1152, %swap3A_1153], %swap3A_1156 {strides = array<i32>} : memref<128x16xf32, #tpu.memory_space<vmem>>, vector<1x16xf32>,
    %swap3A_1157 = arith.constant 64 : i32
    %swap3A_1158 = arith.index_cast %swap3A_1157 : i32 to index
    %swap3A_1159 = arith.constant 0 : index
    %swap3A_1160 = tpu.vector_load %arg10[%swap3A_1158, %swap3A_1159] {strides = array<i32>} : memref<128x16xf32, #tpu.memory_space<vmem>>, vector<1x16xf32>,
    %swap3A_1161 = vector.shape_cast %swap3A_1160 : vector<1x16xf32> to vector<16xf32>
    %swap3A_1162 = vector.shape_cast %broadcast_in_dim3A_5 : vector<16xf32> to vector<1x16xf32>
    tpu.vector_store %arg10[%swap3A_1158, %swap3A_1159], %swap3A_1162 {strides = array<i32>} : memref<128x16xf32, #tpu.memory_space<vmem>>, vector<1x16xf32>,
    %swap3A_1163 = arith.constant 65 : i32
    %swap3A_1164 = arith.index_cast %swap3A_1163 : i32 to index
    %swap3A_1165 = arith.constant 0 : index
    %swap3A_1166 = tpu.vector_load %arg10[%swap3A_1164, %swap3A_1165] {strides = array<i32>} : memref<128x16xf32, #tpu.memory_space<vmem>>, vector<1x16xf32>,
    %swap3A_1167 = vector.shape_cast %swap3A_1166 : vector<1x16xf32> to vector<16xf32>
    %swap3A_1168 = vector.shape_cast %broadcast_in_dim3A_5 : vector<16xf32> to vector<1x16xf32>
    tpu.vector_store %arg10[%swap3A_1164, %swap3A_1165], %swap3A_1168 {strides = array<i32>} : memref<128x16xf32, #tpu.memory_space<vmem>>, vector<1x16xf32>,
    %swap3A_1169 = arith.constant 66 : i32
    %swap3A_1170 = arith.index_cast %swap3A_1169 : i32 to index
    %swap3A_1171 = arith.constant 0 : index
    %swap3A_1172 = tpu.vector_load %arg10[%swap3A_1170, %swap3A_1171] {strides = array<i32>} : memref<128x16xf32, #tpu.memory_space<vmem>>, vector<1x16xf32>,
    %swap3A_1173 = vector.shape_cast %swap3A_1172 : vector<1x16xf32> to vector<16xf32>
    %swap3A_1174 = vector.shape_cast %broadcast_in_dim3A_5 : vector<16xf32> to vector<1x16xf32>
    tpu.vector_store %arg10[%swap3A_1170, %swap3A_1171], %swap3A_1174 {strides = array<i32>} : memref<128x16xf32, #tpu.memory_space<vmem>>, vector<1x16xf32>,
    %swap3A_1175 = arith.constant 67 : i32
    %swap3A_1176 = arith.index_cast %swap3A_1175 : i32 to index
    %swap3A_1177 = arith.constant 0 : index
    %swap3A_1178 = tpu.vector_load %arg10[%swap3A_1176, %swap3A_1177] {strides = array<i32>} : memref<128x16xf32, #tpu.memory_space<vmem>>, vector<1x16xf32>,
    %swap3A_1179 = vector.shape_cast %swap3A_1178 : vector<1x16xf32> to vector<16xf32>
    %swap3A_1180 = vector.shape_cast %broadcast_in_dim3A_5 : vector<16xf32> to vector<1x16xf32>
    tpu.vector_store %arg10[%swap3A_1176, %swap3A_1177], %swap3A_1180 {strides = array<i32>} : memref<128x16xf32, #tpu.memory_space<vmem>>, vector<1x16xf32>,
    %swap3A_1181 = arith.constant 68 : i32
    %swap3A_1182 = arith.index_cast %swap3A_1181 : i32 to index
    %swap3A_1183 = arith.constant 0 : index
    %swap3A_1184 = tpu.vector_load %arg10[%swap3A_1182, %swap3A_1183] {strides = array<i32>} : memref<128x16xf32, #tpu.memory_space<vmem>>, vector<1x16xf32>,
    %swap3A_1185 = vector.shape_cast %swap3A_1184 : vector<1x16xf32> to vector<16xf32>
    %swap3A_1186 = vector.shape_cast %broadcast_in_dim3A_5 : vector<16xf32> to vector<1x16xf32>
    tpu.vector_store %arg10[%swap3A_1182, %swap3A_1183], %swap3A_1186 {strides = array<i32>} : memref<128x16xf32, #tpu.memory_space<vmem>>, vector<1x16xf32>,
    %swap3A_1187 = arith.constant 69 : i32
    %swap3A_1188 = arith.index_cast %swap3A_1187 : i32 to index
    %swap3A_1189 = arith.constant 0 : index
    %swap3A_1190 = tpu.vector_load %arg10[%swap3A_1188, %swap3A_1189] {strides = array<i32>} : memref<128x16xf32, #tpu.memory_space<vmem>>, vector<1x16xf32>,
    %swap3A_1191 = vector.shape_cast %swap3A_1190 : vector<1x16xf32> to vector<16xf32>
    %swap3A_1192 = vector.shape_cast %broadcast_in_dim3A_5 : vector<16xf32> to vector<1x16xf32>
    tpu.vector_store %arg10[%swap3A_1188, %swap3A_1189], %swap3A_1192 {strides = array<i32>} : memref<128x16xf32, #tpu.memory_space<vmem>>, vector<1x16xf32>,
    %swap3A_1193 = arith.constant 70 : i32
    %swap3A_1194 = arith.index_cast %swap3A_1193 : i32 to index
    %swap3A_1195 = arith.constant 0 : index
    %swap3A_1196 = tpu.vector_load %arg10[%swap3A_1194, %swap3A_1195] {strides = array<i32>} : memref<128x16xf32, #tpu.memory_space<vmem>>, vector<1x16xf32>,
    %swap3A_1197 = vector.shape_cast %swap3A_1196 : vector<1x16xf32> to vector<16xf32>
    %swap3A_1198 = vector.shape_cast %broadcast_in_dim3A_5 : vector<16xf32> to vector<1x16xf32>
    tpu.vector_store %arg10[%swap3A_1194, %swap3A_1195], %swap3A_1198 {strides = array<i32>} : memref<128x16xf32, #tpu.memory_space<vmem>>, vector<1x16xf32>,
    %swap3A_1199 = arith.constant 71 : i32
    %swap3A_1200 = arith.index_cast %swap3A_1199 : i32 to index
    %swap3A_1201 = arith.constant 0 : index
    %swap3A_1202 = tpu.vector_load %arg10[%swap3A_1200, %swap3A_1201] {strides = array<i32>} : memref<128x16xf32, #tpu.memory_space<vmem>>, vector<1x16xf32>,
    %swap3A_1203 = vector.shape_cast %swap3A_1202 : vector<1x16xf32> to vector<16xf32>
    %swap3A_1204 = vector.shape_cast %broadcast_in_dim3A_5 : vector<16xf32> to vector<1x16xf32>
    tpu.vector_store %arg10[%swap3A_1200, %swap3A_1201], %swap3A_1204 {strides = array<i32>} : memref<128x16xf32, #tpu.memory_space<vmem>>, vector<1x16xf32>,
    %swap3A_1205 = arith.constant 72 : i32
    %swap3A_1206 = arith.index_cast %swap3A_1205 : i32 to index
    %swap3A_1207 = arith.constant 0 : index
    %swap3A_1208 = tpu.vector_load %arg10[%swap3A_1206, %swap3A_1207] {strides = array<i32>} : memref<128x16xf32, #tpu.memory_space<vmem>>, vector<1x16xf32>,
    %swap3A_1209 = vector.shape_cast %swap3A_1208 : vector<1x16xf32> to vector<16xf32>
    %swap3A_1210 = vector.shape_cast %broadcast_in_dim3A_5 : vector<16xf32> to vector<1x16xf32>
    tpu.vector_store %arg10[%swap3A_1206, %swap3A_1207], %swap3A_1210 {strides = array<i32>} : memref<128x16xf32, #tpu.memory_space<vmem>>, vector<1x16xf32>,
    %swap3A_1211 = arith.constant 73 : i32
    %swap3A_1212 = arith.index_cast %swap3A_1211 : i32 to index
    %swap3A_1213 = arith.constant 0 : index
    %swap3A_1214 = tpu.vector_load %arg10[%swap3A_1212, %swap3A_1213] {strides = array<i32>} : memref<128x16xf32, #tpu.memory_space<vmem>>, vector<1x16xf32>,
    %swap3A_1215 = vector.shape_cast %swap3A_1214 : vector<1x16xf32> to vector<16xf32>
    %swap3A_1216 = vector.shape_cast %broadcast_in_dim3A_5 : vector<16xf32> to vector<1x16xf32>
    tpu.vector_store %arg10[%swap3A_1212, %swap3A_1213], %swap3A_1216 {strides = array<i32>} : memref<128x16xf32, #tpu.memory_space<vmem>>, vector<1x16xf32>,
    %swap3A_1217 = arith.constant 74 : i32
    %swap3A_1218 = arith.index_cast %swap3A_1217 : i32 to index
    %swap3A_1219 = arith.constant 0 : index
    %swap3A_1220 = tpu.vector_load %arg10[%swap3A_1218, %swap3A_1219] {strides = array<i32>} : memref<128x16xf32, #tpu.memory_space<vmem>>, vector<1x16xf32>,
    %swap3A_1221 = vector.shape_cast %swap3A_1220 : vector<1x16xf32> to vector<16xf32>
    %swap3A_1222 = vector.shape_cast %broadcast_in_dim3A_5 : vector<16xf32> to vector<1x16xf32>
    tpu.vector_store %arg10[%swap3A_1218, %swap3A_1219], %swap3A_1222 {strides = array<i32>} : memref<128x16xf32, #tpu.memory_space<vmem>>, vector<1x16xf32>,
    %swap3A_1223 = arith.constant 75 : i32
    %swap3A_1224 = arith.index_cast %swap3A_1223 : i32 to index
    %swap3A_1225 = arith.constant 0 : index
    %swap3A_1226 = tpu.vector_load %arg10[%swap3A_1224, %swap3A_1225] {strides = array<i32>} : memref<128x16xf32, #tpu.memory_space<vmem>>, vector<1x16xf32>,
    %swap3A_1227 = vector.shape_cast %swap3A_1226 : vector<1x16xf32> to vector<16xf32>
    %swap3A_1228 = vector.shape_cast %broadcast_in_dim3A_5 : vector<16xf32> to vector<1x16xf32>
    tpu.vector_store %arg10[%swap3A_1224, %swap3A_1225], %swap3A_1228 {strides = array<i32>} : memref<128x16xf32, #tpu.memory_space<vmem>>, vector<1x16xf32>,
    %swap3A_1229 = arith.constant 76 : i32
    %swap3A_1230 = arith.index_cast %swap3A_1229 : i32 to index
    %swap3A_1231 = arith.constant 0 : index
    %swap3A_1232 = tpu.vector_load %arg10[%swap3A_1230, %swap3A_1231] {strides = array<i32>} : memref<128x16xf32, #tpu.memory_space<vmem>>, vector<1x16xf32>,
    %swap3A_1233 = vector.shape_cast %swap3A_1232 : vector<1x16xf32> to vector<16xf32>
    %swap3A_1234 = vector.shape_cast %broadcast_in_dim3A_5 : vector<16xf32> to vector<1x16xf32>
    tpu.vector_store %arg10[%swap3A_1230, %swap3A_1231], %swap3A_1234 {strides = array<i32>} : memref<128x16xf32, #tpu.memory_space<vmem>>, vector<1x16xf32>,
    %swap3A_1235 = arith.constant 77 : i32
    %swap3A_1236 = arith.index_cast %swap3A_1235 : i32 to index
    %swap3A_1237 = arith.constant 0 : index
    %swap3A_1238 = tpu.vector_load %arg10[%swap3A_1236, %swap3A_1237] {strides = array<i32>} : memref<128x16xf32, #tpu.memory_space<vmem>>, vector<1x16xf32>,
    %swap3A_1239 = vector.shape_cast %swap3A_1238 : vector<1x16xf32> to vector<16xf32>
    %swap3A_1240 = vector.shape_cast %broadcast_in_dim3A_5 : vector<16xf32> to vector<1x16xf32>
    tpu.vector_store %arg10[%swap3A_1236, %swap3A_1237], %swap3A_1240 {strides = array<i32>} : memref<128x16xf32, #tpu.memory_space<vmem>>, vector<1x16xf32>,
    %swap3A_1241 = arith.constant 78 : i32
    %swap3A_1242 = arith.index_cast %swap3A_1241 : i32 to index
    %swap3A_1243 = arith.constant 0 : index
    %swap3A_1244 = tpu.vector_load %arg10[%swap3A_1242, %swap3A_1243] {strides = array<i32>} : memref<128x16xf32, #tpu.memory_space<vmem>>, vector<1x16xf32>,
    %swap3A_1245 = vector.shape_cast %swap3A_1244 : vector<1x16xf32> to vector<16xf32>
    %swap3A_1246 = vector.shape_cast %broadcast_in_dim3A_5 : vector<16xf32> to vector<1x16xf32>
    tpu.vector_store %arg10[%swap3A_1242, %swap3A_1243], %swap3A_1246 {strides = array<i32>} : memref<128x16xf32, #tpu.memory_space<vmem>>, vector<1x16xf32>,
    %swap3A_1247 = arith.constant 79 : i32
    %swap3A_1248 = arith.index_cast %swap3A_1247 : i32 to index
    %swap3A_1249 = arith.constant 0 : index
    %swap3A_1250 = tpu.vector_load %arg10[%swap3A_1248, %swap3A_1249] {strides = array<i32>} : memref<128x16xf32, #tpu.memory_space<vmem>>, vector<1x16xf32>,
    %swap3A_1251 = vector.shape_cast %swap3A_1250 : vector<1x16xf32> to vector<16xf32>
    %swap3A_1252 = vector.shape_cast %broadcast_in_dim3A_5 : vector<16xf32> to vector<1x16xf32>
    tpu.vector_store %arg10[%swap3A_1248, %swap3A_1249], %swap3A_1252 {strides = array<i32>} : memref<128x16xf32, #tpu.memory_space<vmem>>, vector<1x16xf32>,
    %swap3A_1253 = arith.constant 80 : i32
    %swap3A_1254 = arith.index_cast %swap3A_1253 : i32 to index
    %swap3A_1255 = arith.constant 0 : index
    %swap3A_1256 = tpu.vector_load %arg10[%swap3A_1254, %swap3A_1255] {strides = array<i32>} : memref<128x16xf32, #tpu.memory_space<vmem>>, vector<1x16xf32>,
    %swap3A_1257 = vector.shape_cast %swap3A_1256 : vector<1x16xf32> to vector<16xf32>
    %swap3A_1258 = vector.shape_cast %broadcast_in_dim3A_5 : vector<16xf32> to vector<1x16xf32>
    tpu.vector_store %arg10[%swap3A_1254, %swap3A_1255], %swap3A_1258 {strides = array<i32>} : memref<128x16xf32, #tpu.memory_space<vmem>>, vector<1x16xf32>,
    %swap3A_1259 = arith.constant 81 : i32
    %swap3A_1260 = arith.index_cast %swap3A_1259 : i32 to index
    %swap3A_1261 = arith.constant 0 : index
    %swap3A_1262 = tpu.vector_load %arg10[%swap3A_1260, %swap3A_1261] {strides = array<i32>} : memref<128x16xf32, #tpu.memory_space<vmem>>, vector<1x16xf32>,
    %swap3A_1263 = vector.shape_cast %swap3A_1262 : vector<1x16xf32> to vector<16xf32>
    %swap3A_1264 = vector.shape_cast %broadcast_in_dim3A_5 : vector<16xf32> to vector<1x16xf32>
    tpu.vector_store %arg10[%swap3A_1260, %swap3A_1261], %swap3A_1264 {strides = array<i32>} : memref<128x16xf32, #tpu.memory_space<vmem>>, vector<1x16xf32>,
    %swap3A_1265 = arith.constant 82 : i32
    %swap3A_1266 = arith.index_cast %swap3A_1265 : i32 to index
    %swap3A_1267 = arith.constant 0 : index
    %swap3A_1268 = tpu.vector_load %arg10[%swap3A_1266, %swap3A_1267] {strides = array<i32>} : memref<128x16xf32, #tpu.memory_space<vmem>>, vector<1x16xf32>,
    %swap3A_1269 = vector.shape_cast %swap3A_1268 : vector<1x16xf32> to vector<16xf32>
    %swap3A_1270 = vector.shape_cast %broadcast_in_dim3A_5 : vector<16xf32> to vector<1x16xf32>
    tpu.vector_store %arg10[%swap3A_1266, %swap3A_1267], %swap3A_1270 {strides = array<i32>} : memref<128x16xf32, #tpu.memory_space<vmem>>, vector<1x16xf32>,
    %swap3A_1271 = arith.constant 83 : i32
    %swap3A_1272 = arith.index_cast %swap3A_1271 : i32 to index
    %swap3A_1273 = arith.constant 0 : index
    %swap3A_1274 = tpu.vector_load %arg10[%swap3A_1272, %swap3A_1273] {strides = array<i32>} : memref<128x16xf32, #tpu.memory_space<vmem>>, vector<1x16xf32>,
    %swap3A_1275 = vector.shape_cast %swap3A_1274 : vector<1x16xf32> to vector<16xf32>
    %swap3A_1276 = vector.shape_cast %broadcast_in_dim3A_5 : vector<16xf32> to vector<1x16xf32>
    tpu.vector_store %arg10[%swap3A_1272, %swap3A_1273], %swap3A_1276 {strides = array<i32>} : memref<128x16xf32, #tpu.memory_space<vmem>>, vector<1x16xf32>,
    %swap3A_1277 = arith.constant 84 : i32
    %swap3A_1278 = arith.index_cast %swap3A_1277 : i32 to index
    %swap3A_1279 = arith.constant 0 : index
    %swap3A_1280 = tpu.vector_load %arg10[%swap3A_1278, %swap3A_1279] {strides = array<i32>} : memref<128x16xf32, #tpu.memory_space<vmem>>, vector<1x16xf32>,
    %swap3A_1281 = vector.shape_cast %swap3A_1280 : vector<1x16xf32> to vector<16xf32>
    %swap3A_1282 = vector.shape_cast %broadcast_in_dim3A_5 : vector<16xf32> to vector<1x16xf32>
    tpu.vector_store %arg10[%swap3A_1278, %swap3A_1279], %swap3A_1282 {strides = array<i32>} : memref<128x16xf32, #tpu.memory_space<vmem>>, vector<1x16xf32>,
    %swap3A_1283 = arith.constant 85 : i32
    %swap3A_1284 = arith.index_cast %swap3A_1283 : i32 to index
    %swap3A_1285 = arith.constant 0 : index
    %swap3A_1286 = tpu.vector_load %arg10[%swap3A_1284, %swap3A_1285] {strides = array<i32>} : memref<128x16xf32, #tpu.memory_space<vmem>>, vector<1x16xf32>,
    %swap3A_1287 = vector.shape_cast %swap3A_1286 : vector<1x16xf32> to vector<16xf32>
    %swap3A_1288 = vector.shape_cast %broadcast_in_dim3A_5 : vector<16xf32> to vector<1x16xf32>
    tpu.vector_store %arg10[%swap3A_1284, %swap3A_1285], %swap3A_1288 {strides = array<i32>} : memref<128x16xf32, #tpu.memory_space<vmem>>, vector<1x16xf32>,
    %swap3A_1289 = arith.constant 86 : i32
    %swap3A_1290 = arith.index_cast %swap3A_1289 : i32 to index
    %swap3A_1291 = arith.constant 0 : index
    %swap3A_1292 = tpu.vector_load %arg10[%swap3A_1290, %swap3A_1291] {strides = array<i32>} : memref<128x16xf32, #tpu.memory_space<vmem>>, vector<1x16xf32>,
    %swap3A_1293 = vector.shape_cast %swap3A_1292 : vector<1x16xf32> to vector<16xf32>
    %swap3A_1294 = vector.shape_cast %broadcast_in_dim3A_5 : vector<16xf32> to vector<1x16xf32>
    tpu.vector_store %arg10[%swap3A_1290, %swap3A_1291], %swap3A_1294 {strides = array<i32>} : memref<128x16xf32, #tpu.memory_space<vmem>>, vector<1x16xf32>,
    %swap3A_1295 = arith.constant 87 : i32
    %swap3A_1296 = arith.index_cast %swap3A_1295 : i32 to index
    %swap3A_1297 = arith.constant 0 : index
    %swap3A_1298 = tpu.vector_load %arg10[%swap3A_1296, %swap3A_1297] {strides = array<i32>} : memref<128x16xf32, #tpu.memory_space<vmem>>, vector<1x16xf32>,
    %swap3A_1299 = vector.shape_cast %swap3A_1298 : vector<1x16xf32> to vector<16xf32>
    %swap3A_1300 = vector.shape_cast %broadcast_in_dim3A_5 : vector<16xf32> to vector<1x16xf32>
    tpu.vector_store %arg10[%swap3A_1296, %swap3A_1297], %swap3A_1300 {strides = array<i32>} : memref<128x16xf32, #tpu.memory_space<vmem>>, vector<1x16xf32>,
    %swap3A_1301 = arith.constant 88 : i32
    %swap3A_1302 = arith.index_cast %swap3A_1301 : i32 to index
    %swap3A_1303 = arith.constant 0 : index
    %swap3A_1304 = tpu.vector_load %arg10[%swap3A_1302, %swap3A_1303] {strides = array<i32>} : memref<128x16xf32, #tpu.memory_space<vmem>>, vector<1x16xf32>,
    %swap3A_1305 = vector.shape_cast %swap3A_1304 : vector<1x16xf32> to vector<16xf32>
    %swap3A_1306 = vector.shape_cast %broadcast_in_dim3A_5 : vector<16xf32> to vector<1x16xf32>
    tpu.vector_store %arg10[%swap3A_1302, %swap3A_1303], %swap3A_1306 {strides = array<i32>} : memref<128x16xf32, #tpu.memory_space<vmem>>, vector<1x16xf32>,
    %swap3A_1307 = arith.constant 89 : i32
    %swap3A_1308 = arith.index_cast %swap3A_1307 : i32 to index
    %swap3A_1309 = arith.constant 0 : index
    %swap3A_1310 = tpu.vector_load %arg10[%swap3A_1308, %swap3A_1309] {strides = array<i32>} : memref<128x16xf32, #tpu.memory_space<vmem>>, vector<1x16xf32>,
    %swap3A_1311 = vector.shape_cast %swap3A_1310 : vector<1x16xf32> to vector<16xf32>
    %swap3A_1312 = vector.shape_cast %broadcast_in_dim3A_5 : vector<16xf32> to vector<1x16xf32>
    tpu.vector_store %arg10[%swap3A_1308, %swap3A_1309], %swap3A_1312 {strides = array<i32>} : memref<128x16xf32, #tpu.memory_space<vmem>>, vector<1x16xf32>,
    %swap3A_1313 = arith.constant 90 : i32
    %swap3A_1314 = arith.index_cast %swap3A_1313 : i32 to index
    %swap3A_1315 = arith.constant 0 : index
    %swap3A_1316 = tpu.vector_load %arg10[%swap3A_1314, %swap3A_1315] {strides = array<i32>} : memref<128x16xf32, #tpu.memory_space<vmem>>, vector<1x16xf32>,
    %swap3A_1317 = vector.shape_cast %swap3A_1316 : vector<1x16xf32> to vector<16xf32>
    %swap3A_1318 = vector.shape_cast %broadcast_in_dim3A_5 : vector<16xf32> to vector<1x16xf32>
    tpu.vector_store %arg10[%swap3A_1314, %swap3A_1315], %swap3A_1318 {strides = array<i32>} : memref<128x16xf32, #tpu.memory_space<vmem>>, vector<1x16xf32>,
    %swap3A_1319 = arith.constant 91 : i32
    %swap3A_1320 = arith.index_cast %swap3A_1319 : i32 to index
    %swap3A_1321 = arith.constant 0 : index
    %swap3A_1322 = tpu.vector_load %arg10[%swap3A_1320, %swap3A_1321] {strides = array<i32>} : memref<128x16xf32, #tpu.memory_space<vmem>>, vector<1x16xf32>,
    %swap3A_1323 = vector.shape_cast %swap3A_1322 : vector<1x16xf32> to vector<16xf32>
    %swap3A_1324 = vector.shape_cast %broadcast_in_dim3A_5 : vector<16xf32> to vector<1x16xf32>
    tpu.vector_store %arg10[%swap3A_1320, %swap3A_1321], %swap3A_1324 {strides = array<i32>} : memref<128x16xf32, #tpu.memory_space<vmem>>, vector<1x16xf32>,
    %swap3A_1325 = arith.constant 92 : i32
    %swap3A_1326 = arith.index_cast %swap3A_1325 : i32 to index
    %swap3A_1327 = arith.constant 0 : index
    %swap3A_1328 = tpu.vector_load %arg10[%swap3A_1326, %swap3A_1327] {strides = array<i32>} : memref<128x16xf32, #tpu.memory_space<vmem>>, vector<1x16xf32>,
    %swap3A_1329 = vector.shape_cast %swap3A_1328 : vector<1x16xf32> to vector<16xf32>
    %swap3A_1330 = vector.shape_cast %broadcast_in_dim3A_5 : vector<16xf32> to vector<1x16xf32>
    tpu.vector_store %arg10[%swap3A_1326, %swap3A_1327], %swap3A_1330 {strides = array<i32>} : memref<128x16xf32, #tpu.memory_space<vmem>>, vector<1x16xf32>,
    %swap3A_1331 = arith.constant 93 : i32
    %swap3A_1332 = arith.index_cast %swap3A_1331 : i32 to index
    %swap3A_1333 = arith.constant 0 : index
    %swap3A_1334 = tpu.vector_load %arg10[%swap3A_1332, %swap3A_1333] {strides = array<i32>} : memref<128x16xf32, #tpu.memory_space<vmem>>, vector<1x16xf32>,
    %swap3A_1335 = vector.shape_cast %swap3A_1334 : vector<1x16xf32> to vector<16xf32>
    %swap3A_1336 = vector.shape_cast %broadcast_in_dim3A_5 : vector<16xf32> to vector<1x16xf32>
    tpu.vector_store %arg10[%swap3A_1332, %swap3A_1333], %swap3A_1336 {strides = array<i32>} : memref<128x16xf32, #tpu.memory_space<vmem>>, vector<1x16xf32>,
    %swap3A_1337 = arith.constant 94 : i32
    %swap3A_1338 = arith.index_cast %swap3A_1337 : i32 to index
    %swap3A_1339 = arith.constant 0 : index
    %swap3A_1340 = tpu.vector_load %arg10[%swap3A_1338, %swap3A_1339] {strides = array<i32>} : memref<128x16xf32, #tpu.memory_space<vmem>>, vector<1x16xf32>,
    %swap3A_1341 = vector.shape_cast %swap3A_1340 : vector<1x16xf32> to vector<16xf32>
    %swap3A_1342 = vector.shape_cast %broadcast_in_dim3A_5 : vector<16xf32> to vector<1x16xf32>
    tpu.vector_store %arg10[%swap3A_1338, %swap3A_1339], %swap3A_1342 {strides = array<i32>} : memref<128x16xf32, #tpu.memory_space<vmem>>, vector<1x16xf32>,
    %swap3A_1343 = arith.constant 95 : i32
    %swap3A_1344 = arith.index_cast %swap3A_1343 : i32 to index
    %swap3A_1345 = arith.constant 0 : index
    %swap3A_1346 = tpu.vector_load %arg10[%swap3A_1344, %swap3A_1345] {strides = array<i32>} : memref<128x16xf32, #tpu.memory_space<vmem>>, vector<1x16xf32>,
    %swap3A_1347 = vector.shape_cast %swap3A_1346 : vector<1x16xf32> to vector<16xf32>
    %swap3A_1348 = vector.shape_cast %broadcast_in_dim3A_5 : vector<16xf32> to vector<1x16xf32>
    tpu.vector_store %arg10[%swap3A_1344, %swap3A_1345], %swap3A_1348 {strides = array<i32>} : memref<128x16xf32, #tpu.memory_space<vmem>>, vector<1x16xf32>,
    %swap3A_1349 = arith.constant 96 : i32
    %swap3A_1350 = arith.index_cast %swap3A_1349 : i32 to index
    %swap3A_1351 = arith.constant 0 : index
    %swap3A_1352 = tpu.vector_load %arg10[%swap3A_1350, %swap3A_1351] {strides = array<i32>} : memref<128x16xf32, #tpu.memory_space<vmem>>, vector<1x16xf32>,
    %swap3A_1353 = vector.shape_cast %swap3A_1352 : vector<1x16xf32> to vector<16xf32>
    %swap3A_1354 = vector.shape_cast %broadcast_in_dim3A_5 : vector<16xf32> to vector<1x16xf32>
    tpu.vector_store %arg10[%swap3A_1350, %swap3A_1351], %swap3A_1354 {strides = array<i32>} : memref<128x16xf32, #tpu.memory_space<vmem>>, vector<1x16xf32>,
    %swap3A_1355 = arith.constant 97 : i32
    %swap3A_1356 = arith.index_cast %swap3A_1355 : i32 to index
    %swap3A_1357 = arith.constant 0 : index
    %swap3A_1358 = tpu.vector_load %arg10[%swap3A_1356, %swap3A_1357] {strides = array<i32>} : memref<128x16xf32, #tpu.memory_space<vmem>>, vector<1x16xf32>,
    %swap3A_1359 = vector.shape_cast %swap3A_1358 : vector<1x16xf32> to vector<16xf32>
    %swap3A_1360 = vector.shape_cast %broadcast_in_dim3A_5 : vector<16xf32> to vector<1x16xf32>
    tpu.vector_store %arg10[%swap3A_1356, %swap3A_1357], %swap3A_1360 {strides = array<i32>} : memref<128x16xf32, #tpu.memory_space<vmem>>, vector<1x16xf32>,
    %swap3A_1361 = arith.constant 98 : i32
    %swap3A_1362 = arith.index_cast %swap3A_1361 : i32 to index
    %swap3A_1363 = arith.constant 0 : index
    %swap3A_1364 = tpu.vector_load %arg10[%swap3A_1362, %swap3A_1363] {strides = array<i32>} : memref<128x16xf32, #tpu.memory_space<vmem>>, vector<1x16xf32>,
    %swap3A_1365 = vector.shape_cast %swap3A_1364 : vector<1x16xf32> to vector<16xf32>
    %swap3A_1366 = vector.shape_cast %broadcast_in_dim3A_5 : vector<16xf32> to vector<1x16xf32>
    tpu.vector_store %arg10[%swap3A_1362, %swap3A_1363], %swap3A_1366 {strides = array<i32>} : memref<128x16xf32, #tpu.memory_space<vmem>>, vector<1x16xf32>,
    %swap3A_1367 = arith.constant 99 : i32
    %swap3A_1368 = arith.index_cast %swap3A_1367 : i32 to index
    %swap3A_1369 = arith.constant 0 : index
    %swap3A_1370 = tpu.vector_load %arg10[%swap3A_1368, %swap3A_1369] {strides = array<i32>} : memref<128x16xf32, #tpu.memory_space<vmem>>, vector<1x16xf32>,
    %swap3A_1371 = vector.shape_cast %swap3A_1370 : vector<1x16xf32> to vector<16xf32>
    %swap3A_1372 = vector.shape_cast %broadcast_in_dim3A_5 : vector<16xf32> to vector<1x16xf32>
    tpu.vector_store %arg10[%swap3A_1368, %swap3A_1369], %swap3A_1372 {strides = array<i32>} : memref<128x16xf32, #tpu.memory_space<vmem>>, vector<1x16xf32>,
    %swap3A_1373 = arith.constant 100 : i32
    %swap3A_1374 = arith.index_cast %swap3A_1373 : i32 to index
    %swap3A_1375 = arith.constant 0 : index
    %swap3A_1376 = tpu.vector_load %arg10[%swap3A_1374, %swap3A_1375] {strides = array<i32>} : memref<128x16xf32, #tpu.memory_space<vmem>>, vector<1x16xf32>,
    %swap3A_1377 = vector.shape_cast %swap3A_1376 : vector<1x16xf32> to vector<16xf32>
    %swap3A_1378 = vector.shape_cast %broadcast_in_dim3A_5 : vector<16xf32> to vector<1x16xf32>
    tpu.vector_store %arg10[%swap3A_1374, %swap3A_1375], %swap3A_1378 {strides = array<i32>} : memref<128x16xf32, #tpu.memory_space<vmem>>, vector<1x16xf32>,
    %swap3A_1379 = arith.constant 101 : i32
    %swap3A_1380 = arith.index_cast %swap3A_1379 : i32 to index
    %swap3A_1381 = arith.constant 0 : index
    %swap3A_1382 = tpu.vector_load %arg10[%swap3A_1380, %swap3A_1381] {strides = array<i32>} : memref<128x16xf32, #tpu.memory_space<vmem>>, vector<1x16xf32>,
    %swap3A_1383 = vector.shape_cast %swap3A_1382 : vector<1x16xf32> to vector<16xf32>
    %swap3A_1384 = vector.shape_cast %broadcast_in_dim3A_5 : vector<16xf32> to vector<1x16xf32>
    tpu.vector_store %arg10[%swap3A_1380, %swap3A_1381], %swap3A_1384 {strides = array<i32>} : memref<128x16xf32, #tpu.memory_space<vmem>>, vector<1x16xf32>,
    %swap3A_1385 = arith.constant 102 : i32
    %swap3A_1386 = arith.index_cast %swap3A_1385 : i32 to index
    %swap3A_1387 = arith.constant 0 : index
    %swap3A_1388 = tpu.vector_load %arg10[%swap3A_1386, %swap3A_1387] {strides = array<i32>} : memref<128x16xf32, #tpu.memory_space<vmem>>, vector<1x16xf32>,
    %swap3A_1389 = vector.shape_cast %swap3A_1388 : vector<1x16xf32> to vector<16xf32>
    %swap3A_1390 = vector.shape_cast %broadcast_in_dim3A_5 : vector<16xf32> to vector<1x16xf32>
    tpu.vector_store %arg10[%swap3A_1386, %swap3A_1387], %swap3A_1390 {strides = array<i32>} : memref<128x16xf32, #tpu.memory_space<vmem>>, vector<1x16xf32>,
    %swap3A_1391 = arith.constant 103 : i32
    %swap3A_1392 = arith.index_cast %swap3A_1391 : i32 to index
    %swap3A_1393 = arith.constant 0 : index
    %swap3A_1394 = tpu.vector_load %arg10[%swap3A_1392, %swap3A_1393] {strides = array<i32>} : memref<128x16xf32, #tpu.memory_space<vmem>>, vector<1x16xf32>,
    %swap3A_1395 = vector.shape_cast %swap3A_1394 : vector<1x16xf32> to vector<16xf32>
    %swap3A_1396 = vector.shape_cast %broadcast_in_dim3A_5 : vector<16xf32> to vector<1x16xf32>
    tpu.vector_store %arg10[%swap3A_1392, %swap3A_1393], %swap3A_1396 {strides = array<i32>} : memref<128x16xf32, #tpu.memory_space<vmem>>, vector<1x16xf32>,
    %swap3A_1397 = arith.constant 104 : i32
    %swap3A_1398 = arith.index_cast %swap3A_1397 : i32 to index
    %swap3A_1399 = arith.constant 0 : index
    %swap3A_1400 = tpu.vector_load %arg10[%swap3A_1398, %swap3A_1399] {strides = array<i32>} : memref<128x16xf32, #tpu.memory_space<vmem>>, vector<1x16xf32>,
    %swap3A_1401 = vector.shape_cast %swap3A_1400 : vector<1x16xf32> to vector<16xf32>
    %swap3A_1402 = vector.shape_cast %broadcast_in_dim3A_5 : vector<16xf32> to vector<1x16xf32>
    tpu.vector_store %arg10[%swap3A_1398, %swap3A_1399], %swap3A_1402 {strides = array<i32>} : memref<128x16xf32, #tpu.memory_space<vmem>>, vector<1x16xf32>,
    %swap3A_1403 = arith.constant 105 : i32
    %swap3A_1404 = arith.index_cast %swap3A_1403 : i32 to index
    %swap3A_1405 = arith.constant 0 : index
    %swap3A_1406 = tpu.vector_load %arg10[%swap3A_1404, %swap3A_1405] {strides = array<i32>} : memref<128x16xf32, #tpu.memory_space<vmem>>, vector<1x16xf32>,
    %swap3A_1407 = vector.shape_cast %swap3A_1406 : vector<1x16xf32> to vector<16xf32>
    %swap3A_1408 = vector.shape_cast %broadcast_in_dim3A_5 : vector<16xf32> to vector<1x16xf32>
    tpu.vector_store %arg10[%swap3A_1404, %swap3A_1405], %swap3A_1408 {strides = array<i32>} : memref<128x16xf32, #tpu.memory_space<vmem>>, vector<1x16xf32>,
    %swap3A_1409 = arith.constant 106 : i32
    %swap3A_1410 = arith.index_cast %swap3A_1409 : i32 to index
    %swap3A_1411 = arith.constant 0 : index
    %swap3A_1412 = tpu.vector_load %arg10[%swap3A_1410, %swap3A_1411] {strides = array<i32>} : memref<128x16xf32, #tpu.memory_space<vmem>>, vector<1x16xf32>,
    %swap3A_1413 = vector.shape_cast %swap3A_1412 : vector<1x16xf32> to vector<16xf32>
    %swap3A_1414 = vector.shape_cast %broadcast_in_dim3A_5 : vector<16xf32> to vector<1x16xf32>
    tpu.vector_store %arg10[%swap3A_1410, %swap3A_1411], %swap3A_1414 {strides = array<i32>} : memref<128x16xf32, #tpu.memory_space<vmem>>, vector<1x16xf32>,
    %swap3A_1415 = arith.constant 107 : i32
    %swap3A_1416 = arith.index_cast %swap3A_1415 : i32 to index
    %swap3A_1417 = arith.constant 0 : index
    %swap3A_1418 = tpu.vector_load %arg10[%swap3A_1416, %swap3A_1417] {strides = array<i32>} : memref<128x16xf32, #tpu.memory_space<vmem>>, vector<1x16xf32>,
    %swap3A_1419 = vector.shape_cast %swap3A_1418 : vector<1x16xf32> to vector<16xf32>
    %swap3A_1420 = vector.shape_cast %broadcast_in_dim3A_5 : vector<16xf32> to vector<1x16xf32>
    tpu.vector_store %arg10[%swap3A_1416, %swap3A_1417], %swap3A_1420 {strides = array<i32>} : memref<128x16xf32, #tpu.memory_space<vmem>>, vector<1x16xf32>,
    %swap3A_1421 = arith.constant 108 : i32
    %swap3A_1422 = arith.index_cast %swap3A_1421 : i32 to index
    %swap3A_1423 = arith.constant 0 : index
    %swap3A_1424 = tpu.vector_load %arg10[%swap3A_1422, %swap3A_1423] {strides = array<i32>} : memref<128x16xf32, #tpu.memory_space<vmem>>, vector<1x16xf32>,
    %swap3A_1425 = vector.shape_cast %swap3A_1424 : vector<1x16xf32> to vector<16xf32>
    %swap3A_1426 = vector.shape_cast %broadcast_in_dim3A_5 : vector<16xf32> to vector<1x16xf32>
    tpu.vector_store %arg10[%swap3A_1422, %swap3A_1423], %swap3A_1426 {strides = array<i32>} : memref<128x16xf32, #tpu.memory_space<vmem>>, vector<1x16xf32>,
    %swap3A_1427 = arith.constant 109 : i32
    %swap3A_1428 = arith.index_cast %swap3A_1427 : i32 to index
    %swap3A_1429 = arith.constant 0 : index
    %swap3A_1430 = tpu.vector_load %arg10[%swap3A_1428, %swap3A_1429] {strides = array<i32>} : memref<128x16xf32, #tpu.memory_space<vmem>>, vector<1x16xf32>,
    %swap3A_1431 = vector.shape_cast %swap3A_1430 : vector<1x16xf32> to vector<16xf32>
    %swap3A_1432 = vector.shape_cast %broadcast_in_dim3A_5 : vector<16xf32> to vector<1x16xf32>
    tpu.vector_store %arg10[%swap3A_1428, %swap3A_1429], %swap3A_1432 {strides = array<i32>} : memref<128x16xf32, #tpu.memory_space<vmem>>, vector<1x16xf32>,
    %swap3A_1433 = arith.constant 110 : i32
    %swap3A_1434 = arith.index_cast %swap3A_1433 : i32 to index
    %swap3A_1435 = arith.constant 0 : index
    %swap3A_1436 = tpu.vector_load %arg10[%swap3A_1434, %swap3A_1435] {strides = array<i32>} : memref<128x16xf32, #tpu.memory_space<vmem>>, vector<1x16xf32>,
    %swap3A_1437 = vector.shape_cast %swap3A_1436 : vector<1x16xf32> to vector<16xf32>
    %swap3A_1438 = vector.shape_cast %broadcast_in_dim3A_5 : vector<16xf32> to vector<1x16xf32>
    tpu.vector_store %arg10[%swap3A_1434, %swap3A_1435], %swap3A_1438 {strides = array<i32>} : memref<128x16xf32, #tpu.memory_space<vmem>>, vector<1x16xf32>,
    %swap3A_1439 = arith.constant 111 : i32
    %swap3A_1440 = arith.index_cast %swap3A_1439 : i32 to index
    %swap3A_1441 = arith.constant 0 : index
    %swap3A_1442 = tpu.vector_load %arg10[%swap3A_1440, %swap3A_1441] {strides = array<i32>} : memref<128x16xf32, #tpu.memory_space<vmem>>, vector<1x16xf32>,
    %swap3A_1443 = vector.shape_cast %swap3A_1442 : vector<1x16xf32> to vector<16xf32>
    %swap3A_1444 = vector.shape_cast %broadcast_in_dim3A_5 : vector<16xf32> to vector<1x16xf32>
    tpu.vector_store %arg10[%swap3A_1440, %swap3A_1441], %swap3A_1444 {strides = array<i32>} : memref<128x16xf32, #tpu.memory_space<vmem>>, vector<1x16xf32>,
    %swap3A_1445 = arith.constant 112 : i32
    %swap3A_1446 = arith.index_cast %swap3A_1445 : i32 to index
    %swap3A_1447 = arith.constant 0 : index
    %swap3A_1448 = tpu.vector_load %arg10[%swap3A_1446, %swap3A_1447] {strides = array<i32>} : memref<128x16xf32, #tpu.memory_space<vmem>>, vector<1x16xf32>,
    %swap3A_1449 = vector.shape_cast %swap3A_1448 : vector<1x16xf32> to vector<16xf32>
    %swap3A_1450 = vector.shape_cast %broadcast_in_dim3A_5 : vector<16xf32> to vector<1x16xf32>
    tpu.vector_store %arg10[%swap3A_1446, %swap3A_1447], %swap3A_1450 {strides = array<i32>} : memref<128x16xf32, #tpu.memory_space<vmem>>, vector<1x16xf32>,
    %swap3A_1451 = arith.constant 113 : i32
    %swap3A_1452 = arith.index_cast %swap3A_1451 : i32 to index
    %swap3A_1453 = arith.constant 0 : index
    %swap3A_1454 = tpu.vector_load %arg10[%swap3A_1452, %swap3A_1453] {strides = array<i32>} : memref<128x16xf32, #tpu.memory_space<vmem>>, vector<1x16xf32>,
    %swap3A_1455 = vector.shape_cast %swap3A_1454 : vector<1x16xf32> to vector<16xf32>
    %swap3A_1456 = vector.shape_cast %broadcast_in_dim3A_5 : vector<16xf32> to vector<1x16xf32>
    tpu.vector_store %arg10[%swap3A_1452, %swap3A_1453], %swap3A_1456 {strides = array<i32>} : memref<128x16xf32, #tpu.memory_space<vmem>>, vector<1x16xf32>,
    %swap3A_1457 = arith.constant 114 : i32
    %swap3A_1458 = arith.index_cast %swap3A_1457 : i32 to index
    %swap3A_1459 = arith.constant 0 : index
    %swap3A_1460 = tpu.vector_load %arg10[%swap3A_1458, %swap3A_1459] {strides = array<i32>} : memref<128x16xf32, #tpu.memory_space<vmem>>, vector<1x16xf32>,
    %swap3A_1461 = vector.shape_cast %swap3A_1460 : vector<1x16xf32> to vector<16xf32>
    %swap3A_1462 = vector.shape_cast %broadcast_in_dim3A_5 : vector<16xf32> to vector<1x16xf32>
    tpu.vector_store %arg10[%swap3A_1458, %swap3A_1459], %swap3A_1462 {strides = array<i32>} : memref<128x16xf32, #tpu.memory_space<vmem>>, vector<1x16xf32>,
    %swap3A_1463 = arith.constant 115 : i32
    %swap3A_1464 = arith.index_cast %swap3A_1463 : i32 to index
    %swap3A_1465 = arith.constant 0 : index
    %swap3A_1466 = tpu.vector_load %arg10[%swap3A_1464, %swap3A_1465] {strides = array<i32>} : memref<128x16xf32, #tpu.memory_space<vmem>>, vector<1x16xf32>,
    %swap3A_1467 = vector.shape_cast %swap3A_1466 : vector<1x16xf32> to vector<16xf32>
    %swap3A_1468 = vector.shape_cast %broadcast_in_dim3A_5 : vector<16xf32> to vector<1x16xf32>
    tpu.vector_store %arg10[%swap3A_1464, %swap3A_1465], %swap3A_1468 {strides = array<i32>} : memref<128x16xf32, #tpu.memory_space<vmem>>, vector<1x16xf32>,
    %swap3A_1469 = arith.constant 116 : i32
    %swap3A_1470 = arith.index_cast %swap3A_1469 : i32 to index
    %swap3A_1471 = arith.constant 0 : index
    %swap3A_1472 = tpu.vector_load %arg10[%swap3A_1470, %swap3A_1471] {strides = array<i32>} : memref<128x16xf32, #tpu.memory_space<vmem>>, vector<1x16xf32>,
    %swap3A_1473 = vector.shape_cast %swap3A_1472 : vector<1x16xf32> to vector<16xf32>
    %swap3A_1474 = vector.shape_cast %broadcast_in_dim3A_5 : vector<16xf32> to vector<1x16xf32>
    tpu.vector_store %arg10[%swap3A_1470, %swap3A_1471], %swap3A_1474 {strides = array<i32>} : memref<128x16xf32, #tpu.memory_space<vmem>>, vector<1x16xf32>,
    %swap3A_1475 = arith.constant 117 : i32
    %swap3A_1476 = arith.index_cast %swap3A_1475 : i32 to index
    %swap3A_1477 = arith.constant 0 : index
    %swap3A_1478 = tpu.vector_load %arg10[%swap3A_1476, %swap3A_1477] {strides = array<i32>} : memref<128x16xf32, #tpu.memory_space<vmem>>, vector<1x16xf32>,
    %swap3A_1479 = vector.shape_cast %swap3A_1478 : vector<1x16xf32> to vector<16xf32>
    %swap3A_1480 = vector.shape_cast %broadcast_in_dim3A_5 : vector<16xf32> to vector<1x16xf32>
    tpu.vector_store %arg10[%swap3A_1476, %swap3A_1477], %swap3A_1480 {strides = array<i32>} : memref<128x16xf32, #tpu.memory_space<vmem>>, vector<1x16xf32>,
    %swap3A_1481 = arith.constant 118 : i32
    %swap3A_1482 = arith.index_cast %swap3A_1481 : i32 to index
    %swap3A_1483 = arith.constant 0 : index
    %swap3A_1484 = tpu.vector_load %arg10[%swap3A_1482, %swap3A_1483] {strides = array<i32>} : memref<128x16xf32, #tpu.memory_space<vmem>>, vector<1x16xf32>,
    %swap3A_1485 = vector.shape_cast %swap3A_1484 : vector<1x16xf32> to vector<16xf32>
    %swap3A_1486 = vector.shape_cast %broadcast_in_dim3A_5 : vector<16xf32> to vector<1x16xf32>
    tpu.vector_store %arg10[%swap3A_1482, %swap3A_1483], %swap3A_1486 {strides = array<i32>} : memref<128x16xf32, #tpu.memory_space<vmem>>, vector<1x16xf32>,
    %swap3A_1487 = arith.constant 119 : i32
    %swap3A_1488 = arith.index_cast %swap3A_1487 : i32 to index
    %swap3A_1489 = arith.constant 0 : index
    %swap3A_1490 = tpu.vector_load %arg10[%swap3A_1488, %swap3A_1489] {strides = array<i32>} : memref<128x16xf32, #tpu.memory_space<vmem>>, vector<1x16xf32>,
    %swap3A_1491 = vector.shape_cast %swap3A_1490 : vector<1x16xf32> to vector<16xf32>
    %swap3A_1492 = vector.shape_cast %broadcast_in_dim3A_5 : vector<16xf32> to vector<1x16xf32>
    tpu.vector_store %arg10[%swap3A_1488, %swap3A_1489], %swap3A_1492 {strides = array<i32>} : memref<128x16xf32, #tpu.memory_space<vmem>>, vector<1x16xf32>,
    %swap3A_1493 = arith.constant 120 : i32
    %swap3A_1494 = arith.index_cast %swap3A_1493 : i32 to index
    %swap3A_1495 = arith.constant 0 : index
    %swap3A_1496 = tpu.vector_load %arg10[%swap3A_1494, %swap3A_1495] {strides = array<i32>} : memref<128x16xf32, #tpu.memory_space<vmem>>, vector<1x16xf32>,
    %swap3A_1497 = vector.shape_cast %swap3A_1496 : vector<1x16xf32> to vector<16xf32>
    %swap3A_1498 = vector.shape_cast %broadcast_in_dim3A_5 : vector<16xf32> to vector<1x16xf32>
    tpu.vector_store %arg10[%swap3A_1494, %swap3A_1495], %swap3A_1498 {strides = array<i32>} : memref<128x16xf32, #tpu.memory_space<vmem>>, vector<1x16xf32>,
    %swap3A_1499 = arith.constant 121 : i32
    %swap3A_1500 = arith.index_cast %swap3A_1499 : i32 to index
    %swap3A_1501 = arith.constant 0 : index
    %swap3A_1502 = tpu.vector_load %arg10[%swap3A_1500, %swap3A_1501] {strides = array<i32>} : memref<128x16xf32, #tpu.memory_space<vmem>>, vector<1x16xf32>,
    %swap3A_1503 = vector.shape_cast %swap3A_1502 : vector<1x16xf32> to vector<16xf32>
    %swap3A_1504 = vector.shape_cast %broadcast_in_dim3A_5 : vector<16xf32> to vector<1x16xf32>
    tpu.vector_store %arg10[%swap3A_1500, %swap3A_1501], %swap3A_1504 {strides = array<i32>} : memref<128x16xf32, #tpu.memory_space<vmem>>, vector<1x16xf32>,
    %swap3A_1505 = arith.constant 122 : i32
    %swap3A_1506 = arith.index_cast %swap3A_1505 : i32 to index
    %swap3A_1507 = arith.constant 0 : index
    %swap3A_1508 = tpu.vector_load %arg10[%swap3A_1506, %swap3A_1507] {strides = array<i32>} : memref<128x16xf32, #tpu.memory_space<vmem>>, vector<1x16xf32>,
    %swap3A_1509 = vector.shape_cast %swap3A_1508 : vector<1x16xf32> to vector<16xf32>
    %swap3A_1510 = vector.shape_cast %broadcast_in_dim3A_5 : vector<16xf32> to vector<1x16xf32>
    tpu.vector_store %arg10[%swap3A_1506, %swap3A_1507], %swap3A_1510 {strides = array<i32>} : memref<128x16xf32, #tpu.memory_space<vmem>>, vector<1x16xf32>,
    %swap3A_1511 = arith.constant 123 : i32
    %swap3A_1512 = arith.index_cast %swap3A_1511 : i32 to index
    %swap3A_1513 = arith.constant 0 : index
    %swap3A_1514 = tpu.vector_load %arg10[%swap3A_1512, %swap3A_1513] {strides = array<i32>} : memref<128x16xf32, #tpu.memory_space<vmem>>, vector<1x16xf32>,
    %swap3A_1515 = vector.shape_cast %swap3A_1514 : vector<1x16xf32> to vector<16xf32>
    %swap3A_1516 = vector.shape_cast %broadcast_in_dim3A_5 : vector<16xf32> to vector<1x16xf32>
    tpu.vector_store %arg10[%swap3A_1512, %swap3A_1513], %swap3A_1516 {strides = array<i32>} : memref<128x16xf32, #tpu.memory_space<vmem>>, vector<1x16xf32>,
    %swap3A_1517 = arith.constant 124 : i32
    %swap3A_1518 = arith.index_cast %swap3A_1517 : i32 to index
    %swap3A_1519 = arith.constant 0 : index
    %swap3A_1520 = tpu.vector_load %arg10[%swap3A_1518, %swap3A_1519] {strides = array<i32>} : memref<128x16xf32, #tpu.memory_space<vmem>>, vector<1x16xf32>,
    %swap3A_1521 = vector.shape_cast %swap3A_1520 : vector<1x16xf32> to vector<16xf32>
    %swap3A_1522 = vector.shape_cast %broadcast_in_dim3A_5 : vector<16xf32> to vector<1x16xf32>
    tpu.vector_store %arg10[%swap3A_1518, %swap3A_1519], %swap3A_1522 {strides = array<i32>} : memref<128x16xf32, #tpu.memory_space<vmem>>, vector<1x16xf32>,
    %swap3A_1523 = arith.constant 125 : i32
    %swap3A_1524 = arith.index_cast %swap3A_1523 : i32 to index
    %swap3A_1525 = arith.constant 0 : index
    %swap3A_1526 = tpu.vector_load %arg10[%swap3A_1524, %swap3A_1525] {strides = array<i32>} : memref<128x16xf32, #tpu.memory_space<vmem>>, vector<1x16xf32>,
    %swap3A_1527 = vector.shape_cast %swap3A_1526 : vector<1x16xf32> to vector<16xf32>
    %swap3A_1528 = vector.shape_cast %broadcast_in_dim3A_5 : vector<16xf32> to vector<1x16xf32>
    tpu.vector_store %arg10[%swap3A_1524, %swap3A_1525], %swap3A_1528 {strides = array<i32>} : memref<128x16xf32, #tpu.memory_space<vmem>>, vector<1x16xf32>,
    %swap3A_1529 = arith.constant 126 : i32
    %swap3A_1530 = arith.index_cast %swap3A_1529 : i32 to index
    %swap3A_1531 = arith.constant 0 : index
    %swap3A_1532 = tpu.vector_load %arg10[%swap3A_1530, %swap3A_1531] {strides = array<i32>} : memref<128x16xf32, #tpu.memory_space<vmem>>, vector<1x16xf32>,
    %swap3A_1533 = vector.shape_cast %swap3A_1532 : vector<1x16xf32> to vector<16xf32>
    %swap3A_1534 = vector.shape_cast %broadcast_in_dim3A_5 : vector<16xf32> to vector<1x16xf32>
    tpu.vector_store %arg10[%swap3A_1530, %swap3A_1531], %swap3A_1534 {strides = array<i32>} : memref<128x16xf32, #tpu.memory_space<vmem>>, vector<1x16xf32>,
    %swap3A_1535 = arith.constant 127 : i32
    %swap3A_1536 = arith.index_cast %swap3A_1535 : i32 to index
    %swap3A_1537 = arith.constant 0 : index
    %swap3A_1538 = tpu.vector_load %arg10[%swap3A_1536, %swap3A_1537] {strides = array<i32>} : memref<128x16xf32, #tpu.memory_space<vmem>>, vector<1x16xf32>,
    %swap3A_1539 = vector.shape_cast %swap3A_1538 : vector<1x16xf32> to vector<16xf32>
    %swap3A_1540 = vector.shape_cast %broadcast_in_dim3A_5 : vector<16xf32> to vector<1x16xf32>
    tpu.vector_store %arg10[%swap3A_1536, %swap3A_1537], %swap3A_1540 {strides = array<i32>} : memref<128x16xf32, #tpu.memory_space<vmem>>, vector<1x16xf32>,
    %scan3A = arith.constant 0 : i32
    %scan3A_1541 = arith.constant 0 : i32
    %scan3A_1542 = arith.constant 5 : i32
    %scan3A_1543 = arith.addi %scan3A_1541, %scan3A_1542 : i32
    %scan3A_1544 = arith.constant 1 : i32
    scf.for %scan3A_1560 = %scan3A_1541 to %scan3A_1543 step %scan3A_1544  : i32 {
      %mul3A_1561 = arith.constant 128 : i32
      %mul3A_1562 = arith.muli %scan3A_1560, %mul3A_1561 : i32
      %add3A = arith.addi %mul3A_0, %mul3A_1562 : i32
      "tpu.region"() ({
        %run_scoped3A = tpu.sem_alloc : memref<!tpu.dma_semaphore, #tpu.memory_space<semaphore_mem>>
        %dma_start3A = arith.constant 0 : i32
        %dma_start3A_1563 = tpu.memref_slice %arg11[%add3A, %dma_start3A] : memref<10240x16xf32, #tpu.memory_space<vmem_shared>> -> memref<128x16xf32, #tpu.memory_space<vmem_shared>>
        %dma_start3A_1564 = arith.constant 0 : i32
        %dma_start3A_1565 = tpu.memref_slice %arg11[%add3A, %dma_start3A_1564] : memref<10240x16xf32, #tpu.memory_space<vmem_shared>> -> memref<128x16xf32, #tpu.memory_space<vmem_shared>>
        tpu.enqueue_dma source(%arg10 : memref<128x16xf32, #tpu.memory_space<vmem>>) target(%dma_start3A_1565 : memref<128x16xf32, #tpu.memory_space<vmem_shared>>) target_semaphore(%run_scoped3A : memref<!tpu.dma_semaphore, #tpu.memory_space<semaphore_mem>>)
        %dma_wait3A = arith.constant 0 : i32
        %dma_wait3A_1566 = tpu.memref_slice %arg11[%add3A, %dma_wait3A] : memref<10240x16xf32, #tpu.memory_space<vmem_shared>> -> memref<128x16xf32, #tpu.memory_space<vmem_shared>>
        %dma_wait3A_1567 = arith.constant 0 : i32
        %dma_wait3A_1568 = tpu.memref_slice %arg11[%add3A, %dma_wait3A_1567] : memref<10240x16xf32, #tpu.memory_space<vmem_shared>> -> memref<128x16xf32, #tpu.memory_space<vmem_shared>>
        tpu.wait_dma2 semaphore(%run_scoped3A : memref<!tpu.dma_semaphore, #tpu.memory_space<semaphore_mem>>) src(%arg10 : memref<128x16xf32, #tpu.memory_space<vmem>>) dst(%dma_wait3A_1568 : memref<128x16xf32, #tpu.memory_space<vmem_shared>>)
        tpu.yield
      }) : () -> ()
    }
    %scan3A_1545 = arith.constant 5 : i32
    %barrier3A = arith.constant 0 : index
    tpu.barrier barrier_id(%barrier3A)
    %eq3A = arith.constant 0 : i32
    %eq3A_1546 = arith.cmpi eq, %arg0, %eq3A : i32
    %convert_element_type3A = arith.extui %eq3A_1546 : i1 to i32
    %cond3A = arith.constant 0 : i32
    %cond3A_1547 = arith.cmpi ne, %convert_element_type3A, %cond3A : i32
    scf.if %cond3A_1547 {
      %scan3A_1560 = arith.constant 0 : i32
      %scan3A_1561 = arith.constant 0 : i32
      %scan3A_1562 = arith.constant 79 : i32
      %scan3A_1563 = arith.addi %scan3A_1561, %scan3A_1562 : i32
      %scan3A_1564 = arith.constant 1 : i32
      scf.for %scan3A_1566 = %scan3A_1561 to %scan3A_1563 step %scan3A_1564  : i32 {
        %mul3A_1567 = arith.constant 128 : i32
        %mul3A_1568 = arith.muli %scan3A_1566, %mul3A_1567 : i32
        %add3A = arith.addi %mul3A_2, %mul3A_1568 : i32
        "tpu.region"() ({
          %run_scoped3A = tpu.sem_alloc : memref<!tpu.dma_semaphore, #tpu.memory_space<semaphore_mem>>
          %dma_start3A = tpu.memref_slice %arg2[%add3A] : memref<161792xi32, #tpu.memory_space<hbm>> -> memref<128xi32, #tpu.memory_space<hbm>>
          %dma_start3A_1677 = tpu.memref_slice %arg2[%add3A] : memref<161792xi32, #tpu.memory_space<hbm>> -> memref<128xi32, #tpu.memory_space<hbm>>
          tpu.enqueue_dma source(%dma_start3A_1677 : memref<128xi32, #tpu.memory_space<hbm>>) target(%arg6 : memref<128xi32, #tpu.memory_space<vmem>>) target_semaphore(%run_scoped3A : memref<!tpu.dma_semaphore, #tpu.memory_space<semaphore_mem>>)
          %dma_wait3A = tpu.memref_slice %arg2[%add3A] : memref<161792xi32, #tpu.memory_space<hbm>> -> memref<128xi32, #tpu.memory_space<hbm>>
          %dma_wait3A_1678 = tpu.memref_slice %arg2[%add3A] : memref<161792xi32, #tpu.memory_space<hbm>> -> memref<128xi32, #tpu.memory_space<hbm>>
          tpu.wait_dma2 semaphore(%run_scoped3A : memref<!tpu.dma_semaphore, #tpu.memory_space<semaphore_mem>>) src(%dma_wait3A_1678 : memref<128xi32, #tpu.memory_space<hbm>>) dst(%arg6 : memref<128xi32, #tpu.memory_space<vmem>>)
          tpu.yield
        }) : () -> ()
        "tpu.region"() ({
          %run_scoped3A = tpu.sem_alloc : memref<!tpu.dma_semaphore, #tpu.memory_space<semaphore_mem>>
          %dma_start3A = tpu.memref_slice %arg3[%add3A] : memref<161792xi32, #tpu.memory_space<hbm>> -> memref<128xi32, #tpu.memory_space<hbm>>
          %dma_start3A_1677 = tpu.memref_slice %arg3[%add3A] : memref<161792xi32, #tpu.memory_space<hbm>> -> memref<128xi32, #tpu.memory_space<hbm>>
          tpu.enqueue_dma source(%dma_start3A_1677 : memref<128xi32, #tpu.memory_space<hbm>>) target(%arg7 : memref<128xi32, #tpu.memory_space<vmem>>) target_semaphore(%run_scoped3A : memref<!tpu.dma_semaphore, #tpu.memory_space<semaphore_mem>>)
          %dma_wait3A = tpu.memref_slice %arg3[%add3A] : memref<161792xi32, #tpu.memory_space<hbm>> -> memref<128xi32, #tpu.memory_space<hbm>>
          %dma_wait3A_1678 = tpu.memref_slice %arg3[%add3A] : memref<161792xi32, #tpu.memory_space<hbm>> -> memref<128xi32, #tpu.memory_space<hbm>>
          tpu.wait_dma2 semaphore(%run_scoped3A : memref<!tpu.dma_semaphore, #tpu.memory_space<semaphore_mem>>) src(%dma_wait3A_1678 : memref<128xi32, #tpu.memory_space<hbm>>) dst(%arg7 : memref<128xi32, #tpu.memory_space<vmem>>)
          tpu.yield
        }) : () -> ()
        %get3A = arith.constant 0 : index
        %get3A_1569 = tpu.vector_load %arg6[%get3A] {strides = array<i32>} : memref<128xi32, #tpu.memory_space<vmem>>, vector<16xi32>,
        %get3A_1570 = vector.shape_cast %get3A_1569 : vector<16xi32> to vector<16xi32>
        %get3A_1571 = arith.constant 0 : index
        %get3A_1572 = tpu.vector_load %arg7[%get3A_1571] {strides = array<i32>} : memref<128xi32, #tpu.memory_space<vmem>>, vector<16xi32>,
        %get3A_1573 = vector.shape_cast %get3A_1572 : vector<16xi32> to vector<16xi32>
        %ne3A = arith.cmpi ne, %get3A_1570, %get3A_1573 : vector<16xi32>
        %jit3A = arith.constant 10016 : i32
        %broadcast_in_dim3A_1574 = vector.broadcast %jit3A : i32 to vector<16xi32>
        %select_n3A = arith.select %ne3A, %get3A_1570, %broadcast_in_dim3A_1574 : vector<16xi1>, vector<16xi32>
        %swap3A_1575 = arith.constant 0 : index
        %swap3A_1576 = tpu.vector_load %arg8[%swap3A_1575] {strides = array<i32>} : memref<128xi32, #tpu.memory_space<vmem>>, vector<16xi32>,
        %swap3A_1577 = vector.shape_cast %swap3A_1576 : vector<16xi32> to vector<16xi32>
        %swap3A_1578 = vector.shape_cast %select_n3A : vector<16xi32> to vector<16xi32>
        tpu.vector_store %arg8[%swap3A_1575], %swap3A_1578 {strides = array<i32>} : memref<128xi32, #tpu.memory_space<vmem>>, vector<16xi32>,
        %get3A_1579 = arith.constant 16 : index
        %get3A_1580 = tpu.vector_load %arg6[%get3A_1579] {strides = array<i32>} : memref<128xi32, #tpu.memory_space<vmem>>, vector<16xi32>,
        %get3A_1581 = vector.shape_cast %get3A_1580 : vector<16xi32> to vector<16xi32>
        %get3A_1582 = arith.constant 16 : index
        %get3A_1583 = tpu.vector_load %arg7[%get3A_1582] {strides = array<i32>} : memref<128xi32, #tpu.memory_space<vmem>>, vector<16xi32>,
        %get3A_1584 = vector.shape_cast %get3A_1583 : vector<16xi32> to vector<16xi32>
        %ne3A_1585 = arith.cmpi ne, %get3A_1581, %get3A_1584 : vector<16xi32>
        %jit3A_1586 = arith.constant 10016 : i32
        %broadcast_in_dim3A_1587 = vector.broadcast %jit3A_1586 : i32 to vector<16xi32>
        %select_n3A_1588 = arith.select %ne3A_1585, %get3A_1581, %broadcast_in_dim3A_1587 : vector<16xi1>, vector<16xi32>
        %swap3A_1589 = arith.constant 16 : index
        %swap3A_1590 = tpu.vector_load %arg8[%swap3A_1589] {strides = array<i32>} : memref<128xi32, #tpu.memory_space<vmem>>, vector<16xi32>,
        %swap3A_1591 = vector.shape_cast %swap3A_1590 : vector<16xi32> to vector<16xi32>
        %swap3A_1592 = vector.shape_cast %select_n3A_1588 : vector<16xi32> to vector<16xi32>
        tpu.vector_store %arg8[%swap3A_1589], %swap3A_1592 {strides = array<i32>} : memref<128xi32, #tpu.memory_space<vmem>>, vector<16xi32>,
        %get3A_1593 = arith.constant 32 : index
        %get3A_1594 = tpu.vector_load %arg6[%get3A_1593] {strides = array<i32>} : memref<128xi32, #tpu.memory_space<vmem>>, vector<16xi32>,
        %get3A_1595 = vector.shape_cast %get3A_1594 : vector<16xi32> to vector<16xi32>
        %get3A_1596 = arith.constant 32 : index
        %get3A_1597 = tpu.vector_load %arg7[%get3A_1596] {strides = array<i32>} : memref<128xi32, #tpu.memory_space<vmem>>, vector<16xi32>,
        %get3A_1598 = vector.shape_cast %get3A_1597 : vector<16xi32> to vector<16xi32>
        %ne3A_1599 = arith.cmpi ne, %get3A_1595, %get3A_1598 : vector<16xi32>
        %jit3A_1600 = arith.constant 10016 : i32
        %broadcast_in_dim3A_1601 = vector.broadcast %jit3A_1600 : i32 to vector<16xi32>
        %select_n3A_1602 = arith.select %ne3A_1599, %get3A_1595, %broadcast_in_dim3A_1601 : vector<16xi1>, vector<16xi32>
        %swap3A_1603 = arith.constant 32 : index
        %swap3A_1604 = tpu.vector_load %arg8[%swap3A_1603] {strides = array<i32>} : memref<128xi32, #tpu.memory_space<vmem>>, vector<16xi32>,
        %swap3A_1605 = vector.shape_cast %swap3A_1604 : vector<16xi32> to vector<16xi32>
        %swap3A_1606 = vector.shape_cast %select_n3A_1602 : vector<16xi32> to vector<16xi32>
        tpu.vector_store %arg8[%swap3A_1603], %swap3A_1606 {strides = array<i32>} : memref<128xi32, #tpu.memory_space<vmem>>, vector<16xi32>,
        %get3A_1607 = arith.constant 48 : index
        %get3A_1608 = tpu.vector_load %arg6[%get3A_1607] {strides = array<i32>} : memref<128xi32, #tpu.memory_space<vmem>>, vector<16xi32>,
        %get3A_1609 = vector.shape_cast %get3A_1608 : vector<16xi32> to vector<16xi32>
        %get3A_1610 = arith.constant 48 : index
        %get3A_1611 = tpu.vector_load %arg7[%get3A_1610] {strides = array<i32>} : memref<128xi32, #tpu.memory_space<vmem>>, vector<16xi32>,
        %get3A_1612 = vector.shape_cast %get3A_1611 : vector<16xi32> to vector<16xi32>
        %ne3A_1613 = arith.cmpi ne, %get3A_1609, %get3A_1612 : vector<16xi32>
        %jit3A_1614 = arith.constant 10016 : i32
        %broadcast_in_dim3A_1615 = vector.broadcast %jit3A_1614 : i32 to vector<16xi32>
        %select_n3A_1616 = arith.select %ne3A_1613, %get3A_1609, %broadcast_in_dim3A_1615 : vector<16xi1>, vector<16xi32>
        %swap3A_1617 = arith.constant 48 : index
        %swap3A_1618 = tpu.vector_load %arg8[%swap3A_1617] {strides = array<i32>} : memref<128xi32, #tpu.memory_space<vmem>>, vector<16xi32>,
        %swap3A_1619 = vector.shape_cast %swap3A_1618 : vector<16xi32> to vector<16xi32>
        %swap3A_1620 = vector.shape_cast %select_n3A_1616 : vector<16xi32> to vector<16xi32>
        tpu.vector_store %arg8[%swap3A_1617], %swap3A_1620 {strides = array<i32>} : memref<128xi32, #tpu.memory_space<vmem>>, vector<16xi32>,
        %get3A_1621 = arith.constant 64 : index
        %get3A_1622 = tpu.vector_load %arg6[%get3A_1621] {strides = array<i32>} : memref<128xi32, #tpu.memory_space<vmem>>, vector<16xi32>,
        %get3A_1623 = vector.shape_cast %get3A_1622 : vector<16xi32> to vector<16xi32>
        %get3A_1624 = arith.constant 64 : index
        %get3A_1625 = tpu.vector_load %arg7[%get3A_1624] {strides = array<i32>} : memref<128xi32, #tpu.memory_space<vmem>>, vector<16xi32>,
        %get3A_1626 = vector.shape_cast %get3A_1625 : vector<16xi32> to vector<16xi32>
        %ne3A_1627 = arith.cmpi ne, %get3A_1623, %get3A_1626 : vector<16xi32>
        %jit3A_1628 = arith.constant 10016 : i32
        %broadcast_in_dim3A_1629 = vector.broadcast %jit3A_1628 : i32 to vector<16xi32>
        %select_n3A_1630 = arith.select %ne3A_1627, %get3A_1623, %broadcast_in_dim3A_1629 : vector<16xi1>, vector<16xi32>
        %swap3A_1631 = arith.constant 64 : index
        %swap3A_1632 = tpu.vector_load %arg8[%swap3A_1631] {strides = array<i32>} : memref<128xi32, #tpu.memory_space<vmem>>, vector<16xi32>,
        %swap3A_1633 = vector.shape_cast %swap3A_1632 : vector<16xi32> to vector<16xi32>
        %swap3A_1634 = vector.shape_cast %select_n3A_1630 : vector<16xi32> to vector<16xi32>
        tpu.vector_store %arg8[%swap3A_1631], %swap3A_1634 {strides = array<i32>} : memref<128xi32, #tpu.memory_space<vmem>>, vector<16xi32>,
        %get3A_1635 = arith.constant 80 : index
        %get3A_1636 = tpu.vector_load %arg6[%get3A_1635] {strides = array<i32>} : memref<128xi32, #tpu.memory_space<vmem>>, vector<16xi32>,
        %get3A_1637 = vector.shape_cast %get3A_1636 : vector<16xi32> to vector<16xi32>
        %get3A_1638 = arith.constant 80 : index
        %get3A_1639 = tpu.vector_load %arg7[%get3A_1638] {strides = array<i32>} : memref<128xi32, #tpu.memory_space<vmem>>, vector<16xi32>,
        %get3A_1640 = vector.shape_cast %get3A_1639 : vector<16xi32> to vector<16xi32>
        %ne3A_1641 = arith.cmpi ne, %get3A_1637, %get3A_1640 : vector<16xi32>
        %jit3A_1642 = arith.constant 10016 : i32
        %broadcast_in_dim3A_1643 = vector.broadcast %jit3A_1642 : i32 to vector<16xi32>
        %select_n3A_1644 = arith.select %ne3A_1641, %get3A_1637, %broadcast_in_dim3A_1643 : vector<16xi1>, vector<16xi32>
        %swap3A_1645 = arith.constant 80 : index
        %swap3A_1646 = tpu.vector_load %arg8[%swap3A_1645] {strides = array<i32>} : memref<128xi32, #tpu.memory_space<vmem>>, vector<16xi32>,
        %swap3A_1647 = vector.shape_cast %swap3A_1646 : vector<16xi32> to vector<16xi32>
        %swap3A_1648 = vector.shape_cast %select_n3A_1644 : vector<16xi32> to vector<16xi32>
        tpu.vector_store %arg8[%swap3A_1645], %swap3A_1648 {strides = array<i32>} : memref<128xi32, #tpu.memory_space<vmem>>, vector<16xi32>,
        %get3A_1649 = arith.constant 96 : index
        %get3A_1650 = tpu.vector_load %arg6[%get3A_1649] {strides = array<i32>} : memref<128xi32, #tpu.memory_space<vmem>>, vector<16xi32>,
        %get3A_1651 = vector.shape_cast %get3A_1650 : vector<16xi32> to vector<16xi32>
        %get3A_1652 = arith.constant 96 : index
        %get3A_1653 = tpu.vector_load %arg7[%get3A_1652] {strides = array<i32>} : memref<128xi32, #tpu.memory_space<vmem>>, vector<16xi32>,
        %get3A_1654 = vector.shape_cast %get3A_1653 : vector<16xi32> to vector<16xi32>
        %ne3A_1655 = arith.cmpi ne, %get3A_1651, %get3A_1654 : vector<16xi32>
        %jit3A_1656 = arith.constant 10016 : i32
        %broadcast_in_dim3A_1657 = vector.broadcast %jit3A_1656 : i32 to vector<16xi32>
        %select_n3A_1658 = arith.select %ne3A_1655, %get3A_1651, %broadcast_in_dim3A_1657 : vector<16xi1>, vector<16xi32>
        %swap3A_1659 = arith.constant 96 : index
        %swap3A_1660 = tpu.vector_load %arg8[%swap3A_1659] {strides = array<i32>} : memref<128xi32, #tpu.memory_space<vmem>>, vector<16xi32>,
        %swap3A_1661 = vector.shape_cast %swap3A_1660 : vector<16xi32> to vector<16xi32>
        %swap3A_1662 = vector.shape_cast %select_n3A_1658 : vector<16xi32> to vector<16xi32>
        tpu.vector_store %arg8[%swap3A_1659], %swap3A_1662 {strides = array<i32>} : memref<128xi32, #tpu.memory_space<vmem>>, vector<16xi32>,
        %get3A_1663 = arith.constant 112 : index
        %get3A_1664 = tpu.vector_load %arg6[%get3A_1663] {strides = array<i32>} : memref<128xi32, #tpu.memory_space<vmem>>, vector<16xi32>,
        %get3A_1665 = vector.shape_cast %get3A_1664 : vector<16xi32> to vector<16xi32>
        %get3A_1666 = arith.constant 112 : index
        %get3A_1667 = tpu.vector_load %arg7[%get3A_1666] {strides = array<i32>} : memref<128xi32, #tpu.memory_space<vmem>>, vector<16xi32>,
        %get3A_1668 = vector.shape_cast %get3A_1667 : vector<16xi32> to vector<16xi32>
        %ne3A_1669 = arith.cmpi ne, %get3A_1665, %get3A_1668 : vector<16xi32>
        %jit3A_1670 = arith.constant 10016 : i32
        %broadcast_in_dim3A_1671 = vector.broadcast %jit3A_1670 : i32 to vector<16xi32>
        %select_n3A_1672 = arith.select %ne3A_1669, %get3A_1665, %broadcast_in_dim3A_1671 : vector<16xi1>, vector<16xi32>
        %swap3A_1673 = arith.constant 112 : index
        %swap3A_1674 = tpu.vector_load %arg8[%swap3A_1673] {strides = array<i32>} : memref<128xi32, #tpu.memory_space<vmem>>, vector<16xi32>,
        %swap3A_1675 = vector.shape_cast %swap3A_1674 : vector<16xi32> to vector<16xi32>
        %swap3A_1676 = vector.shape_cast %select_n3A_1672 : vector<16xi32> to vector<16xi32>
        tpu.vector_store %arg8[%swap3A_1673], %swap3A_1676 {strides = array<i32>} : memref<128xi32, #tpu.memory_space<vmem>>, vector<16xi32>,
        "tpu.region"() ({
          %run_scoped3A = tpu.sem_alloc : memref<!tpu.dma_semaphore, #tpu.memory_space<semaphore_mem>>
          %dma_start3A = arith.constant 0 : i32
          %dma_start3A_1677 = arith.constant 0 : i32
          %dma_start3A_1678 = tpu.memref_slice %arg11[%dma_start3A, %dma_start3A_1677] : memref<10240x16xf32, #tpu.memory_space<vmem_shared>> -> memref<10240x16xf32, #tpu.memory_space<vmem_shared>>
          tpu.enqueue_indirect_dma source(%arg9 : memref<128x16xf32, #tpu.memory_space<vmem>>) target(%dma_start3A_1678 : memref<10240x16xf32, #tpu.memory_space<vmem_shared>>) offsets(%arg8 : memref<128xi32, #tpu.memory_space<vmem>>) semaphore(%run_scoped3A : memref<!tpu.dma_semaphore, #tpu.memory_space<semaphore_mem>>) {add = true}
          %dma_wait3A = arith.constant 0 : i32
          %dma_wait3A_1679 = arith.constant 0 : i32
          %dma_wait3A_1680 = tpu.memref_slice %arg11[%dma_wait3A, %dma_wait3A_1679] : memref<10240x16xf32, #tpu.memory_space<vmem_shared>> -> memref<10240x16xf32, #tpu.memory_space<vmem_shared>>
          tpu.wait_indirect_dma semaphore(%run_scoped3A : memref<!tpu.dma_semaphore, #tpu.memory_space<semaphore_mem>>) src(%arg9 : memref<128x16xf32, #tpu.memory_space<vmem>>) dst(%dma_wait3A_1680 : memref<10240x16xf32, #tpu.memory_space<vmem_shared>>)
          tpu.yield
        }) : () -> ()
      }
      %scan3A_1565 = arith.constant 79 : i32
    } else {
    }
    %eq3A_1548 = arith.constant 1 : i32
    %eq3A_1549 = arith.cmpi eq, %arg0, %eq3A_1548 : i32
    %convert_element_type3A_1550 = arith.extui %eq3A_1549 : i1 to i32
    %cond3A_1551 = arith.constant 0 : i32
    %cond3A_1552 = arith.cmpi ne, %convert_element_type3A_1550, %cond3A_1551 : i32
    scf.if %cond3A_1552 {
      %scan3A_1560 = arith.constant 0 : i32
      %scan3A_1561 = arith.constant 0 : i32
      %scan3A_1562 = arith.constant 79 : i32
      %scan3A_1563 = arith.addi %scan3A_1561, %scan3A_1562 : i32
      %scan3A_1564 = arith.constant 1 : i32
      scf.for %scan3A_1566 = %scan3A_1561 to %scan3A_1563 step %scan3A_1564  : i32 {
        %mul3A_1567 = arith.constant 128 : i32
        %mul3A_1568 = arith.muli %scan3A_1566, %mul3A_1567 : i32
        %add3A = arith.addi %mul3A_2, %mul3A_1568 : i32
        "tpu.region"() ({
          %run_scoped3A = tpu.sem_alloc : memref<!tpu.dma_semaphore, #tpu.memory_space<semaphore_mem>>
          %dma_start3A = tpu.memref_slice %arg2[%add3A] : memref<161792xi32, #tpu.memory_space<hbm>> -> memref<128xi32, #tpu.memory_space<hbm>>
          %dma_start3A_1677 = tpu.memref_slice %arg2[%add3A] : memref<161792xi32, #tpu.memory_space<hbm>> -> memref<128xi32, #tpu.memory_space<hbm>>
          tpu.enqueue_dma source(%dma_start3A_1677 : memref<128xi32, #tpu.memory_space<hbm>>) target(%arg6 : memref<128xi32, #tpu.memory_space<vmem>>) target_semaphore(%run_scoped3A : memref<!tpu.dma_semaphore, #tpu.memory_space<semaphore_mem>>)
          %dma_wait3A = tpu.memref_slice %arg2[%add3A] : memref<161792xi32, #tpu.memory_space<hbm>> -> memref<128xi32, #tpu.memory_space<hbm>>
          %dma_wait3A_1678 = tpu.memref_slice %arg2[%add3A] : memref<161792xi32, #tpu.memory_space<hbm>> -> memref<128xi32, #tpu.memory_space<hbm>>
          tpu.wait_dma2 semaphore(%run_scoped3A : memref<!tpu.dma_semaphore, #tpu.memory_space<semaphore_mem>>) src(%dma_wait3A_1678 : memref<128xi32, #tpu.memory_space<hbm>>) dst(%arg6 : memref<128xi32, #tpu.memory_space<vmem>>)
          tpu.yield
        }) : () -> ()
        "tpu.region"() ({
          %run_scoped3A = tpu.sem_alloc : memref<!tpu.dma_semaphore, #tpu.memory_space<semaphore_mem>>
          %dma_start3A = tpu.memref_slice %arg3[%add3A] : memref<161792xi32, #tpu.memory_space<hbm>> -> memref<128xi32, #tpu.memory_space<hbm>>
          %dma_start3A_1677 = tpu.memref_slice %arg3[%add3A] : memref<161792xi32, #tpu.memory_space<hbm>> -> memref<128xi32, #tpu.memory_space<hbm>>
          tpu.enqueue_dma source(%dma_start3A_1677 : memref<128xi32, #tpu.memory_space<hbm>>) target(%arg7 : memref<128xi32, #tpu.memory_space<vmem>>) target_semaphore(%run_scoped3A : memref<!tpu.dma_semaphore, #tpu.memory_space<semaphore_mem>>)
          %dma_wait3A = tpu.memref_slice %arg3[%add3A] : memref<161792xi32, #tpu.memory_space<hbm>> -> memref<128xi32, #tpu.memory_space<hbm>>
          %dma_wait3A_1678 = tpu.memref_slice %arg3[%add3A] : memref<161792xi32, #tpu.memory_space<hbm>> -> memref<128xi32, #tpu.memory_space<hbm>>
          tpu.wait_dma2 semaphore(%run_scoped3A : memref<!tpu.dma_semaphore, #tpu.memory_space<semaphore_mem>>) src(%dma_wait3A_1678 : memref<128xi32, #tpu.memory_space<hbm>>) dst(%arg7 : memref<128xi32, #tpu.memory_space<vmem>>)
          tpu.yield
        }) : () -> ()
        %get3A = arith.constant 0 : index
        %get3A_1569 = tpu.vector_load %arg6[%get3A] {strides = array<i32>} : memref<128xi32, #tpu.memory_space<vmem>>, vector<16xi32>,
        %get3A_1570 = vector.shape_cast %get3A_1569 : vector<16xi32> to vector<16xi32>
        %get3A_1571 = arith.constant 0 : index
        %get3A_1572 = tpu.vector_load %arg7[%get3A_1571] {strides = array<i32>} : memref<128xi32, #tpu.memory_space<vmem>>, vector<16xi32>,
        %get3A_1573 = vector.shape_cast %get3A_1572 : vector<16xi32> to vector<16xi32>
        %ne3A = arith.cmpi ne, %get3A_1570, %get3A_1573 : vector<16xi32>
        %jit3A = arith.constant 10016 : i32
        %broadcast_in_dim3A_1574 = vector.broadcast %jit3A : i32 to vector<16xi32>
        %select_n3A = arith.select %ne3A, %get3A_1573, %broadcast_in_dim3A_1574 : vector<16xi1>, vector<16xi32>
        %swap3A_1575 = arith.constant 0 : index
        %swap3A_1576 = tpu.vector_load %arg8[%swap3A_1575] {strides = array<i32>} : memref<128xi32, #tpu.memory_space<vmem>>, vector<16xi32>,
        %swap3A_1577 = vector.shape_cast %swap3A_1576 : vector<16xi32> to vector<16xi32>
        %swap3A_1578 = vector.shape_cast %select_n3A : vector<16xi32> to vector<16xi32>
        tpu.vector_store %arg8[%swap3A_1575], %swap3A_1578 {strides = array<i32>} : memref<128xi32, #tpu.memory_space<vmem>>, vector<16xi32>,
        %get3A_1579 = arith.constant 16 : index
        %get3A_1580 = tpu.vector_load %arg6[%get3A_1579] {strides = array<i32>} : memref<128xi32, #tpu.memory_space<vmem>>, vector<16xi32>,
        %get3A_1581 = vector.shape_cast %get3A_1580 : vector<16xi32> to vector<16xi32>
        %get3A_1582 = arith.constant 16 : index
        %get3A_1583 = tpu.vector_load %arg7[%get3A_1582] {strides = array<i32>} : memref<128xi32, #tpu.memory_space<vmem>>, vector<16xi32>,
        %get3A_1584 = vector.shape_cast %get3A_1583 : vector<16xi32> to vector<16xi32>
        %ne3A_1585 = arith.cmpi ne, %get3A_1581, %get3A_1584 : vector<16xi32>
        %jit3A_1586 = arith.constant 10016 : i32
        %broadcast_in_dim3A_1587 = vector.broadcast %jit3A_1586 : i32 to vector<16xi32>
        %select_n3A_1588 = arith.select %ne3A_1585, %get3A_1584, %broadcast_in_dim3A_1587 : vector<16xi1>, vector<16xi32>
        %swap3A_1589 = arith.constant 16 : index
        %swap3A_1590 = tpu.vector_load %arg8[%swap3A_1589] {strides = array<i32>} : memref<128xi32, #tpu.memory_space<vmem>>, vector<16xi32>,
        %swap3A_1591 = vector.shape_cast %swap3A_1590 : vector<16xi32> to vector<16xi32>
        %swap3A_1592 = vector.shape_cast %select_n3A_1588 : vector<16xi32> to vector<16xi32>
        tpu.vector_store %arg8[%swap3A_1589], %swap3A_1592 {strides = array<i32>} : memref<128xi32, #tpu.memory_space<vmem>>, vector<16xi32>,
        %get3A_1593 = arith.constant 32 : index
        %get3A_1594 = tpu.vector_load %arg6[%get3A_1593] {strides = array<i32>} : memref<128xi32, #tpu.memory_space<vmem>>, vector<16xi32>,
        %get3A_1595 = vector.shape_cast %get3A_1594 : vector<16xi32> to vector<16xi32>
        %get3A_1596 = arith.constant 32 : index
        %get3A_1597 = tpu.vector_load %arg7[%get3A_1596] {strides = array<i32>} : memref<128xi32, #tpu.memory_space<vmem>>, vector<16xi32>,
        %get3A_1598 = vector.shape_cast %get3A_1597 : vector<16xi32> to vector<16xi32>
        %ne3A_1599 = arith.cmpi ne, %get3A_1595, %get3A_1598 : vector<16xi32>
        %jit3A_1600 = arith.constant 10016 : i32
        %broadcast_in_dim3A_1601 = vector.broadcast %jit3A_1600 : i32 to vector<16xi32>
        %select_n3A_1602 = arith.select %ne3A_1599, %get3A_1598, %broadcast_in_dim3A_1601 : vector<16xi1>, vector<16xi32>
        %swap3A_1603 = arith.constant 32 : index
        %swap3A_1604 = tpu.vector_load %arg8[%swap3A_1603] {strides = array<i32>} : memref<128xi32, #tpu.memory_space<vmem>>, vector<16xi32>,
        %swap3A_1605 = vector.shape_cast %swap3A_1604 : vector<16xi32> to vector<16xi32>
        %swap3A_1606 = vector.shape_cast %select_n3A_1602 : vector<16xi32> to vector<16xi32>
        tpu.vector_store %arg8[%swap3A_1603], %swap3A_1606 {strides = array<i32>} : memref<128xi32, #tpu.memory_space<vmem>>, vector<16xi32>,
        %get3A_1607 = arith.constant 48 : index
        %get3A_1608 = tpu.vector_load %arg6[%get3A_1607] {strides = array<i32>} : memref<128xi32, #tpu.memory_space<vmem>>, vector<16xi32>,
        %get3A_1609 = vector.shape_cast %get3A_1608 : vector<16xi32> to vector<16xi32>
        %get3A_1610 = arith.constant 48 : index
        %get3A_1611 = tpu.vector_load %arg7[%get3A_1610] {strides = array<i32>} : memref<128xi32, #tpu.memory_space<vmem>>, vector<16xi32>,
        %get3A_1612 = vector.shape_cast %get3A_1611 : vector<16xi32> to vector<16xi32>
        %ne3A_1613 = arith.cmpi ne, %get3A_1609, %get3A_1612 : vector<16xi32>
        %jit3A_1614 = arith.constant 10016 : i32
        %broadcast_in_dim3A_1615 = vector.broadcast %jit3A_1614 : i32 to vector<16xi32>
        %select_n3A_1616 = arith.select %ne3A_1613, %get3A_1612, %broadcast_in_dim3A_1615 : vector<16xi1>, vector<16xi32>
        %swap3A_1617 = arith.constant 48 : index
        %swap3A_1618 = tpu.vector_load %arg8[%swap3A_1617] {strides = array<i32>} : memref<128xi32, #tpu.memory_space<vmem>>, vector<16xi32>,
        %swap3A_1619 = vector.shape_cast %swap3A_1618 : vector<16xi32> to vector<16xi32>
        %swap3A_1620 = vector.shape_cast %select_n3A_1616 : vector<16xi32> to vector<16xi32>
        tpu.vector_store %arg8[%swap3A_1617], %swap3A_1620 {strides = array<i32>} : memref<128xi32, #tpu.memory_space<vmem>>, vector<16xi32>,
        %get3A_1621 = arith.constant 64 : index
        %get3A_1622 = tpu.vector_load %arg6[%get3A_1621] {strides = array<i32>} : memref<128xi32, #tpu.memory_space<vmem>>, vector<16xi32>,
        %get3A_1623 = vector.shape_cast %get3A_1622 : vector<16xi32> to vector<16xi32>
        %get3A_1624 = arith.constant 64 : index
        %get3A_1625 = tpu.vector_load %arg7[%get3A_1624] {strides = array<i32>} : memref<128xi32, #tpu.memory_space<vmem>>, vector<16xi32>,
        %get3A_1626 = vector.shape_cast %get3A_1625 : vector<16xi32> to vector<16xi32>
        %ne3A_1627 = arith.cmpi ne, %get3A_1623, %get3A_1626 : vector<16xi32>
        %jit3A_1628 = arith.constant 10016 : i32
        %broadcast_in_dim3A_1629 = vector.broadcast %jit3A_1628 : i32 to vector<16xi32>
        %select_n3A_1630 = arith.select %ne3A_1627, %get3A_1626, %broadcast_in_dim3A_1629 : vector<16xi1>, vector<16xi32>
        %swap3A_1631 = arith.constant 64 : index
        %swap3A_1632 = tpu.vector_load %arg8[%swap3A_1631] {strides = array<i32>} : memref<128xi32, #tpu.memory_space<vmem>>, vector<16xi32>,
        %swap3A_1633 = vector.shape_cast %swap3A_1632 : vector<16xi32> to vector<16xi32>
        %swap3A_1634 = vector.shape_cast %select_n3A_1630 : vector<16xi32> to vector<16xi32>
        tpu.vector_store %arg8[%swap3A_1631], %swap3A_1634 {strides = array<i32>} : memref<128xi32, #tpu.memory_space<vmem>>, vector<16xi32>,
        %get3A_1635 = arith.constant 80 : index
        %get3A_1636 = tpu.vector_load %arg6[%get3A_1635] {strides = array<i32>} : memref<128xi32, #tpu.memory_space<vmem>>, vector<16xi32>,
        %get3A_1637 = vector.shape_cast %get3A_1636 : vector<16xi32> to vector<16xi32>
        %get3A_1638 = arith.constant 80 : index
        %get3A_1639 = tpu.vector_load %arg7[%get3A_1638] {strides = array<i32>} : memref<128xi32, #tpu.memory_space<vmem>>, vector<16xi32>,
        %get3A_1640 = vector.shape_cast %get3A_1639 : vector<16xi32> to vector<16xi32>
        %ne3A_1641 = arith.cmpi ne, %get3A_1637, %get3A_1640 : vector<16xi32>
        %jit3A_1642 = arith.constant 10016 : i32
        %broadcast_in_dim3A_1643 = vector.broadcast %jit3A_1642 : i32 to vector<16xi32>
        %select_n3A_1644 = arith.select %ne3A_1641, %get3A_1640, %broadcast_in_dim3A_1643 : vector<16xi1>, vector<16xi32>
        %swap3A_1645 = arith.constant 80 : index
        %swap3A_1646 = tpu.vector_load %arg8[%swap3A_1645] {strides = array<i32>} : memref<128xi32, #tpu.memory_space<vmem>>, vector<16xi32>,
        %swap3A_1647 = vector.shape_cast %swap3A_1646 : vector<16xi32> to vector<16xi32>
        %swap3A_1648 = vector.shape_cast %select_n3A_1644 : vector<16xi32> to vector<16xi32>
        tpu.vector_store %arg8[%swap3A_1645], %swap3A_1648 {strides = array<i32>} : memref<128xi32, #tpu.memory_space<vmem>>, vector<16xi32>,
        %get3A_1649 = arith.constant 96 : index
        %get3A_1650 = tpu.vector_load %arg6[%get3A_1649] {strides = array<i32>} : memref<128xi32, #tpu.memory_space<vmem>>, vector<16xi32>,
        %get3A_1651 = vector.shape_cast %get3A_1650 : vector<16xi32> to vector<16xi32>
        %get3A_1652 = arith.constant 96 : index
        %get3A_1653 = tpu.vector_load %arg7[%get3A_1652] {strides = array<i32>} : memref<128xi32, #tpu.memory_space<vmem>>, vector<16xi32>,
        %get3A_1654 = vector.shape_cast %get3A_1653 : vector<16xi32> to vector<16xi32>
        %ne3A_1655 = arith.cmpi ne, %get3A_1651, %get3A_1654 : vector<16xi32>
        %jit3A_1656 = arith.constant 10016 : i32
        %broadcast_in_dim3A_1657 = vector.broadcast %jit3A_1656 : i32 to vector<16xi32>
        %select_n3A_1658 = arith.select %ne3A_1655, %get3A_1654, %broadcast_in_dim3A_1657 : vector<16xi1>, vector<16xi32>
        %swap3A_1659 = arith.constant 96 : index
        %swap3A_1660 = tpu.vector_load %arg8[%swap3A_1659] {strides = array<i32>} : memref<128xi32, #tpu.memory_space<vmem>>, vector<16xi32>,
        %swap3A_1661 = vector.shape_cast %swap3A_1660 : vector<16xi32> to vector<16xi32>
        %swap3A_1662 = vector.shape_cast %select_n3A_1658 : vector<16xi32> to vector<16xi32>
        tpu.vector_store %arg8[%swap3A_1659], %swap3A_1662 {strides = array<i32>} : memref<128xi32, #tpu.memory_space<vmem>>, vector<16xi32>,
        %get3A_1663 = arith.constant 112 : index
        %get3A_1664 = tpu.vector_load %arg6[%get3A_1663] {strides = array<i32>} : memref<128xi32, #tpu.memory_space<vmem>>, vector<16xi32>,
        %get3A_1665 = vector.shape_cast %get3A_1664 : vector<16xi32> to vector<16xi32>
        %get3A_1666 = arith.constant 112 : index
        %get3A_1667 = tpu.vector_load %arg7[%get3A_1666] {strides = array<i32>} : memref<128xi32, #tpu.memory_space<vmem>>, vector<16xi32>,
        %get3A_1668 = vector.shape_cast %get3A_1667 : vector<16xi32> to vector<16xi32>
        %ne3A_1669 = arith.cmpi ne, %get3A_1665, %get3A_1668 : vector<16xi32>
        %jit3A_1670 = arith.constant 10016 : i32
        %broadcast_in_dim3A_1671 = vector.broadcast %jit3A_1670 : i32 to vector<16xi32>
        %select_n3A_1672 = arith.select %ne3A_1669, %get3A_1668, %broadcast_in_dim3A_1671 : vector<16xi1>, vector<16xi32>
        %swap3A_1673 = arith.constant 112 : index
        %swap3A_1674 = tpu.vector_load %arg8[%swap3A_1673] {strides = array<i32>} : memref<128xi32, #tpu.memory_space<vmem>>, vector<16xi32>,
        %swap3A_1675 = vector.shape_cast %swap3A_1674 : vector<16xi32> to vector<16xi32>
        %swap3A_1676 = vector.shape_cast %select_n3A_1672 : vector<16xi32> to vector<16xi32>
        tpu.vector_store %arg8[%swap3A_1673], %swap3A_1676 {strides = array<i32>} : memref<128xi32, #tpu.memory_space<vmem>>, vector<16xi32>,
        "tpu.region"() ({
          %run_scoped3A = tpu.sem_alloc : memref<!tpu.dma_semaphore, #tpu.memory_space<semaphore_mem>>
          %dma_start3A = arith.constant 0 : i32
          %dma_start3A_1677 = arith.constant 0 : i32
          %dma_start3A_1678 = tpu.memref_slice %arg11[%dma_start3A, %dma_start3A_1677] : memref<10240x16xf32, #tpu.memory_space<vmem_shared>> -> memref<10240x16xf32, #tpu.memory_space<vmem_shared>>
          tpu.enqueue_indirect_dma source(%arg9 : memref<128x16xf32, #tpu.memory_space<vmem>>) target(%dma_start3A_1678 : memref<10240x16xf32, #tpu.memory_space<vmem_shared>>) offsets(%arg8 : memref<128xi32, #tpu.memory_space<vmem>>) semaphore(%run_scoped3A : memref<!tpu.dma_semaphore, #tpu.memory_space<semaphore_mem>>) {add = true}
          %dma_wait3A = arith.constant 0 : i32
          %dma_wait3A_1679 = arith.constant 0 : i32
          %dma_wait3A_1680 = tpu.memref_slice %arg11[%dma_wait3A, %dma_wait3A_1679] : memref<10240x16xf32, #tpu.memory_space<vmem_shared>> -> memref<10240x16xf32, #tpu.memory_space<vmem_shared>>
          tpu.wait_indirect_dma semaphore(%run_scoped3A : memref<!tpu.dma_semaphore, #tpu.memory_space<semaphore_mem>>) src(%arg9 : memref<128x16xf32, #tpu.memory_space<vmem>>) dst(%dma_wait3A_1680 : memref<10240x16xf32, #tpu.memory_space<vmem_shared>>)
          tpu.yield
        }) : () -> ()
      }
      %scan3A_1565 = arith.constant 79 : i32
    } else {
    }
    %barrier3A_1553 = arith.constant 0 : index
    tpu.barrier barrier_id(%barrier3A_1553)
    %scan3A_1554 = arith.constant 0 : i32
    %scan3A_1555 = arith.constant 0 : i32
    %scan3A_1556 = arith.constant 5 : i32
    %scan3A_1557 = arith.addi %scan3A_1555, %scan3A_1556 : i32
    %scan3A_1558 = arith.constant 1 : i32
    scf.for %scan3A_1560 = %scan3A_1555 to %scan3A_1557 step %scan3A_1558  : i32 {
      %mul3A_1561 = arith.constant 128 : i32
      %mul3A_1562 = arith.muli %scan3A_1560, %mul3A_1561 : i32
      %add3A = arith.addi %mul3A_0, %mul3A_1562 : i32
      "tpu.region"() ({
        %run_scoped3A = tpu.sem_alloc : memref<!tpu.dma_semaphore, #tpu.memory_space<semaphore_mem>>
        %dma_start3A = arith.constant 0 : i32
        %dma_start3A_1573 = tpu.memref_slice %arg11[%add3A, %dma_start3A] : memref<10240x16xf32, #tpu.memory_space<vmem_shared>> -> memref<128x16xf32, #tpu.memory_space<vmem_shared>>
        %dma_start3A_1574 = arith.constant 0 : i32
        %dma_start3A_1575 = tpu.memref_slice %arg11[%add3A, %dma_start3A_1574] : memref<10240x16xf32, #tpu.memory_space<vmem_shared>> -> memref<128x16xf32, #tpu.memory_space<vmem_shared>>
        tpu.enqueue_dma source(%dma_start3A_1575 : memref<128x16xf32, #tpu.memory_space<vmem_shared>>) target(%arg10 : memref<128x16xf32, #tpu.memory_space<vmem>>) target_semaphore(%run_scoped3A : memref<!tpu.dma_semaphore, #tpu.memory_space<semaphore_mem>>)
        %dma_wait3A = arith.constant 0 : i32
        %dma_wait3A_1576 = tpu.memref_slice %arg11[%add3A, %dma_wait3A] : memref<10240x16xf32, #tpu.memory_space<vmem_shared>> -> memref<128x16xf32, #tpu.memory_space<vmem_shared>>
        %dma_wait3A_1577 = arith.constant 0 : i32
        %dma_wait3A_1578 = tpu.memref_slice %arg11[%add3A, %dma_wait3A_1577] : memref<10240x16xf32, #tpu.memory_space<vmem_shared>> -> memref<128x16xf32, #tpu.memory_space<vmem_shared>>
        tpu.wait_dma2 semaphore(%run_scoped3A : memref<!tpu.dma_semaphore, #tpu.memory_space<semaphore_mem>>) src(%dma_wait3A_1578 : memref<128x16xf32, #tpu.memory_space<vmem_shared>>) dst(%arg10 : memref<128x16xf32, #tpu.memory_space<vmem>>)
        tpu.yield
      }) : () -> ()
      %eq3A_1563 = arith.constant 0 : i32
      %eq3A_1564 = arith.cmpi eq, %arg0, %eq3A_1563 : i32
      %convert_element_type3A_1565 = arith.extui %eq3A_1564 : i1 to i32
      %cond3A_1566 = arith.constant 0 : i32
      %cond3A_1567 = arith.cmpi ne, %convert_element_type3A_1565, %cond3A_1566 : i32
      scf.if %cond3A_1567 {
        %mul3A_1573 = arith.constant 128 : i32
        %mul3A_1574 = arith.muli %scan3A_1560, %mul3A_1573 : i32
        %add3A_1575 = arith.addi %mul3A_0, %mul3A_1574 : i32
        "tpu.region"() ({
          %run_scoped3A = tpu.sem_alloc : memref<!tpu.dma_semaphore, #tpu.memory_space<semaphore_mem>>
          %dma_start3A = arith.constant 0 : i32
          %dma_start3A_1576 = tpu.memref_slice %arg4[%add3A_1575, %dma_start3A] : memref<10240x16xf32, #tpu.memory_space<hbm>> -> memref<128x16xf32, #tpu.memory_space<hbm>>
          %dma_start3A_1577 = arith.constant 0 : i32
          %dma_start3A_1578 = tpu.memref_slice %arg4[%add3A_1575, %dma_start3A_1577] : memref<10240x16xf32, #tpu.memory_space<hbm>> -> memref<128x16xf32, #tpu.memory_space<hbm>>
          tpu.enqueue_dma source(%arg10 : memref<128x16xf32, #tpu.memory_space<vmem>>) target(%dma_start3A_1578 : memref<128x16xf32, #tpu.memory_space<hbm>>) target_semaphore(%run_scoped3A : memref<!tpu.dma_semaphore, #tpu.memory_space<semaphore_mem>>)
          %dma_wait3A = arith.constant 0 : i32
          %dma_wait3A_1579 = tpu.memref_slice %arg4[%add3A_1575, %dma_wait3A] : memref<10240x16xf32, #tpu.memory_space<hbm>> -> memref<128x16xf32, #tpu.memory_space<hbm>>
          %dma_wait3A_1580 = arith.constant 0 : i32
          %dma_wait3A_1581 = tpu.memref_slice %arg4[%add3A_1575, %dma_wait3A_1580] : memref<10240x16xf32, #tpu.memory_space<hbm>> -> memref<128x16xf32, #tpu.memory_space<hbm>>
          tpu.wait_dma2 semaphore(%run_scoped3A : memref<!tpu.dma_semaphore, #tpu.memory_space<semaphore_mem>>) src(%arg10 : memref<128x16xf32, #tpu.memory_space<vmem>>) dst(%dma_wait3A_1581 : memref<128x16xf32, #tpu.memory_space<hbm>>)
          tpu.yield
        }) : () -> ()
      } else {
      }
      %eq3A_1568 = arith.constant 1 : i32
      %eq3A_1569 = arith.cmpi eq, %arg0, %eq3A_1568 : i32
      %convert_element_type3A_1570 = arith.extui %eq3A_1569 : i1 to i32
      %cond3A_1571 = arith.constant 0 : i32
      %cond3A_1572 = arith.cmpi ne, %convert_element_type3A_1570, %cond3A_1571 : i32
      scf.if %cond3A_1572 {
        %mul3A_1573 = arith.constant 128 : i32
        %mul3A_1574 = arith.muli %scan3A_1560, %mul3A_1573 : i32
        %add3A_1575 = arith.addi %mul3A_0, %mul3A_1574 : i32
        "tpu.region"() ({
          %run_scoped3A = tpu.sem_alloc : memref<!tpu.dma_semaphore, #tpu.memory_space<semaphore_mem>>
          %dma_start3A = arith.constant 0 : i32
          %dma_start3A_1576 = tpu.memref_slice %arg5[%add3A_1575, %dma_start3A] : memref<10240x16xf32, #tpu.memory_space<hbm>> -> memref<128x16xf32, #tpu.memory_space<hbm>>
          %dma_start3A_1577 = arith.constant 0 : i32
          %dma_start3A_1578 = tpu.memref_slice %arg5[%add3A_1575, %dma_start3A_1577] : memref<10240x16xf32, #tpu.memory_space<hbm>> -> memref<128x16xf32, #tpu.memory_space<hbm>>
          tpu.enqueue_dma source(%arg10 : memref<128x16xf32, #tpu.memory_space<vmem>>) target(%dma_start3A_1578 : memref<128x16xf32, #tpu.memory_space<hbm>>) target_semaphore(%run_scoped3A : memref<!tpu.dma_semaphore, #tpu.memory_space<semaphore_mem>>)
          %dma_wait3A = arith.constant 0 : i32
          %dma_wait3A_1579 = tpu.memref_slice %arg5[%add3A_1575, %dma_wait3A] : memref<10240x16xf32, #tpu.memory_space<hbm>> -> memref<128x16xf32, #tpu.memory_space<hbm>>
          %dma_wait3A_1580 = arith.constant 0 : i32
          %dma_wait3A_1581 = tpu.memref_slice %arg5[%add3A_1575, %dma_wait3A_1580] : memref<10240x16xf32, #tpu.memory_space<hbm>> -> memref<128x16xf32, #tpu.memory_space<hbm>>
          tpu.wait_dma2 semaphore(%run_scoped3A : memref<!tpu.dma_semaphore, #tpu.memory_space<semaphore_mem>>) src(%arg10 : memref<128x16xf32, #tpu.memory_space<vmem>>) dst(%dma_wait3A_1581 : memref<128x16xf32, #tpu.memory_space<hbm>>)
          tpu.yield
        }) : () -> ()
      } else {
      }
    }
    %scan3A_1559 = arith.constant 5 : i32
    return
  }
}

#map = affine_map<(d0, d1) -> (0, 0)>
#map1 = affine_map<(d0, d1) -> (0)>
module attributes {stable_mosaic.version = 14 : i64} {
  func.func @_agg_body(%arg0: i32, %arg1: i32, %arg2: memref<10240x128xf32, #tpu.memory_space<hbm>>, %arg3: memref<10240x128xf32, #tpu.memory_space<hbm>>, %arg4: memref<161792xi32, #tpu.memory_space<hbm>>, %arg5: memref<161792xi32, #tpu.memory_space<hbm>>, %arg6: memref<10240x128xf32, #tpu.memory_space<hbm>>, %arg7: memref<10240x128xf32, #tpu.memory_space<hbm>>, %arg8: memref<128xi32, #tpu.memory_space<vmem>>, %arg9: memref<128xi32, #tpu.memory_space<vmem>>, %arg10: memref<128xi32, #tpu.memory_space<vmem>>, %arg11: memref<128x128xf32, #tpu.memory_space<vmem>>, %arg12: memref<128x128xf32, #tpu.memory_space<vmem>>, %arg13: memref<10240x128xf32, #tpu.memory_space<vmem_shared>>, %arg14: memref<!tpu.dma_semaphore, #tpu.memory_space<semaphore_mem>>) attributes {dimension_semantics = [#tpu.dimension_semantics<core_parallel>, #tpu.dimension_semantics<subcore_parallel>], iteration_bounds = array<i64: 2, 16>, scalar_prefetch = 0 : i64, scratch_operands = 7 : i64, tpu.core_type = #tpu.core_type<sc_vector_subcore>, window_params = [{transform_indices = #map}, {transform_indices = #map}, {transform_indices = #map1}, {transform_indices = #map1}, {transform_indices = #map}, {transform_indices = #map}]} {
    %mul3A = arith.constant 640 : i32
    %mul3A_0 = arith.muli %arg1, %mul3A : i32
    %mul3A_1 = arith.constant 10112 : i32
    %mul3A_2 = arith.muli %arg1, %mul3A_1 : i32
    %eq3A = arith.constant 0 : i32
    %eq3A_3 = arith.cmpi eq, %arg0, %eq3A : i32
    %convert_element_type3A = arith.extui %eq3A_3 : i1 to i32
    %cond3A = arith.constant 0 : i32
    %cond3A_4 = arith.cmpi ne, %convert_element_type3A, %cond3A : i32
    scf.if %cond3A_4 {
      %scan3A = arith.constant 0 : i32
      %scan3A_10 = arith.constant 0 : i32
      %scan3A_11 = arith.constant 5 : i32
      %scan3A_12 = arith.addi %scan3A_10, %scan3A_11 : i32
      %scan3A_13 = arith.constant 1 : i32
      scf.for %scan3A_28 = %scan3A_10 to %scan3A_12 step %scan3A_13  : i32 {
        %mul3A_29 = arith.constant 128 : i32
        %mul3A_30 = arith.muli %scan3A_28, %mul3A_29 : i32
        %add3A = arith.addi %mul3A_0, %mul3A_30 : i32
        "tpu.region"() ({
          %run_scoped3A = tpu.sem_alloc : memref<!tpu.dma_semaphore, #tpu.memory_space<semaphore_mem>>
          %dma_start3A = arith.constant 0 : i32
          %dma_start3A_34 = tpu.memref_slice %arg2[%add3A, %dma_start3A] : memref<10240x128xf32, #tpu.memory_space<hbm>> -> memref<128x128xf32, #tpu.memory_space<hbm>>
          %dma_start3A_35 = arith.constant 0 : i32
          %dma_start3A_36 = tpu.memref_slice %arg2[%add3A, %dma_start3A_35] : memref<10240x128xf32, #tpu.memory_space<hbm>> -> memref<128x128xf32, #tpu.memory_space<hbm>>
          tpu.enqueue_dma source(%dma_start3A_36 : memref<128x128xf32, #tpu.memory_space<hbm>>) target(%arg12 : memref<128x128xf32, #tpu.memory_space<vmem>>) target_semaphore(%run_scoped3A : memref<!tpu.dma_semaphore, #tpu.memory_space<semaphore_mem>>)
          %dma_wait3A = arith.constant 0 : i32
          %dma_wait3A_37 = tpu.memref_slice %arg2[%add3A, %dma_wait3A] : memref<10240x128xf32, #tpu.memory_space<hbm>> -> memref<128x128xf32, #tpu.memory_space<hbm>>
          %dma_wait3A_38 = arith.constant 0 : i32
          %dma_wait3A_39 = tpu.memref_slice %arg2[%add3A, %dma_wait3A_38] : memref<10240x128xf32, #tpu.memory_space<hbm>> -> memref<128x128xf32, #tpu.memory_space<hbm>>
          tpu.wait_dma2 semaphore(%run_scoped3A : memref<!tpu.dma_semaphore, #tpu.memory_space<semaphore_mem>>) src(%dma_wait3A_39 : memref<128x128xf32, #tpu.memory_space<hbm>>) dst(%arg12 : memref<128x128xf32, #tpu.memory_space<vmem>>)
          tpu.yield
        }) : () -> ()
        %mul3A_31 = arith.constant 128 : i32
        %mul3A_32 = arith.muli %scan3A_28, %mul3A_31 : i32
        %add3A_33 = arith.addi %mul3A_0, %mul3A_32 : i32
        "tpu.region"() ({
          %run_scoped3A = tpu.sem_alloc : memref<!tpu.dma_semaphore, #tpu.memory_space<semaphore_mem>>
          %dma_start3A = arith.constant 0 : i32
          %dma_start3A_34 = tpu.memref_slice %arg13[%add3A_33, %dma_start3A] : memref<10240x128xf32, #tpu.memory_space<vmem_shared>> -> memref<128x128xf32, #tpu.memory_space<vmem_shared>>
          %dma_start3A_35 = arith.constant 0 : i32
          %dma_start3A_36 = tpu.memref_slice %arg13[%add3A_33, %dma_start3A_35] : memref<10240x128xf32, #tpu.memory_space<vmem_shared>> -> memref<128x128xf32, #tpu.memory_space<vmem_shared>>
          tpu.enqueue_dma source(%arg12 : memref<128x128xf32, #tpu.memory_space<vmem>>) target(%dma_start3A_36 : memref<128x128xf32, #tpu.memory_space<vmem_shared>>) target_semaphore(%run_scoped3A : memref<!tpu.dma_semaphore, #tpu.memory_space<semaphore_mem>>)
          %dma_wait3A = arith.constant 0 : i32
          %dma_wait3A_37 = tpu.memref_slice %arg13[%add3A_33, %dma_wait3A] : memref<10240x128xf32, #tpu.memory_space<vmem_shared>> -> memref<128x128xf32, #tpu.memory_space<vmem_shared>>
          %dma_wait3A_38 = arith.constant 0 : i32
          %dma_wait3A_39 = tpu.memref_slice %arg13[%add3A_33, %dma_wait3A_38] : memref<10240x128xf32, #tpu.memory_space<vmem_shared>> -> memref<128x128xf32, #tpu.memory_space<vmem_shared>>
          tpu.wait_dma2 semaphore(%run_scoped3A : memref<!tpu.dma_semaphore, #tpu.memory_space<semaphore_mem>>) src(%arg12 : memref<128x128xf32, #tpu.memory_space<vmem>>) dst(%dma_wait3A_39 : memref<128x128xf32, #tpu.memory_space<vmem_shared>>)
          tpu.yield
        }) : () -> ()
      }
      %scan3A_14 = arith.constant 5 : i32
      %barrier3A = arith.constant 0 : index
      tpu.barrier barrier_id(%barrier3A)
      %scan3A_15 = arith.constant 0 : i32
      %scan3A_16 = arith.constant 0 : i32
      %scan3A_17 = arith.constant 79 : i32
      %scan3A_18 = arith.addi %scan3A_16, %scan3A_17 : i32
      %scan3A_19 = arith.constant 1 : i32
      scf.for %scan3A_28 = %scan3A_16 to %scan3A_18 step %scan3A_19  : i32 {
        %mul3A_29 = arith.constant 128 : i32
        %mul3A_30 = arith.muli %scan3A_28, %mul3A_29 : i32
        %add3A = arith.addi %mul3A_2, %mul3A_30 : i32
        "tpu.region"() ({
          %run_scoped3A = tpu.sem_alloc : memref<!tpu.dma_semaphore, #tpu.memory_space<semaphore_mem>>
          %dma_start3A_141 = tpu.memref_slice %arg4[%add3A] : memref<161792xi32, #tpu.memory_space<hbm>> -> memref<128xi32, #tpu.memory_space<hbm>>
          %dma_start3A_142 = tpu.memref_slice %arg4[%add3A] : memref<161792xi32, #tpu.memory_space<hbm>> -> memref<128xi32, #tpu.memory_space<hbm>>
          tpu.enqueue_dma source(%dma_start3A_142 : memref<128xi32, #tpu.memory_space<hbm>>) target(%arg8 : memref<128xi32, #tpu.memory_space<vmem>>) target_semaphore(%run_scoped3A : memref<!tpu.dma_semaphore, #tpu.memory_space<semaphore_mem>>)
          %dma_wait3A_143 = tpu.memref_slice %arg4[%add3A] : memref<161792xi32, #tpu.memory_space<hbm>> -> memref<128xi32, #tpu.memory_space<hbm>>
          %dma_wait3A_144 = tpu.memref_slice %arg4[%add3A] : memref<161792xi32, #tpu.memory_space<hbm>> -> memref<128xi32, #tpu.memory_space<hbm>>
          tpu.wait_dma2 semaphore(%run_scoped3A : memref<!tpu.dma_semaphore, #tpu.memory_space<semaphore_mem>>) src(%dma_wait3A_144 : memref<128xi32, #tpu.memory_space<hbm>>) dst(%arg8 : memref<128xi32, #tpu.memory_space<vmem>>)
          tpu.yield
        }) : () -> ()
        "tpu.region"() ({
          %run_scoped3A = tpu.sem_alloc : memref<!tpu.dma_semaphore, #tpu.memory_space<semaphore_mem>>
          %dma_start3A_141 = tpu.memref_slice %arg5[%add3A] : memref<161792xi32, #tpu.memory_space<hbm>> -> memref<128xi32, #tpu.memory_space<hbm>>
          %dma_start3A_142 = tpu.memref_slice %arg5[%add3A] : memref<161792xi32, #tpu.memory_space<hbm>> -> memref<128xi32, #tpu.memory_space<hbm>>
          tpu.enqueue_dma source(%dma_start3A_142 : memref<128xi32, #tpu.memory_space<hbm>>) target(%arg9 : memref<128xi32, #tpu.memory_space<vmem>>) target_semaphore(%run_scoped3A : memref<!tpu.dma_semaphore, #tpu.memory_space<semaphore_mem>>)
          %dma_wait3A_143 = tpu.memref_slice %arg5[%add3A] : memref<161792xi32, #tpu.memory_space<hbm>> -> memref<128xi32, #tpu.memory_space<hbm>>
          %dma_wait3A_144 = tpu.memref_slice %arg5[%add3A] : memref<161792xi32, #tpu.memory_space<hbm>> -> memref<128xi32, #tpu.memory_space<hbm>>
          tpu.wait_dma2 semaphore(%run_scoped3A : memref<!tpu.dma_semaphore, #tpu.memory_space<semaphore_mem>>) src(%dma_wait3A_144 : memref<128xi32, #tpu.memory_space<hbm>>) dst(%arg9 : memref<128xi32, #tpu.memory_space<vmem>>)
          tpu.yield
        }) : () -> ()
        %get3A = arith.constant 0 : index
        %get3A_31 = tpu.vector_load %arg8[%get3A] {strides = array<i32>} : memref<128xi32, #tpu.memory_space<vmem>>, vector<16xi32>,
        %get3A_32 = vector.shape_cast %get3A_31 : vector<16xi32> to vector<16xi32>
        %get3A_33 = arith.constant 0 : index
        %get3A_34 = tpu.vector_load %arg9[%get3A_33] {strides = array<i32>} : memref<128xi32, #tpu.memory_space<vmem>>, vector<16xi32>,
        %get3A_35 = vector.shape_cast %get3A_34 : vector<16xi32> to vector<16xi32>
        %ne3A = arith.cmpi ne, %get3A_32, %get3A_35 : vector<16xi32>
        %jit3A = arith.constant 10016 : i32
        %broadcast_in_dim3A = vector.broadcast %jit3A : i32 to vector<16xi32>
        %select_n3A = arith.select %ne3A, %get3A_35, %broadcast_in_dim3A : vector<16xi1>, vector<16xi32>
        %swap3A = arith.constant 0 : index
        %swap3A_36 = tpu.vector_load %arg10[%swap3A] {strides = array<i32>} : memref<128xi32, #tpu.memory_space<vmem>>, vector<16xi32>,
        %swap3A_37 = vector.shape_cast %swap3A_36 : vector<16xi32> to vector<16xi32>
        %swap3A_38 = vector.shape_cast %select_n3A : vector<16xi32> to vector<16xi32>
        tpu.vector_store %arg10[%swap3A], %swap3A_38 {strides = array<i32>} : memref<128xi32, #tpu.memory_space<vmem>>, vector<16xi32>,
        %get3A_39 = arith.constant 16 : index
        %get3A_40 = tpu.vector_load %arg8[%get3A_39] {strides = array<i32>} : memref<128xi32, #tpu.memory_space<vmem>>, vector<16xi32>,
        %get3A_41 = vector.shape_cast %get3A_40 : vector<16xi32> to vector<16xi32>
        %get3A_42 = arith.constant 16 : index
        %get3A_43 = tpu.vector_load %arg9[%get3A_42] {strides = array<i32>} : memref<128xi32, #tpu.memory_space<vmem>>, vector<16xi32>,
        %get3A_44 = vector.shape_cast %get3A_43 : vector<16xi32> to vector<16xi32>
        %ne3A_45 = arith.cmpi ne, %get3A_41, %get3A_44 : vector<16xi32>
        %jit3A_46 = arith.constant 10016 : i32
        %broadcast_in_dim3A_47 = vector.broadcast %jit3A_46 : i32 to vector<16xi32>
        %select_n3A_48 = arith.select %ne3A_45, %get3A_44, %broadcast_in_dim3A_47 : vector<16xi1>, vector<16xi32>
        %swap3A_49 = arith.constant 16 : index
        %swap3A_50 = tpu.vector_load %arg10[%swap3A_49] {strides = array<i32>} : memref<128xi32, #tpu.memory_space<vmem>>, vector<16xi32>,
        %swap3A_51 = vector.shape_cast %swap3A_50 : vector<16xi32> to vector<16xi32>
        %swap3A_52 = vector.shape_cast %select_n3A_48 : vector<16xi32> to vector<16xi32>
        tpu.vector_store %arg10[%swap3A_49], %swap3A_52 {strides = array<i32>} : memref<128xi32, #tpu.memory_space<vmem>>, vector<16xi32>,
        %get3A_53 = arith.constant 32 : index
        %get3A_54 = tpu.vector_load %arg8[%get3A_53] {strides = array<i32>} : memref<128xi32, #tpu.memory_space<vmem>>, vector<16xi32>,
        %get3A_55 = vector.shape_cast %get3A_54 : vector<16xi32> to vector<16xi32>
        %get3A_56 = arith.constant 32 : index
        %get3A_57 = tpu.vector_load %arg9[%get3A_56] {strides = array<i32>} : memref<128xi32, #tpu.memory_space<vmem>>, vector<16xi32>,
        %get3A_58 = vector.shape_cast %get3A_57 : vector<16xi32> to vector<16xi32>
        %ne3A_59 = arith.cmpi ne, %get3A_55, %get3A_58 : vector<16xi32>
        %jit3A_60 = arith.constant 10016 : i32
        %broadcast_in_dim3A_61 = vector.broadcast %jit3A_60 : i32 to vector<16xi32>
        %select_n3A_62 = arith.select %ne3A_59, %get3A_58, %broadcast_in_dim3A_61 : vector<16xi1>, vector<16xi32>
        %swap3A_63 = arith.constant 32 : index
        %swap3A_64 = tpu.vector_load %arg10[%swap3A_63] {strides = array<i32>} : memref<128xi32, #tpu.memory_space<vmem>>, vector<16xi32>,
        %swap3A_65 = vector.shape_cast %swap3A_64 : vector<16xi32> to vector<16xi32>
        %swap3A_66 = vector.shape_cast %select_n3A_62 : vector<16xi32> to vector<16xi32>
        tpu.vector_store %arg10[%swap3A_63], %swap3A_66 {strides = array<i32>} : memref<128xi32, #tpu.memory_space<vmem>>, vector<16xi32>,
        %get3A_67 = arith.constant 48 : index
        %get3A_68 = tpu.vector_load %arg8[%get3A_67] {strides = array<i32>} : memref<128xi32, #tpu.memory_space<vmem>>, vector<16xi32>,
        %get3A_69 = vector.shape_cast %get3A_68 : vector<16xi32> to vector<16xi32>
        %get3A_70 = arith.constant 48 : index
        %get3A_71 = tpu.vector_load %arg9[%get3A_70] {strides = array<i32>} : memref<128xi32, #tpu.memory_space<vmem>>, vector<16xi32>,
        %get3A_72 = vector.shape_cast %get3A_71 : vector<16xi32> to vector<16xi32>
        %ne3A_73 = arith.cmpi ne, %get3A_69, %get3A_72 : vector<16xi32>
        %jit3A_74 = arith.constant 10016 : i32
        %broadcast_in_dim3A_75 = vector.broadcast %jit3A_74 : i32 to vector<16xi32>
        %select_n3A_76 = arith.select %ne3A_73, %get3A_72, %broadcast_in_dim3A_75 : vector<16xi1>, vector<16xi32>
        %swap3A_77 = arith.constant 48 : index
        %swap3A_78 = tpu.vector_load %arg10[%swap3A_77] {strides = array<i32>} : memref<128xi32, #tpu.memory_space<vmem>>, vector<16xi32>,
        %swap3A_79 = vector.shape_cast %swap3A_78 : vector<16xi32> to vector<16xi32>
        %swap3A_80 = vector.shape_cast %select_n3A_76 : vector<16xi32> to vector<16xi32>
        tpu.vector_store %arg10[%swap3A_77], %swap3A_80 {strides = array<i32>} : memref<128xi32, #tpu.memory_space<vmem>>, vector<16xi32>,
        %get3A_81 = arith.constant 64 : index
        %get3A_82 = tpu.vector_load %arg8[%get3A_81] {strides = array<i32>} : memref<128xi32, #tpu.memory_space<vmem>>, vector<16xi32>,
        %get3A_83 = vector.shape_cast %get3A_82 : vector<16xi32> to vector<16xi32>
        %get3A_84 = arith.constant 64 : index
        %get3A_85 = tpu.vector_load %arg9[%get3A_84] {strides = array<i32>} : memref<128xi32, #tpu.memory_space<vmem>>, vector<16xi32>,
        %get3A_86 = vector.shape_cast %get3A_85 : vector<16xi32> to vector<16xi32>
        %ne3A_87 = arith.cmpi ne, %get3A_83, %get3A_86 : vector<16xi32>
        %jit3A_88 = arith.constant 10016 : i32
        %broadcast_in_dim3A_89 = vector.broadcast %jit3A_88 : i32 to vector<16xi32>
        %select_n3A_90 = arith.select %ne3A_87, %get3A_86, %broadcast_in_dim3A_89 : vector<16xi1>, vector<16xi32>
        %swap3A_91 = arith.constant 64 : index
        %swap3A_92 = tpu.vector_load %arg10[%swap3A_91] {strides = array<i32>} : memref<128xi32, #tpu.memory_space<vmem>>, vector<16xi32>,
        %swap3A_93 = vector.shape_cast %swap3A_92 : vector<16xi32> to vector<16xi32>
        %swap3A_94 = vector.shape_cast %select_n3A_90 : vector<16xi32> to vector<16xi32>
        tpu.vector_store %arg10[%swap3A_91], %swap3A_94 {strides = array<i32>} : memref<128xi32, #tpu.memory_space<vmem>>, vector<16xi32>,
        %get3A_95 = arith.constant 80 : index
        %get3A_96 = tpu.vector_load %arg8[%get3A_95] {strides = array<i32>} : memref<128xi32, #tpu.memory_space<vmem>>, vector<16xi32>,
        %get3A_97 = vector.shape_cast %get3A_96 : vector<16xi32> to vector<16xi32>
        %get3A_98 = arith.constant 80 : index
        %get3A_99 = tpu.vector_load %arg9[%get3A_98] {strides = array<i32>} : memref<128xi32, #tpu.memory_space<vmem>>, vector<16xi32>,
        %get3A_100 = vector.shape_cast %get3A_99 : vector<16xi32> to vector<16xi32>
        %ne3A_101 = arith.cmpi ne, %get3A_97, %get3A_100 : vector<16xi32>
        %jit3A_102 = arith.constant 10016 : i32
        %broadcast_in_dim3A_103 = vector.broadcast %jit3A_102 : i32 to vector<16xi32>
        %select_n3A_104 = arith.select %ne3A_101, %get3A_100, %broadcast_in_dim3A_103 : vector<16xi1>, vector<16xi32>
        %swap3A_105 = arith.constant 80 : index
        %swap3A_106 = tpu.vector_load %arg10[%swap3A_105] {strides = array<i32>} : memref<128xi32, #tpu.memory_space<vmem>>, vector<16xi32>,
        %swap3A_107 = vector.shape_cast %swap3A_106 : vector<16xi32> to vector<16xi32>
        %swap3A_108 = vector.shape_cast %select_n3A_104 : vector<16xi32> to vector<16xi32>
        tpu.vector_store %arg10[%swap3A_105], %swap3A_108 {strides = array<i32>} : memref<128xi32, #tpu.memory_space<vmem>>, vector<16xi32>,
        %get3A_109 = arith.constant 96 : index
        %get3A_110 = tpu.vector_load %arg8[%get3A_109] {strides = array<i32>} : memref<128xi32, #tpu.memory_space<vmem>>, vector<16xi32>,
        %get3A_111 = vector.shape_cast %get3A_110 : vector<16xi32> to vector<16xi32>
        %get3A_112 = arith.constant 96 : index
        %get3A_113 = tpu.vector_load %arg9[%get3A_112] {strides = array<i32>} : memref<128xi32, #tpu.memory_space<vmem>>, vector<16xi32>,
        %get3A_114 = vector.shape_cast %get3A_113 : vector<16xi32> to vector<16xi32>
        %ne3A_115 = arith.cmpi ne, %get3A_111, %get3A_114 : vector<16xi32>
        %jit3A_116 = arith.constant 10016 : i32
        %broadcast_in_dim3A_117 = vector.broadcast %jit3A_116 : i32 to vector<16xi32>
        %select_n3A_118 = arith.select %ne3A_115, %get3A_114, %broadcast_in_dim3A_117 : vector<16xi1>, vector<16xi32>
        %swap3A_119 = arith.constant 96 : index
        %swap3A_120 = tpu.vector_load %arg10[%swap3A_119] {strides = array<i32>} : memref<128xi32, #tpu.memory_space<vmem>>, vector<16xi32>,
        %swap3A_121 = vector.shape_cast %swap3A_120 : vector<16xi32> to vector<16xi32>
        %swap3A_122 = vector.shape_cast %select_n3A_118 : vector<16xi32> to vector<16xi32>
        tpu.vector_store %arg10[%swap3A_119], %swap3A_122 {strides = array<i32>} : memref<128xi32, #tpu.memory_space<vmem>>, vector<16xi32>,
        %get3A_123 = arith.constant 112 : index
        %get3A_124 = tpu.vector_load %arg8[%get3A_123] {strides = array<i32>} : memref<128xi32, #tpu.memory_space<vmem>>, vector<16xi32>,
        %get3A_125 = vector.shape_cast %get3A_124 : vector<16xi32> to vector<16xi32>
        %get3A_126 = arith.constant 112 : index
        %get3A_127 = tpu.vector_load %arg9[%get3A_126] {strides = array<i32>} : memref<128xi32, #tpu.memory_space<vmem>>, vector<16xi32>,
        %get3A_128 = vector.shape_cast %get3A_127 : vector<16xi32> to vector<16xi32>
        %ne3A_129 = arith.cmpi ne, %get3A_125, %get3A_128 : vector<16xi32>
        %jit3A_130 = arith.constant 10016 : i32
        %broadcast_in_dim3A_131 = vector.broadcast %jit3A_130 : i32 to vector<16xi32>
        %select_n3A_132 = arith.select %ne3A_129, %get3A_128, %broadcast_in_dim3A_131 : vector<16xi1>, vector<16xi32>
        %swap3A_133 = arith.constant 112 : index
        %swap3A_134 = tpu.vector_load %arg10[%swap3A_133] {strides = array<i32>} : memref<128xi32, #tpu.memory_space<vmem>>, vector<16xi32>,
        %swap3A_135 = vector.shape_cast %swap3A_134 : vector<16xi32> to vector<16xi32>
        %swap3A_136 = vector.shape_cast %select_n3A_132 : vector<16xi32> to vector<16xi32>
        tpu.vector_store %arg10[%swap3A_133], %swap3A_136 {strides = array<i32>} : memref<128xi32, #tpu.memory_space<vmem>>, vector<16xi32>,
        %dma_start3A = arith.constant 0 : i32
        %dma_start3A_137 = arith.constant 0 : i32
        %dma_start3A_138 = tpu.memref_slice %arg2[%dma_start3A, %dma_start3A_137] : memref<10240x128xf32, #tpu.memory_space<hbm>> -> memref<10240x128xf32, #tpu.memory_space<hbm>>
        tpu.enqueue_indirect_dma source(%dma_start3A_138 : memref<10240x128xf32, #tpu.memory_space<hbm>>) target(%arg11 : memref<128x128xf32, #tpu.memory_space<vmem>>) offsets(%arg8 : memref<128xi32, #tpu.memory_space<vmem>>) semaphore(%arg14 : memref<!tpu.dma_semaphore, #tpu.memory_space<semaphore_mem>>)
        %dma_wait3A = arith.constant 0 : i32
        %dma_wait3A_139 = arith.constant 0 : i32
        %dma_wait3A_140 = tpu.memref_slice %arg2[%dma_wait3A, %dma_wait3A_139] : memref<10240x128xf32, #tpu.memory_space<hbm>> -> memref<10240x128xf32, #tpu.memory_space<hbm>>
        tpu.wait_indirect_dma semaphore(%arg14 : memref<!tpu.dma_semaphore, #tpu.memory_space<semaphore_mem>>) src(%dma_wait3A_140 : memref<10240x128xf32, #tpu.memory_space<hbm>>) dst(%arg11 : memref<128x128xf32, #tpu.memory_space<vmem>>)
        "tpu.region"() ({
          %run_scoped3A = tpu.sem_alloc : memref<!tpu.dma_semaphore, #tpu.memory_space<semaphore_mem>>
          %dma_start3A_141 = arith.constant 0 : i32
          %dma_start3A_142 = arith.constant 0 : i32
          %dma_start3A_143 = tpu.memref_slice %arg13[%dma_start3A_141, %dma_start3A_142] : memref<10240x128xf32, #tpu.memory_space<vmem_shared>> -> memref<10240x128xf32, #tpu.memory_space<vmem_shared>>
          tpu.enqueue_indirect_dma source(%arg11 : memref<128x128xf32, #tpu.memory_space<vmem>>) target(%dma_start3A_143 : memref<10240x128xf32, #tpu.memory_space<vmem_shared>>) offsets(%arg10 : memref<128xi32, #tpu.memory_space<vmem>>) semaphore(%run_scoped3A : memref<!tpu.dma_semaphore, #tpu.memory_space<semaphore_mem>>) {add = true}
          %dma_wait3A_144 = arith.constant 0 : i32
          %dma_wait3A_145 = arith.constant 0 : i32
          %dma_wait3A_146 = tpu.memref_slice %arg13[%dma_wait3A_144, %dma_wait3A_145] : memref<10240x128xf32, #tpu.memory_space<vmem_shared>> -> memref<10240x128xf32, #tpu.memory_space<vmem_shared>>
          tpu.wait_indirect_dma semaphore(%run_scoped3A : memref<!tpu.dma_semaphore, #tpu.memory_space<semaphore_mem>>) src(%arg11 : memref<128x128xf32, #tpu.memory_space<vmem>>) dst(%dma_wait3A_146 : memref<10240x128xf32, #tpu.memory_space<vmem_shared>>)
          tpu.yield
        }) : () -> ()
      }
      %scan3A_20 = arith.constant 79 : i32
      %barrier3A_21 = arith.constant 0 : index
      tpu.barrier barrier_id(%barrier3A_21)
      %scan3A_22 = arith.constant 0 : i32
      %scan3A_23 = arith.constant 0 : i32
      %scan3A_24 = arith.constant 5 : i32
      %scan3A_25 = arith.addi %scan3A_23, %scan3A_24 : i32
      %scan3A_26 = arith.constant 1 : i32
      scf.for %scan3A_28 = %scan3A_23 to %scan3A_25 step %scan3A_26  : i32 {
        %mul3A_29 = arith.constant 128 : i32
        %mul3A_30 = arith.muli %scan3A_28, %mul3A_29 : i32
        %add3A = arith.addi %mul3A_0, %mul3A_30 : i32
        "tpu.region"() ({
          %run_scoped3A = tpu.sem_alloc : memref<!tpu.dma_semaphore, #tpu.memory_space<semaphore_mem>>
          %dma_start3A = arith.constant 0 : i32
          %dma_start3A_34 = tpu.memref_slice %arg13[%add3A, %dma_start3A] : memref<10240x128xf32, #tpu.memory_space<vmem_shared>> -> memref<128x128xf32, #tpu.memory_space<vmem_shared>>
          %dma_start3A_35 = arith.constant 0 : i32
          %dma_start3A_36 = tpu.memref_slice %arg13[%add3A, %dma_start3A_35] : memref<10240x128xf32, #tpu.memory_space<vmem_shared>> -> memref<128x128xf32, #tpu.memory_space<vmem_shared>>
          tpu.enqueue_dma source(%dma_start3A_36 : memref<128x128xf32, #tpu.memory_space<vmem_shared>>) target(%arg12 : memref<128x128xf32, #tpu.memory_space<vmem>>) target_semaphore(%run_scoped3A : memref<!tpu.dma_semaphore, #tpu.memory_space<semaphore_mem>>)
          %dma_wait3A = arith.constant 0 : i32
          %dma_wait3A_37 = tpu.memref_slice %arg13[%add3A, %dma_wait3A] : memref<10240x128xf32, #tpu.memory_space<vmem_shared>> -> memref<128x128xf32, #tpu.memory_space<vmem_shared>>
          %dma_wait3A_38 = arith.constant 0 : i32
          %dma_wait3A_39 = tpu.memref_slice %arg13[%add3A, %dma_wait3A_38] : memref<10240x128xf32, #tpu.memory_space<vmem_shared>> -> memref<128x128xf32, #tpu.memory_space<vmem_shared>>
          tpu.wait_dma2 semaphore(%run_scoped3A : memref<!tpu.dma_semaphore, #tpu.memory_space<semaphore_mem>>) src(%dma_wait3A_39 : memref<128x128xf32, #tpu.memory_space<vmem_shared>>) dst(%arg12 : memref<128x128xf32, #tpu.memory_space<vmem>>)
          tpu.yield
        }) : () -> ()
        %mul3A_31 = arith.constant 128 : i32
        %mul3A_32 = arith.muli %scan3A_28, %mul3A_31 : i32
        %add3A_33 = arith.addi %mul3A_0, %mul3A_32 : i32
        "tpu.region"() ({
          %run_scoped3A = tpu.sem_alloc : memref<!tpu.dma_semaphore, #tpu.memory_space<semaphore_mem>>
          %dma_start3A = arith.constant 0 : i32
          %dma_start3A_34 = tpu.memref_slice %arg6[%add3A_33, %dma_start3A] : memref<10240x128xf32, #tpu.memory_space<hbm>> -> memref<128x128xf32, #tpu.memory_space<hbm>>
          %dma_start3A_35 = arith.constant 0 : i32
          %dma_start3A_36 = tpu.memref_slice %arg6[%add3A_33, %dma_start3A_35] : memref<10240x128xf32, #tpu.memory_space<hbm>> -> memref<128x128xf32, #tpu.memory_space<hbm>>
          tpu.enqueue_dma source(%arg12 : memref<128x128xf32, #tpu.memory_space<vmem>>) target(%dma_start3A_36 : memref<128x128xf32, #tpu.memory_space<hbm>>) target_semaphore(%run_scoped3A : memref<!tpu.dma_semaphore, #tpu.memory_space<semaphore_mem>>)
          %dma_wait3A = arith.constant 0 : i32
          %dma_wait3A_37 = tpu.memref_slice %arg6[%add3A_33, %dma_wait3A] : memref<10240x128xf32, #tpu.memory_space<hbm>> -> memref<128x128xf32, #tpu.memory_space<hbm>>
          %dma_wait3A_38 = arith.constant 0 : i32
          %dma_wait3A_39 = tpu.memref_slice %arg6[%add3A_33, %dma_wait3A_38] : memref<10240x128xf32, #tpu.memory_space<hbm>> -> memref<128x128xf32, #tpu.memory_space<hbm>>
          tpu.wait_dma2 semaphore(%run_scoped3A : memref<!tpu.dma_semaphore, #tpu.memory_space<semaphore_mem>>) src(%arg12 : memref<128x128xf32, #tpu.memory_space<vmem>>) dst(%dma_wait3A_39 : memref<128x128xf32, #tpu.memory_space<hbm>>)
          tpu.yield
        }) : () -> ()
      }
      %scan3A_27 = arith.constant 5 : i32
    } else {
    }
    %eq3A_5 = arith.constant 1 : i32
    %eq3A_6 = arith.cmpi eq, %arg0, %eq3A_5 : i32
    %convert_element_type3A_7 = arith.extui %eq3A_6 : i1 to i32
    %cond3A_8 = arith.constant 0 : i32
    %cond3A_9 = arith.cmpi ne, %convert_element_type3A_7, %cond3A_8 : i32
    scf.if %cond3A_9 {
      %scan3A = arith.constant 0 : i32
      %scan3A_10 = arith.constant 0 : i32
      %scan3A_11 = arith.constant 5 : i32
      %scan3A_12 = arith.addi %scan3A_10, %scan3A_11 : i32
      %scan3A_13 = arith.constant 1 : i32
      scf.for %scan3A_28 = %scan3A_10 to %scan3A_12 step %scan3A_13  : i32 {
        %mul3A_29 = arith.constant 128 : i32
        %mul3A_30 = arith.muli %scan3A_28, %mul3A_29 : i32
        %add3A = arith.addi %mul3A_0, %mul3A_30 : i32
        "tpu.region"() ({
          %run_scoped3A = tpu.sem_alloc : memref<!tpu.dma_semaphore, #tpu.memory_space<semaphore_mem>>
          %dma_start3A = arith.constant 0 : i32
          %dma_start3A_34 = tpu.memref_slice %arg3[%add3A, %dma_start3A] : memref<10240x128xf32, #tpu.memory_space<hbm>> -> memref<128x128xf32, #tpu.memory_space<hbm>>
          %dma_start3A_35 = arith.constant 0 : i32
          %dma_start3A_36 = tpu.memref_slice %arg3[%add3A, %dma_start3A_35] : memref<10240x128xf32, #tpu.memory_space<hbm>> -> memref<128x128xf32, #tpu.memory_space<hbm>>
          tpu.enqueue_dma source(%dma_start3A_36 : memref<128x128xf32, #tpu.memory_space<hbm>>) target(%arg12 : memref<128x128xf32, #tpu.memory_space<vmem>>) target_semaphore(%run_scoped3A : memref<!tpu.dma_semaphore, #tpu.memory_space<semaphore_mem>>)
          %dma_wait3A = arith.constant 0 : i32
          %dma_wait3A_37 = tpu.memref_slice %arg3[%add3A, %dma_wait3A] : memref<10240x128xf32, #tpu.memory_space<hbm>> -> memref<128x128xf32, #tpu.memory_space<hbm>>
          %dma_wait3A_38 = arith.constant 0 : i32
          %dma_wait3A_39 = tpu.memref_slice %arg3[%add3A, %dma_wait3A_38] : memref<10240x128xf32, #tpu.memory_space<hbm>> -> memref<128x128xf32, #tpu.memory_space<hbm>>
          tpu.wait_dma2 semaphore(%run_scoped3A : memref<!tpu.dma_semaphore, #tpu.memory_space<semaphore_mem>>) src(%dma_wait3A_39 : memref<128x128xf32, #tpu.memory_space<hbm>>) dst(%arg12 : memref<128x128xf32, #tpu.memory_space<vmem>>)
          tpu.yield
        }) : () -> ()
        %mul3A_31 = arith.constant 128 : i32
        %mul3A_32 = arith.muli %scan3A_28, %mul3A_31 : i32
        %add3A_33 = arith.addi %mul3A_0, %mul3A_32 : i32
        "tpu.region"() ({
          %run_scoped3A = tpu.sem_alloc : memref<!tpu.dma_semaphore, #tpu.memory_space<semaphore_mem>>
          %dma_start3A = arith.constant 0 : i32
          %dma_start3A_34 = tpu.memref_slice %arg13[%add3A_33, %dma_start3A] : memref<10240x128xf32, #tpu.memory_space<vmem_shared>> -> memref<128x128xf32, #tpu.memory_space<vmem_shared>>
          %dma_start3A_35 = arith.constant 0 : i32
          %dma_start3A_36 = tpu.memref_slice %arg13[%add3A_33, %dma_start3A_35] : memref<10240x128xf32, #tpu.memory_space<vmem_shared>> -> memref<128x128xf32, #tpu.memory_space<vmem_shared>>
          tpu.enqueue_dma source(%arg12 : memref<128x128xf32, #tpu.memory_space<vmem>>) target(%dma_start3A_36 : memref<128x128xf32, #tpu.memory_space<vmem_shared>>) target_semaphore(%run_scoped3A : memref<!tpu.dma_semaphore, #tpu.memory_space<semaphore_mem>>)
          %dma_wait3A = arith.constant 0 : i32
          %dma_wait3A_37 = tpu.memref_slice %arg13[%add3A_33, %dma_wait3A] : memref<10240x128xf32, #tpu.memory_space<vmem_shared>> -> memref<128x128xf32, #tpu.memory_space<vmem_shared>>
          %dma_wait3A_38 = arith.constant 0 : i32
          %dma_wait3A_39 = tpu.memref_slice %arg13[%add3A_33, %dma_wait3A_38] : memref<10240x128xf32, #tpu.memory_space<vmem_shared>> -> memref<128x128xf32, #tpu.memory_space<vmem_shared>>
          tpu.wait_dma2 semaphore(%run_scoped3A : memref<!tpu.dma_semaphore, #tpu.memory_space<semaphore_mem>>) src(%arg12 : memref<128x128xf32, #tpu.memory_space<vmem>>) dst(%dma_wait3A_39 : memref<128x128xf32, #tpu.memory_space<vmem_shared>>)
          tpu.yield
        }) : () -> ()
      }
      %scan3A_14 = arith.constant 5 : i32
      %barrier3A = arith.constant 0 : index
      tpu.barrier barrier_id(%barrier3A)
      %scan3A_15 = arith.constant 0 : i32
      %scan3A_16 = arith.constant 0 : i32
      %scan3A_17 = arith.constant 79 : i32
      %scan3A_18 = arith.addi %scan3A_16, %scan3A_17 : i32
      %scan3A_19 = arith.constant 1 : i32
      scf.for %scan3A_28 = %scan3A_16 to %scan3A_18 step %scan3A_19  : i32 {
        %mul3A_29 = arith.constant 128 : i32
        %mul3A_30 = arith.muli %scan3A_28, %mul3A_29 : i32
        %add3A = arith.addi %mul3A_2, %mul3A_30 : i32
        "tpu.region"() ({
          %run_scoped3A = tpu.sem_alloc : memref<!tpu.dma_semaphore, #tpu.memory_space<semaphore_mem>>
          %dma_start3A_141 = tpu.memref_slice %arg4[%add3A] : memref<161792xi32, #tpu.memory_space<hbm>> -> memref<128xi32, #tpu.memory_space<hbm>>
          %dma_start3A_142 = tpu.memref_slice %arg4[%add3A] : memref<161792xi32, #tpu.memory_space<hbm>> -> memref<128xi32, #tpu.memory_space<hbm>>
          tpu.enqueue_dma source(%dma_start3A_142 : memref<128xi32, #tpu.memory_space<hbm>>) target(%arg8 : memref<128xi32, #tpu.memory_space<vmem>>) target_semaphore(%run_scoped3A : memref<!tpu.dma_semaphore, #tpu.memory_space<semaphore_mem>>)
          %dma_wait3A_143 = tpu.memref_slice %arg4[%add3A] : memref<161792xi32, #tpu.memory_space<hbm>> -> memref<128xi32, #tpu.memory_space<hbm>>
          %dma_wait3A_144 = tpu.memref_slice %arg4[%add3A] : memref<161792xi32, #tpu.memory_space<hbm>> -> memref<128xi32, #tpu.memory_space<hbm>>
          tpu.wait_dma2 semaphore(%run_scoped3A : memref<!tpu.dma_semaphore, #tpu.memory_space<semaphore_mem>>) src(%dma_wait3A_144 : memref<128xi32, #tpu.memory_space<hbm>>) dst(%arg8 : memref<128xi32, #tpu.memory_space<vmem>>)
          tpu.yield
        }) : () -> ()
        "tpu.region"() ({
          %run_scoped3A = tpu.sem_alloc : memref<!tpu.dma_semaphore, #tpu.memory_space<semaphore_mem>>
          %dma_start3A_141 = tpu.memref_slice %arg5[%add3A] : memref<161792xi32, #tpu.memory_space<hbm>> -> memref<128xi32, #tpu.memory_space<hbm>>
          %dma_start3A_142 = tpu.memref_slice %arg5[%add3A] : memref<161792xi32, #tpu.memory_space<hbm>> -> memref<128xi32, #tpu.memory_space<hbm>>
          tpu.enqueue_dma source(%dma_start3A_142 : memref<128xi32, #tpu.memory_space<hbm>>) target(%arg9 : memref<128xi32, #tpu.memory_space<vmem>>) target_semaphore(%run_scoped3A : memref<!tpu.dma_semaphore, #tpu.memory_space<semaphore_mem>>)
          %dma_wait3A_143 = tpu.memref_slice %arg5[%add3A] : memref<161792xi32, #tpu.memory_space<hbm>> -> memref<128xi32, #tpu.memory_space<hbm>>
          %dma_wait3A_144 = tpu.memref_slice %arg5[%add3A] : memref<161792xi32, #tpu.memory_space<hbm>> -> memref<128xi32, #tpu.memory_space<hbm>>
          tpu.wait_dma2 semaphore(%run_scoped3A : memref<!tpu.dma_semaphore, #tpu.memory_space<semaphore_mem>>) src(%dma_wait3A_144 : memref<128xi32, #tpu.memory_space<hbm>>) dst(%arg9 : memref<128xi32, #tpu.memory_space<vmem>>)
          tpu.yield
        }) : () -> ()
        %get3A = arith.constant 0 : index
        %get3A_31 = tpu.vector_load %arg8[%get3A] {strides = array<i32>} : memref<128xi32, #tpu.memory_space<vmem>>, vector<16xi32>,
        %get3A_32 = vector.shape_cast %get3A_31 : vector<16xi32> to vector<16xi32>
        %get3A_33 = arith.constant 0 : index
        %get3A_34 = tpu.vector_load %arg9[%get3A_33] {strides = array<i32>} : memref<128xi32, #tpu.memory_space<vmem>>, vector<16xi32>,
        %get3A_35 = vector.shape_cast %get3A_34 : vector<16xi32> to vector<16xi32>
        %ne3A = arith.cmpi ne, %get3A_32, %get3A_35 : vector<16xi32>
        %jit3A = arith.constant 10016 : i32
        %broadcast_in_dim3A = vector.broadcast %jit3A : i32 to vector<16xi32>
        %select_n3A = arith.select %ne3A, %get3A_35, %broadcast_in_dim3A : vector<16xi1>, vector<16xi32>
        %swap3A = arith.constant 0 : index
        %swap3A_36 = tpu.vector_load %arg10[%swap3A] {strides = array<i32>} : memref<128xi32, #tpu.memory_space<vmem>>, vector<16xi32>,
        %swap3A_37 = vector.shape_cast %swap3A_36 : vector<16xi32> to vector<16xi32>
        %swap3A_38 = vector.shape_cast %select_n3A : vector<16xi32> to vector<16xi32>
        tpu.vector_store %arg10[%swap3A], %swap3A_38 {strides = array<i32>} : memref<128xi32, #tpu.memory_space<vmem>>, vector<16xi32>,
        %get3A_39 = arith.constant 16 : index
        %get3A_40 = tpu.vector_load %arg8[%get3A_39] {strides = array<i32>} : memref<128xi32, #tpu.memory_space<vmem>>, vector<16xi32>,
        %get3A_41 = vector.shape_cast %get3A_40 : vector<16xi32> to vector<16xi32>
        %get3A_42 = arith.constant 16 : index
        %get3A_43 = tpu.vector_load %arg9[%get3A_42] {strides = array<i32>} : memref<128xi32, #tpu.memory_space<vmem>>, vector<16xi32>,
        %get3A_44 = vector.shape_cast %get3A_43 : vector<16xi32> to vector<16xi32>
        %ne3A_45 = arith.cmpi ne, %get3A_41, %get3A_44 : vector<16xi32>
        %jit3A_46 = arith.constant 10016 : i32
        %broadcast_in_dim3A_47 = vector.broadcast %jit3A_46 : i32 to vector<16xi32>
        %select_n3A_48 = arith.select %ne3A_45, %get3A_44, %broadcast_in_dim3A_47 : vector<16xi1>, vector<16xi32>
        %swap3A_49 = arith.constant 16 : index
        %swap3A_50 = tpu.vector_load %arg10[%swap3A_49] {strides = array<i32>} : memref<128xi32, #tpu.memory_space<vmem>>, vector<16xi32>,
        %swap3A_51 = vector.shape_cast %swap3A_50 : vector<16xi32> to vector<16xi32>
        %swap3A_52 = vector.shape_cast %select_n3A_48 : vector<16xi32> to vector<16xi32>
        tpu.vector_store %arg10[%swap3A_49], %swap3A_52 {strides = array<i32>} : memref<128xi32, #tpu.memory_space<vmem>>, vector<16xi32>,
        %get3A_53 = arith.constant 32 : index
        %get3A_54 = tpu.vector_load %arg8[%get3A_53] {strides = array<i32>} : memref<128xi32, #tpu.memory_space<vmem>>, vector<16xi32>,
        %get3A_55 = vector.shape_cast %get3A_54 : vector<16xi32> to vector<16xi32>
        %get3A_56 = arith.constant 32 : index
        %get3A_57 = tpu.vector_load %arg9[%get3A_56] {strides = array<i32>} : memref<128xi32, #tpu.memory_space<vmem>>, vector<16xi32>,
        %get3A_58 = vector.shape_cast %get3A_57 : vector<16xi32> to vector<16xi32>
        %ne3A_59 = arith.cmpi ne, %get3A_55, %get3A_58 : vector<16xi32>
        %jit3A_60 = arith.constant 10016 : i32
        %broadcast_in_dim3A_61 = vector.broadcast %jit3A_60 : i32 to vector<16xi32>
        %select_n3A_62 = arith.select %ne3A_59, %get3A_58, %broadcast_in_dim3A_61 : vector<16xi1>, vector<16xi32>
        %swap3A_63 = arith.constant 32 : index
        %swap3A_64 = tpu.vector_load %arg10[%swap3A_63] {strides = array<i32>} : memref<128xi32, #tpu.memory_space<vmem>>, vector<16xi32>,
        %swap3A_65 = vector.shape_cast %swap3A_64 : vector<16xi32> to vector<16xi32>
        %swap3A_66 = vector.shape_cast %select_n3A_62 : vector<16xi32> to vector<16xi32>
        tpu.vector_store %arg10[%swap3A_63], %swap3A_66 {strides = array<i32>} : memref<128xi32, #tpu.memory_space<vmem>>, vector<16xi32>,
        %get3A_67 = arith.constant 48 : index
        %get3A_68 = tpu.vector_load %arg8[%get3A_67] {strides = array<i32>} : memref<128xi32, #tpu.memory_space<vmem>>, vector<16xi32>,
        %get3A_69 = vector.shape_cast %get3A_68 : vector<16xi32> to vector<16xi32>
        %get3A_70 = arith.constant 48 : index
        %get3A_71 = tpu.vector_load %arg9[%get3A_70] {strides = array<i32>} : memref<128xi32, #tpu.memory_space<vmem>>, vector<16xi32>,
        %get3A_72 = vector.shape_cast %get3A_71 : vector<16xi32> to vector<16xi32>
        %ne3A_73 = arith.cmpi ne, %get3A_69, %get3A_72 : vector<16xi32>
        %jit3A_74 = arith.constant 10016 : i32
        %broadcast_in_dim3A_75 = vector.broadcast %jit3A_74 : i32 to vector<16xi32>
        %select_n3A_76 = arith.select %ne3A_73, %get3A_72, %broadcast_in_dim3A_75 : vector<16xi1>, vector<16xi32>
        %swap3A_77 = arith.constant 48 : index
        %swap3A_78 = tpu.vector_load %arg10[%swap3A_77] {strides = array<i32>} : memref<128xi32, #tpu.memory_space<vmem>>, vector<16xi32>,
        %swap3A_79 = vector.shape_cast %swap3A_78 : vector<16xi32> to vector<16xi32>
        %swap3A_80 = vector.shape_cast %select_n3A_76 : vector<16xi32> to vector<16xi32>
        tpu.vector_store %arg10[%swap3A_77], %swap3A_80 {strides = array<i32>} : memref<128xi32, #tpu.memory_space<vmem>>, vector<16xi32>,
        %get3A_81 = arith.constant 64 : index
        %get3A_82 = tpu.vector_load %arg8[%get3A_81] {strides = array<i32>} : memref<128xi32, #tpu.memory_space<vmem>>, vector<16xi32>,
        %get3A_83 = vector.shape_cast %get3A_82 : vector<16xi32> to vector<16xi32>
        %get3A_84 = arith.constant 64 : index
        %get3A_85 = tpu.vector_load %arg9[%get3A_84] {strides = array<i32>} : memref<128xi32, #tpu.memory_space<vmem>>, vector<16xi32>,
        %get3A_86 = vector.shape_cast %get3A_85 : vector<16xi32> to vector<16xi32>
        %ne3A_87 = arith.cmpi ne, %get3A_83, %get3A_86 : vector<16xi32>
        %jit3A_88 = arith.constant 10016 : i32
        %broadcast_in_dim3A_89 = vector.broadcast %jit3A_88 : i32 to vector<16xi32>
        %select_n3A_90 = arith.select %ne3A_87, %get3A_86, %broadcast_in_dim3A_89 : vector<16xi1>, vector<16xi32>
        %swap3A_91 = arith.constant 64 : index
        %swap3A_92 = tpu.vector_load %arg10[%swap3A_91] {strides = array<i32>} : memref<128xi32, #tpu.memory_space<vmem>>, vector<16xi32>,
        %swap3A_93 = vector.shape_cast %swap3A_92 : vector<16xi32> to vector<16xi32>
        %swap3A_94 = vector.shape_cast %select_n3A_90 : vector<16xi32> to vector<16xi32>
        tpu.vector_store %arg10[%swap3A_91], %swap3A_94 {strides = array<i32>} : memref<128xi32, #tpu.memory_space<vmem>>, vector<16xi32>,
        %get3A_95 = arith.constant 80 : index
        %get3A_96 = tpu.vector_load %arg8[%get3A_95] {strides = array<i32>} : memref<128xi32, #tpu.memory_space<vmem>>, vector<16xi32>,
        %get3A_97 = vector.shape_cast %get3A_96 : vector<16xi32> to vector<16xi32>
        %get3A_98 = arith.constant 80 : index
        %get3A_99 = tpu.vector_load %arg9[%get3A_98] {strides = array<i32>} : memref<128xi32, #tpu.memory_space<vmem>>, vector<16xi32>,
        %get3A_100 = vector.shape_cast %get3A_99 : vector<16xi32> to vector<16xi32>
        %ne3A_101 = arith.cmpi ne, %get3A_97, %get3A_100 : vector<16xi32>
        %jit3A_102 = arith.constant 10016 : i32
        %broadcast_in_dim3A_103 = vector.broadcast %jit3A_102 : i32 to vector<16xi32>
        %select_n3A_104 = arith.select %ne3A_101, %get3A_100, %broadcast_in_dim3A_103 : vector<16xi1>, vector<16xi32>
        %swap3A_105 = arith.constant 80 : index
        %swap3A_106 = tpu.vector_load %arg10[%swap3A_105] {strides = array<i32>} : memref<128xi32, #tpu.memory_space<vmem>>, vector<16xi32>,
        %swap3A_107 = vector.shape_cast %swap3A_106 : vector<16xi32> to vector<16xi32>
        %swap3A_108 = vector.shape_cast %select_n3A_104 : vector<16xi32> to vector<16xi32>
        tpu.vector_store %arg10[%swap3A_105], %swap3A_108 {strides = array<i32>} : memref<128xi32, #tpu.memory_space<vmem>>, vector<16xi32>,
        %get3A_109 = arith.constant 96 : index
        %get3A_110 = tpu.vector_load %arg8[%get3A_109] {strides = array<i32>} : memref<128xi32, #tpu.memory_space<vmem>>, vector<16xi32>,
        %get3A_111 = vector.shape_cast %get3A_110 : vector<16xi32> to vector<16xi32>
        %get3A_112 = arith.constant 96 : index
        %get3A_113 = tpu.vector_load %arg9[%get3A_112] {strides = array<i32>} : memref<128xi32, #tpu.memory_space<vmem>>, vector<16xi32>,
        %get3A_114 = vector.shape_cast %get3A_113 : vector<16xi32> to vector<16xi32>
        %ne3A_115 = arith.cmpi ne, %get3A_111, %get3A_114 : vector<16xi32>
        %jit3A_116 = arith.constant 10016 : i32
        %broadcast_in_dim3A_117 = vector.broadcast %jit3A_116 : i32 to vector<16xi32>
        %select_n3A_118 = arith.select %ne3A_115, %get3A_114, %broadcast_in_dim3A_117 : vector<16xi1>, vector<16xi32>
        %swap3A_119 = arith.constant 96 : index
        %swap3A_120 = tpu.vector_load %arg10[%swap3A_119] {strides = array<i32>} : memref<128xi32, #tpu.memory_space<vmem>>, vector<16xi32>,
        %swap3A_121 = vector.shape_cast %swap3A_120 : vector<16xi32> to vector<16xi32>
        %swap3A_122 = vector.shape_cast %select_n3A_118 : vector<16xi32> to vector<16xi32>
        tpu.vector_store %arg10[%swap3A_119], %swap3A_122 {strides = array<i32>} : memref<128xi32, #tpu.memory_space<vmem>>, vector<16xi32>,
        %get3A_123 = arith.constant 112 : index
        %get3A_124 = tpu.vector_load %arg8[%get3A_123] {strides = array<i32>} : memref<128xi32, #tpu.memory_space<vmem>>, vector<16xi32>,
        %get3A_125 = vector.shape_cast %get3A_124 : vector<16xi32> to vector<16xi32>
        %get3A_126 = arith.constant 112 : index
        %get3A_127 = tpu.vector_load %arg9[%get3A_126] {strides = array<i32>} : memref<128xi32, #tpu.memory_space<vmem>>, vector<16xi32>,
        %get3A_128 = vector.shape_cast %get3A_127 : vector<16xi32> to vector<16xi32>
        %ne3A_129 = arith.cmpi ne, %get3A_125, %get3A_128 : vector<16xi32>
        %jit3A_130 = arith.constant 10016 : i32
        %broadcast_in_dim3A_131 = vector.broadcast %jit3A_130 : i32 to vector<16xi32>
        %select_n3A_132 = arith.select %ne3A_129, %get3A_128, %broadcast_in_dim3A_131 : vector<16xi1>, vector<16xi32>
        %swap3A_133 = arith.constant 112 : index
        %swap3A_134 = tpu.vector_load %arg10[%swap3A_133] {strides = array<i32>} : memref<128xi32, #tpu.memory_space<vmem>>, vector<16xi32>,
        %swap3A_135 = vector.shape_cast %swap3A_134 : vector<16xi32> to vector<16xi32>
        %swap3A_136 = vector.shape_cast %select_n3A_132 : vector<16xi32> to vector<16xi32>
        tpu.vector_store %arg10[%swap3A_133], %swap3A_136 {strides = array<i32>} : memref<128xi32, #tpu.memory_space<vmem>>, vector<16xi32>,
        %dma_start3A = arith.constant 0 : i32
        %dma_start3A_137 = arith.constant 0 : i32
        %dma_start3A_138 = tpu.memref_slice %arg3[%dma_start3A, %dma_start3A_137] : memref<10240x128xf32, #tpu.memory_space<hbm>> -> memref<10240x128xf32, #tpu.memory_space<hbm>>
        tpu.enqueue_indirect_dma source(%dma_start3A_138 : memref<10240x128xf32, #tpu.memory_space<hbm>>) target(%arg11 : memref<128x128xf32, #tpu.memory_space<vmem>>) offsets(%arg8 : memref<128xi32, #tpu.memory_space<vmem>>) semaphore(%arg14 : memref<!tpu.dma_semaphore, #tpu.memory_space<semaphore_mem>>)
        %dma_wait3A = arith.constant 0 : i32
        %dma_wait3A_139 = arith.constant 0 : i32
        %dma_wait3A_140 = tpu.memref_slice %arg3[%dma_wait3A, %dma_wait3A_139] : memref<10240x128xf32, #tpu.memory_space<hbm>> -> memref<10240x128xf32, #tpu.memory_space<hbm>>
        tpu.wait_indirect_dma semaphore(%arg14 : memref<!tpu.dma_semaphore, #tpu.memory_space<semaphore_mem>>) src(%dma_wait3A_140 : memref<10240x128xf32, #tpu.memory_space<hbm>>) dst(%arg11 : memref<128x128xf32, #tpu.memory_space<vmem>>)
        "tpu.region"() ({
          %run_scoped3A = tpu.sem_alloc : memref<!tpu.dma_semaphore, #tpu.memory_space<semaphore_mem>>
          %dma_start3A_141 = arith.constant 0 : i32
          %dma_start3A_142 = arith.constant 0 : i32
          %dma_start3A_143 = tpu.memref_slice %arg13[%dma_start3A_141, %dma_start3A_142] : memref<10240x128xf32, #tpu.memory_space<vmem_shared>> -> memref<10240x128xf32, #tpu.memory_space<vmem_shared>>
          tpu.enqueue_indirect_dma source(%arg11 : memref<128x128xf32, #tpu.memory_space<vmem>>) target(%dma_start3A_143 : memref<10240x128xf32, #tpu.memory_space<vmem_shared>>) offsets(%arg10 : memref<128xi32, #tpu.memory_space<vmem>>) semaphore(%run_scoped3A : memref<!tpu.dma_semaphore, #tpu.memory_space<semaphore_mem>>) {add = true}
          %dma_wait3A_144 = arith.constant 0 : i32
          %dma_wait3A_145 = arith.constant 0 : i32
          %dma_wait3A_146 = tpu.memref_slice %arg13[%dma_wait3A_144, %dma_wait3A_145] : memref<10240x128xf32, #tpu.memory_space<vmem_shared>> -> memref<10240x128xf32, #tpu.memory_space<vmem_shared>>
          tpu.wait_indirect_dma semaphore(%run_scoped3A : memref<!tpu.dma_semaphore, #tpu.memory_space<semaphore_mem>>) src(%arg11 : memref<128x128xf32, #tpu.memory_space<vmem>>) dst(%dma_wait3A_146 : memref<10240x128xf32, #tpu.memory_space<vmem_shared>>)
          tpu.yield
        }) : () -> ()
      }
      %scan3A_20 = arith.constant 79 : i32
      %barrier3A_21 = arith.constant 0 : index
      tpu.barrier barrier_id(%barrier3A_21)
      %scan3A_22 = arith.constant 0 : i32
      %scan3A_23 = arith.constant 0 : i32
      %scan3A_24 = arith.constant 5 : i32
      %scan3A_25 = arith.addi %scan3A_23, %scan3A_24 : i32
      %scan3A_26 = arith.constant 1 : i32
      scf.for %scan3A_28 = %scan3A_23 to %scan3A_25 step %scan3A_26  : i32 {
        %mul3A_29 = arith.constant 128 : i32
        %mul3A_30 = arith.muli %scan3A_28, %mul3A_29 : i32
        %add3A = arith.addi %mul3A_0, %mul3A_30 : i32
        "tpu.region"() ({
          %run_scoped3A = tpu.sem_alloc : memref<!tpu.dma_semaphore, #tpu.memory_space<semaphore_mem>>
          %dma_start3A = arith.constant 0 : i32
          %dma_start3A_34 = tpu.memref_slice %arg13[%add3A, %dma_start3A] : memref<10240x128xf32, #tpu.memory_space<vmem_shared>> -> memref<128x128xf32, #tpu.memory_space<vmem_shared>>
          %dma_start3A_35 = arith.constant 0 : i32
          %dma_start3A_36 = tpu.memref_slice %arg13[%add3A, %dma_start3A_35] : memref<10240x128xf32, #tpu.memory_space<vmem_shared>> -> memref<128x128xf32, #tpu.memory_space<vmem_shared>>
          tpu.enqueue_dma source(%dma_start3A_36 : memref<128x128xf32, #tpu.memory_space<vmem_shared>>) target(%arg12 : memref<128x128xf32, #tpu.memory_space<vmem>>) target_semaphore(%run_scoped3A : memref<!tpu.dma_semaphore, #tpu.memory_space<semaphore_mem>>)
          %dma_wait3A = arith.constant 0 : i32
          %dma_wait3A_37 = tpu.memref_slice %arg13[%add3A, %dma_wait3A] : memref<10240x128xf32, #tpu.memory_space<vmem_shared>> -> memref<128x128xf32, #tpu.memory_space<vmem_shared>>
          %dma_wait3A_38 = arith.constant 0 : i32
          %dma_wait3A_39 = tpu.memref_slice %arg13[%add3A, %dma_wait3A_38] : memref<10240x128xf32, #tpu.memory_space<vmem_shared>> -> memref<128x128xf32, #tpu.memory_space<vmem_shared>>
          tpu.wait_dma2 semaphore(%run_scoped3A : memref<!tpu.dma_semaphore, #tpu.memory_space<semaphore_mem>>) src(%dma_wait3A_39 : memref<128x128xf32, #tpu.memory_space<vmem_shared>>) dst(%arg12 : memref<128x128xf32, #tpu.memory_space<vmem>>)
          tpu.yield
        }) : () -> ()
        %mul3A_31 = arith.constant 128 : i32
        %mul3A_32 = arith.muli %scan3A_28, %mul3A_31 : i32
        %add3A_33 = arith.addi %mul3A_0, %mul3A_32 : i32
        "tpu.region"() ({
          %run_scoped3A = tpu.sem_alloc : memref<!tpu.dma_semaphore, #tpu.memory_space<semaphore_mem>>
          %dma_start3A = arith.constant 0 : i32
          %dma_start3A_34 = tpu.memref_slice %arg7[%add3A_33, %dma_start3A] : memref<10240x128xf32, #tpu.memory_space<hbm>> -> memref<128x128xf32, #tpu.memory_space<hbm>>
          %dma_start3A_35 = arith.constant 0 : i32
          %dma_start3A_36 = tpu.memref_slice %arg7[%add3A_33, %dma_start3A_35] : memref<10240x128xf32, #tpu.memory_space<hbm>> -> memref<128x128xf32, #tpu.memory_space<hbm>>
          tpu.enqueue_dma source(%arg12 : memref<128x128xf32, #tpu.memory_space<vmem>>) target(%dma_start3A_36 : memref<128x128xf32, #tpu.memory_space<hbm>>) target_semaphore(%run_scoped3A : memref<!tpu.dma_semaphore, #tpu.memory_space<semaphore_mem>>)
          %dma_wait3A = arith.constant 0 : i32
          %dma_wait3A_37 = tpu.memref_slice %arg7[%add3A_33, %dma_wait3A] : memref<10240x128xf32, #tpu.memory_space<hbm>> -> memref<128x128xf32, #tpu.memory_space<hbm>>
          %dma_wait3A_38 = arith.constant 0 : i32
          %dma_wait3A_39 = tpu.memref_slice %arg7[%add3A_33, %dma_wait3A_38] : memref<10240x128xf32, #tpu.memory_space<hbm>> -> memref<128x128xf32, #tpu.memory_space<hbm>>
          tpu.wait_dma2 semaphore(%run_scoped3A : memref<!tpu.dma_semaphore, #tpu.memory_space<semaphore_mem>>) src(%arg12 : memref<128x128xf32, #tpu.memory_space<vmem>>) dst(%dma_wait3A_39 : memref<128x128xf32, #tpu.memory_space<hbm>>)
          tpu.yield
        }) : () -> ()
      }
      %scan3A_27 = arith.constant 5 : i32
    } else {
    }
    return
  }
}

module attributes {stable_mosaic.version = 14 : i64} {
  func.func @_mm0_body(%arg0: i32, %arg1: memref<1024x256xf32, #tpu.memory_space<vmem>>, %arg2: memref<1024x16xf32, #tpu.memory_space<vmem>>, %arg3: memref<256x256xf32, #tpu.memory_space<vmem>>, %arg4: memref<1024x128xf32, #tpu.memory_space<vmem>>, %arg5: memref<1024x128xf32, #tpu.memory_space<vmem>>) attributes {dimension_semantics = [#tpu.dimension_semantics<arbitrary>], iteration_bounds = array<i64: 10>, scalar_prefetch = 0 : i64, scratch_operands = 0 : i64, tpu.core_type = #tpu.core_type<tc>, window_params = [{transform_indices = @transform_0, window_bounds = array<i64: 1024, 256>}, {transform_indices = @transform_1, window_bounds = array<i64: 1024, 16>}, {pipeline_mode = #tpu.pipeline_mode<synchronous>, transform_indices = @transform_2, window_bounds = array<i64: 256, 256>}, {transform_indices = @transform_3, window_bounds = array<i64: 1024, 128>}, {transform_indices = @transform_4, window_bounds = array<i64: 1024, 128>}]} {
    %get3A = arith.constant 0 : index
    %get3A_0 = arith.constant 0 : index
    %get3A_1 = vector.load %arg2[%get3A, %get3A_0] : memref<1024x16xf32, #tpu.memory_space<vmem>>, vector<1024x1xf32>
    %add3A = arith.constant 1.000000e+00 : f32
    %add3A_2 = vector.broadcast %add3A : f32 to vector<1024x1xf32>
    %add3A_3 = arith.addf %get3A_1, %add3A_2 : vector<1024x1xf32>
    %rsqrt3A = math.rsqrt %add3A_3 : vector<1024x1xf32>
    %get3A_4 = arith.constant 0 : index
    %get3A_5 = arith.constant 0 : index
    %get3A_6 = vector.load %arg1[%get3A_4, %get3A_5] : memref<1024x256xf32, #tpu.memory_space<vmem>>, vector<1024x256xf32>
    %mul3A = vector.broadcast %rsqrt3A : vector<1024x1xf32> to vector<1024x256xf32>
    %mul3A_7 = arith.mulf %get3A_6, %mul3A : vector<1024x256xf32>
    %get3A_8 = arith.constant 0 : index
    %get3A_9 = arith.constant 0 : index
    %get3A_10 = vector.load %arg3[%get3A_8, %get3A_9] : memref<256x256xf32, #tpu.memory_space<vmem>>, vector<256x256xf32>
    %dot_general3A = arith.constant dense<0.000000e+00> : vector<1024x256xf32>
    %dot_general3A_11 = tpu.matmul %mul3A_7, %get3A_10, %dot_general3A {dimension_numbers = #tpu.dot_dimension_numbers<[1], [0], [0], [1], [0, 0, 1, 1], [], []>, transpose_lhs_hint = false} : vector<1024x256xf32>, vector<256x256xf32>, vector<1024x256xf32> -> vector<1024x256xf32>
    %slice3A = vector.extract_strided_slice %dot_general3A_11 {offsets = [0, 0], sizes = [1024, 128], strides = [1, 1]} : vector<1024x256xf32> to vector<1024x128xf32>
    %swap3A = arith.constant 0 : index
    %swap3A_12 = arith.constant 0 : index
    %swap3A_13 = vector.load %arg4[%swap3A, %swap3A_12] : memref<1024x128xf32, #tpu.memory_space<vmem>>, vector<1024x128xf32>
    tpu.vector_store %arg4[%swap3A, %swap3A_12], %slice3A {strides = array<i32>} : memref<1024x128xf32, #tpu.memory_space<vmem>>, vector<1024x128xf32>,
    %slice3A_14 = vector.extract_strided_slice %dot_general3A_11 {offsets = [0, 128], sizes = [1024, 128], strides = [1, 1]} : vector<1024x256xf32> to vector<1024x128xf32>
    %swap3A_15 = arith.constant 0 : index
    %swap3A_16 = arith.constant 0 : index
    %swap3A_17 = vector.load %arg5[%swap3A_15, %swap3A_16] : memref<1024x128xf32, #tpu.memory_space<vmem>>, vector<1024x128xf32>
    tpu.vector_store %arg5[%swap3A_15, %swap3A_16], %slice3A_14 {strides = array<i32>} : memref<1024x128xf32, #tpu.memory_space<vmem>>, vector<1024x128xf32>,
    return
  }
  func.func @transform_0(%arg0: i32) -> (i32, i32) {
    %c0_i32 = arith.constant 0 : i32
    %c0_i32_0 = arith.constant 0 : i32
    return %arg0, %c0_i32 : i32, i32
  }
  func.func @transform_1(%arg0: i32) -> (i32, i32) {
    %c0_i32 = arith.constant 0 : i32
    %c0_i32_0 = arith.constant 0 : i32
    return %arg0, %c0_i32 : i32, i32
  }
  func.func @transform_2(%arg0: i32) -> (i32, i32) {
    %c0_i32 = arith.constant 0 : i32
    %c0_i32_0 = arith.constant 0 : i32
    %c0_i32_1 = arith.constant 0 : i32
    return %c0_i32, %c0_i32_0 : i32, i32
  }
  func.func @transform_3(%arg0: i32) -> (i32, i32) {
    %c0_i32 = arith.constant 0 : i32
    %c0_i32_0 = arith.constant 0 : i32
    return %arg0, %c0_i32 : i32, i32
  }
  func.func @transform_4(%arg0: i32) -> (i32, i32) {
    %c0_i32 = arith.constant 0 : i32
    %c0_i32_0 = arith.constant 0 : i32
    return %arg0, %c0_i32 : i32, i32
  }
}

module attributes {stable_mosaic.version = 14 : i64} {
  func.func @_mid_body(%arg0: i32, %arg1: memref<1024x128xf32, #tpu.memory_space<vmem>>, %arg2: memref<1024x128xf32, #tpu.memory_space<vmem>>, %arg3: memref<1024x16xf32, #tpu.memory_space<vmem>>, %arg4: memref<1024x16xf32, #tpu.memory_space<vmem>>, %arg5: memref<1x256xf32, #tpu.memory_space<vmem>>, %arg6: memref<256x256xf32, #tpu.memory_space<vmem>>, %arg7: memref<1024x128xf32, #tpu.memory_space<vmem>>, %arg8: memref<1024x128xf32, #tpu.memory_space<vmem>>) attributes {dimension_semantics = [#tpu.dimension_semantics<arbitrary>], iteration_bounds = array<i64: 10>, scalar_prefetch = 0 : i64, scratch_operands = 0 : i64, tpu.core_type = #tpu.core_type<tc>, window_params = [{transform_indices = @transform_0, window_bounds = array<i64: 1024, 128>}, {transform_indices = @transform_1, window_bounds = array<i64: 1024, 128>}, {transform_indices = @transform_2, window_bounds = array<i64: 1024, 16>}, {transform_indices = @transform_3, window_bounds = array<i64: 1024, 16>}, {pipeline_mode = #tpu.pipeline_mode<synchronous>, transform_indices = @transform_4, window_bounds = array<i64: 1, 256>}, {pipeline_mode = #tpu.pipeline_mode<synchronous>, transform_indices = @transform_5, window_bounds = array<i64: 256, 256>}, {transform_indices = @transform_6, window_bounds = array<i64: 1024, 128>}, {transform_indices = @transform_7, window_bounds = array<i64: 1024, 128>}]} {
    %get3A = arith.constant 0 : index
    %get3A_0 = arith.constant 0 : index
    %get3A_1 = vector.load %arg1[%get3A, %get3A_0] : memref<1024x128xf32, #tpu.memory_space<vmem>>, vector<1024x128xf32>
    %get3A_2 = arith.constant 0 : index
    %get3A_3 = arith.constant 0 : index
    %get3A_4 = vector.load %arg2[%get3A_2, %get3A_3] : memref<1024x128xf32, #tpu.memory_space<vmem>>, vector<1024x128xf32>
    %concatenate3A = tpu.concatenate %get3A_1, %get3A_4 in 1 : vector<1024x128xf32>, vector<1024x128xf32> -> vector<1024x256xf32>
    %get3A_5 = arith.constant 0 : index
    %get3A_6 = arith.constant 0 : index
    %get3A_7 = vector.load %arg3[%get3A_5, %get3A_6] : memref<1024x16xf32, #tpu.memory_space<vmem>>, vector<1024x1xf32>
    %add3A = arith.constant 1.000000e+00 : f32
    %add3A_8 = vector.broadcast %add3A : f32 to vector<1024x1xf32>
    %add3A_9 = arith.addf %get3A_7, %add3A_8 : vector<1024x1xf32>
    %rsqrt3A = math.rsqrt %add3A_9 : vector<1024x1xf32>
    %mul3A = vector.broadcast %rsqrt3A : vector<1024x1xf32> to vector<1024x256xf32>
    %mul3A_10 = arith.mulf %concatenate3A, %mul3A : vector<1024x256xf32>
    %get3A_11 = arith.constant 0 : index
    %get3A_12 = arith.constant 0 : index
    %get3A_13 = vector.load %arg5[%get3A_11, %get3A_12] : memref<1x256xf32, #tpu.memory_space<vmem>>, vector<1x256xf32>
    %add3A_14 = vector.broadcast %get3A_13 : vector<1x256xf32> to vector<1024x256xf32>
    %add3A_15 = arith.addf %mul3A_10, %add3A_14 : vector<1024x256xf32>
    %max3A = arith.constant 0.000000e+00 : f32
    %max3A_16 = vector.broadcast %max3A : f32 to vector<1024x256xf32>
    %max3A_17 = arith.maximumf %add3A_15, %max3A_16 : vector<1024x256xf32>
    %get3A_18 = arith.constant 0 : index
    %get3A_19 = arith.constant 0 : index
    %get3A_20 = vector.load %arg4[%get3A_18, %get3A_19] : memref<1024x16xf32, #tpu.memory_space<vmem>>, vector<1024x1xf32>
    %add3A_21 = arith.constant 1.000000e+00 : f32
    %add3A_22 = vector.broadcast %add3A_21 : f32 to vector<1024x1xf32>
    %add3A_23 = arith.addf %get3A_20, %add3A_22 : vector<1024x1xf32>
    %rsqrt3A_24 = math.rsqrt %add3A_23 : vector<1024x1xf32>
    %mul3A_25 = vector.broadcast %rsqrt3A_24 : vector<1024x1xf32> to vector<1024x256xf32>
    %mul3A_26 = arith.mulf %max3A_17, %mul3A_25 : vector<1024x256xf32>
    %get3A_27 = arith.constant 0 : index
    %get3A_28 = arith.constant 0 : index
    %get3A_29 = vector.load %arg6[%get3A_27, %get3A_28] : memref<256x256xf32, #tpu.memory_space<vmem>>, vector<256x256xf32>
    %dot_general3A = arith.constant dense<0.000000e+00> : vector<1024x256xf32>
    %dot_general3A_30 = tpu.matmul %mul3A_26, %get3A_29, %dot_general3A {dimension_numbers = #tpu.dot_dimension_numbers<[1], [0], [0], [1], [0, 0, 1, 1], [], []>, transpose_lhs_hint = false} : vector<1024x256xf32>, vector<256x256xf32>, vector<1024x256xf32> -> vector<1024x256xf32>
    %slice3A = vector.extract_strided_slice %dot_general3A_30 {offsets = [0, 0], sizes = [1024, 128], strides = [1, 1]} : vector<1024x256xf32> to vector<1024x128xf32>
    %swap3A = arith.constant 0 : index
    %swap3A_31 = arith.constant 0 : index
    %swap3A_32 = vector.load %arg7[%swap3A, %swap3A_31] : memref<1024x128xf32, #tpu.memory_space<vmem>>, vector<1024x128xf32>
    tpu.vector_store %arg7[%swap3A, %swap3A_31], %slice3A {strides = array<i32>} : memref<1024x128xf32, #tpu.memory_space<vmem>>, vector<1024x128xf32>,
    %slice3A_33 = vector.extract_strided_slice %dot_general3A_30 {offsets = [0, 128], sizes = [1024, 128], strides = [1, 1]} : vector<1024x256xf32> to vector<1024x128xf32>
    %swap3A_34 = arith.constant 0 : index
    %swap3A_35 = arith.constant 0 : index
    %swap3A_36 = vector.load %arg8[%swap3A_34, %swap3A_35] : memref<1024x128xf32, #tpu.memory_space<vmem>>, vector<1024x128xf32>
    tpu.vector_store %arg8[%swap3A_34, %swap3A_35], %slice3A_33 {strides = array<i32>} : memref<1024x128xf32, #tpu.memory_space<vmem>>, vector<1024x128xf32>,
    return
  }
  func.func @transform_0(%arg0: i32) -> (i32, i32) {
    %c0_i32 = arith.constant 0 : i32
    %c0_i32_0 = arith.constant 0 : i32
    return %arg0, %c0_i32 : i32, i32
  }
  func.func @transform_1(%arg0: i32) -> (i32, i32) {
    %c0_i32 = arith.constant 0 : i32
    %c0_i32_0 = arith.constant 0 : i32
    return %arg0, %c0_i32 : i32, i32
  }
  func.func @transform_2(%arg0: i32) -> (i32, i32) {
    %c0_i32 = arith.constant 0 : i32
    %c0_i32_0 = arith.constant 0 : i32
    return %arg0, %c0_i32 : i32, i32
  }
  func.func @transform_3(%arg0: i32) -> (i32, i32) {
    %c0_i32 = arith.constant 0 : i32
    %c0_i32_0 = arith.constant 0 : i32
    return %arg0, %c0_i32 : i32, i32
  }
  func.func @transform_4(%arg0: i32) -> (i32, i32) {
    %c0_i32 = arith.constant 0 : i32
    %c0_i32_0 = arith.constant 0 : i32
    %c0_i32_1 = arith.constant 0 : i32
    return %c0_i32, %c0_i32_0 : i32, i32
  }
  func.func @transform_5(%arg0: i32) -> (i32, i32) {
    %c0_i32 = arith.constant 0 : i32
    %c0_i32_0 = arith.constant 0 : i32
    %c0_i32_1 = arith.constant 0 : i32
    return %c0_i32, %c0_i32_0 : i32, i32
  }
  func.func @transform_6(%arg0: i32) -> (i32, i32) {
    %c0_i32 = arith.constant 0 : i32
    %c0_i32_0 = arith.constant 0 : i32
    return %arg0, %c0_i32 : i32, i32
  }
  func.func @transform_7(%arg0: i32) -> (i32, i32) {
    %c0_i32 = arith.constant 0 : i32
    %c0_i32_0 = arith.constant 0 : i32
    return %arg0, %c0_i32 : i32, i32
  }
}

module attributes {stable_mosaic.version = 14 : i64} {
  func.func @_fin_body(%arg0: i32, %arg1: memref<1000x128xf32, #tpu.memory_space<vmem>>, %arg2: memref<1000x128xf32, #tpu.memory_space<vmem>>, %arg3: memref<1000x16xf32, #tpu.memory_space<vmem>>, %arg4: memref<1x256xf32, #tpu.memory_space<vmem>>, %arg5: memref<1000x256xf32, #tpu.memory_space<vmem>>) attributes {dimension_semantics = [#tpu.dimension_semantics<arbitrary>], iteration_bounds = array<i64: 10>, scalar_prefetch = 0 : i64, scratch_operands = 0 : i64, tpu.core_type = #tpu.core_type<tc>, window_params = [{transform_indices = @transform_0, window_bounds = array<i64: 1000, 128>}, {transform_indices = @transform_1, window_bounds = array<i64: 1000, 128>}, {transform_indices = @transform_2, window_bounds = array<i64: 1000, 16>}, {pipeline_mode = #tpu.pipeline_mode<synchronous>, transform_indices = @transform_3, window_bounds = array<i64: 1, 256>}, {transform_indices = @transform_4, window_bounds = array<i64: 1000, 256>}]} {
    %get3A = arith.constant 0 : index
    %get3A_0 = arith.constant 0 : index
    %get3A_1 = vector.load %arg1[%get3A, %get3A_0] : memref<1000x128xf32, #tpu.memory_space<vmem>>, vector<1000x128xf32>
    %get3A_2 = arith.constant 0 : index
    %get3A_3 = arith.constant 0 : index
    %get3A_4 = vector.load %arg2[%get3A_2, %get3A_3] : memref<1000x128xf32, #tpu.memory_space<vmem>>, vector<1000x128xf32>
    %concatenate3A = tpu.concatenate %get3A_1, %get3A_4 in 1 : vector<1000x128xf32>, vector<1000x128xf32> -> vector<1000x256xf32>
    %get3A_5 = arith.constant 0 : index
    %get3A_6 = arith.constant 0 : index
    %get3A_7 = vector.load %arg3[%get3A_5, %get3A_6] : memref<1000x16xf32, #tpu.memory_space<vmem>>, vector<1000x1xf32>
    %add3A = arith.constant 1.000000e+00 : f32
    %add3A_8 = vector.broadcast %add3A : f32 to vector<1000x1xf32>
    %add3A_9 = arith.addf %get3A_7, %add3A_8 : vector<1000x1xf32>
    %rsqrt3A = math.rsqrt %add3A_9 : vector<1000x1xf32>
    %mul3A = vector.broadcast %rsqrt3A : vector<1000x1xf32> to vector<1000x256xf32>
    %mul3A_10 = arith.mulf %concatenate3A, %mul3A : vector<1000x256xf32>
    %get3A_11 = arith.constant 0 : index
    %get3A_12 = arith.constant 0 : index
    %get3A_13 = vector.load %arg4[%get3A_11, %get3A_12] : memref<1x256xf32, #tpu.memory_space<vmem>>, vector<1x256xf32>
    %add3A_14 = vector.broadcast %get3A_13 : vector<1x256xf32> to vector<1000x256xf32>
    %add3A_15 = arith.addf %mul3A_10, %add3A_14 : vector<1000x256xf32>
    %max3A = arith.constant 0.000000e+00 : f32
    %max3A_16 = vector.broadcast %max3A : f32 to vector<1000x256xf32>
    %max3A_17 = arith.maximumf %add3A_15, %max3A_16 : vector<1000x256xf32>
    %swap3A = arith.constant 0 : index
    %swap3A_18 = arith.constant 0 : index
    %swap3A_19 = vector.load %arg5[%swap3A, %swap3A_18] : memref<1000x256xf32, #tpu.memory_space<vmem>>, vector<1000x256xf32>
    tpu.vector_store %arg5[%swap3A, %swap3A_18], %max3A_17 {strides = array<i32>} : memref<1000x256xf32, #tpu.memory_space<vmem>>, vector<1000x256xf32>,
    return
  }
  func.func @transform_0(%arg0: i32) -> (i32, i32) {
    %c0_i32 = arith.constant 0 : i32
    %c0_i32_0 = arith.constant 0 : i32
    return %arg0, %c0_i32 : i32, i32
  }
  func.func @transform_1(%arg0: i32) -> (i32, i32) {
    %c0_i32 = arith.constant 0 : i32
    %c0_i32_0 = arith.constant 0 : i32
    return %arg0, %c0_i32 : i32, i32
  }
  func.func @transform_2(%arg0: i32) -> (i32, i32) {
    %c0_i32 = arith.constant 0 : i32
    %c0_i32_0 = arith.constant 0 : i32
    return %arg0, %c0_i32 : i32, i32
  }
  func.func @transform_3(%arg0: i32) -> (i32, i32) {
    %c0_i32 = arith.constant 0 : i32
    %c0_i32_0 = arith.constant 0 : i32
    %c0_i32_1 = arith.constant 0 : i32
    return %c0_i32, %c0_i32_0 : i32, i32
  }
  func.func @transform_4(%arg0: i32) -> (i32, i32) {
    %c0_i32 = arith.constant 0 : i32
    %c0_i32_0 = arith.constant 0 : i32
    return %arg0, %c0_i32 : i32, i32
  }
}

</mosaic_0001>

<sc_bundles>
// kernel: kernel.10.cloned.1.call-start
scs
__scs_entry_jumppad:
0x0: {  	(pc) =	sbr.rel $0x88, $3  }
0x1: {  	(tag) =	ssettag $0x0;
	lr =	simm.s32 $0x1  }
0x2: {  	[smem:$0x3F99] =	sst lr;
	_ =	strace $0xD0000000  }
0x3: {  	_ = 	snop  }
0x4: {  	_ = 	snop  }
0x5: {  	_ = 	snop  }
0x6: {  	_ = 	snop  }
0x7: {  	_ = 	snop  }
__scs_overlays_trampoline_lowered:
0x8: {  	[smem:$0x3FA8] =	sst s0  }
0x9: {  	[smem:$0x3FA9] =	sst s1  }
0xa: {  	[smem:$0x3FAA] =	sst s2  }
0xb: {  	[smem:$0x3FAB] =	sst s3  }
0xc: {  	[smem:$0x3FAC] =	sst s4  }
0xd: {  	[smem:$0x3FAD] =	sst s5  }
0xe: {  	[smem:$0x3FAE] =	sst s6  }
0xf: {  	[smem:$0x3FAF] =	sst s7  }
0x10: {  	[smem:$0x3FB0] =	sst s8  }
0x11: {  	[smem:$0x3FB1] =	sst s9;
	s0 =	simm.s32 @!p0 $0x0  }
0x12: {  	s1 =	sld [smem:$0x3F97];
	s0 =	simm.s32 @p0 $0x1  }
0x13: {  	[smem:$0x3FB2] =	sst s0;
	s0 =	simm.s32 @!p1 $0x0  }
0x14: {  	s2 =	sld [smem:$0x3F96];
	s0 =	simm.s32 @p1 $0x1  }
0x15: {  	[smem:$0x3FB3] =	sst s0;
	s0 =	simm.s32 @!p2 $0x0  }
0x16: {  	s3 =	sld [smem:$0x3FDB];
	s0 =	simm.s32 @p2 $0x1  }
0x17: {  	s4 =	simm.s32 $0x1BF5;
	[smem:$0x3FB5] =	sst s0  }
0x18: {  	s0 =	sld [smem:$0x3F98];
	_ =	swait.ge [sflag:s4], $0x0  }
0x19: {  	s7 =	sld [smem:$0x3F99]  }
0x1a: {  	s8 =	sadd.s32 $0xFFFFE003, lr  }
0x1b: {  	s9 =	sadd.s32 $0xFFFFFEF7, lr;
	s5 =	simm.s32 $0xFFFFFFFF;
	p2 =	slt.u32 s8, $0xFFFFF086  }
0x1c: {  	p1 =	slt.u32 s9, $0xF7A;
	s5 =	simm.s32 @!p2 $0x0  }
0x1d: {  	s5 =	simm.s32 @p1 $0x1;
	p0 =	seq.s32 s7, s2  }
0x1e: {  	s7 =	smul.u32 @!p0 $0xF7A, s2;
	p2 =	seq.s32 @!p0 s5, $0x0  }
0x1f: {  	s9 =	smul.u32 $0xF7A, s1;
	s8 =	simm.s32 @!p0 $0x1BF5;
	p2 =	por !p2, p0  }
0x20: {  	[sflag:s8] =	ssyncset.s32 @!p0 $0xFFFFF086;
	s6 =	sadd.s32 @!p0 s3, s7;
	s7 =	simm.s32 @!p0 $0x108  }
0x21: {  	s3 =	sadd.s32 s3, s9;
	s6 =	sadd.s32 @!p0 $0x88, s6;
	s7 =	simm.s32 @p2 $0x1082  }
0x22: {  	[simem:s7], [sflag:s8] =	dma.local @!p0 [hbm:s6], $0xF7A  }
0x23: {  	s9 =	sor.u32 $0xD0000000, s2;
	s6 =	simm.s32 $0x108;
	_ =	swait.ge @!p0 [sflag:s8], $0x0  }
0x24: {  	s3 =	sadd.s32 $0x88, s3;
	s6 =	simm.s32 @!p1 $0x1082;
	[sflag:s4] =	ssyncset.s32 $0xFFFFF086  }
0x25: {  	[simem:s6], [sflag:s4] =	dma.local [hbm:s3], $0xF7A  }
0x26: {  	[smem:$0x3F99] =	sst s1;
	(tag) =	ssettag s2;
	_ =	strace s9  }
0x27: {  	s1 =	sld [smem:$0x3FA9]  }
0x28: {  	s2 =	sld [smem:$0x3FAA]  }
0x29: {  	s4 =	sld [smem:$0x3FAC]  }
0x2a: {  	p0 =	seq.s32 s5, $0x0;
	s5 =	sld [smem:$0x3FAD]  }
0x2b: {  	s6 =	sld [smem:$0x3FAE]  }
0x2c: {  	s7 =	sld [smem:$0x3FAF]  }
0x2d: {  	s3 =	simm.s32 $0x108;
	s8 =	sld [smem:$0x3FB0]  }
0x2e: {  	s3 =	simm.s32 @!p0 $0x1082;
	s9 =	sld [smem:$0x3FB1]  }
0x2f: {  	lr =	sadd.s32 s0, s3;
	s0 =	sld [smem:$0x3FA8]  }
0x30: {  	s3 =	sld [smem:$0x3FAB]  }
0x31: {  	[smem:$0x3FB4] =	sst s10  }
0x32: {  	s10 =	sld [smem:$0x3FB2];
	_ =	sdelay $0x3  }
0x33: {  	p0 =	seq.s32 s10, $0x1;
	s10 =	sld [smem:$0x3FB4];
	_ =	sdelay $0x3  }
0x34: {  	[smem:$0x3FB4] =	sst s10  }
0x35: {  	s10 =	sld [smem:$0x3FB3];
	_ =	sdelay $0x3  }
0x36: {  	p1 =	seq.s32 s10, $0x1;
	s10 =	sld [smem:$0x3FB4];
	_ =	sdelay $0x3  }
0x37: {  	[smem:$0x3FB4] =	sst s10  }
0x38: {  	s10 =	sld [smem:$0x3FB5]  }
0x39: {  	_ = 	snop;
	(pc) =	sbr.ind lr, $3  }
0x3a: {  	_ = 	snop  }
0x3b: {  	_ = 	snop  }
0x3c: {  	p2 =	seq.s32 s10, $0x1;
	s10 =	sld [smem:$0x3FB4]  }
0x3d: {  	_ =	shalt  }
0x3e: {  	_ =	shalt  }
0x3f: {  	_ =	shalt  }
0x40: {  	_ =	shalt  }
0x41: {  	_ =	shalt  }
0x42: {  	_ =	shalt  }
0x43: {  	_ =	shalt  }
0x44: {  	_ =	shalt  }
0x45: {  	_ =	shalt  }
0x46: {  	_ =	shalt  }
0x47: {  	_ =	shalt  }
0x48: {  	_ =	shalt  }
0x49: {  	_ =	shalt  }
0x4a: {  	_ =	shalt  }
0x4b: {  	_ =	shalt  }
0x4c: {  	_ =	shalt  }
0x4d: {  	_ =	shalt  }
0x4e: {  	_ =	shalt  }
0x4f: {  	_ =	shalt  }
0x50: {  	_ =	shalt  }
0x51: {  	_ =	shalt  }
0x52: {  	_ =	shalt  }
0x53: {  	_ =	shalt  }
0x54: {  	_ =	shalt  }
0x55: {  	_ =	shalt  }
0x56: {  	_ =	shalt  }
0x57: {  	_ =	shalt  }
0x58: {  	_ =	shalt  }
0x59: {  	_ =	shalt  }
0x5a: {  	_ =	shalt  }
0x5b: {  	_ =	shalt  }
0x5c: {  	_ =	shalt  }
0x5d: {  	_ =	shalt  }
0x5e: {  	_ =	shalt  }
0x5f: {  	_ =	shalt  }
0x60: {  	_ =	shalt  }
0x61: {  	_ =	shalt  }
0x62: {  	_ =	shalt  }
0x63: {  	_ =	shalt  }
0x64: {  	_ =	shalt  }
0x65: {  	_ =	shalt  }
0x66: {  	_ =	shalt  }
0x67: {  	_ =	shalt  }
0x68: {  	_ =	shalt  }
0x69: {  	_ =	shalt  }
0x6a: {  	_ =	shalt  }
0x6b: {  	_ =	shalt  }
0x6c: {  	_ =	shalt  }
0x6d: {  	_ =	shalt  }
0x6e: {  	_ =	shalt  }
0x6f: {  	_ =	shalt  }
0x70: {  	_ =	shalt  }
0x71: {  	_ =	shalt  }
0x72: {  	_ =	shalt  }
0x73: {  	_ =	shalt  }
0x74: {  	_ =	shalt  }
0x75: {  	_ =	shalt  }
0x76: {  	_ =	shalt  }
0x77: {  	_ =	shalt  }
0x78: {  	_ =	shalt  }
0x79: {  	_ =	shalt  }
0x7a: {  	_ =	shalt  }
0x7b: {  	_ =	shalt  }
0x7c: {  	_ =	shalt  }
0x7d: {  	_ =	shalt  }
0x7e: {  	_ =	shalt  }
0x7f: {  	_ =	shalt  }
0x80: {  	_ =	shalt  }
0x81: {  	_ =	shalt  }
0x82: {  	_ =	shalt  }
0x83: {  	_ =	shalt  }
0x84: {  	_ =	shalt  }
0x85: {  	_ =	shalt  }
0x86: {  	_ =	shalt  }
0x87: {  	_ =	shalt  }
.Lfunc_end0:
.L_simem_size_0:
called_computation_lowered:
.L_overlay_start_0:
0x88: {  	s2 =	sld [smem:$0x3FD9]  }
0x89: {  	s3 =	sld [smem:$0x3FFE];
	_ =	sdelay $0x1  }
0x8a: {  	s1 =	srdreg.scid  }
0x8b: {  	s0 =	sand.u32 $0x1, s1  }
0x8c: {  	s16 =	sshll.u32 s0, $0xA;
	s2 =	sadd.s32 s3, s2  }
0x8d: {  	s2 =	sadd.s32 s2, s16  }
0x8e: {  	[smem:$0x3FC0] =	sst s2  }
0x8f: {  	_ = 	snop  }
0x90: {  	(tm) =	ssettm $0x1  }
0x91: {  	s17 =	sld [smem:$0x3FFB];
	_ =	sdelay $0x3  }
0x92: {  	_ =	strace s17  }
0x93: {  	s2 =	sld [smem:$0x3FFC];
	_ =	sdelay $0x3  }
0x94: {  	_ =	strace s2  }
0x95: {  	s2 =	sld [smem:$0x3FFD];
	_ =	sdelay $0x3  }
0x96: {  	_ =	strace s2  }
0x97: {  	_ =	strace $0x8FFFFFFF  }
0x98: {  	s18 =	sld [smem:$0x3FDB];
	_ =	sdelay $0x1  }
0x99: {  	s19 =	simm.s32 $_scs_section_size  }
0x9a: {  	s4 =	simm.s32 $_size__tile_overlayer_lowered;
	s5 =	simm.s32 $_tile_overlayer_lowered  }
0x9b: {  	s22 =	simm.s32 $0x1BFF;
	s21 =	sshll.u32 s5, $0x1;
	s2 =	sadd.s32 s19, s18  }
0x9c: {  	s6 =	simm.s32 $0x0;
	s20 =	sshll.u32 s4, $0x1;
	s4 =	sadd.s32 s21, s2  }
0x9d: {  	[timem:s6], [sflag:s22] =	dma.local [hbm:s4], s20  }
0x9e: {  	_ =	swait.ge [sflag:s22], s20  }
0x9f: {  	s3 =	ssub.s32 $0x0, s20;
	[sflag:s22] =	ssyncset.done $0x0  }
0xa0: {  	[sflag:s22] =	ssyncadd.s32 s3;
	_ =	sdelay $0x1  }
0xa1: {  	s23 =	simm.s32 $0x1B8B  }
0xa2: {  	_ =	swait.ge [sflag:s23], $0x1  }
0xa3: {  	[sflag:s23] =	ssyncset.done $0x0  }
0xa4: {  	s25 =	simm.s32 $0x1B8E;
	s24 =	sld [smem:$0x3FFE];
	[sflag:s23] =	ssyncadd.s32 $0xFFFFFFFF  }
0xa5: {  	s26 =	simm.s32 $execute0_lowered;
	[smem:$0x3FD2] =	sst s25  }
0xa6: {  	s4 =	sshll.u32 s26, $0x1;
	_ =	strace $0x80000046;
	[dreg:$0x1] =	wrdreg $0xFFFFFFFF  }
0xa7: {  	s28 =	simm.s32 $_size_execute0_lowered;
	s2 =	sadd.s32 s2, s4;
	[dreg:$0x0] =	wrdreg $0x0  }
0xa8: {  	s4 =	sshll.u32 s28, $0x1;
	[dreg:$0x2] =	wrdreg s2  }
0xa9: {  	[dreg:$0x3] =	wrdreg s4  }
0xaa: {  	[dreg:$0x4] =	wrdreg $0xC0  }
0xab: {  	_ =	task [dreg:s6], $0x5FFFF  }
0xac: {  	[dreg:$0x1] =	wrdreg $0xFFFFFFFF  }
0xad: {  	[dreg:$0x0] =	wrdreg $0x60  }
0xae: {  	[dreg:$0x2] =	wrdreg s24  }
0xaf: {  	[dreg:$0x3] =	wrdreg $0x81800  }
0xb0: {  	[dreg:$0x4] =	wrdreg $0x9  }
0xb1: {  	_ =	task.clear_ibuf [dreg:s6], $0x5FFFF;
	_ =	strace $0x90000046  }
0xb2: {  	s29 =	simm.s32 $0x9;
	_ =	strace $0x80000048  }
0xb3: {  	_ =	swait.ge [sflag:s29], $0x1  }
0xb4: {  	[sflag:s29] =	ssyncadd.s32 $0xFFFFFFFF  }
0xb5: {  	_ =	strace $0x90000048  }
0xb6: {  	_ =	sfence  }
0xb7: {  	s30 =	sld [smem:$0x0];
	_ =	sdelay $0x2  }
0xb8: {  	s31 =	sshll.u32 s1, $0xD;
	s1 =	sshrl.u32 s1, $0x2  }
0xb9: {  	s3 =	sand.u32 $0x4000, s31;
	s1 =	sadd.s32 s1, s30  }
0xba: {  	s0 =	sor.u32 s3, s0;
	s1 =	sshll.u32 s1, $0x11  }
0xbb: {  	s0 =	sor.u32 s1, s0  }
0xbc: {  	s0 =	sadd.s32 $0x8F2B, s0  }
0xbd: {  	[sflag:s0] =	ssyncadd.remote.s32 $0x1  }
0xbe: {  	_ =	sfence.sel $0xFFFF  }
0xbf: {  	[dreg:$0x0] =	wrdreg $0xFFFFFFFF;
	(pc) =	sbr.abs _section_cstart, $3  }
0xc0: {  	[dreg:$0x1] =	wrdreg $0xFFFFFFFF  }
0xc1: {  	_ =	task.clear_ibuf [dreg:s6], $0x2FFFF;
	_ =	strace $0x9FFFFFFF  }
0xc2: {  	(tm) =	ssettm $0x7FFFFFFF  }
0xc3: {  	_ =	shalt  }
tec
execute0_lowered:
.L_overlay_start_1:
0x0: {  	(tag) =	ssettag $0x1  }
0x1: {  	s0 =	rddreg [dreg:$0x0]  }
0x2: {  	s2 =	rddreg [dreg:$0x1]  }
0x3: {  	s3 =	simm.s32 $0x0;
	s1 =	stileid.u32;
	s5 =	srdreg.scid  }
0x4: {  	s28 =	simm.s32 $0x180;
	s29 =	simm.s32 $0x2;
	s4 =	smul.u32 $0x4F0, s1  }
0x5: {  	s30 =	simm.s32 $0x0;
	[smem:$0x7FF] =	sst s3;
	s6 =	smul.u32 $0x50000, s1  }
0x6: {  	s25 =	sand.u32 $0x1, s5;
	s5 =	sadd.s32 $0x36C00, s0;
	s16 =	smul.u32 $0x280, s1  }
0x7: {  	s12 =	smul.u32 $0x2800, s1;
	_ =	strace $0x80000047;
	s7 =	ssub.s32 $0x2, s25  }
0x8: {  	p0 =	sne.s32 s25, $0x0;
	p1 =	seq.s32 s25, $0x0;
	s25 =	simm.s32 $0x80  }
0x9: {  	s22 =	sadd.s32 s4, s0;
	s4 =	sadd.s32 $0xEC00, s0;
	s21 =	sshrl.u32 s7, $0x1  }
0xa: {  	s6 =	sshrl.u32 s6, $0x2;
	s23 =	sadd.s32 $0x80, s16;
	s17 =	sadd.s32 $0x100, s16  }
0xb: {  	s26 =	sadd.s32 $0x180, s16;
	s20 =	sadd.s32 $0x200, s16;
	s0 =	ssub.s32 s7, s21  }
0xc: {  	s6 =	sadd.s32 s6, s2;
	s13 =	sshll.u32 s23, $0x7;
	s14 =	sshll.u32 s23, $0x4  }
0xd: {  	s24 =	sshll.u32 s17, $0x7;
	s16 =	sshll.u32 s17, $0x4;
	s31 =	sshll.u32 s26, $0x7  }
0xe: {  	s19 =	sshll.u32 s20, $0x7;
	s18 =	sshll.u32 s26, $0x4;
	s20 =	sshll.u32 s20, $0x4  }
.Ltmp0:
0xf: {  	s21 =	sadd.s32 $0x4C00, s22;
	s22 =	sadd.s32 $0x9C00, s22;
	(pc) =	sbr.rel .LBB2_1-.Ltmp0, $4  }
0x10: {  	s23 =	simm.s32 $0x4180;
	s26 =	simm.s32 $0x100;
	s7 =	smax.u32 s0, $0x1  }
0x11: {  	s8 =	sadd.s32 $0x4000, s6;
	s9 =	sadd.s32 $0x8000, s6;
	s10 =	sadd.s32 $0xC000, s6  }
0x12: {  	s11 =	sadd.s32 $0x10000, s6;
	s13 =	sadd.s32 s13, s2;
	s15 =	sadd.s32 s24, s2  }
0x13: {  	v0 =	vimm.f32 $1.000000000e+00;
	v1 =	vimm.f32 $0.0e+00;
	s17 =	sadd.s32 s31, s2;
	s19 =	sadd.s32 s19, s2;
	s24 =	simm.s32 $0x1  }
.LBB2_7:
0x14: {  	v6 =	vld [tilespmem:$0x60]  }
0x15: {  	v7 =	vld [tilespmem:$0xC0]  }
0x16: {  	v8 =	vld [tilespmem:$0x30]  }
0x17: {  	v9 =	vld [tilespmem:$0xA0]  }
0x18: {  	v10 =	vld [tilespmem:$0x50]  }
0x19: {  	v11 =	vld [tilespmem:$0xD0]  }
0x1a: {  	v12 =	vld [tilespmem:$0x70]  }
0x1b: {  	v13 =	vld [tilespmem:$0x0]  }
0x1c: {  	v14 =	vld [tilespmem:$0x10]  }
0x1d: {  	v60 =	vld [tilespmem:$0x20];
	vm0 =	veq.s32 v8, v4  }
0x1e: {  	v63 =	vld [tilespmem:$0x80];
	vm1 =	veq.s32 v6, v5;
	v4 =	vsel vm0, $0x2720, v4  }
0x1f: {  	v61 =	vld [tilespmem:$0x40];
	vm10 =	veq.s32 v10, v11;
	v62 =	vsel vm1, $0x2720, v5;
	[tilespmem:$0x130] =	vst v4  }
0x20: {  	vm11 =	veq.s32 v12, v3;
	v10 =	vsel vm10, $0x2720, v11;
	[tilespmem:$0x160] =	vst v62  }
0x21: {  	vm12 =	veq.s32 v14, v2;
	v3 =	vsel vm11, $0x2720, v3;
	[tilespmem:$0x150] =	vst v10  }
0x22: {  	vm13 =	veq.s32 v60, v9;
	v2 =	vsel vm12, $0x2720, v2;
	[tilespmem:$0x170] =	vst v3  }
0x23: {  	vm15 =	veq.s32 v13, v63;
	[tilespmem:$0x110] =	vst v2;
	v2 =	vsel vm13, $0x2720, v9  }
0x24: {  	vm14 =	veq.s32 v61, v7;
	v3 =	vsel vm15, $0x2720, v63;
	[tilespmem:$0x120] =	vst v2  }
0x25: {  	v2 =	vsel vm14, $0x2720, v7;
	[tilespmem:$0x100] =	vst v3  }
0x26: {  	[tilespmem:$0x140] =	vst v2  }
0x27: {  	[spmem:s2] =	stream.indirect.scatter.add.f32 [tilespmem:s28], [sflag:$0x1], $0x10, s26, s25, $0xb8;
	[tilespmem:$0xA980] =	vst v63  }
0x28: {  	_ =	swait.ge [sflag:s24], $0x800  }
0x29: {  	[sflag:s24] =	ssyncset.done $0x0  }
0x2a: {  	s0 =	smov.u32 s5;
	[sflag:s24] =	ssyncadd.s32 $0xFFFFF800  }
.LBB2_8:
0x2b: {  	[bflag:$0x0] =	sbarrier.arrive $0xFFFF  }
0x2c: {  	[tilespmem:s23], [sflag:$0x2] =	stream.linear.gather [spmem:s6], $0x4000, $0x38;
	[tilespmem:$0xA980] =	vst v63  }
0x2d: {  	_ =	swait.ge [sflag:s29], $0x4000  }
0x2e: {  	s1 =	simm.s32 $0x2;
	[sflag:s29] =	ssyncset.done $0x0  }
0x2f: {  	s31 =	sadd.s32 s0, s12;
	s1 =	simm.s32 @!p1 $0x1;
	[sflag:s29] =	ssyncadd.s32 $0xFFFFC000  }
0x30: {  	[hbm4b:s31+s3] =	stream.linear.scatter [tilespmem:s23], [sflag:s1], $0x4000, $0x38;
	[tilespmem:$0xA980] =	vst v63  }
0x31: {  	_ =	swait.ge [sflag:s1], $0x4000  }
0x32: {  	[sflag:s1] =	ssyncset.done $0x0  }
0x33: {  	[sflag:s1] =	ssyncadd.s32 $0xFFFFC000  }
0x34: {  	[tilespmem:s23], [sflag:$0x2] =	stream.linear.gather [spmem:s13], $0x4000, $0x38;
	[tilespmem:$0xA980] =	vst v63  }
0x35: {  	_ =	swait.ge [sflag:s29], $0x4000  }
0x36: {  	[sflag:s29] =	ssyncset.done $0x0  }
0x37: {  	s31 =	sadd.s32 s0, s14;
	[sflag:s29] =	ssyncadd.s32 $0xFFFFC000  }
0x38: {  	[hbm4b:s31+s3] =	stream.linear.scatter [tilespmem:s23], [sflag:s1], $0x4000, $0x38;
	[tilespmem:$0xA980] =	vst v63  }
0x39: {  	_ =	swait.ge [sflag:s1], $0x4000  }
0x3a: {  	[sflag:s1] =	ssyncset.done $0x0  }
0x3b: {  	[sflag:s1] =	ssyncadd.s32 $0xFFFFC000  }
0x3c: {  	[tilespmem:s23], [sflag:$0x2] =	stream.linear.gather [spmem:s15], $0x4000, $0x38;
	[tilespmem:$0xA980] =	vst v63  }
0x3d: {  	_ =	swait.ge [sflag:s29], $0x4000  }
0x3e: {  	[sflag:s29] =	ssyncset.done $0x0  }
0x3f: {  	s31 =	sadd.s32 s0, s16;
	[sflag:s29] =	ssyncadd.s32 $0xFFFFC000  }
0x40: {  	[hbm4b:s31+s3] =	stream.linear.scatter [tilespmem:s23], [sflag:s1], $0x4000, $0x38;
	[tilespmem:$0xA980] =	vst v63  }
0x41: {  	_ =	swait.ge [sflag:s1], $0x4000  }
0x42: {  	[sflag:s1] =	ssyncset.done $0x0  }
0x43: {  	[sflag:s1] =	ssyncadd.s32 $0xFFFFC000  }
0x44: {  	[tilespmem:s23], [sflag:$0x2] =	stream.linear.gather [spmem:s17], $0x4000, $0x38;
	[tilespmem:$0xA980] =	vst v63  }
0x45: {  	_ =	swait.ge [sflag:s29], $0x4000  }
0x46: {  	[sflag:s29] =	ssyncset.done $0x0  }
0x47: {  	s31 =	sadd.s32 s0, s18;
	[sflag:s29] =	ssyncadd.s32 $0xFFFFC000  }
0x48: {  	[hbm4b:s31+s3] =	stream.linear.scatter [tilespmem:s23], [sflag:s1], $0x4000, $0x38;
	[tilespmem:$0xA980] =	vst v63  }
0x49: {  	_ =	swait.ge [sflag:s1], $0x4000  }
0x4a: {  	[sflag:s1] =	ssyncset.done $0x0  }
0x4b: {  	[sflag:s1] =	ssyncadd.s32 $0xFFFFC000  }
0x4c: {  	[tilespmem:s23], [sflag:$0x2] =	stream.linear.gather [spmem:s19], $0x4000, $0x38;
	[tilespmem:$0xA980] =	vst v63  }
0x4d: {  	s30 =	sadd.s32 $0x1, s30;
	_ =	swait.ge [sflag:s29], $0x4000  }
0x4e: {  	p2 =	sne.s32 s30, s7;
	[sflag:s29] =	ssyncset.done $0x0  }
.Ltmp1:
0x4f: {  	s31 =	sadd.s32 s0, s20;
	[sflag:s29] =	ssyncadd.s32 $0xFFFFC000;
	(pc) =	sbr.rel @!p2 .LBB2_9-.Ltmp1, $4  }
0x50: {  	[hbm4b:s31+s3] =	stream.linear.scatter [tilespmem:s23], [sflag:s1], $0x4000, $0x38;
	[tilespmem:$0xA980] =	vst v63  }
0x51: {  	_ =	swait.ge [sflag:s1], $0x4000  }
0x52: {  	[sflag:s1] =	ssyncset.done $0x0  }
0x53: {  	[sflag:s1] =	ssyncadd.s32 $0xFFFFC000  }
.LBB2_1:
0x54: {  	[tilespmem:$0x180] =	vst v0  }
0x55: {  	[tilespmem:$0x200] =	vst v0  }
0x56: {  	[tilespmem:$0x280] =	vst v0  }
0x57: {  	[tilespmem:$0x300] =	vst v0  }
0x58: {  	[tilespmem:$0x380] =	vst v0  }
0x59: {  	[tilespmem:$0x400] =	vst v0  }
0x5a: {  	[tilespmem:$0x480] =	vst v0  }
0x5b: {  	[tilespmem:$0x500] =	vst v0  }
0x5c: {  	[tilespmem:$0x580] =	vst v0  }
0x5d: {  	[tilespmem:$0x600] =	vst v0  }
0x5e: {  	[tilespmem:$0x680] =	vst v0  }
0x5f: {  	[tilespmem:$0x700] =	vst v0  }
0x60: {  	[tilespmem:$0x780] =	vst v0  }
0x61: {  	[tilespmem:$0x800] =	vst v0  }
0x62: {  	[tilespmem:$0x880] =	vst v0  }
0x63: {  	[tilespmem:$0x900] =	vst v0  }
0x64: {  	[tilespmem:$0x980] =	vst v0  }
0x65: {  	[tilespmem:$0xA00] =	vst v0  }
0x66: {  	[tilespmem:$0xA80] =	vst v0  }
0x67: {  	[tilespmem:$0xB00] =	vst v0  }
0x68: {  	[tilespmem:$0xB80] =	vst v0  }
0x69: {  	[tilespmem:$0xC00] =	vst v0  }
0x6a: {  	[tilespmem:$0xC80] =	vst v0  }
0x6b: {  	[tilespmem:$0xD00] =	vst v0  }
0x6c: {  	[tilespmem:$0xD80] =	vst v0  }
0x6d: {  	[tilespmem:$0xE00] =	vst v0  }
0x6e: {  	[tilespmem:$0xE80] =	vst v0  }
0x6f: {  	[tilespmem:$0xF00] =	vst v0  }
0x70: {  	[tilespmem:$0xF80] =	vst v0  }
0x71: {  	[tilespmem:$0x1000] =	vst v0  }
0x72: {  	[tilespmem:$0x1080] =	vst v0  }
0x73: {  	[tilespmem:$0x1100] =	vst v0  }
0x74: {  	[tilespmem:$0x1180] =	vst v0  }
0x75: {  	[tilespmem:$0x1200] =	vst v0  }
0x76: {  	[tilespmem:$0x1280] =	vst v0  }
0x77: {  	[tilespmem:$0x1300] =	vst v0  }
0x78: {  	[tilespmem:$0x1380] =	vst v0  }
0x79: {  	[tilespmem:$0x1400] =	vst v0  }
0x7a: {  	[tilespmem:$0x1480] =	vst v0  }
0x7b: {  	[tilespmem:$0x1500] =	vst v0  }
0x7c: {  	[tilespmem:$0x1580] =	vst v0  }
0x7d: {  	[tilespmem:$0x1600] =	vst v0  }
0x7e: {  	[tilespmem:$0x1680] =	vst v0  }
0x7f: {  	[tilespmem:$0x1700] =	vst v0  }
0x80: {  	[tilespmem:$0x1780] =	vst v0  }
0x81: {  	[tilespmem:$0x1800] =	vst v0  }
0x82: {  	[tilespmem:$0x1880] =	vst v0  }
0x83: {  	[tilespmem:$0x1900] =	vst v0  }
0x84: {  	[tilespmem:$0x1980] =	vst v0  }
0x85: {  	[tilespmem:$0x1A00] =	vst v0  }
0x86: {  	[tilespmem:$0x1A80] =	vst v0  }
0x87: {  	[tilespmem:$0x1B00] =	vst v0  }
0x88: {  	[tilespmem:$0x1B80] =	vst v0  }
0x89: {  	[tilespmem:$0x1C00] =	vst v0  }
0x8a: {  	[tilespmem:$0x1C80] =	vst v0  }
0x8b: {  	[tilespmem:$0x1D00] =	vst v0  }
0x8c: {  	[tilespmem:$0x1D80] =	vst v0  }
0x8d: {  	[tilespmem:$0x1E00] =	vst v0  }
0x8e: {  	[tilespmem:$0x1E80] =	vst v0  }
0x8f: {  	[tilespmem:$0x1F00] =	vst v0  }
0x90: {  	[tilespmem:$0x1F80] =	vst v0  }
0x91: {  	[tilespmem:$0x2000] =	vst v0  }
0x92: {  	[tilespmem:$0x2080] =	vst v0  }
0x93: {  	[tilespmem:$0x2100] =	vst v0  }
0x94: {  	[tilespmem:$0x2180] =	vst v0  }
0x95: {  	[tilespmem:$0x2200] =	vst v0  }
0x96: {  	[tilespmem:$0x2280] =	vst v0  }
0x97: {  	[tilespmem:$0x2300] =	vst v0  }
0x98: {  	[tilespmem:$0x2380] =	vst v0  }
0x99: {  	[tilespmem:$0x2400] =	vst v0  }
0x9a: {  	[tilespmem:$0x2480] =	vst v0  }
0x9b: {  	[tilespmem:$0x2500] =	vst v0  }
0x9c: {  	[tilespmem:$0x2580] =	vst v0  }
0x9d: {  	[tilespmem:$0x2600] =	vst v0  }
0x9e: {  	[tilespmem:$0x2680] =	vst v0  }
0x9f: {  	[tilespmem:$0x2700] =	vst v0  }
0xa0: {  	[tilespmem:$0x2780] =	vst v0  }
0xa1: {  	[tilespmem:$0x2800] =	vst v0  }
0xa2: {  	[tilespmem:$0x2880] =	vst v0  }
0xa3: {  	[tilespmem:$0x2900] =	vst v0  }
0xa4: {  	[tilespmem:$0x2980] =	vst v0  }
0xa5: {  	[tilespmem:$0x2A00] =	vst v0  }
0xa6: {  	[tilespmem:$0x2A80] =	vst v0  }
0xa7: {  	[tilespmem:$0x2B00] =	vst v0  }
0xa8: {  	[tilespmem:$0x2B80] =	vst v0  }
0xa9: {  	[tilespmem:$0x2C00] =	vst v0  }
0xaa: {  	[tilespmem:$0x2C80] =	vst v0  }
0xab: {  	[tilespmem:$0x2D00] =	vst v0  }
0xac: {  	[tilespmem:$0x2D80] =	vst v0  }
0xad: {  	[tilespmem:$0x2E00] =	vst v0  }
0xae: {  	[tilespmem:$0x2E80] =	vst v0  }
0xaf: {  	[tilespmem:$0x2F00] =	vst v0  }
0xb0: {  	[tilespmem:$0x2F80] =	vst v0  }
0xb1: {  	[tilespmem:$0x3000] =	vst v0  }
0xb2: {  	[tilespmem:$0x3080] =	vst v0  }
0xb3: {  	[tilespmem:$0x3100] =	vst v0  }
0xb4: {  	[tilespmem:$0x3180] =	vst v0  }
0xb5: {  	[tilespmem:$0x3200] =	vst v0  }
0xb6: {  	[tilespmem:$0x3280] =	vst v0  }
0xb7: {  	[tilespmem:$0x3300] =	vst v0  }
0xb8: {  	[tilespmem:$0x3380] =	vst v0  }
0xb9: {  	[tilespmem:$0x3400] =	vst v0  }
0xba: {  	[tilespmem:$0x3480] =	vst v0  }
0xbb: {  	[tilespmem:$0x3500] =	vst v0  }
0xbc: {  	[tilespmem:$0x3580] =	vst v0  }
0xbd: {  	[tilespmem:$0x3600] =	vst v0  }
0xbe: {  	[tilespmem:$0x3680] =	vst v0  }
0xbf: {  	[tilespmem:$0x3700] =	vst v0  }
0xc0: {  	[tilespmem:$0x3780] =	vst v0  }
0xc1: {  	[tilespmem:$0x3800] =	vst v0  }
0xc2: {  	[tilespmem:$0x3880] =	vst v0  }
0xc3: {  	[tilespmem:$0x3900] =	vst v0  }
0xc4: {  	[tilespmem:$0x3980] =	vst v0  }
0xc5: {  	[tilespmem:$0x3A00] =	vst v0  }
0xc6: {  	[tilespmem:$0x3A80] =	vst v0  }
0xc7: {  	[tilespmem:$0x3B00] =	vst v0  }
0xc8: {  	[tilespmem:$0x3B80] =	vst v0  }
0xc9: {  	[tilespmem:$0x3C00] =	vst v0  }
0xca: {  	[tilespmem:$0x3C80] =	vst v0  }
0xcb: {  	[tilespmem:$0x3D00] =	vst v0  }
0xcc: {  	[tilespmem:$0x3D80] =	vst v0  }
0xcd: {  	[tilespmem:$0x3E00] =	vst v0  }
0xce: {  	[tilespmem:$0x3E80] =	vst v0  }
0xcf: {  	[tilespmem:$0x3F00] =	vst v0  }
0xd0: {  	[tilespmem:$0x3F80] =	vst v0  }
0xd1: {  	[tilespmem:$0x4000] =	vst v0  }
0xd2: {  	[tilespmem:$0x4080] =	vst v0  }
0xd3: {  	[tilespmem:$0x4100] =	vst v0  }
0xd4: {  	[tilespmem:$0x4180] =	vst v1  }
0xd5: {  	[tilespmem:$0x4200] =	vst v1  }
0xd6: {  	[tilespmem:$0x4280] =	vst v1  }
0xd7: {  	[tilespmem:$0x4300] =	vst v1  }
0xd8: {  	[tilespmem:$0x4380] =	vst v1  }
0xd9: {  	[tilespmem:$0x4400] =	vst v1  }
0xda: {  	[tilespmem:$0x4480] =	vst v1  }
0xdb: {  	[tilespmem:$0x4500] =	vst v1  }
0xdc: {  	[tilespmem:$0x4580] =	vst v1  }
0xdd: {  	[tilespmem:$0x4600] =	vst v1  }
0xde: {  	[tilespmem:$0x4680] =	vst v1  }
0xdf: {  	[tilespmem:$0x4700] =	vst v1  }
0xe0: {  	[tilespmem:$0x4780] =	vst v1  }
0xe1: {  	[tilespmem:$0x4800] =	vst v1  }
0xe2: {  	[tilespmem:$0x4880] =	vst v1  }
0xe3: {  	[tilespmem:$0x4900] =	vst v1  }
0xe4: {  	[tilespmem:$0x4980] =	vst v1  }
0xe5: {  	[tilespmem:$0x4A00] =	vst v1  }
0xe6: {  	[tilespmem:$0x4A80] =	vst v1  }
0xe7: {  	[tilespmem:$0x4B00] =	vst v1  }
0xe8: {  	[tilespmem:$0x4B80] =	vst v1  }
0xe9: {  	[tilespmem:$0x4C00] =	vst v1  }
0xea: {  	[tilespmem:$0x4C80] =	vst v1  }
0xeb: {  	[tilespmem:$0x4D00] =	vst v1  }
0xec: {  	[tilespmem:$0x4D80] =	vst v1  }
0xed: {  	[tilespmem:$0x4E00] =	vst v1  }
0xee: {  	[tilespmem:$0x4E80] =	vst v1  }
0xef: {  	[tilespmem:$0x4F00] =	vst v1  }
0xf0: {  	[tilespmem:$0x4F80] =	vst v1  }
0xf1: {  	[tilespmem:$0x5000] =	vst v1  }
0xf2: {  	[tilespmem:$0x5080] =	vst v1  }
0xf3: {  	[tilespmem:$0x5100] =	vst v1  }
0xf4: {  	[tilespmem:$0x5180] =	vst v1  }
0xf5: {  	[tilespmem:$0x5200] =	vst v1  }
0xf6: {  	[tilespmem:$0x5280] =	vst v1  }
0xf7: {  	[tilespmem:$0x5300] =	vst v1  }
0xf8: {  	[tilespmem:$0x5380] =	vst v1  }
0xf9: {  	[tilespmem:$0x5400] =	vst v1  }
0xfa: {  	[tilespmem:$0x5480] =	vst v1  }
0xfb: {  	[tilespmem:$0x5500] =	vst v1  }
0xfc: {  	[tilespmem:$0x5580] =	vst v1  }
0xfd: {  	[tilespmem:$0x5600] =	vst v1  }
0xfe: {  	[tilespmem:$0x5680] =	vst v1  }
0xff: {  	[tilespmem:$0x5700] =	vst v1  }
0x100: {  	[tilespmem:$0x5780] =	vst v1  }
0x101: {  	[tilespmem:$0x5800] =	vst v1  }
0x102: {  	[tilespmem:$0x5880] =	vst v1  }
0x103: {  	[tilespmem:$0x5900] =	vst v1  }
0x104: {  	[tilespmem:$0x5980] =	vst v1  }
0x105: {  	[tilespmem:$0x5A00] =	vst v1  }
0x106: {  	[tilespmem:$0x5A80] =	vst v1  }
0x107: {  	[tilespmem:$0x5B00] =	vst v1  }
0x108: {  	[tilespmem:$0x5B80] =	vst v1  }
0x109: {  	[tilespmem:$0x5C00] =	vst v1  }
0x10a: {  	[tilespmem:$0x5C80] =	vst v1  }
0x10b: {  	[tilespmem:$0x5D00] =	vst v1  }
0x10c: {  	[tilespmem:$0x5D80] =	vst v1  }
0x10d: {  	[tilespmem:$0x5E00] =	vst v1  }
0x10e: {  	[tilespmem:$0x5E80] =	vst v1  }
0x10f: {  	[tilespmem:$0x5F00] =	vst v1  }
0x110: {  	[tilespmem:$0x5F80] =	vst v1  }
0x111: {  	[tilespmem:$0x6000] =	vst v1  }
0x112: {  	[tilespmem:$0x6080] =	vst v1  }
0x113: {  	[tilespmem:$0x6100] =	vst v1  }
0x114: {  	[tilespmem:$0x6180] =	vst v1  }
0x115: {  	[tilespmem:$0x6200] =	vst v1  }
0x116: {  	[tilespmem:$0x6280] =	vst v1  }
0x117: {  	[tilespmem:$0x6300] =	vst v1  }
0x118: {  	[tilespmem:$0x6380] =	vst v1  }
0x119: {  	[tilespmem:$0x6400] =	vst v1  }
0x11a: {  	[tilespmem:$0x6480] =	vst v1  }
0x11b: {  	[tilespmem:$0x6500] =	vst v1  }
0x11c: {  	[tilespmem:$0x6580] =	vst v1  }
0x11d: {  	[tilespmem:$0x6600] =	vst v1  }
0x11e: {  	[tilespmem:$0x6680] =	vst v1  }
0x11f: {  	[tilespmem:$0x6700] =	vst v1  }
0x120: {  	[tilespmem:$0x6780] =	vst v1  }
0x121: {  	[tilespmem:$0x6800] =	vst v1  }
0x122: {  	[tilespmem:$0x6880] =	vst v1  }
0x123: {  	[tilespmem:$0x6900] =	vst v1  }
0x124: {  	[tilespmem:$0x6980] =	vst v1  }
0x125: {  	[tilespmem:$0x6A00] =	vst v1  }
0x126: {  	[tilespmem:$0x6A80] =	vst v1  }
0x127: {  	[tilespmem:$0x6B00] =	vst v1  }
0x128: {  	[tilespmem:$0x6B80] =	vst v1  }
0x129: {  	[tilespmem:$0x6C00] =	vst v1  }
0x12a: {  	[tilespmem:$0x6C80] =	vst v1  }
0x12b: {  	[tilespmem:$0x6D00] =	vst v1  }
0x12c: {  	[tilespmem:$0x6D80] =	vst v1  }
0x12d: {  	[tilespmem:$0x6E00] =	vst v1  }
0x12e: {  	[tilespmem:$0x6E80] =	vst v1  }
0x12f: {  	[tilespmem:$0x6F00] =	vst v1  }
0x130: {  	[tilespmem:$0x6F80] =	vst v1  }
0x131: {  	[tilespmem:$0x7000] =	vst v1  }
0x132: {  	[tilespmem:$0x7080] =	vst v1  }
0x133: {  	[tilespmem:$0x7100] =	vst v1  }
0x134: {  	[tilespmem:$0x7180] =	vst v1  }
0x135: {  	[tilespmem:$0x7200] =	vst v1  }
0x136: {  	[tilespmem:$0x7280] =	vst v1  }
0x137: {  	[tilespmem:$0x7300] =	vst v1  }
0x138: {  	[tilespmem:$0x7380] =	vst v1  }
0x139: {  	[tilespmem:$0x7400] =	vst v1  }
0x13a: {  	[tilespmem:$0x7480] =	vst v1  }
0x13b: {  	[tilespmem:$0x7500] =	vst v1  }
0x13c: {  	[tilespmem:$0x7580] =	vst v1  }
0x13d: {  	[tilespmem:$0x7600] =	vst v1  }
0x13e: {  	[tilespmem:$0x7680] =	vst v1  }
0x13f: {  	[tilespmem:$0x7700] =	vst v1  }
0x140: {  	[tilespmem:$0x7780] =	vst v1  }
0x141: {  	[tilespmem:$0x7800] =	vst v1  }
0x142: {  	[tilespmem:$0x7880] =	vst v1  }
0x143: {  	[tilespmem:$0x7900] =	vst v1  }
0x144: {  	[tilespmem:$0x7980] =	vst v1  }
0x145: {  	[tilespmem:$0x7A00] =	vst v1  }
0x146: {  	[tilespmem:$0x7A80] =	vst v1  }
0x147: {  	[tilespmem:$0x7B00] =	vst v1  }
0x148: {  	[tilespmem:$0x7B80] =	vst v1  }
0x149: {  	[tilespmem:$0x7C00] =	vst v1  }
0x14a: {  	[tilespmem:$0x7C80] =	vst v1  }
0x14b: {  	[tilespmem:$0x7D00] =	vst v1  }
0x14c: {  	[tilespmem:$0x7D80] =	vst v1  }
0x14d: {  	[tilespmem:$0x7E00] =	vst v1  }
0x14e: {  	[tilespmem:$0x7E80] =	vst v1  }
0x14f: {  	[tilespmem:$0x7F00] =	vst v1  }
0x150: {  	[tilespmem:$0x7F80] =	vst v1  }
0x151: {  	[tilespmem:$0x8000] =	vst v1  }
0x152: {  	[tilespmem:$0x8080] =	vst v1  }
0x153: {  	[tilespmem:$0x8100] =	vst v1  }
0x154: {  	[spmem:s6] =	stream.linear.scatter [tilespmem:s23], [sflag:$0x1], $0x4000, $0x38;
	[tilespmem:$0xA980] =	vst v63  }
0x155: {  	_ =	swait.ge [sflag:s24], $0x4000  }
0x156: {  	[sflag:s24] =	ssyncset.done $0x0  }
0x157: {  	[sflag:s24] =	ssyncadd.s32 $0xFFFFC000  }
0x158: {  	[spmem:s8] =	stream.linear.scatter [tilespmem:s23], [sflag:$0x1], $0x4000, $0x38;
	[tilespmem:$0xA980] =	vst v63  }
0x159: {  	_ =	swait.ge [sflag:s24], $0x4000  }
0x15a: {  	[sflag:s24] =	ssyncset.done $0x0  }
0x15b: {  	[sflag:s24] =	ssyncadd.s32 $0xFFFFC000  }
0x15c: {  	[spmem:s9] =	stream.linear.scatter [tilespmem:s23], [sflag:$0x1], $0x4000, $0x38;
	[tilespmem:$0xA980] =	vst v63  }
0x15d: {  	_ =	swait.ge [sflag:s24], $0x4000  }
0x15e: {  	[sflag:s24] =	ssyncset.done $0x0  }
0x15f: {  	[sflag:s24] =	ssyncadd.s32 $0xFFFFC000  }
0x160: {  	[spmem:s10] =	stream.linear.scatter [tilespmem:s23], [sflag:$0x1], $0x4000, $0x38;
	[tilespmem:$0xA980] =	vst v63  }
0x161: {  	_ =	swait.ge [sflag:s24], $0x4000  }
0x162: {  	[sflag:s24] =	ssyncset.done $0x0  }
0x163: {  	[sflag:s24] =	ssyncadd.s32 $0xFFFFC000  }
0x164: {  	[spmem:s11] =	stream.linear.scatter [tilespmem:s23], [sflag:$0x1], $0x4000, $0x38;
	[tilespmem:$0xA980] =	vst v63  }
.Ltmp2:
0x165: {  	_ =	swait.ge [sflag:s24], $0x4000;
	(pc) =	sbr.rel @p0 .LBB2_5-.Ltmp2, $4  }
0x166: {  	[sflag:s24] =	ssyncset.done $0x0  }
0x167: {  	[sflag:s24] =	ssyncadd.s32 $0xFFFFC000  }
0x168: {  	[bflag:$0x0] =	sbarrier.arrive $0xFFFF  }
0x169: {  	s0 =	sadd.s32 $0x0, s22  }
0x16a: {  	[tilespmem:s3], [sflag:$0x1] =	stream.linear.gather [hbm4b:s0+s3], $0x80, $0x38;
	[tilespmem:$0xA980] =	vst v63  }
0x16b: {  	_ =	swait.ge [sflag:s24], $0x80  }
0x16c: {  	[sflag:s24] =	ssyncset.done $0x0  }
0x16d: {  	s1 =	sadd.s32 $0x0, s21;
	[sflag:s24] =	ssyncadd.s32 $0xFFFFFF80  }
0x16e: {  	[tilespmem:s25], [sflag:$0x1] =	stream.linear.gather [hbm4b:s1+s3], $0x80, $0x38;
	[tilespmem:$0xA980] =	vst v63  }
0x16f: {  	_ =	swait.ge [sflag:s24], $0x80  }
0x170: {  	[sflag:s24] =	ssyncset.done $0x0  }
0x171: {  	[sflag:s24] =	ssyncadd.s32 $0xFFFFFF80  }
0x172: {  	v4 =	vld [tilespmem:$0xB0]  }
0x173: {  	v3 =	vld [tilespmem:$0xF0]  }
0x174: {  	v5 =	vld [tilespmem:$0xE0]  }
0x175: {  	s31 =	simm.s32 $0x10;
	v2 =	vld [tilespmem:$0x90]  }
.LBB2_3:
0x176: {  	p2 =	seq.s32 s31, $0x4E0;
	v6 =	vld [tilespmem:$0x60];
	s0 =	smov.u32 s31;
	s31 =	sadd.s32 $0x10, s31  }
0x177: {  	v7 =	vld [tilespmem:$0xC0]  }
0x178: {  	v8 =	vld [tilespmem:$0x30]  }
0x179: {  	v9 =	vld [tilespmem:$0xA0]  }
0x17a: {  	v10 =	vld [tilespmem:$0x50]  }
0x17b: {  	v11 =	vld [tilespmem:$0xD0]  }
0x17c: {  	v12 =	vld [tilespmem:$0x70]  }
0x17d: {  	vm0 =	veq.s32 v6, v5;
	v13 =	vld [tilespmem:$0x0]  }
0x17e: {  	vm1 =	veq.s32 v8, v4;
	v4 =	vsel vm0, $0x2720, v6;
	v5 =	vld [tilespmem:$0x10]  }
0x17f: {  	v8 =	vsel vm1, $0x2720, v8;
	v6 =	vld [tilespmem:$0x20]  }
0x180: {  	[tilespmem:$0x130] =	vst v8;
	v8 =	vld [tilespmem:$0x40];
	vm0 =	veq.s32 v10, v11  }
0x181: {  	v11 =	vld [tilespmem:$0x80];
	v10 =	vsel vm0, $0x2720, v10;
	[tilespmem:$0x160] =	vst v4;
	vm0 =	veq.s32 v12, v3  }
0x182: {  	[tilespmem:$0x150] =	vst v10;
	v3 =	vsel vm0, $0x2720, v12  }
0x183: {  	vm0 =	veq.s32 v5, v2;
	[tilespmem:$0x170] =	vst v3  }
0x184: {  	v2 =	vsel vm0, $0x2720, v5;
	vm0 =	veq.s32 v6, v9  }
0x185: {  	[tilespmem:$0x110] =	vst v2;
	v2 =	vsel vm0, $0x2720, v6;
	vm0 =	veq.s32 v8, v7  }
0x186: {  	vm1 =	veq.s32 v13, v11;
	[tilespmem:$0x120] =	vst v2;
	v2 =	vsel vm0, $0x2720, v8  }
0x187: {  	v3 =	vsel vm1, $0x2720, v13;
	[tilespmem:$0x140] =	vst v2  }
0x188: {  	[tilespmem:$0x100] =	vst v3  }
0x189: {  	[spmem:s2] =	stream.indirect.scatter.add.f32 [tilespmem:s28], [sflag:$0x1], $0x10, s26, s25, $0xb8;
	[tilespmem:$0xA980] =	vst v63  }
0x18a: {  	_ =	swait.ge [sflag:s24], $0x800  }
0x18b: {  	[sflag:s24] =	ssyncset.done $0x0  }
0x18c: {  	s1 =	sadd.s32 s0, s22;
	[sflag:s24] =	ssyncadd.s32 $0xFFFFF800  }
0x18d: {  	[tilespmem:s3], [sflag:$0x1] =	stream.linear.gather [hbm4b:s1+s3], $0x80, $0x38;
	[tilespmem:$0xA980] =	vst v63  }
0x18e: {  	_ =	swait.ge [sflag:s24], $0x80  }
0x18f: {  	[sflag:s24] =	ssyncset.done $0x0  }
0x190: {  	s0 =	sadd.s32 s0, s21;
	[sflag:s24] =	ssyncadd.s32 $0xFFFFFF80  }
0x191: {  	[tilespmem:s25], [sflag:$0x1] =	stream.linear.gather [hbm4b:s0+s3], $0x80, $0x38;
	[tilespmem:$0xA980] =	vst v63  }
0x192: {  	_ =	swait.ge [sflag:s24], $0x80  }
0x193: {  	[sflag:s24] =	ssyncset.done $0x0  }
.Ltmp3:
0x194: {  	[sflag:s24] =	ssyncadd.s32 $0xFFFFFF80;
	(pc) =	sbr.rel @!p2 .LBB2_3-.Ltmp3, $4  }
0x195: {  	v4 =	vld [tilespmem:$0xB0]  }
0x196: {  	v3 =	vld [tilespmem:$0xF0]  }
0x197: {  	v5 =	vld [tilespmem:$0xE0]  }
0x198: {  	v2 =	vld [tilespmem:$0x90]  }
0x199: {  	v6 =	vld [tilespmem:$0x60]  }
0x19a: {  	v7 =	vld [tilespmem:$0xC0]  }
0x19b: {  	v8 =	vld [tilespmem:$0x30]  }
0x19c: {  	v9 =	vld [tilespmem:$0xA0]  }
0x19d: {  	v10 =	vld [tilespmem:$0x50]  }
0x19e: {  	v11 =	vld [tilespmem:$0xD0]  }
0x19f: {  	v12 =	vld [tilespmem:$0x70]  }
0x1a0: {  	v13 =	vld [tilespmem:$0x0]  }
0x1a1: {  	v14 =	vld [tilespmem:$0x10]  }
0x1a2: {  	v59 =	vld [tilespmem:$0x20];
	vm0 =	veq.s32 v8, v4  }
0x1a3: {  	v63 =	vld [tilespmem:$0x80];
	vm1 =	veq.s32 v6, v5;
	v60 =	vsel vm0, $0x2720, v8  }
0x1a4: {  	v61 =	vld [tilespmem:$0x40];
	vm10 =	veq.s32 v10, v11;
	v62 =	vsel vm1, $0x2720, v6;
	[tilespmem:$0x130] =	vst v60  }
0x1a5: {  	vm11 =	veq.s32 v12, v3;
	v10 =	vsel vm10, $0x2720, v10;
	[tilespmem:$0x160] =	vst v62  }
0x1a6: {  	vm12 =	veq.s32 v14, v2;
	v3 =	vsel vm11, $0x2720, v12;
	[tilespmem:$0x150] =	vst v10  }
0x1a7: {  	vm13 =	veq.s32 v59, v9;
	v2 =	vsel vm12, $0x2720, v14;
	[tilespmem:$0x170] =	vst v3  }
0x1a8: {  	vm15 =	veq.s32 v13, v63;
	[tilespmem:$0x110] =	vst v2;
	v2 =	vsel vm13, $0x2720, v59  }
0x1a9: {  	vm14 =	veq.s32 v61, v7;
	v3 =	vsel vm15, $0x2720, v13;
	[tilespmem:$0x120] =	vst v2  }
0x1aa: {  	v2 =	vsel vm14, $0x2720, v61;
	[tilespmem:$0x100] =	vst v3  }
.Ltmp4:
0x1ab: {  	[tilespmem:$0x140] =	vst v2;
	(pc) =	sbr.rel .LBB2_8-.Ltmp4, $4  }
0x1ac: {  	[spmem:s2] =	stream.indirect.scatter.add.f32 [tilespmem:s28], [sflag:$0x1], $0x10, s26, s25, $0xb8;
	[tilespmem:$0xA980] =	vst v63  }
0x1ad: {  	_ =	swait.ge [sflag:s24], $0x800  }
0x1ae: {  	[sflag:s24] =	ssyncset.done $0x0  }
0x1af: {  	s0 =	smov.u32 s4;
	[sflag:s24] =	ssyncadd.s32 $0xFFFFF800  }
.LBB2_5:
0x1b0: {  	[tilespmem:s3], [sflag:$0x1] =	stream.linear.gather [hbm4b:s0+s3], $0x80, $0x38;
	[tilespmem:$0xA980] =	vst v63  }
0x1b1: {  	_ =	swait.ge [sflag:s24], $0x80  }
0x1b2: {  	[sflag:s24] =	ssyncset.done $0x0  }
0x1b3: {  	s1 =	sadd.s32 $0x0, s21;
	[sflag:s24] =	ssyncadd.s32 $0xFFFFFF80  }
0x1b4: {  	[tilespmem:s25], [sflag:$0x1] =	stream.linear.gather [hbm4b:s1+s3], $0x80, $0x38;
	[tilespmem:$0xA980] =	vst v63  }
0x1b5: {  	_ =	swait.ge [sflag:s24], $0x80  }
0x1b6: {  	[sflag:s24] =	ssyncset.done $0x0  }
0x1b7: {  	[sflag:s24] =	ssyncadd.s32 $0xFFFFFF80  }
0x1b8: {  	v4 =	vld [tilespmem:$0xB0]  }
0x1b9: {  	v3 =	vld [tilespmem:$0xF0]  }
0x1ba: {  	v5 =	vld [tilespmem:$0xE0]  }
0x1bb: {  	s31 =	simm.s32 $0x10;
	v2 =	vld [tilespmem:$0x90]  }
.LBB2_6:
0x1bc: {  	p2 =	sne.s32 s31, $0x4E0;
	v6 =	vld [tilespmem:$0x60];
	s0 =	smov.u32 s31;
	s31 =	sadd.s32 $0x10, s31  }
0x1bd: {  	v7 =	vld [tilespmem:$0xC0]  }
0x1be: {  	v8 =	vld [tilespmem:$0x30]  }
0x1bf: {  	v9 =	vld [tilespmem:$0xA0]  }
0x1c0: {  	v10 =	vld [tilespmem:$0x50]  }
0x1c1: {  	v11 =	vld [tilespmem:$0xD0]  }
0x1c2: {  	v12 =	vld [tilespmem:$0x70]  }
0x1c3: {  	vm0 =	veq.s32 v6, v5;
	v13 =	vld [tilespmem:$0x0]  }
0x1c4: {  	v5 =	vsel vm0, $0x2720, v5;
	vm1 =	veq.s32 v8, v4;
	v6 =	vld [tilespmem:$0x10]  }
0x1c5: {  	v4 =	vsel vm1, $0x2720, v4;
	v8 =	vld [tilespmem:$0x20]  }
0x1c6: {  	[tilespmem:$0x130] =	vst v4;
	v4 =	vld [tilespmem:$0x40];
	vm0 =	veq.s32 v10, v11  }
0x1c7: {  	v10 =	vld [tilespmem:$0x80];
	v11 =	vsel vm0, $0x2720, v11;
	[tilespmem:$0x160] =	vst v5;
	vm0 =	veq.s32 v12, v3  }
0x1c8: {  	[tilespmem:$0x150] =	vst v11;
	v3 =	vsel vm0, $0x2720, v3  }
0x1c9: {  	vm0 =	veq.s32 v6, v2;
	[tilespmem:$0x170] =	vst v3  }
0x1ca: {  	v2 =	vsel vm0, $0x2720, v2;
	vm0 =	veq.s32 v8, v9  }
0x1cb: {  	[tilespmem:$0x110] =	vst v2;
	v2 =	vsel vm0, $0x2720, v9;
	vm0 =	veq.s32 v4, v7  }
0x1cc: {  	vm1 =	veq.s32 v13, v10;
	[tilespmem:$0x120] =	vst v2;
	v2 =	vsel vm0, $0x2720, v7  }
0x1cd: {  	v3 =	vsel vm1, $0x2720, v10;
	[tilespmem:$0x140] =	vst v2  }
0x1ce: {  	[tilespmem:$0x100] =	vst v3  }
0x1cf: {  	[spmem:s2] =	stream.indirect.scatter.add.f32 [tilespmem:s28], [sflag:$0x1], $0x10, s26, s25, $0xb8;
	[tilespmem:$0xA980] =	vst v63  }
0x1d0: {  	_ =	swait.ge [sflag:s24], $0x800  }
0x1d1: {  	[sflag:s24] =	ssyncset.done $0x0  }
0x1d2: {  	s1 =	sadd.s32 s0, s22;
	[sflag:s24] =	ssyncadd.s32 $0xFFFFF800  }
0x1d3: {  	[tilespmem:s3], [sflag:$0x1] =	stream.linear.gather [hbm4b:s1+s3], $0x80, $0x38;
	[tilespmem:$0xA980] =	vst v63  }
0x1d4: {  	_ =	swait.ge [sflag:s24], $0x80  }
0x1d5: {  	[sflag:s24] =	ssyncset.done $0x0  }
0x1d6: {  	s0 =	sadd.s32 s0, s21;
	[sflag:s24] =	ssyncadd.s32 $0xFFFFFF80  }
0x1d7: {  	[tilespmem:s25], [sflag:$0x1] =	stream.linear.gather [hbm4b:s0+s3], $0x80, $0x38;
	[tilespmem:$0xA980] =	vst v63  }
0x1d8: {  	_ =	swait.ge [sflag:s24], $0x80  }
0x1d9: {  	[sflag:s24] =	ssyncset.done $0x0  }
.Ltmp5:
0x1da: {  	[sflag:s24] =	ssyncadd.s32 $0xFFFFFF80;
	(pc) =	sbr.rel @p2 .LBB2_6-.Ltmp5, $4  }
0x1db: {  	v4 =	vld [tilespmem:$0xB0]  }
0x1dc: {  	v3 =	vld [tilespmem:$0xF0]  }
0x1dd: {  	v5 =	vld [tilespmem:$0xE0]  }
0x1de: {  	v2 =	vld [tilespmem:$0x90]  }
.Ltmp6:
0x1df: {  	_ = 	snop;
	(pc) =	sbr.rel .LBB2_7-.Ltmp6, $1  }
0x1e0: {  	_ =	sdelay $0x3  }
.LBB2_9:
0x1e1: {  	_ =	sfence.sel $0x180000  }
0x1e2: {  	[bflag:$0x0] =	sbarrier.arrive $0xFFFF  }
0x1e3: {  	_ =	strace $0x90000047  }
0x1e4: {  	s0 =	stileid.u32;
	[bflag:$0x2] =	sbarrier.arrive $0xFFFF  }
0x1e5: {  	p0 =	sne.s32 s0, $0x0;
	s0 =	rddreg [dreg:$0x2]  }
0x1e6: {  	s0 =	sadd.s32 @!p0 $0x100000, s0  }
0x1e7: {  	[sflag:s0] =	ssyncadd.tile.s32 @!p0 $0x1;
	_ =	shalt  }
.Lfunc_end2:
_tile_overlayer_lowered:
.L_overlay_start_2:
0x1e8: {  	(tag) =	ssettag $0x2  }
0x1e9: {  	s0 =	rddreg [dreg:$0x0];
	s2 =	stileid.u32  }
0x1ea: {  	s1 =	rddreg [dreg:$0x1];
	p0 =	sne.s32 s2, $0x0  }
0x1eb: {  	s3 =	rddreg [dreg:$0x2];
	[bflag:$0x3] =	sbarrier.arrive $0xFFFF;
	s2 =	simm.s32 @!p0 $0x1C01  }
0x1ec: {  	[timem:s3], [sflag:s2] =	dma.local @!p0 [hbm:s0], s1  }
0x1ed: {  	s0 =	simm.s32 @!p0 $0x1  }
0x1ee: {  	_ =	swait.ge @!p0 [sflag:s0], s1  }
0x1ef: {  	s1 =	ssub.s32 @!p0 $0x0, s1;
	[sflag:s0] =	ssyncset.done @!p0 $0x0  }
0x1f0: {  	[sflag:s0] =	ssyncadd.s32 @!p0 s1  }
0x1f1: {  	[bflag:$0x3] =	sbarrier.arrive $0xFFFF  }
0x1f2: {  	_ =	shalt  }

// kernel: kernel.13.cloned.1.call-start
scs
__scs_entry_jumppad:
0x0: {  	(pc) =	sbr.rel $0x88, $3  }
0x1: {  	(tag) =	ssettag $0x0;
	lr =	simm.s32 $0x1  }
0x2: {  	[smem:$0x3F99] =	sst lr;
	_ =	strace $0xD0000000  }
0x3: {  	_ = 	snop  }
0x4: {  	_ = 	snop  }
0x5: {  	_ = 	snop  }
0x6: {  	_ = 	snop  }
0x7: {  	_ = 	snop  }
__scs_overlays_trampoline_lowered:
0x8: {  	[smem:$0x3FA8] =	sst s0  }
0x9: {  	[smem:$0x3FA9] =	sst s1  }
0xa: {  	[smem:$0x3FAA] =	sst s2  }
0xb: {  	[smem:$0x3FAB] =	sst s3  }
0xc: {  	[smem:$0x3FAC] =	sst s4  }
0xd: {  	[smem:$0x3FAD] =	sst s5  }
0xe: {  	[smem:$0x3FAE] =	sst s6  }
0xf: {  	[smem:$0x3FAF] =	sst s7  }
0x10: {  	[smem:$0x3FB0] =	sst s8  }
0x11: {  	[smem:$0x3FB1] =	sst s9;
	s0 =	simm.s32 @!p0 $0x0  }
0x12: {  	s1 =	sld [smem:$0x3F97];
	s0 =	simm.s32 @p0 $0x1  }
0x13: {  	[smem:$0x3FB2] =	sst s0;
	s0 =	simm.s32 @!p1 $0x0  }
0x14: {  	s2 =	sld [smem:$0x3F96];
	s0 =	simm.s32 @p1 $0x1  }
0x15: {  	[smem:$0x3FB3] =	sst s0;
	s0 =	simm.s32 @!p2 $0x0  }
0x16: {  	s3 =	sld [smem:$0x3FDB];
	s0 =	simm.s32 @p2 $0x1  }
0x17: {  	s4 =	simm.s32 $0x1BF5;
	[smem:$0x3FB5] =	sst s0  }
0x18: {  	s0 =	sld [smem:$0x3F98];
	_ =	swait.ge [sflag:s4], $0x0  }
0x19: {  	s7 =	sld [smem:$0x3F99]  }
0x1a: {  	s8 =	sadd.s32 $0xFFFFE003, lr  }
0x1b: {  	s9 =	sadd.s32 $0xFFFFFEF7, lr;
	s5 =	simm.s32 $0xFFFFFFFF;
	p2 =	slt.u32 s8, $0xFFFFF086  }
0x1c: {  	p1 =	slt.u32 s9, $0xF7A;
	s5 =	simm.s32 @!p2 $0x0  }
0x1d: {  	s5 =	simm.s32 @p1 $0x1;
	p0 =	seq.s32 s7, s2  }
0x1e: {  	s7 =	smul.u32 @!p0 $0xF7A, s2;
	p2 =	seq.s32 @!p0 s5, $0x0  }
0x1f: {  	s9 =	smul.u32 $0xF7A, s1;
	s8 =	simm.s32 @!p0 $0x1BF5;
	p2 =	por !p2, p0  }
0x20: {  	[sflag:s8] =	ssyncset.s32 @!p0 $0xFFFFF086;
	s6 =	sadd.s32 @!p0 s3, s7;
	s7 =	simm.s32 @!p0 $0x108  }
0x21: {  	s3 =	sadd.s32 s3, s9;
	s6 =	sadd.s32 @!p0 $0x88, s6;
	s7 =	simm.s32 @p2 $0x1082  }
0x22: {  	[simem:s7], [sflag:s8] =	dma.local @!p0 [hbm:s6], $0xF7A  }
0x23: {  	s9 =	sor.u32 $0xD0000000, s2;
	s6 =	simm.s32 $0x108;
	_ =	swait.ge @!p0 [sflag:s8], $0x0  }
0x24: {  	s3 =	sadd.s32 $0x88, s3;
	s6 =	simm.s32 @!p1 $0x1082;
	[sflag:s4] =	ssyncset.s32 $0xFFFFF086  }
0x25: {  	[simem:s6], [sflag:s4] =	dma.local [hbm:s3], $0xF7A  }
0x26: {  	[smem:$0x3F99] =	sst s1;
	(tag) =	ssettag s2;
	_ =	strace s9  }
0x27: {  	s1 =	sld [smem:$0x3FA9]  }
0x28: {  	s2 =	sld [smem:$0x3FAA]  }
0x29: {  	s4 =	sld [smem:$0x3FAC]  }
0x2a: {  	p0 =	seq.s32 s5, $0x0;
	s5 =	sld [smem:$0x3FAD]  }
0x2b: {  	s6 =	sld [smem:$0x3FAE]  }
0x2c: {  	s7 =	sld [smem:$0x3FAF]  }
0x2d: {  	s3 =	simm.s32 $0x108;
	s8 =	sld [smem:$0x3FB0]  }
0x2e: {  	s3 =	simm.s32 @!p0 $0x1082;
	s9 =	sld [smem:$0x3FB1]  }
0x2f: {  	lr =	sadd.s32 s0, s3;
	s0 =	sld [smem:$0x3FA8]  }
0x30: {  	s3 =	sld [smem:$0x3FAB]  }
0x31: {  	[smem:$0x3FB4] =	sst s10  }
0x32: {  	s10 =	sld [smem:$0x3FB2];
	_ =	sdelay $0x3  }
0x33: {  	p0 =	seq.s32 s10, $0x1;
	s10 =	sld [smem:$0x3FB4];
	_ =	sdelay $0x3  }
0x34: {  	[smem:$0x3FB4] =	sst s10  }
0x35: {  	s10 =	sld [smem:$0x3FB3];
	_ =	sdelay $0x3  }
0x36: {  	p1 =	seq.s32 s10, $0x1;
	s10 =	sld [smem:$0x3FB4];
	_ =	sdelay $0x3  }
0x37: {  	[smem:$0x3FB4] =	sst s10  }
0x38: {  	s10 =	sld [smem:$0x3FB5]  }
0x39: {  	_ = 	snop;
	(pc) =	sbr.ind lr, $3  }
0x3a: {  	_ = 	snop  }
0x3b: {  	_ = 	snop  }
0x3c: {  	p2 =	seq.s32 s10, $0x1;
	s10 =	sld [smem:$0x3FB4]  }
0x3d: {  	_ =	shalt  }
0x3e: {  	_ =	shalt  }
0x3f: {  	_ =	shalt  }
0x40: {  	_ =	shalt  }
0x41: {  	_ =	shalt  }
0x42: {  	_ =	shalt  }
0x43: {  	_ =	shalt  }
0x44: {  	_ =	shalt  }
0x45: {  	_ =	shalt  }
0x46: {  	_ =	shalt  }
0x47: {  	_ =	shalt  }
0x48: {  	_ =	shalt  }
0x49: {  	_ =	shalt  }
0x4a: {  	_ =	shalt  }
0x4b: {  	_ =	shalt  }
0x4c: {  	_ =	shalt  }
0x4d: {  	_ =	shalt  }
0x4e: {  	_ =	shalt  }
0x4f: {  	_ =	shalt  }
0x50: {  	_ =	shalt  }
0x51: {  	_ =	shalt  }
0x52: {  	_ =	shalt  }
0x53: {  	_ =	shalt  }
0x54: {  	_ =	shalt  }
0x55: {  	_ =	shalt  }
0x56: {  	_ =	shalt  }
0x57: {  	_ =	shalt  }
0x58: {  	_ =	shalt  }
0x59: {  	_ =	shalt  }
0x5a: {  	_ =	shalt  }
0x5b: {  	_ =	shalt  }
0x5c: {  	_ =	shalt  }
0x5d: {  	_ =	shalt  }
0x5e: {  	_ =	shalt  }
0x5f: {  	_ =	shalt  }
0x60: {  	_ =	shalt  }
0x61: {  	_ =	shalt  }
0x62: {  	_ =	shalt  }
0x63: {  	_ =	shalt  }
0x64: {  	_ =	shalt  }
0x65: {  	_ =	shalt  }
0x66: {  	_ =	shalt  }
0x67: {  	_ =	shalt  }
0x68: {  	_ =	shalt  }
0x69: {  	_ =	shalt  }
0x6a: {  	_ =	shalt  }
0x6b: {  	_ =	shalt  }
0x6c: {  	_ =	shalt  }
0x6d: {  	_ =	shalt  }
0x6e: {  	_ =	shalt  }
0x6f: {  	_ =	shalt  }
0x70: {  	_ =	shalt  }
0x71: {  	_ =	shalt  }
0x72: {  	_ =	shalt  }
0x73: {  	_ =	shalt  }
0x74: {  	_ =	shalt  }
0x75: {  	_ =	shalt  }
0x76: {  	_ =	shalt  }
0x77: {  	_ =	shalt  }
0x78: {  	_ =	shalt  }
0x79: {  	_ =	shalt  }
0x7a: {  	_ =	shalt  }
0x7b: {  	_ =	shalt  }
0x7c: {  	_ =	shalt  }
0x7d: {  	_ =	shalt  }
0x7e: {  	_ =	shalt  }
0x7f: {  	_ =	shalt  }
0x80: {  	_ =	shalt  }
0x81: {  	_ =	shalt  }
0x82: {  	_ =	shalt  }
0x83: {  	_ =	shalt  }
0x84: {  	_ =	shalt  }
0x85: {  	_ =	shalt  }
0x86: {  	_ =	shalt  }
0x87: {  	_ =	shalt  }
.Lfunc_end0:
.L_simem_size_0:
called_computation.1_lowered:
.L_overlay_start_0:
0x88: {  	s2 =	sld [smem:$0x3FD9]  }
0x89: {  	s3 =	sld [smem:$0x3FFE];
	_ =	sdelay $0x1  }
0x8a: {  	s1 =	srdreg.scid  }
0x8b: {  	s0 =	sand.u32 $0x1, s1  }
0x8c: {  	s17 =	sshll.u32 s0, $0xA;
	s2 =	sadd.s32 s3, s2  }
0x8d: {  	s2 =	sadd.s32 s2, s17  }
0x8e: {  	[smem:$0x3FC0] =	sst s2  }
0x8f: {  	_ = 	snop  }
0x90: {  	s2 =	sld [smem:$0x3FD0];
	(tm) =	ssettm $0x1  }
0x91: {  	s18 =	sld [smem:$0x3FFB];
	_ =	sdelay $0x3  }
0x92: {  	_ =	strace s18  }
0x93: {  	s3 =	sld [smem:$0x3FFC];
	_ =	sdelay $0x3  }
0x94: {  	_ =	strace s3  }
0x95: {  	s3 =	sld [smem:$0x3FFD];
	_ =	sdelay $0x3  }
0x96: {  	_ =	strace s3  }
0x97: {  	_ =	strace $0x8FFFFFFF  }
0x98: {  	s19 =	sld [smem:$0x3FDB];
	_ =	sdelay $0x1  }
0x99: {  	s4 =	simm.s32 $_scs_section_size  }
0x9a: {  	s5 =	simm.s32 $_size__tile_overlayer_lowered;
	s6 =	simm.s32 $_tile_overlayer_lowered  }
0x9b: {  	s22 =	simm.s32 $0x1BFF;
	s21 =	sshll.u32 s6, $0x1;
	s3 =	sadd.s32 s4, s19  }
0x9c: {  	s7 =	simm.s32 $0x0;
	s20 =	sshll.u32 s5, $0x1;
	s5 =	sadd.s32 s21, s3  }
0x9d: {  	[timem:s7], [sflag:s22] =	dma.local [hbm:s5], s20  }
0x9e: {  	_ =	swait.ge [sflag:s22], s20  }
0x9f: {  	s4 =	ssub.s32 $0x0, s20;
	[sflag:s22] =	ssyncset.done $0x0  }
0xa0: {  	[sflag:s22] =	ssyncadd.s32 s4;
	_ =	sdelay $0x1  }
0xa1: {  	s23 =	simm.s32 $0x1B8B  }
0xa2: {  	_ =	swait.ge [sflag:s23], $0x1  }
0xa3: {  	[sflag:s23] =	ssyncset.done $0x0  }
0xa4: {  	s25 =	simm.s32 $0x1B8E;
	s24 =	sld [smem:$0x3FFE];
	[sflag:s23] =	ssyncadd.s32 $0xFFFFFFFF  }
0xa5: {  	s26 =	simm.s32 $execute0_lowered;
	[smem:$0x3FD2] =	sst s25  }
0xa6: {  	s5 =	sshll.u32 s26, $0x1;
	_ =	strace $0x80000049;
	[dreg:$0x1] =	wrdreg $0xFFFFFFFF  }
0xa7: {  	s28 =	simm.s32 $_size_execute0_lowered;
	s3 =	sadd.s32 s3, s5;
	[dreg:$0x0] =	wrdreg $0x0  }
0xa8: {  	s5 =	sshll.u32 s28, $0x1;
	[dreg:$0x2] =	wrdreg s3  }
0xa9: {  	[dreg:$0x3] =	wrdreg s5  }
0xaa: {  	[dreg:$0x4] =	wrdreg $0xC0  }
0xab: {  	_ =	task [dreg:s7], $0x5FFFF  }
0xac: {  	[dreg:$0x1] =	wrdreg $0xFFFFFFFF  }
0xad: {  	[dreg:$0x0] =	wrdreg $0x60  }
0xae: {  	[dreg:$0x2] =	wrdreg s2  }
0xaf: {  	[dreg:$0x3] =	wrdreg s24  }
0xb0: {  	[dreg:$0x4] =	wrdreg $0x81800  }
0xb1: {  	[dreg:$0x5] =	wrdreg $0x9  }
0xb2: {  	_ =	task.clear_ibuf [dreg:s7], $0x6FFFF;
	_ =	strace $0x90000049  }
0xb3: {  	s29 =	simm.s32 $0x9;
	_ =	strace $0x8000004B  }
0xb4: {  	_ =	swait.ge [sflag:s29], $0x1  }
0xb5: {  	[sflag:s29] =	ssyncadd.s32 $0xFFFFFFFF  }
0xb6: {  	_ =	strace $0x9000004B  }
0xb7: {  	_ =	sfence  }
0xb8: {  	s30 =	sld [smem:$0x0];
	_ =	sdelay $0x2  }
0xb9: {  	s31 =	sshll.u32 s1, $0xD;
	s1 =	sshrl.u32 s1, $0x2  }
0xba: {  	s3 =	sand.u32 $0x4000, s31;
	s1 =	sadd.s32 s1, s30  }
0xbb: {  	s0 =	sor.u32 s3, s0;
	s1 =	sshll.u32 s1, $0x11  }
0xbc: {  	s0 =	sor.u32 s1, s0  }
0xbd: {  	s0 =	sadd.s32 $0x8F2B, s0  }
0xbe: {  	[sflag:s0] =	ssyncadd.remote.s32 $0x1  }
0xbf: {  	_ =	sfence.sel $0xFFFF  }
0xc0: {  	[dreg:$0x0] =	wrdreg $0xFFFFFFFF;
	(pc) =	sbr.abs _section_cstart, $3  }
0xc1: {  	[dreg:$0x1] =	wrdreg $0xFFFFFFFF  }
0xc2: {  	_ =	task.clear_ibuf [dreg:s7], $0x2FFFF;
	_ =	strace $0x9FFFFFFF  }
0xc3: {  	(tm) =	ssettm $0x7FFFFFFF  }
tec
execute0_lowered:
.L_overlay_start_1:
0x0: {  	(tag) =	ssettag $0x1  }
0x1: {  	s1 =	rddreg [dreg:$0x0]  }
0x2: {  	s0 =	rddreg [dreg:$0x1]  }
0x3: {  	s3 =	rddreg [dreg:$0x2]  }
0x4: {  	s4 =	simm.s32 $0x0;
	s9 =	stileid.u32;
	s6 =	srdreg.scid  }
0x5: {  	[smem:$0x7FF] =	sst s4;
	s2 =	smul.u32 $0x4F0, s9  }
0x6: {  	s5 =	sadd.s32 $0x5EC00, s0;
	s6 =	sand.u32 $0x1, s6;
	s10 =	smul.u32 $0x280, s9  }
0x7: {  	s8 =	sadd.s32 $0x86C00, s0;
	s11 =	smul.u32 $0x50000, s9;
	_ =	strace $0x8000004A  }
0x8: {  	s7 =	ssub.s32 $0x2, s6;
	[dreg:$0x4] =	wrdreg s8;
	s8 =	smul.u32 $0x2800, s9  }
0x9: {  	p0 =	seq.s32 s6, $0x1;
	s2 =	sadd.s32 s2, s0;
	s13 =	sshrl.u32 s7, $0x1  }
0xa: {  	s0 =	sadd.s32 $0xAEC00, s0;
	s15 =	sshrl.u32 s11, $0x2;
	s17 =	sadd.s32 $0x80, s10  }
0xb: {  	s18 =	sadd.s32 $0x100, s10;
	s22 =	sadd.s32 $0x180, s10;
	s23 =	sadd.s32 $0x200, s10  }
0xc: {  	s10 =	simm.s32 $0x1;
	[dreg:$0x5] =	wrdreg s0;
	s14 =	ssub.s32 s7, s13  }
0xd: {  	s16 =	sadd.s32 s1, s8;
	s11 =	sadd.s32 s15, s3;
	s12 =	sshll.u32 s17, $0x4  }
0xe: {  	s0 =	sshll.u32 s17, $0x7;
	s15 =	sshll.u32 s18, $0x4;
	s21 =	sshll.u32 s18, $0x7  }
0xf: {  	s18 =	sshll.u32 s22, $0x4;
	s6 =	sshll.u32 s22, $0x7;
	s26 =	sadd.s32 s5, s8  }
0x10: {  	s7 =	simm.s32 $0x180;
	s13 =	simm.s32 $0x100;
	s9 =	smax.u32 s14, $0x1  }
0x11: {  	[dreg:$0x6] =	wrdreg s16;
	s19 =	sadd.s32 s1, s12;
	s14 =	sadd.s32 s0, s3  }
0x12: {  	s20 =	sadd.s32 s1, s15;
	s17 =	sadd.s32 s21, s3;
	s24 =	sadd.s32 s1, s18  }
0x13: {  	s21 =	sadd.s32 s6, s3;
	s0 =	sshll.u32 s23, $0x7;
	[dreg:$0xb] =	wrdreg s26  }
0x14: {  	s28 =	sadd.s32 s5, s12;
	s29 =	sadd.s32 s5, s15;
	[dreg:$0x7] =	wrdreg s19  }
.Ltmp0:
0x15: {  	s30 =	sadd.s32 s5, s18;
	[dreg:$0x8] =	wrdreg s20;
	(pc) =	sbr.rel .LBB2_1-.Ltmp0, $4  }
0x16: {  	s6 =	simm.s32 $0x80;
	s16 =	simm.s32 $0x0;
	[dreg:$0x9] =	wrdreg s24  }
0x17: {  	s20 =	sshll.u32 s23, $0x4;
	s23 =	sadd.s32 s0, s3;
	s24 =	sadd.s32 $0x4C00, s2  }
0x18: {  	s0 =	simm.s32 $0x4180;
	s25 =	sadd.s32 s1, s20;
	s31 =	sadd.s32 s5, s20  }
0x19: {  	[dreg:$0xa] =	wrdreg s25;
	s25 =	sadd.s32 $0x9C00, s2;
	s2 =	simm.s32 $0x2  }
.LBB2_7:
0x1a: {  	v12 =	vld [tilespmem:$0xF0]  }
0x1b: {  	vm0 =	veq.s32 v8, v3;
	v58 =	vld [tilespmem:$0x70]  }
0x1c: {  	[tilespmem:$0x120] =	vst v11;
	vm1 =	veq.s32 v10, v4;
	v59 =	vld [tilespmem:$0x10];
	v3 =	vsel vm0, $0x2720, v3  }
0x1d: {  	vm11 =	veq.s32 v5, v1;
	v60 =	vsel vm1, $0x2720, v4;
	[tilespmem:$0x130] =	vst v3  }
0x1e: {  	vm12 =	veq.s32 v9, v0;
	v1 =	vsel vm11, $0x2720, v1;
	[tilespmem:$0x140] =	vst v60  }
0x1f: {  	vm13 =	veq.s32 v7, v6;
	v0 =	vsel vm12, $0x2720, v0;
	[tilespmem:$0x150] =	vst v1  }
0x20: {  	v61 =	vsel vm13, $0x2720, v6;
	[tilespmem:$0x160] =	vst v0;
	vm14 =	veq.s32 v58, v12  }
0x21: {  	[tilespmem:$0x100] =	vst v61;
	vm15 =	veq.s32 v59, v2;
	v62 =	vsel vm14, $0x2720, v12  }
0x22: {  	v63 =	vsel vm15, $0x2720, v2;
	[tilespmem:$0x170] =	vst v62  }
0x23: {  	[tilespmem:$0x110] =	vst v63  }
0x24: {  	[tilespmem:s7], [sflag:$0x1] =	stream.indirect.gather [hbm4b:s5+s6], $0x80, s4, s6, $0xb8;
	[tilespmem:$0x1C180] =	vst v63  }
0x25: {  	_ =	swait.ge [sflag:s10], $0x4000  }
0x26: {  	[sflag:s10] =	ssyncset.done $0x0  }
0x27: {  	[sflag:s10] =	ssyncadd.s32 $0xFFFFC000  }
0x28: {  	[spmem:s3] =	stream.indirect.scatter.add.f32 [tilespmem:s7], [sflag:$0x2], $0x80, s13, s6, $0xb8;
	[tilespmem:$0x1C180] =	vst v63  }
0x29: {  	_ =	swait.ge [sflag:s2], $0x4000  }
0x2a: {  	[sflag:s2] =	ssyncset.done $0x0  }
0x2b: {  	s19 =	rddreg [dreg:$0x5];
	[sflag:s2] =	ssyncadd.s32 $0xFFFFC000  }
.LBB2_8:
0x2c: {  	[bflag:$0x0] =	sbarrier.arrive $0xFFFF  }
0x2d: {  	[tilespmem:s0], [sflag:$0x2] =	stream.linear.gather [spmem:s11], $0x4000, $0x38;
	[tilespmem:$0x1C180] =	vst v63  }
0x2e: {  	_ =	swait.ge [sflag:s2], $0x4000  }
0x2f: {  	[sflag:s2] =	ssyncset.done $0x0  }
0x30: {  	s22 =	sadd.s32 s19, s8;
	[sflag:s2] =	ssyncadd.s32 $0xFFFFC000  }
0x31: {  	[hbm4b:s22+s4] =	stream.linear.scatter [tilespmem:s0], [sflag:$0x2], $0x4000, $0x38;
	[tilespmem:$0x1C180] =	vst v63  }
0x32: {  	_ =	swait.ge [sflag:s2], $0x4000  }
0x33: {  	[sflag:s2] =	ssyncset.done $0x0  }
0x34: {  	[sflag:s2] =	ssyncadd.s32 $0xFFFFC000  }
0x35: {  	[tilespmem:s0], [sflag:$0x2] =	stream.linear.gather [spmem:s14], $0x4000, $0x38;
	[tilespmem:$0x1C180] =	vst v63  }
0x36: {  	_ =	swait.ge [sflag:s2], $0x4000  }
0x37: {  	[sflag:s2] =	ssyncset.done $0x0  }
0x38: {  	s26 =	sadd.s32 s19, s12;
	[sflag:s2] =	ssyncadd.s32 $0xFFFFC000  }
0x39: {  	[hbm4b:s26+s4] =	stream.linear.scatter [tilespmem:s0], [sflag:$0x2], $0x4000, $0x38;
	[tilespmem:$0x1C180] =	vst v63  }
0x3a: {  	_ =	swait.ge [sflag:s2], $0x4000  }
0x3b: {  	[sflag:s2] =	ssyncset.done $0x0  }
0x3c: {  	[sflag:s2] =	ssyncadd.s32 $0xFFFFC000  }
0x3d: {  	[tilespmem:s0], [sflag:$0x2] =	stream.linear.gather [spmem:s17], $0x4000, $0x38;
	[tilespmem:$0x1C180] =	vst v63  }
0x3e: {  	_ =	swait.ge [sflag:s2], $0x4000  }
0x3f: {  	[sflag:s2] =	ssyncset.done $0x0  }
0x40: {  	s26 =	sadd.s32 s19, s15;
	[sflag:s2] =	ssyncadd.s32 $0xFFFFC000  }
0x41: {  	[hbm4b:s26+s4] =	stream.linear.scatter [tilespmem:s0], [sflag:$0x2], $0x4000, $0x38;
	[tilespmem:$0x1C180] =	vst v63  }
0x42: {  	_ =	swait.ge [sflag:s2], $0x4000  }
0x43: {  	[sflag:s2] =	ssyncset.done $0x0  }
0x44: {  	[sflag:s2] =	ssyncadd.s32 $0xFFFFC000  }
0x45: {  	[tilespmem:s0], [sflag:$0x2] =	stream.linear.gather [spmem:s21], $0x4000, $0x38;
	[tilespmem:$0x1C180] =	vst v63  }
0x46: {  	_ =	swait.ge [sflag:s2], $0x4000  }
0x47: {  	[sflag:s2] =	ssyncset.done $0x0  }
0x48: {  	s26 =	sadd.s32 s19, s18;
	[sflag:s2] =	ssyncadd.s32 $0xFFFFC000  }
0x49: {  	[hbm4b:s26+s4] =	stream.linear.scatter [tilespmem:s0], [sflag:$0x2], $0x4000, $0x38;
	[tilespmem:$0x1C180] =	vst v63  }
0x4a: {  	_ =	swait.ge [sflag:s2], $0x4000  }
0x4b: {  	[sflag:s2] =	ssyncset.done $0x0  }
0x4c: {  	[sflag:s2] =	ssyncadd.s32 $0xFFFFC000  }
0x4d: {  	[tilespmem:s0], [sflag:$0x2] =	stream.linear.gather [spmem:s23], $0x4000, $0x38;
	[tilespmem:$0x1C180] =	vst v63  }
0x4e: {  	s16 =	sadd.s32 $0x1, s16;
	_ =	swait.ge [sflag:s2], $0x4000  }
0x4f: {  	p1 =	sne.s32 s16, s9;
	[sflag:s2] =	ssyncset.done $0x0  }
.Ltmp1:
0x50: {  	s26 =	sadd.s32 s19, s20;
	[sflag:s2] =	ssyncadd.s32 $0xFFFFC000;
	(pc) =	sbr.rel @!p1 .LBB2_9-.Ltmp1, $4  }
0x51: {  	[hbm4b:s26+s4] =	stream.linear.scatter [tilespmem:s0], [sflag:$0x2], $0x4000, $0x38;
	[tilespmem:$0x1C180] =	vst v63  }
0x52: {  	_ =	swait.ge [sflag:s2], $0x4000  }
0x53: {  	[sflag:s2] =	ssyncset.done $0x0  }
0x54: {  	[sflag:s2] =	ssyncadd.s32 $0xFFFFC000  }
.LBB2_1:
.Ltmp2:
0x55: {  	(pc) =	sbr.rel @!p0 .LBB2_2-.Ltmp2, $2  }
0x56: {  	_ =	sdelay $0x2  }
0x57: {  	s19 =	simm.s32 $0x0  }
0x58: {  	s22 =	rddreg [dreg:$0xb]  }
0x59: {  	[tilespmem:s0], [sflag:$0x2] =	stream.linear.gather [hbm4b:s22+s19], $0x4000, $0x38;
	[tilespmem:$0x1C180] =	vst v63  }
0x5a: {  	_ =	swait.ge [sflag:s2], $0x4000  }
0x5b: {  	[sflag:s2] =	ssyncset.done $0x0  }
0x5c: {  	[sflag:s2] =	ssyncadd.s32 $0xFFFFC000  }
0x5d: {  	[spmem:s11] =	stream.linear.scatter [tilespmem:s0], [sflag:$0x2], $0x4000, $0x38;
	[tilespmem:$0x1C180] =	vst v63  }
0x5e: {  	_ =	swait.ge [sflag:s2], $0x4000  }
0x5f: {  	[sflag:s2] =	ssyncset.done $0x0  }
0x60: {  	[sflag:s2] =	ssyncadd.s32 $0xFFFFC000  }
0x61: {  	[tilespmem:s0], [sflag:$0x2] =	stream.linear.gather [hbm4b:s28+s19], $0x4000, $0x38;
	[tilespmem:$0x1C180] =	vst v63  }
0x62: {  	_ =	swait.ge [sflag:s2], $0x4000  }
0x63: {  	[sflag:s2] =	ssyncset.done $0x0  }
0x64: {  	[sflag:s2] =	ssyncadd.s32 $0xFFFFC000  }
0x65: {  	[spmem:s14] =	stream.linear.scatter [tilespmem:s0], [sflag:$0x2], $0x4000, $0x38;
	[tilespmem:$0x1C180] =	vst v63  }
0x66: {  	_ =	swait.ge [sflag:s2], $0x4000  }
0x67: {  	[sflag:s2] =	ssyncset.done $0x0  }
0x68: {  	[sflag:s2] =	ssyncadd.s32 $0xFFFFC000  }
0x69: {  	[tilespmem:s0], [sflag:$0x2] =	stream.linear.gather [hbm4b:s29+s19], $0x4000, $0x38;
	[tilespmem:$0x1C180] =	vst v63  }
0x6a: {  	_ =	swait.ge [sflag:s2], $0x4000  }
0x6b: {  	[sflag:s2] =	ssyncset.done $0x0  }
0x6c: {  	[sflag:s2] =	ssyncadd.s32 $0xFFFFC000  }
0x6d: {  	[spmem:s17] =	stream.linear.scatter [tilespmem:s0], [sflag:$0x2], $0x4000, $0x38;
	[tilespmem:$0x1C180] =	vst v63  }
0x6e: {  	_ =	swait.ge [sflag:s2], $0x4000  }
0x6f: {  	[sflag:s2] =	ssyncset.done $0x0  }
0x70: {  	[sflag:s2] =	ssyncadd.s32 $0xFFFFC000  }
0x71: {  	[tilespmem:s0], [sflag:$0x2] =	stream.linear.gather [hbm4b:s30+s19], $0x4000, $0x38;
	[tilespmem:$0x1C180] =	vst v63  }
0x72: {  	_ =	swait.ge [sflag:s2], $0x4000  }
0x73: {  	[sflag:s2] =	ssyncset.done $0x0  }
0x74: {  	[sflag:s2] =	ssyncadd.s32 $0xFFFFC000  }
0x75: {  	[spmem:s21] =	stream.linear.scatter [tilespmem:s0], [sflag:$0x2], $0x4000, $0x38;
	[tilespmem:$0x1C180] =	vst v63  }
0x76: {  	_ =	swait.ge [sflag:s2], $0x4000  }
0x77: {  	[sflag:s2] =	ssyncset.done $0x0  }
0x78: {  	[sflag:s2] =	ssyncadd.s32 $0xFFFFC000  }
0x79: {  	[tilespmem:s0], [sflag:$0x2] =	stream.linear.gather [hbm4b:s31+s19], $0x4000, $0x38;
	[tilespmem:$0x1C180] =	vst v63  }
0x7a: {  	_ =	swait.ge [sflag:s2], $0x4000  }
0x7b: {  	[sflag:s2] =	ssyncset.done $0x0  }
0x7c: {  	[sflag:s2] =	ssyncadd.s32 $0xFFFFC000  }
0x7d: {  	[spmem:s23] =	stream.linear.scatter [tilespmem:s0], [sflag:$0x2], $0x4000, $0x38;
	[tilespmem:$0x1C180] =	vst v63  }
0x7e: {  	_ =	swait.ge [sflag:s2], $0x4000  }
0x7f: {  	[sflag:s2] =	ssyncset.done $0x0  }
0x80: {  	[sflag:s2] =	ssyncadd.s32 $0xFFFFC000  }
0x81: {  	s22 =	sadd.s32 $0x0, s25;
	[bflag:$0x0] =	sbarrier.arrive $0xFFFF  }
0x82: {  	[tilespmem:s4], [sflag:$0x2] =	stream.linear.gather [hbm4b:s22+s4], $0x80, $0x38;
	[tilespmem:$0x1C180] =	vst v63  }
0x83: {  	_ =	swait.ge [sflag:s2], $0x80  }
0x84: {  	[sflag:s2] =	ssyncset.done $0x0  }
0x85: {  	s26 =	sadd.s32 $0x0, s24;
	[sflag:s2] =	ssyncadd.s32 $0xFFFFFF80  }
0x86: {  	[tilespmem:s6], [sflag:$0x2] =	stream.linear.gather [hbm4b:s26+s4], $0x80, $0x38;
	[tilespmem:$0x1C180] =	vst v63  }
0x87: {  	_ =	swait.ge [sflag:s2], $0x80  }
0x88: {  	[sflag:s2] =	ssyncset.done $0x0  }
0x89: {  	[sflag:s2] =	ssyncadd.s32 $0xFFFFFF80  }
0x8a: {  	v0 =	vld [tilespmem:$0xE0]  }
0x8b: {  	v1 =	vld [tilespmem:$0xD0]  }
0x8c: {  	v3 =	vld [tilespmem:$0xB0]  }
0x8d: {  	v11 =	vld [tilespmem:$0xA0]  }
0x8e: {  	v8 =	vld [tilespmem:$0x30]  }
0x8f: {  	v5 =	vld [tilespmem:$0x50]  }
0x90: {  	v2 =	vld [tilespmem:$0x20]  }
0x91: {  	v4 =	vld [tilespmem:$0xC0]  }
0x92: {  	v7 =	vld [tilespmem:$0x0]  }
0x93: {  	v10 =	vld [tilespmem:$0x40]  }
0x94: {  	v6 =	vld [tilespmem:$0x80]  }
0x95: {  	v9 =	vld [tilespmem:$0x60];
	vm0 =	veq.s32 v2, v11  }
0x96: {  	s19 =	simm.s32 $0x10;
	v2 =	vld [tilespmem:$0x90];
	v11 =	vsel vm0, $0x2720, v11  }
.LBB2_6:
0x97: {  	p1 =	sne.s32 s19, $0x4E0;
	v12 =	vld [tilespmem:$0xF0];
	s22 =	smov.u32 s19;
	s19 =	sadd.s32 $0x10, s19  }
0x98: {  	vm0 =	veq.s32 v8, v3;
	vm1 =	veq.s32 v10, v4;
	[tilespmem:$0x120] =	vst v11;
	v8 =	vld [tilespmem:$0x70]  }
0x99: {  	vm2 =	veq.s32 v7, v6;
	v3 =	vsel vm0, $0x2720, v3;
	vm0 =	veq.s32 v5, v1;
	v7 =	vld [tilespmem:$0x10]  }
0x9a: {  	v5 =	vsel vm2, $0x2720, v6;
	[tilespmem:$0x130] =	vst v3;
	v3 =	vsel vm1, $0x2720, v4;
	vm1 =	veq.s32 v9, v0  }
0x9b: {  	v1 =	vsel vm0, $0x2720, v1;
	[tilespmem:$0x140] =	vst v3;
	v0 =	vsel vm1, $0x2720, v0  }
0x9c: {  	[tilespmem:$0x150] =	vst v1  }
0x9d: {  	[tilespmem:$0x160] =	vst v0;
	vm0 =	veq.s32 v8, v12  }
0x9e: {  	[tilespmem:$0x100] =	vst v5;
	vm1 =	veq.s32 v7, v2;
	v0 =	vsel vm0, $0x2720, v12  }
0x9f: {  	v1 =	vsel vm1, $0x2720, v2;
	[tilespmem:$0x170] =	vst v0  }
0xa0: {  	[tilespmem:$0x110] =	vst v1  }
0xa1: {  	[tilespmem:s7], [sflag:$0x1] =	stream.indirect.gather [hbm4b:s5+s6], $0x80, s4, s6, $0xb8;
	[tilespmem:$0x1C180] =	vst v63  }
0xa2: {  	_ =	swait.ge [sflag:s10], $0x4000  }
0xa3: {  	[sflag:s10] =	ssyncset.done $0x0  }
0xa4: {  	[sflag:s10] =	ssyncadd.s32 $0xFFFFC000  }
0xa5: {  	[spmem:s3] =	stream.indirect.scatter.add.f32 [tilespmem:s7], [sflag:$0x2], $0x80, s13, s6, $0xb8;
	[tilespmem:$0x1C180] =	vst v63  }
0xa6: {  	s26 =	sadd.s32 s22, s25;
	_ =	swait.ge [sflag:s2], $0x4000  }
0xa7: {  	[sflag:s2] =	ssyncset.done $0x0  }
0xa8: {  	[sflag:s2] =	ssyncadd.s32 $0xFFFFC000  }
0xa9: {  	[tilespmem:s4], [sflag:$0x2] =	stream.linear.gather [hbm4b:s26+s4], $0x80, $0x38;
	[tilespmem:$0x1C180] =	vst v63  }
0xaa: {  	_ =	swait.ge [sflag:s2], $0x80  }
0xab: {  	[sflag:s2] =	ssyncset.done $0x0  }
0xac: {  	s22 =	sadd.s32 s22, s24;
	[sflag:s2] =	ssyncadd.s32 $0xFFFFFF80  }
0xad: {  	[tilespmem:s6], [sflag:$0x2] =	stream.linear.gather [hbm4b:s22+s4], $0x80, $0x38;
	[tilespmem:$0x1C180] =	vst v63  }
0xae: {  	_ =	swait.ge [sflag:s2], $0x80  }
0xaf: {  	[sflag:s2] =	ssyncset.done $0x0  }
0xb0: {  	[sflag:s2] =	ssyncadd.s32 $0xFFFFFF80  }
0xb1: {  	v0 =	vld [tilespmem:$0xE0]  }
0xb2: {  	v1 =	vld [tilespmem:$0xD0]  }
0xb3: {  	v3 =	vld [tilespmem:$0xB0]  }
0xb4: {  	v11 =	vld [tilespmem:$0xA0]  }
0xb5: {  	v8 =	vld [tilespmem:$0x30]  }
0xb6: {  	v5 =	vld [tilespmem:$0x50]  }
0xb7: {  	v2 =	vld [tilespmem:$0x20]  }
0xb8: {  	v4 =	vld [tilespmem:$0xC0]  }
.Ltmp3:
0xb9: {  	v7 =	vld [tilespmem:$0x0];
	(pc) =	sbr.rel @p1 .LBB2_6-.Ltmp3, $4  }
0xba: {  	v10 =	vld [tilespmem:$0x40]  }
0xbb: {  	v6 =	vld [tilespmem:$0x80]  }
0xbc: {  	vm0 =	veq.s32 v2, v11;
	v9 =	vld [tilespmem:$0x60]  }
0xbd: {  	v2 =	vld [tilespmem:$0x90];
	v11 =	vsel vm0, $0x2720, v11  }
.Ltmp4:
0xbe: {  	_ = 	snop;
	(pc) =	sbr.rel .LBB2_7-.Ltmp4, $1  }
0xbf: {  	_ =	sdelay $0x3  }
.LBB2_2:
0xc0: {  	s22 =	rddreg [dreg:$0x6]  }
0xc1: {  	[tilespmem:s0], [sflag:$0x2] =	stream.linear.gather [hbm4b:s22+s19], $0x4000, $0x38;
	[tilespmem:$0x1C180] =	vst v63  }
0xc2: {  	_ =	swait.ge [sflag:s2], $0x4000  }
0xc3: {  	[sflag:s2] =	ssyncset.done $0x0  }
0xc4: {  	[sflag:s2] =	ssyncadd.s32 $0xFFFFC000  }
0xc5: {  	[spmem:s11] =	stream.linear.scatter [tilespmem:s0], [sflag:$0x2], $0x4000, $0x38;
	[tilespmem:$0x1C180] =	vst v63  }
0xc6: {  	_ =	swait.ge [sflag:s2], $0x4000  }
0xc7: {  	[sflag:s2] =	ssyncset.done $0x0  }
0xc8: {  	s26 =	rddreg [dreg:$0x7];
	[sflag:s2] =	ssyncadd.s32 $0xFFFFC000  }
0xc9: {  	[tilespmem:s0], [sflag:$0x2] =	stream.linear.gather [hbm4b:s26+s19], $0x4000, $0x38;
	[tilespmem:$0x1C180] =	vst v63  }
0xca: {  	_ =	swait.ge [sflag:s2], $0x4000  }
0xcb: {  	[sflag:s2] =	ssyncset.done $0x0  }
0xcc: {  	[sflag:s2] =	ssyncadd.s32 $0xFFFFC000  }
0xcd: {  	[spmem:s14] =	stream.linear.scatter [tilespmem:s0], [sflag:$0x2], $0x4000, $0x38;
	[tilespmem:$0x1C180] =	vst v63  }
0xce: {  	_ =	swait.ge [sflag:s2], $0x4000  }
0xcf: {  	[sflag:s2] =	ssyncset.done $0x0  }
0xd0: {  	s26 =	rddreg [dreg:$0x8];
	[sflag:s2] =	ssyncadd.s32 $0xFFFFC000  }
0xd1: {  	[tilespmem:s0], [sflag:$0x2] =	stream.linear.gather [hbm4b:s26+s19], $0x4000, $0x38;
	[tilespmem:$0x1C180] =	vst v63  }
0xd2: {  	_ =	swait.ge [sflag:s2], $0x4000  }
0xd3: {  	[sflag:s2] =	ssyncset.done $0x0  }
0xd4: {  	[sflag:s2] =	ssyncadd.s32 $0xFFFFC000  }
0xd5: {  	[spmem:s17] =	stream.linear.scatter [tilespmem:s0], [sflag:$0x2], $0x4000, $0x38;
	[tilespmem:$0x1C180] =	vst v63  }
0xd6: {  	_ =	swait.ge [sflag:s2], $0x4000  }
0xd7: {  	[sflag:s2] =	ssyncset.done $0x0  }
0xd8: {  	s26 =	rddreg [dreg:$0x9];
	[sflag:s2] =	ssyncadd.s32 $0xFFFFC000  }
0xd9: {  	[tilespmem:s0], [sflag:$0x2] =	stream.linear.gather [hbm4b:s26+s19], $0x4000, $0x38;
	[tilespmem:$0x1C180] =	vst v63  }
0xda: {  	_ =	swait.ge [sflag:s2], $0x4000  }
0xdb: {  	[sflag:s2] =	ssyncset.done $0x0  }
0xdc: {  	[sflag:s2] =	ssyncadd.s32 $0xFFFFC000  }
0xdd: {  	[spmem:s21] =	stream.linear.scatter [tilespmem:s0], [sflag:$0x2], $0x4000, $0x38;
	[tilespmem:$0x1C180] =	vst v63  }
0xde: {  	_ =	swait.ge [sflag:s2], $0x4000  }
0xdf: {  	[sflag:s2] =	ssyncset.done $0x0  }
0xe0: {  	s26 =	rddreg [dreg:$0xa];
	[sflag:s2] =	ssyncadd.s32 $0xFFFFC000  }
0xe1: {  	[tilespmem:s0], [sflag:$0x2] =	stream.linear.gather [hbm4b:s26+s19], $0x4000, $0x38;
	[tilespmem:$0x1C180] =	vst v63  }
0xe2: {  	_ =	swait.ge [sflag:s2], $0x4000  }
0xe3: {  	[sflag:s2] =	ssyncset.done $0x0  }
0xe4: {  	[sflag:s2] =	ssyncadd.s32 $0xFFFFC000  }
0xe5: {  	[spmem:s23] =	stream.linear.scatter [tilespmem:s0], [sflag:$0x2], $0x4000, $0x38;
	[tilespmem:$0x1C180] =	vst v63  }
0xe6: {  	_ =	swait.ge [sflag:s2], $0x4000  }
0xe7: {  	[sflag:s2] =	ssyncset.done $0x0  }
0xe8: {  	[sflag:s2] =	ssyncadd.s32 $0xFFFFC000  }
0xe9: {  	s22 =	sadd.s32 $0x0, s25;
	[bflag:$0x0] =	sbarrier.arrive $0xFFFF  }
0xea: {  	[tilespmem:s4], [sflag:$0x2] =	stream.linear.gather [hbm4b:s22+s4], $0x80, $0x38;
	[tilespmem:$0x1C180] =	vst v63  }
0xeb: {  	_ =	swait.ge [sflag:s2], $0x80  }
0xec: {  	[sflag:s2] =	ssyncset.done $0x0  }
0xed: {  	s26 =	sadd.s32 $0x0, s24;
	[sflag:s2] =	ssyncadd.s32 $0xFFFFFF80  }
0xee: {  	[tilespmem:s6], [sflag:$0x2] =	stream.linear.gather [hbm4b:s26+s4], $0x80, $0x38;
	[tilespmem:$0x1C180] =	vst v63  }
0xef: {  	_ =	swait.ge [sflag:s2], $0x80  }
0xf0: {  	[sflag:s2] =	ssyncset.done $0x0  }
0xf1: {  	[sflag:s2] =	ssyncadd.s32 $0xFFFFFF80  }
0xf2: {  	v0 =	vld [tilespmem:$0xE0]  }
0xf3: {  	v1 =	vld [tilespmem:$0xD0]  }
0xf4: {  	v3 =	vld [tilespmem:$0xB0]  }
0xf5: {  	v11 =	vld [tilespmem:$0xA0]  }
0xf6: {  	v8 =	vld [tilespmem:$0x30]  }
0xf7: {  	v5 =	vld [tilespmem:$0x50]  }
0xf8: {  	v2 =	vld [tilespmem:$0x20]  }
0xf9: {  	v4 =	vld [tilespmem:$0xC0]  }
0xfa: {  	v7 =	vld [tilespmem:$0x0]  }
0xfb: {  	v10 =	vld [tilespmem:$0x40]  }
0xfc: {  	v6 =	vld [tilespmem:$0x80]  }
0xfd: {  	v9 =	vld [tilespmem:$0x60];
	vm0 =	veq.s32 v2, v11  }
0xfe: {  	s19 =	simm.s32 $0x10;
	v2 =	vld [tilespmem:$0x90];
	v11 =	vsel vm0, $0x2720, v11  }
.LBB2_3:
0xff: {  	p1 =	seq.s32 s19, $0x4E0;
	v12 =	vld [tilespmem:$0xF0];
	s22 =	smov.u32 s19;
	s19 =	sadd.s32 $0x10, s19  }
0x100: {  	vm0 =	veq.s32 v8, v3;
	[tilespmem:$0x120] =	vst v11;
	vm1 =	veq.s32 v10, v4;
	v8 =	vld [tilespmem:$0x70]  }
0x101: {  	v3 =	vsel vm0, $0x2720, v3;
	vm0 =	veq.s32 v5, v1;
	vm2 =	veq.s32 v7, v6;
	v7 =	vld [tilespmem:$0x10]  }
0x102: {  	v5 =	vsel vm2, $0x2720, v6;
	[tilespmem:$0x130] =	vst v3;
	v3 =	vsel vm1, $0x2720, v4;
	vm1 =	veq.s32 v9, v0  }
0x103: {  	v1 =	vsel vm0, $0x2720, v1;
	[tilespmem:$0x140] =	vst v3;
	v0 =	vsel vm1, $0x2720, v0  }
0x104: {  	[tilespmem:$0x150] =	vst v1  }
0x105: {  	[tilespmem:$0x160] =	vst v0;
	vm0 =	veq.s32 v8, v12  }
0x106: {  	[tilespmem:$0x100] =	vst v5;
	vm1 =	veq.s32 v7, v2;
	v0 =	vsel vm0, $0x2720, v12  }
0x107: {  	v1 =	vsel vm1, $0x2720, v2;
	[tilespmem:$0x170] =	vst v0  }
0x108: {  	[tilespmem:$0x110] =	vst v1  }
0x109: {  	[tilespmem:s7], [sflag:$0x1] =	stream.indirect.gather [hbm4b:s1+s6], $0x80, s4, s6, $0xb8;
	[tilespmem:$0x1C180] =	vst v63  }
0x10a: {  	_ =	swait.ge [sflag:s10], $0x4000  }
0x10b: {  	[sflag:s10] =	ssyncset.done $0x0  }
0x10c: {  	[sflag:s10] =	ssyncadd.s32 $0xFFFFC000  }
0x10d: {  	[spmem:s3] =	stream.indirect.scatter.add.f32 [tilespmem:s7], [sflag:$0x2], $0x80, s13, s6, $0xb8;
	[tilespmem:$0x1C180] =	vst v63  }
0x10e: {  	s26 =	sadd.s32 s22, s25;
	_ =	swait.ge [sflag:s2], $0x4000  }
0x10f: {  	[sflag:s2] =	ssyncset.done $0x0  }
0x110: {  	[sflag:s2] =	ssyncadd.s32 $0xFFFFC000  }
0x111: {  	[tilespmem:s4], [sflag:$0x2] =	stream.linear.gather [hbm4b:s26+s4], $0x80, $0x38;
	[tilespmem:$0x1C180] =	vst v63  }
0x112: {  	_ =	swait.ge [sflag:s2], $0x80  }
0x113: {  	[sflag:s2] =	ssyncset.done $0x0  }
0x114: {  	s22 =	sadd.s32 s22, s24;
	[sflag:s2] =	ssyncadd.s32 $0xFFFFFF80  }
0x115: {  	[tilespmem:s6], [sflag:$0x2] =	stream.linear.gather [hbm4b:s22+s4], $0x80, $0x38;
	[tilespmem:$0x1C180] =	vst v63  }
0x116: {  	_ =	swait.ge [sflag:s2], $0x80  }
0x117: {  	[sflag:s2] =	ssyncset.done $0x0  }
0x118: {  	[sflag:s2] =	ssyncadd.s32 $0xFFFFFF80  }
0x119: {  	v0 =	vld [tilespmem:$0xE0]  }
0x11a: {  	v1 =	vld [tilespmem:$0xD0]  }
0x11b: {  	v3 =	vld [tilespmem:$0xB0]  }
0x11c: {  	v11 =	vld [tilespmem:$0xA0]  }
0x11d: {  	v8 =	vld [tilespmem:$0x30]  }
0x11e: {  	v5 =	vld [tilespmem:$0x50]  }
0x11f: {  	v2 =	vld [tilespmem:$0x20]  }
0x120: {  	v4 =	vld [tilespmem:$0xC0]  }
.Ltmp5:
0x121: {  	v7 =	vld [tilespmem:$0x0];
	(pc) =	sbr.rel @!p1 .LBB2_3-.Ltmp5, $4  }
0x122: {  	v10 =	vld [tilespmem:$0x40]  }
0x123: {  	v6 =	vld [tilespmem:$0x80]  }
0x124: {  	vm0 =	veq.s32 v2, v11;
	v9 =	vld [tilespmem:$0x60]  }
0x125: {  	v2 =	vld [tilespmem:$0x90];
	v11 =	vsel vm0, $0x2720, v11  }
0x126: {  	v12 =	vld [tilespmem:$0xF0]  }
0x127: {  	vm0 =	veq.s32 v8, v3;
	v58 =	vld [tilespmem:$0x70]  }
0x128: {  	[tilespmem:$0x120] =	vst v11;
	v59 =	vld [tilespmem:$0x10];
	vm11 =	veq.s32 v5, v1;
	v3 =	vsel vm0, $0x2720, v3  }
0x129: {  	vm1 =	veq.s32 v10, v4;
	v1 =	vsel vm11, $0x2720, v1;
	[tilespmem:$0x130] =	vst v3  }
0x12a: {  	v60 =	vsel vm1, $0x2720, v4;
	vm13 =	veq.s32 v7, v6;
	[tilespmem:$0x150] =	vst v1  }
0x12b: {  	vm12 =	veq.s32 v9, v0;
	[tilespmem:$0x140] =	vst v60;
	v61 =	vsel vm13, $0x2720, v6  }
0x12c: {  	v0 =	vsel vm12, $0x2720, v0;
	[tilespmem:$0x100] =	vst v61;
	vm14 =	veq.s32 v58, v12  }
0x12d: {  	[tilespmem:$0x160] =	vst v0;
	vm15 =	veq.s32 v59, v2;
	v62 =	vsel vm14, $0x2720, v12  }
0x12e: {  	v63 =	vsel vm15, $0x2720, v2;
	[tilespmem:$0x170] =	vst v62  }
0x12f: {  	[tilespmem:$0x110] =	vst v63  }
0x130: {  	[tilespmem:s7], [sflag:$0x1] =	stream.indirect.gather [hbm4b:s1+s6], $0x80, s4, s6, $0xb8;
	[tilespmem:$0x1C180] =	vst v63  }
0x131: {  	_ =	swait.ge [sflag:s10], $0x4000  }
0x132: {  	[sflag:s10] =	ssyncset.done $0x0  }
.Ltmp6:
0x133: {  	[sflag:s10] =	ssyncadd.s32 $0xFFFFC000;
	(pc) =	sbr.rel .LBB2_8-.Ltmp6, $4  }
0x134: {  	[spmem:s3] =	stream.indirect.scatter.add.f32 [tilespmem:s7], [sflag:$0x2], $0x80, s13, s6, $0xb8;
	[tilespmem:$0x1C180] =	vst v63  }
0x135: {  	_ =	swait.ge [sflag:s2], $0x4000  }
0x136: {  	[sflag:s2] =	ssyncset.done $0x0  }
0x137: {  	s19 =	rddreg [dreg:$0x4];
	[sflag:s2] =	ssyncadd.s32 $0xFFFFC000  }
.LBB2_9:
0x138: {  	_ =	sfence.sel $0x180000  }
0x139: {  	[bflag:$0x0] =	sbarrier.arrive $0xFFFF  }
0x13a: {  	_ =	strace $0x9000004A  }
0x13b: {  	s0 =	stileid.u32;
	[bflag:$0x2] =	sbarrier.arrive $0xFFFF  }
0x13c: {  	p0 =	sne.s32 s0, $0x0;
	s0 =	rddreg [dreg:$0x3]  }
0x13d: {  	s0 =	sadd.s32 @!p0 $0x100000, s0  }
0x13e: {  	[sflag:s0] =	ssyncadd.tile.s32 @!p0 $0x1;
	_ =	shalt  }
.Lfunc_end2:
_tile_overlayer_lowered:
.L_overlay_start_2:
0x13f: {  	(tag) =	ssettag $0x2  }
0x140: {  	s0 =	rddreg [dreg:$0x0];
	s2 =	stileid.u32  }
0x141: {  	s1 =	rddreg [dreg:$0x1];
	p0 =	sne.s32 s2, $0x0  }
0x142: {  	s3 =	rddreg [dreg:$0x2];
	[bflag:$0x3] =	sbarrier.arrive $0xFFFF;
	s2 =	simm.s32 @!p0 $0x1C02  }
0x143: {  	[timem:s3], [sflag:s2] =	dma.local @!p0 [hbm:s0], s1  }
0x144: {  	s0 =	simm.s32 @!p0 $0x2  }
0x145: {  	_ =	swait.ge @!p0 [sflag:s0], s1  }
0x146: {  	s1 =	ssub.s32 @!p0 $0x0, s1;
	[sflag:s0] =	ssyncset.done @!p0 $0x0  }
0x147: {  	[sflag:s0] =	ssyncadd.s32 @!p0 s1  }
0x148: {  	[bflag:$0x3] =	sbarrier.arrive $0xFFFF  }
0x149: {  	_ =	shalt  }

// kernel: kernel.16.cloned.1.call-start
scs
__scs_entry_jumppad:
0x0: {  	(pc) =	sbr.rel $0x88, $3  }
0x1: {  	(tag) =	ssettag $0x0;
	lr =	simm.s32 $0x1  }
0x2: {  	[smem:$0x3F99] =	sst lr;
	_ =	strace $0xD0000000  }
0x3: {  	_ = 	snop  }
0x4: {  	_ = 	snop  }
0x5: {  	_ = 	snop  }
0x6: {  	_ = 	snop  }
0x7: {  	_ = 	snop  }
__scs_overlays_trampoline_lowered:
0x8: {  	[smem:$0x3FA8] =	sst s0  }
0x9: {  	[smem:$0x3FA9] =	sst s1  }
0xa: {  	[smem:$0x3FAA] =	sst s2  }
0xb: {  	[smem:$0x3FAB] =	sst s3  }
0xc: {  	[smem:$0x3FAC] =	sst s4  }
0xd: {  	[smem:$0x3FAD] =	sst s5  }
0xe: {  	[smem:$0x3FAE] =	sst s6  }
0xf: {  	[smem:$0x3FAF] =	sst s7  }
0x10: {  	[smem:$0x3FB0] =	sst s8  }
0x11: {  	[smem:$0x3FB1] =	sst s9;
	s0 =	simm.s32 @!p0 $0x0  }
0x12: {  	s1 =	sld [smem:$0x3F97];
	s0 =	simm.s32 @p0 $0x1  }
0x13: {  	[smem:$0x3FB2] =	sst s0;
	s0 =	simm.s32 @!p1 $0x0  }
0x14: {  	s2 =	sld [smem:$0x3F96];
	s0 =	simm.s32 @p1 $0x1  }
0x15: {  	[smem:$0x3FB3] =	sst s0;
	s0 =	simm.s32 @!p2 $0x0  }
0x16: {  	s3 =	sld [smem:$0x3FDB];
	s0 =	simm.s32 @p2 $0x1  }
0x17: {  	s4 =	simm.s32 $0x1BF5;
	[smem:$0x3FB5] =	sst s0  }
0x18: {  	s0 =	sld [smem:$0x3F98];
	_ =	swait.ge [sflag:s4], $0x0  }
0x19: {  	s7 =	sld [smem:$0x3F99]  }
0x1a: {  	s8 =	sadd.s32 $0xFFFFE003, lr  }
0x1b: {  	s9 =	sadd.s32 $0xFFFFFEF7, lr;
	s5 =	simm.s32 $0xFFFFFFFF;
	p2 =	slt.u32 s8, $0xFFFFF086  }
0x1c: {  	p1 =	slt.u32 s9, $0xF7A;
	s5 =	simm.s32 @!p2 $0x0  }
0x1d: {  	s5 =	simm.s32 @p1 $0x1;
	p0 =	seq.s32 s7, s2  }
0x1e: {  	s7 =	smul.u32 @!p0 $0xF7A, s2;
	p2 =	seq.s32 @!p0 s5, $0x0  }
0x1f: {  	s9 =	smul.u32 $0xF7A, s1;
	s8 =	simm.s32 @!p0 $0x1BF5;
	p2 =	por !p2, p0  }
0x20: {  	[sflag:s8] =	ssyncset.s32 @!p0 $0xFFFFF086;
	s6 =	sadd.s32 @!p0 s3, s7;
	s7 =	simm.s32 @!p0 $0x108  }
0x21: {  	s3 =	sadd.s32 s3, s9;
	s6 =	sadd.s32 @!p0 $0x88, s6;
	s7 =	simm.s32 @p2 $0x1082  }
0x22: {  	[simem:s7], [sflag:s8] =	dma.local @!p0 [hbm:s6], $0xF7A  }
0x23: {  	s9 =	sor.u32 $0xD0000000, s2;
	s6 =	simm.s32 $0x108;
	_ =	swait.ge @!p0 [sflag:s8], $0x0  }
0x24: {  	s3 =	sadd.s32 $0x88, s3;
	s6 =	simm.s32 @!p1 $0x1082;
	[sflag:s4] =	ssyncset.s32 $0xFFFFF086  }
0x25: {  	[simem:s6], [sflag:s4] =	dma.local [hbm:s3], $0xF7A  }
0x26: {  	[smem:$0x3F99] =	sst s1;
	(tag) =	ssettag s2;
	_ =	strace s9  }
0x27: {  	s1 =	sld [smem:$0x3FA9]  }
0x28: {  	s2 =	sld [smem:$0x3FAA]  }
0x29: {  	s4 =	sld [smem:$0x3FAC]  }
0x2a: {  	p0 =	seq.s32 s5, $0x0;
	s5 =	sld [smem:$0x3FAD]  }
0x2b: {  	s6 =	sld [smem:$0x3FAE]  }
0x2c: {  	s7 =	sld [smem:$0x3FAF]  }
0x2d: {  	s3 =	simm.s32 $0x108;
	s8 =	sld [smem:$0x3FB0]  }
0x2e: {  	s3 =	simm.s32 @!p0 $0x1082;
	s9 =	sld [smem:$0x3FB1]  }
0x2f: {  	lr =	sadd.s32 s0, s3;
	s0 =	sld [smem:$0x3FA8]  }
0x30: {  	s3 =	sld [smem:$0x3FAB]  }
0x31: {  	[smem:$0x3FB4] =	sst s10  }
0x32: {  	s10 =	sld [smem:$0x3FB2];
	_ =	sdelay $0x3  }
0x33: {  	p0 =	seq.s32 s10, $0x1;
	s10 =	sld [smem:$0x3FB4];
	_ =	sdelay $0x3  }
0x34: {  	[smem:$0x3FB4] =	sst s10  }
0x35: {  	s10 =	sld [smem:$0x3FB3];
	_ =	sdelay $0x3  }
0x36: {  	p1 =	seq.s32 s10, $0x1;
	s10 =	sld [smem:$0x3FB4];
	_ =	sdelay $0x3  }
0x37: {  	[smem:$0x3FB4] =	sst s10  }
0x38: {  	s10 =	sld [smem:$0x3FB5]  }
0x39: {  	_ = 	snop;
	(pc) =	sbr.ind lr, $3  }
0x3a: {  	_ = 	snop  }
0x3b: {  	_ = 	snop  }
0x3c: {  	p2 =	seq.s32 s10, $0x1;
	s10 =	sld [smem:$0x3FB4]  }
0x3d: {  	_ =	shalt  }
0x3e: {  	_ =	shalt  }
0x3f: {  	_ =	shalt  }
0x40: {  	_ =	shalt  }
0x41: {  	_ =	shalt  }
0x42: {  	_ =	shalt  }
0x43: {  	_ =	shalt  }
0x44: {  	_ =	shalt  }
0x45: {  	_ =	shalt  }
0x46: {  	_ =	shalt  }
0x47: {  	_ =	shalt  }
0x48: {  	_ =	shalt  }
0x49: {  	_ =	shalt  }
0x4a: {  	_ =	shalt  }
0x4b: {  	_ =	shalt  }
0x4c: {  	_ =	shalt  }
0x4d: {  	_ =	shalt  }
0x4e: {  	_ =	shalt  }
0x4f: {  	_ =	shalt  }
0x50: {  	_ =	shalt  }
0x51: {  	_ =	shalt  }
0x52: {  	_ =	shalt  }
0x53: {  	_ =	shalt  }
0x54: {  	_ =	shalt  }
0x55: {  	_ =	shalt  }
0x56: {  	_ =	shalt  }
0x57: {  	_ =	shalt  }
0x58: {  	_ =	shalt  }
0x59: {  	_ =	shalt  }
0x5a: {  	_ =	shalt  }
0x5b: {  	_ =	shalt  }
0x5c: {  	_ =	shalt  }
0x5d: {  	_ =	shalt  }
0x5e: {  	_ =	shalt  }
0x5f: {  	_ =	shalt  }
0x60: {  	_ =	shalt  }
0x61: {  	_ =	shalt  }
0x62: {  	_ =	shalt  }
0x63: {  	_ =	shalt  }
0x64: {  	_ =	shalt  }
0x65: {  	_ =	shalt  }
0x66: {  	_ =	shalt  }
0x67: {  	_ =	shalt  }
0x68: {  	_ =	shalt  }
0x69: {  	_ =	shalt  }
0x6a: {  	_ =	shalt  }
0x6b: {  	_ =	shalt  }
0x6c: {  	_ =	shalt  }
0x6d: {  	_ =	shalt  }
0x6e: {  	_ =	shalt  }
0x6f: {  	_ =	shalt  }
0x70: {  	_ =	shalt  }
0x71: {  	_ =	shalt  }
0x72: {  	_ =	shalt  }
0x73: {  	_ =	shalt  }
0x74: {  	_ =	shalt  }
0x75: {  	_ =	shalt  }
0x76: {  	_ =	shalt  }
0x77: {  	_ =	shalt  }
0x78: {  	_ =	shalt  }
0x79: {  	_ =	shalt  }
0x7a: {  	_ =	shalt  }
0x7b: {  	_ =	shalt  }
0x7c: {  	_ =	shalt  }
0x7d: {  	_ =	shalt  }
0x7e: {  	_ =	shalt  }
0x7f: {  	_ =	shalt  }
0x80: {  	_ =	shalt  }
0x81: {  	_ =	shalt  }
0x82: {  	_ =	shalt  }
0x83: {  	_ =	shalt  }
0x84: {  	_ =	shalt  }
0x85: {  	_ =	shalt  }
0x86: {  	_ =	shalt  }
0x87: {  	_ =	shalt  }
.Lfunc_end0:
.L_simem_size_0:
called_computation.2_lowered:
.L_overlay_start_0:
0x88: {  	s2 =	sld [smem:$0x3FD9]  }
0x89: {  	s3 =	sld [smem:$0x3FFE];
	_ =	sdelay $0x1  }
0x8a: {  	s1 =	srdreg.scid  }
0x8b: {  	s0 =	sand.u32 $0x1, s1  }
0x8c: {  	s17 =	sshll.u32 s0, $0xA;
	s2 =	sadd.s32 s3, s2  }
0x8d: {  	s2 =	sadd.s32 s2, s17  }
0x8e: {  	[smem:$0x3FC0] =	sst s2  }
0x8f: {  	_ = 	snop  }
0x90: {  	s2 =	sld [smem:$0x3FD0];
	(tm) =	ssettm $0x1  }
0x91: {  	s18 =	sld [smem:$0x3FFB];
	_ =	sdelay $0x3  }
0x92: {  	_ =	strace s18  }
0x93: {  	s3 =	sld [smem:$0x3FFC];
	_ =	sdelay $0x3  }
0x94: {  	_ =	strace s3  }
0x95: {  	s3 =	sld [smem:$0x3FFD];
	_ =	sdelay $0x3  }
0x96: {  	_ =	strace s3  }
0x97: {  	_ =	strace $0x8FFFFFFF  }
0x98: {  	s19 =	sld [smem:$0x3FDB];
	_ =	sdelay $0x1  }
0x99: {  	s4 =	simm.s32 $_scs_section_size  }
0x9a: {  	s5 =	simm.s32 $_size__tile_overlayer_lowered;
	s6 =	simm.s32 $_tile_overlayer_lowered  }
0x9b: {  	s22 =	simm.s32 $0x1BFF;
	s21 =	sshll.u32 s6, $0x1;
	s3 =	sadd.s32 s4, s19  }
0x9c: {  	s7 =	simm.s32 $0x0;
	s20 =	sshll.u32 s5, $0x1;
	s5 =	sadd.s32 s21, s3  }
0x9d: {  	[timem:s7], [sflag:s22] =	dma.local [hbm:s5], s20  }
0x9e: {  	_ =	swait.ge [sflag:s22], s20  }
0x9f: {  	s4 =	ssub.s32 $0x0, s20;
	[sflag:s22] =	ssyncset.done $0x0  }
0xa0: {  	[sflag:s22] =	ssyncadd.s32 s4;
	_ =	sdelay $0x1  }
0xa1: {  	s23 =	simm.s32 $0x1B8B  }
0xa2: {  	_ =	swait.ge [sflag:s23], $0x1  }
0xa3: {  	[sflag:s23] =	ssyncset.done $0x0  }
0xa4: {  	s25 =	simm.s32 $0x1B8E;
	s24 =	sld [smem:$0x3FFE];
	[sflag:s23] =	ssyncadd.s32 $0xFFFFFFFF  }
0xa5: {  	s26 =	simm.s32 $execute0_lowered;
	[smem:$0x3FD2] =	sst s25  }
0xa6: {  	s5 =	sshll.u32 s26, $0x1;
	_ =	strace $0x8000004C;
	[dreg:$0x1] =	wrdreg $0xFFFFFFFF  }
0xa7: {  	s28 =	simm.s32 $_size_execute0_lowered;
	s3 =	sadd.s32 s3, s5;
	[dreg:$0x0] =	wrdreg $0x0  }
0xa8: {  	s5 =	sshll.u32 s28, $0x1;
	[dreg:$0x2] =	wrdreg s3  }
0xa9: {  	[dreg:$0x3] =	wrdreg s5  }
0xaa: {  	[dreg:$0x4] =	wrdreg $0xC0  }
0xab: {  	_ =	task [dreg:s7], $0x5FFFF  }
0xac: {  	[dreg:$0x1] =	wrdreg $0xFFFFFFFF  }
0xad: {  	[dreg:$0x0] =	wrdreg $0x60  }
0xae: {  	[dreg:$0x2] =	wrdreg s2  }
0xaf: {  	[dreg:$0x3] =	wrdreg s24  }
0xb0: {  	[dreg:$0x4] =	wrdreg $0x81800  }
0xb1: {  	[dreg:$0x5] =	wrdreg $0x9  }
0xb2: {  	_ =	task.clear_ibuf [dreg:s7], $0x6FFFF;
	_ =	strace $0x9000004C  }
0xb3: {  	s29 =	simm.s32 $0x9;
	_ =	strace $0x8000004E  }
0xb4: {  	_ =	swait.ge [sflag:s29], $0x1  }
0xb5: {  	[sflag:s29] =	ssyncadd.s32 $0xFFFFFFFF  }
0xb6: {  	_ =	strace $0x9000004E  }
0xb7: {  	_ =	sfence  }
0xb8: {  	s30 =	sld [smem:$0x0];
	_ =	sdelay $0x2  }
0xb9: {  	s31 =	sshll.u32 s1, $0xD;
	s1 =	sshrl.u32 s1, $0x2  }
0xba: {  	s3 =	sand.u32 $0x4000, s31;
	s1 =	sadd.s32 s1, s30  }
0xbb: {  	s0 =	sor.u32 s3, s0;
	s1 =	sshll.u32 s1, $0x11  }
0xbc: {  	s0 =	sor.u32 s1, s0  }
0xbd: {  	s0 =	sadd.s32 $0x8F2B, s0  }
0xbe: {  	[sflag:s0] =	ssyncadd.remote.s32 $0x1  }
0xbf: {  	_ =	sfence.sel $0xFFFF  }
0xc0: {  	[dreg:$0x0] =	wrdreg $0xFFFFFFFF;
	(pc) =	sbr.abs _section_cstart, $3  }
0xc1: {  	[dreg:$0x1] =	wrdreg $0xFFFFFFFF  }
0xc2: {  	_ =	task.clear_ibuf [dreg:s7], $0x2FFFF;
	_ =	strace $0x9FFFFFFF  }
0xc3: {  	(tm) =	ssettm $0x7FFFFFFF  }
tec
execute0_lowered:
.L_overlay_start_1:
0x0: {  	(tag) =	ssettag $0x1  }
0x1: {  	s1 =	rddreg [dreg:$0x0]  }
0x2: {  	s0 =	rddreg [dreg:$0x1]  }
0x3: {  	s3 =	rddreg [dreg:$0x2]  }
0x4: {  	s4 =	simm.s32 $0x0;
	s9 =	stileid.u32;
	s6 =	srdreg.scid  }
0x5: {  	[smem:$0x7FF] =	sst s4;
	s2 =	smul.u32 $0x4F0, s9  }
0x6: {  	s5 =	sadd.s32 $0x5EC00, s0;
	s6 =	sand.u32 $0x1, s6;
	s10 =	smul.u32 $0x280, s9  }
0x7: {  	s8 =	sadd.s32 $0x86C00, s0;
	s11 =	smul.u32 $0x50000, s9;
	_ =	strace $0x8000004D  }
0x8: {  	s7 =	ssub.s32 $0x2, s6;
	[dreg:$0x4] =	wrdreg s8;
	s8 =	smul.u32 $0x2800, s9  }
0x9: {  	p0 =	seq.s32 s6, $0x1;
	s2 =	sadd.s32 s2, s0;
	s13 =	sshrl.u32 s7, $0x1  }
0xa: {  	s0 =	sadd.s32 $0xAEC00, s0;
	s15 =	sshrl.u32 s11, $0x2;
	s17 =	sadd.s32 $0x80, s10  }
0xb: {  	s18 =	sadd.s32 $0x100, s10;
	s22 =	sadd.s32 $0x180, s10;
	s23 =	sadd.s32 $0x200, s10  }
0xc: {  	s10 =	simm.s32 $0x1;
	[dreg:$0x5] =	wrdreg s0;
	s14 =	ssub.s32 s7, s13  }
0xd: {  	s16 =	sadd.s32 s1, s8;
	s11 =	sadd.s32 s15, s3;
	s12 =	sshll.u32 s17, $0x4  }
0xe: {  	s0 =	sshll.u32 s17, $0x7;
	s15 =	sshll.u32 s18, $0x4;
	s21 =	sshll.u32 s18, $0x7  }
0xf: {  	s18 =	sshll.u32 s22, $0x4;
	s6 =	sshll.u32 s22, $0x7;
	s26 =	sadd.s32 s5, s8  }
0x10: {  	s7 =	simm.s32 $0x180;
	s13 =	simm.s32 $0x100;
	s9 =	smax.u32 s14, $0x1  }
0x11: {  	[dreg:$0x6] =	wrdreg s16;
	s19 =	sadd.s32 s1, s12;
	s14 =	sadd.s32 s0, s3  }
0x12: {  	s20 =	sadd.s32 s1, s15;
	s17 =	sadd.s32 s21, s3;
	s24 =	sadd.s32 s1, s18  }
0x13: {  	s21 =	sadd.s32 s6, s3;
	s0 =	sshll.u32 s23, $0x7;
	[dreg:$0xb] =	wrdreg s26  }
0x14: {  	s28 =	sadd.s32 s5, s12;
	s29 =	sadd.s32 s5, s15;
	[dreg:$0x7] =	wrdreg s19  }
.Ltmp0:
0x15: {  	s30 =	sadd.s32 s5, s18;
	[dreg:$0x8] =	wrdreg s20;
	(pc) =	sbr.rel .LBB2_1-.Ltmp0, $4  }
0x16: {  	s6 =	simm.s32 $0x80;
	s16 =	simm.s32 $0x0;
	[dreg:$0x9] =	wrdreg s24  }
0x17: {  	s20 =	sshll.u32 s23, $0x4;
	s23 =	sadd.s32 s0, s3;
	s24 =	sadd.s32 $0x4C00, s2  }
0x18: {  	s0 =	simm.s32 $0x4180;
	s25 =	sadd.s32 s1, s20;
	s31 =	sadd.s32 s5, s20  }
0x19: {  	[dreg:$0xa] =	wrdreg s25;
	s25 =	sadd.s32 $0x9C00, s2;
	s2 =	simm.s32 $0x2  }
.LBB2_7:
0x1a: {  	v12 =	vld [tilespmem:$0xF0]  }
0x1b: {  	vm0 =	veq.s32 v8, v3;
	v58 =	vld [tilespmem:$0x70]  }
0x1c: {  	[tilespmem:$0x120] =	vst v11;
	vm1 =	veq.s32 v10, v4;
	v59 =	vld [tilespmem:$0x10];
	v3 =	vsel vm0, $0x2720, v3  }
0x1d: {  	vm11 =	veq.s32 v5, v1;
	v60 =	vsel vm1, $0x2720, v4;
	[tilespmem:$0x130] =	vst v3  }
0x1e: {  	vm12 =	veq.s32 v9, v0;
	v1 =	vsel vm11, $0x2720, v1;
	[tilespmem:$0x140] =	vst v60  }
0x1f: {  	vm13 =	veq.s32 v7, v6;
	v0 =	vsel vm12, $0x2720, v0;
	[tilespmem:$0x150] =	vst v1  }
0x20: {  	v61 =	vsel vm13, $0x2720, v6;
	[tilespmem:$0x160] =	vst v0;
	vm14 =	veq.s32 v58, v12  }
0x21: {  	[tilespmem:$0x100] =	vst v61;
	vm15 =	veq.s32 v59, v2;
	v62 =	vsel vm14, $0x2720, v12  }
0x22: {  	v63 =	vsel vm15, $0x2720, v2;
	[tilespmem:$0x170] =	vst v62  }
0x23: {  	[tilespmem:$0x110] =	vst v63  }
0x24: {  	[tilespmem:s7], [sflag:$0x1] =	stream.indirect.gather [hbm4b:s5+s6], $0x80, s4, s6, $0xb8;
	[tilespmem:$0x1C180] =	vst v63  }
0x25: {  	_ =	swait.ge [sflag:s10], $0x4000  }
0x26: {  	[sflag:s10] =	ssyncset.done $0x0  }
0x27: {  	[sflag:s10] =	ssyncadd.s32 $0xFFFFC000  }
0x28: {  	[spmem:s3] =	stream.indirect.scatter.add.f32 [tilespmem:s7], [sflag:$0x2], $0x80, s13, s6, $0xb8;
	[tilespmem:$0x1C180] =	vst v63  }
0x29: {  	_ =	swait.ge [sflag:s2], $0x4000  }
0x2a: {  	[sflag:s2] =	ssyncset.done $0x0  }
0x2b: {  	s19 =	rddreg [dreg:$0x5];
	[sflag:s2] =	ssyncadd.s32 $0xFFFFC000  }
.LBB2_8:
0x2c: {  	[bflag:$0x0] =	sbarrier.arrive $0xFFFF  }
0x2d: {  	[tilespmem:s0], [sflag:$0x2] =	stream.linear.gather [spmem:s11], $0x4000, $0x38;
	[tilespmem:$0x1C180] =	vst v63  }
0x2e: {  	_ =	swait.ge [sflag:s2], $0x4000  }
0x2f: {  	[sflag:s2] =	ssyncset.done $0x0  }
0x30: {  	s22 =	sadd.s32 s19, s8;
	[sflag:s2] =	ssyncadd.s32 $0xFFFFC000  }
0x31: {  	[hbm4b:s22+s4] =	stream.linear.scatter [tilespmem:s0], [sflag:$0x2], $0x4000, $0x38;
	[tilespmem:$0x1C180] =	vst v63  }
0x32: {  	_ =	swait.ge [sflag:s2], $0x4000  }
0x33: {  	[sflag:s2] =	ssyncset.done $0x0  }
0x34: {  	[sflag:s2] =	ssyncadd.s32 $0xFFFFC000  }
0x35: {  	[tilespmem:s0], [sflag:$0x2] =	stream.linear.gather [spmem:s14], $0x4000, $0x38;
	[tilespmem:$0x1C180] =	vst v63  }
0x36: {  	_ =	swait.ge [sflag:s2], $0x4000  }
0x37: {  	[sflag:s2] =	ssyncset.done $0x0  }
0x38: {  	s26 =	sadd.s32 s19, s12;
	[sflag:s2] =	ssyncadd.s32 $0xFFFFC000  }
0x39: {  	[hbm4b:s26+s4] =	stream.linear.scatter [tilespmem:s0], [sflag:$0x2], $0x4000, $0x38;
	[tilespmem:$0x1C180] =	vst v63  }
0x3a: {  	_ =	swait.ge [sflag:s2], $0x4000  }
0x3b: {  	[sflag:s2] =	ssyncset.done $0x0  }
0x3c: {  	[sflag:s2] =	ssyncadd.s32 $0xFFFFC000  }
0x3d: {  	[tilespmem:s0], [sflag:$0x2] =	stream.linear.gather [spmem:s17], $0x4000, $0x38;
	[tilespmem:$0x1C180] =	vst v63  }
0x3e: {  	_ =	swait.ge [sflag:s2], $0x4000  }
0x3f: {  	[sflag:s2] =	ssyncset.done $0x0  }
0x40: {  	s26 =	sadd.s32 s19, s15;
	[sflag:s2] =	ssyncadd.s32 $0xFFFFC000  }
0x41: {  	[hbm4b:s26+s4] =	stream.linear.scatter [tilespmem:s0], [sflag:$0x2], $0x4000, $0x38;
	[tilespmem:$0x1C180] =	vst v63  }
0x42: {  	_ =	swait.ge [sflag:s2], $0x4000  }
0x43: {  	[sflag:s2] =	ssyncset.done $0x0  }
0x44: {  	[sflag:s2] =	ssyncadd.s32 $0xFFFFC000  }
0x45: {  	[tilespmem:s0], [sflag:$0x2] =	stream.linear.gather [spmem:s21], $0x4000, $0x38;
	[tilespmem:$0x1C180] =	vst v63  }
0x46: {  	_ =	swait.ge [sflag:s2], $0x4000  }
0x47: {  	[sflag:s2] =	ssyncset.done $0x0  }
0x48: {  	s26 =	sadd.s32 s19, s18;
	[sflag:s2] =	ssyncadd.s32 $0xFFFFC000  }
0x49: {  	[hbm4b:s26+s4] =	stream.linear.scatter [tilespmem:s0], [sflag:$0x2], $0x4000, $0x38;
	[tilespmem:$0x1C180] =	vst v63  }
0x4a: {  	_ =	swait.ge [sflag:s2], $0x4000  }
0x4b: {  	[sflag:s2] =	ssyncset.done $0x0  }
0x4c: {  	[sflag:s2] =	ssyncadd.s32 $0xFFFFC000  }
0x4d: {  	[tilespmem:s0], [sflag:$0x2] =	stream.linear.gather [spmem:s23], $0x4000, $0x38;
	[tilespmem:$0x1C180] =	vst v63  }
0x4e: {  	s16 =	sadd.s32 $0x1, s16;
	_ =	swait.ge [sflag:s2], $0x4000  }
0x4f: {  	p1 =	sne.s32 s16, s9;
	[sflag:s2] =	ssyncset.done $0x0  }
.Ltmp1:
0x50: {  	s26 =	sadd.s32 s19, s20;
	[sflag:s2] =	ssyncadd.s32 $0xFFFFC000;
	(pc) =	sbr.rel @!p1 .LBB2_9-.Ltmp1, $4  }
0x51: {  	[hbm4b:s26+s4] =	stream.linear.scatter [tilespmem:s0], [sflag:$0x2], $0x4000, $0x38;
	[tilespmem:$0x1C180] =	vst v63  }
0x52: {  	_ =	swait.ge [sflag:s2], $0x4000  }
0x53: {  	[sflag:s2] =	ssyncset.done $0x0  }
0x54: {  	[sflag:s2] =	ssyncadd.s32 $0xFFFFC000  }
.LBB2_1:
.Ltmp2:
0x55: {  	(pc) =	sbr.rel @!p0 .LBB2_2-.Ltmp2, $2  }
0x56: {  	_ =	sdelay $0x2  }
0x57: {  	s19 =	simm.s32 $0x0  }
0x58: {  	s22 =	rddreg [dreg:$0xb]  }
0x59: {  	[tilespmem:s0], [sflag:$0x2] =	stream.linear.gather [hbm4b:s22+s19], $0x4000, $0x38;
	[tilespmem:$0x1C180] =	vst v63  }
0x5a: {  	_ =	swait.ge [sflag:s2], $0x4000  }
0x5b: {  	[sflag:s2] =	ssyncset.done $0x0  }
0x5c: {  	[sflag:s2] =	ssyncadd.s32 $0xFFFFC000  }
0x5d: {  	[spmem:s11] =	stream.linear.scatter [tilespmem:s0], [sflag:$0x2], $0x4000, $0x38;
	[tilespmem:$0x1C180] =	vst v63  }
0x5e: {  	_ =	swait.ge [sflag:s2], $0x4000  }
0x5f: {  	[sflag:s2] =	ssyncset.done $0x0  }
0x60: {  	[sflag:s2] =	ssyncadd.s32 $0xFFFFC000  }
0x61: {  	[tilespmem:s0], [sflag:$0x2] =	stream.linear.gather [hbm4b:s28+s19], $0x4000, $0x38;
	[tilespmem:$0x1C180] =	vst v63  }
0x62: {  	_ =	swait.ge [sflag:s2], $0x4000  }
0x63: {  	[sflag:s2] =	ssyncset.done $0x0  }
0x64: {  	[sflag:s2] =	ssyncadd.s32 $0xFFFFC000  }
0x65: {  	[spmem:s14] =	stream.linear.scatter [tilespmem:s0], [sflag:$0x2], $0x4000, $0x38;
	[tilespmem:$0x1C180] =	vst v63  }
0x66: {  	_ =	swait.ge [sflag:s2], $0x4000  }
0x67: {  	[sflag:s2] =	ssyncset.done $0x0  }
0x68: {  	[sflag:s2] =	ssyncadd.s32 $0xFFFFC000  }
0x69: {  	[tilespmem:s0], [sflag:$0x2] =	stream.linear.gather [hbm4b:s29+s19], $0x4000, $0x38;
	[tilespmem:$0x1C180] =	vst v63  }
0x6a: {  	_ =	swait.ge [sflag:s2], $0x4000  }
0x6b: {  	[sflag:s2] =	ssyncset.done $0x0  }
0x6c: {  	[sflag:s2] =	ssyncadd.s32 $0xFFFFC000  }
0x6d: {  	[spmem:s17] =	stream.linear.scatter [tilespmem:s0], [sflag:$0x2], $0x4000, $0x38;
	[tilespmem:$0x1C180] =	vst v63  }
0x6e: {  	_ =	swait.ge [sflag:s2], $0x4000  }
0x6f: {  	[sflag:s2] =	ssyncset.done $0x0  }
0x70: {  	[sflag:s2] =	ssyncadd.s32 $0xFFFFC000  }
0x71: {  	[tilespmem:s0], [sflag:$0x2] =	stream.linear.gather [hbm4b:s30+s19], $0x4000, $0x38;
	[tilespmem:$0x1C180] =	vst v63  }
0x72: {  	_ =	swait.ge [sflag:s2], $0x4000  }
0x73: {  	[sflag:s2] =	ssyncset.done $0x0  }
0x74: {  	[sflag:s2] =	ssyncadd.s32 $0xFFFFC000  }
0x75: {  	[spmem:s21] =	stream.linear.scatter [tilespmem:s0], [sflag:$0x2], $0x4000, $0x38;
	[tilespmem:$0x1C180] =	vst v63  }
0x76: {  	_ =	swait.ge [sflag:s2], $0x4000  }
0x77: {  	[sflag:s2] =	ssyncset.done $0x0  }
0x78: {  	[sflag:s2] =	ssyncadd.s32 $0xFFFFC000  }
0x79: {  	[tilespmem:s0], [sflag:$0x2] =	stream.linear.gather [hbm4b:s31+s19], $0x4000, $0x38;
	[tilespmem:$0x1C180] =	vst v63  }
0x7a: {  	_ =	swait.ge [sflag:s2], $0x4000  }
0x7b: {  	[sflag:s2] =	ssyncset.done $0x0  }
0x7c: {  	[sflag:s2] =	ssyncadd.s32 $0xFFFFC000  }
0x7d: {  	[spmem:s23] =	stream.linear.scatter [tilespmem:s0], [sflag:$0x2], $0x4000, $0x38;
	[tilespmem:$0x1C180] =	vst v63  }
0x7e: {  	_ =	swait.ge [sflag:s2], $0x4000  }
0x7f: {  	[sflag:s2] =	ssyncset.done $0x0  }
0x80: {  	[sflag:s2] =	ssyncadd.s32 $0xFFFFC000  }
0x81: {  	s22 =	sadd.s32 $0x0, s25;
	[bflag:$0x0] =	sbarrier.arrive $0xFFFF  }
0x82: {  	[tilespmem:s4], [sflag:$0x2] =	stream.linear.gather [hbm4b:s22+s4], $0x80, $0x38;
	[tilespmem:$0x1C180] =	vst v63  }
0x83: {  	_ =	swait.ge [sflag:s2], $0x80  }
0x84: {  	[sflag:s2] =	ssyncset.done $0x0  }
0x85: {  	s26 =	sadd.s32 $0x0, s24;
	[sflag:s2] =	ssyncadd.s32 $0xFFFFFF80  }
0x86: {  	[tilespmem:s6], [sflag:$0x2] =	stream.linear.gather [hbm4b:s26+s4], $0x80, $0x38;
	[tilespmem:$0x1C180] =	vst v63  }
0x87: {  	_ =	swait.ge [sflag:s2], $0x80  }
0x88: {  	[sflag:s2] =	ssyncset.done $0x0  }
0x89: {  	[sflag:s2] =	ssyncadd.s32 $0xFFFFFF80  }
0x8a: {  	v0 =	vld [tilespmem:$0xE0]  }
0x8b: {  	v1 =	vld [tilespmem:$0xD0]  }
0x8c: {  	v3 =	vld [tilespmem:$0xB0]  }
0x8d: {  	v11 =	vld [tilespmem:$0xA0]  }
0x8e: {  	v8 =	vld [tilespmem:$0x30]  }
0x8f: {  	v5 =	vld [tilespmem:$0x50]  }
0x90: {  	v2 =	vld [tilespmem:$0x20]  }
0x91: {  	v4 =	vld [tilespmem:$0xC0]  }
0x92: {  	v7 =	vld [tilespmem:$0x0]  }
0x93: {  	v10 =	vld [tilespmem:$0x40]  }
0x94: {  	v6 =	vld [tilespmem:$0x80]  }
0x95: {  	v9 =	vld [tilespmem:$0x60];
	vm0 =	veq.s32 v2, v11  }
0x96: {  	s19 =	simm.s32 $0x10;
	v2 =	vld [tilespmem:$0x90];
	v11 =	vsel vm0, $0x2720, v11  }
.LBB2_6:
0x97: {  	p1 =	sne.s32 s19, $0x4E0;
	v12 =	vld [tilespmem:$0xF0];
	s22 =	smov.u32 s19;
	s19 =	sadd.s32 $0x10, s19  }
0x98: {  	vm0 =	veq.s32 v8, v3;
	vm1 =	veq.s32 v10, v4;
	[tilespmem:$0x120] =	vst v11;
	v8 =	vld [tilespmem:$0x70]  }
0x99: {  	vm2 =	veq.s32 v7, v6;
	v3 =	vsel vm0, $0x2720, v3;
	vm0 =	veq.s32 v5, v1;
	v7 =	vld [tilespmem:$0x10]  }
0x9a: {  	v5 =	vsel vm2, $0x2720, v6;
	[tilespmem:$0x130] =	vst v3;
	v3 =	vsel vm1, $0x2720, v4;
	vm1 =	veq.s32 v9, v0  }
0x9b: {  	v1 =	vsel vm0, $0x2720, v1;
	[tilespmem:$0x140] =	vst v3;
	v0 =	vsel vm1, $0x2720, v0  }
0x9c: {  	[tilespmem:$0x150] =	vst v1  }
0x9d: {  	[tilespmem:$0x160] =	vst v0;
	vm0 =	veq.s32 v8, v12  }
0x9e: {  	[tilespmem:$0x100] =	vst v5;
	vm1 =	veq.s32 v7, v2;
	v0 =	vsel vm0, $0x2720, v12  }
0x9f: {  	v1 =	vsel vm1, $0x2720, v2;
	[tilespmem:$0x170] =	vst v0  }
0xa0: {  	[tilespmem:$0x110] =	vst v1  }
0xa1: {  	[tilespmem:s7], [sflag:$0x1] =	stream.indirect.gather [hbm4b:s5+s6], $0x80, s4, s6, $0xb8;
	[tilespmem:$0x1C180] =	vst v63  }
0xa2: {  	_ =	swait.ge [sflag:s10], $0x4000  }
0xa3: {  	[sflag:s10] =	ssyncset.done $0x0  }
0xa4: {  	[sflag:s10] =	ssyncadd.s32 $0xFFFFC000  }
0xa5: {  	[spmem:s3] =	stream.indirect.scatter.add.f32 [tilespmem:s7], [sflag:$0x2], $0x80, s13, s6, $0xb8;
	[tilespmem:$0x1C180] =	vst v63  }
0xa6: {  	s26 =	sadd.s32 s22, s25;
	_ =	swait.ge [sflag:s2], $0x4000  }
0xa7: {  	[sflag:s2] =	ssyncset.done $0x0  }
0xa8: {  	[sflag:s2] =	ssyncadd.s32 $0xFFFFC000  }
0xa9: {  	[tilespmem:s4], [sflag:$0x2] =	stream.linear.gather [hbm4b:s26+s4], $0x80, $0x38;
	[tilespmem:$0x1C180] =	vst v63  }
0xaa: {  	_ =	swait.ge [sflag:s2], $0x80  }
0xab: {  	[sflag:s2] =	ssyncset.done $0x0  }
0xac: {  	s22 =	sadd.s32 s22, s24;
	[sflag:s2] =	ssyncadd.s32 $0xFFFFFF80  }
0xad: {  	[tilespmem:s6], [sflag:$0x2] =	stream.linear.gather [hbm4b:s22+s4], $0x80, $0x38;
	[tilespmem:$0x1C180] =	vst v63  }
0xae: {  	_ =	swait.ge [sflag:s2], $0x80  }
0xaf: {  	[sflag:s2] =	ssyncset.done $0x0  }
0xb0: {  	[sflag:s2] =	ssyncadd.s32 $0xFFFFFF80  }
0xb1: {  	v0 =	vld [tilespmem:$0xE0]  }
0xb2: {  	v1 =	vld [tilespmem:$0xD0]  }
0xb3: {  	v3 =	vld [tilespmem:$0xB0]  }
0xb4: {  	v11 =	vld [tilespmem:$0xA0]  }
0xb5: {  	v8 =	vld [tilespmem:$0x30]  }
0xb6: {  	v5 =	vld [tilespmem:$0x50]  }
0xb7: {  	v2 =	vld [tilespmem:$0x20]  }
0xb8: {  	v4 =	vld [tilespmem:$0xC0]  }
.Ltmp3:
0xb9: {  	v7 =	vld [tilespmem:$0x0];
	(pc) =	sbr.rel @p1 .LBB2_6-.Ltmp3, $4  }
0xba: {  	v10 =	vld [tilespmem:$0x40]  }
0xbb: {  	v6 =	vld [tilespmem:$0x80]  }
0xbc: {  	vm0 =	veq.s32 v2, v11;
	v9 =	vld [tilespmem:$0x60]  }
0xbd: {  	v2 =	vld [tilespmem:$0x90];
	v11 =	vsel vm0, $0x2720, v11  }
.Ltmp4:
0xbe: {  	_ = 	snop;
	(pc) =	sbr.rel .LBB2_7-.Ltmp4, $1  }
0xbf: {  	_ =	sdelay $0x3  }
.LBB2_2:
0xc0: {  	s22 =	rddreg [dreg:$0x6]  }
0xc1: {  	[tilespmem:s0], [sflag:$0x2] =	stream.linear.gather [hbm4b:s22+s19], $0x4000, $0x38;
	[tilespmem:$0x1C180] =	vst v63  }
0xc2: {  	_ =	swait.ge [sflag:s2], $0x4000  }
0xc3: {  	[sflag:s2] =	ssyncset.done $0x0  }
0xc4: {  	[sflag:s2] =	ssyncadd.s32 $0xFFFFC000  }
0xc5: {  	[spmem:s11] =	stream.linear.scatter [tilespmem:s0], [sflag:$0x2], $0x4000, $0x38;
	[tilespmem:$0x1C180] =	vst v63  }
0xc6: {  	_ =	swait.ge [sflag:s2], $0x4000  }
0xc7: {  	[sflag:s2] =	ssyncset.done $0x0  }
0xc8: {  	s26 =	rddreg [dreg:$0x7];
	[sflag:s2] =	ssyncadd.s32 $0xFFFFC000  }
0xc9: {  	[tilespmem:s0], [sflag:$0x2] =	stream.linear.gather [hbm4b:s26+s19], $0x4000, $0x38;
	[tilespmem:$0x1C180] =	vst v63  }
0xca: {  	_ =	swait.ge [sflag:s2], $0x4000  }
0xcb: {  	[sflag:s2] =	ssyncset.done $0x0  }
0xcc: {  	[sflag:s2] =	ssyncadd.s32 $0xFFFFC000  }
0xcd: {  	[spmem:s14] =	stream.linear.scatter [tilespmem:s0], [sflag:$0x2], $0x4000, $0x38;
	[tilespmem:$0x1C180] =	vst v63  }
0xce: {  	_ =	swait.ge [sflag:s2], $0x4000  }
0xcf: {  	[sflag:s2] =	ssyncset.done $0x0  }
0xd0: {  	s26 =	rddreg [dreg:$0x8];
	[sflag:s2] =	ssyncadd.s32 $0xFFFFC000  }
0xd1: {  	[tilespmem:s0], [sflag:$0x2] =	stream.linear.gather [hbm4b:s26+s19], $0x4000, $0x38;
	[tilespmem:$0x1C180] =	vst v63  }
0xd2: {  	_ =	swait.ge [sflag:s2], $0x4000  }
0xd3: {  	[sflag:s2] =	ssyncset.done $0x0  }
0xd4: {  	[sflag:s2] =	ssyncadd.s32 $0xFFFFC000  }
0xd5: {  	[spmem:s17] =	stream.linear.scatter [tilespmem:s0], [sflag:$0x2], $0x4000, $0x38;
	[tilespmem:$0x1C180] =	vst v63  }
0xd6: {  	_ =	swait.ge [sflag:s2], $0x4000  }
0xd7: {  	[sflag:s2] =	ssyncset.done $0x0  }
0xd8: {  	s26 =	rddreg [dreg:$0x9];
	[sflag:s2] =	ssyncadd.s32 $0xFFFFC000  }
0xd9: {  	[tilespmem:s0], [sflag:$0x2] =	stream.linear.gather [hbm4b:s26+s19], $0x4000, $0x38;
	[tilespmem:$0x1C180] =	vst v63  }
0xda: {  	_ =	swait.ge [sflag:s2], $0x4000  }
0xdb: {  	[sflag:s2] =	ssyncset.done $0x0  }
0xdc: {  	[sflag:s2] =	ssyncadd.s32 $0xFFFFC000  }
0xdd: {  	[spmem:s21] =	stream.linear.scatter [tilespmem:s0], [sflag:$0x2], $0x4000, $0x38;
	[tilespmem:$0x1C180] =	vst v63  }
0xde: {  	_ =	swait.ge [sflag:s2], $0x4000  }
0xdf: {  	[sflag:s2] =	ssyncset.done $0x0  }
0xe0: {  	s26 =	rddreg [dreg:$0xa];
	[sflag:s2] =	ssyncadd.s32 $0xFFFFC000  }
0xe1: {  	[tilespmem:s0], [sflag:$0x2] =	stream.linear.gather [hbm4b:s26+s19], $0x4000, $0x38;
	[tilespmem:$0x1C180] =	vst v63  }
0xe2: {  	_ =	swait.ge [sflag:s2], $0x4000  }
0xe3: {  	[sflag:s2] =	ssyncset.done $0x0  }
0xe4: {  	[sflag:s2] =	ssyncadd.s32 $0xFFFFC000  }
0xe5: {  	[spmem:s23] =	stream.linear.scatter [tilespmem:s0], [sflag:$0x2], $0x4000, $0x38;
	[tilespmem:$0x1C180] =	vst v63  }
0xe6: {  	_ =	swait.ge [sflag:s2], $0x4000  }
0xe7: {  	[sflag:s2] =	ssyncset.done $0x0  }
0xe8: {  	[sflag:s2] =	ssyncadd.s32 $0xFFFFC000  }
0xe9: {  	s22 =	sadd.s32 $0x0, s25;
	[bflag:$0x0] =	sbarrier.arrive $0xFFFF  }
0xea: {  	[tilespmem:s4], [sflag:$0x2] =	stream.linear.gather [hbm4b:s22+s4], $0x80, $0x38;
	[tilespmem:$0x1C180] =	vst v63  }
0xeb: {  	_ =	swait.ge [sflag:s2], $0x80  }
0xec: {  	[sflag:s2] =	ssyncset.done $0x0  }
0xed: {  	s26 =	sadd.s32 $0x0, s24;
	[sflag:s2] =	ssyncadd.s32 $0xFFFFFF80  }
0xee: {  	[tilespmem:s6], [sflag:$0x2] =	stream.linear.gather [hbm4b:s26+s4], $0x80, $0x38;
	[tilespmem:$0x1C180] =	vst v63  }
0xef: {  	_ =	swait.ge [sflag:s2], $0x80  }
0xf0: {  	[sflag:s2] =	ssyncset.done $0x0  }
0xf1: {  	[sflag:s2] =	ssyncadd.s32 $0xFFFFFF80  }
0xf2: {  	v0 =	vld [tilespmem:$0xE0]  }
0xf3: {  	v1 =	vld [tilespmem:$0xD0]  }
0xf4: {  	v3 =	vld [tilespmem:$0xB0]  }
0xf5: {  	v11 =	vld [tilespmem:$0xA0]  }
0xf6: {  	v8 =	vld [tilespmem:$0x30]  }
0xf7: {  	v5 =	vld [tilespmem:$0x50]  }
0xf8: {  	v2 =	vld [tilespmem:$0x20]  }
0xf9: {  	v4 =	vld [tilespmem:$0xC0]  }
0xfa: {  	v7 =	vld [tilespmem:$0x0]  }
0xfb: {  	v10 =	vld [tilespmem:$0x40]  }
0xfc: {  	v6 =	vld [tilespmem:$0x80]  }
0xfd: {  	v9 =	vld [tilespmem:$0x60];
	vm0 =	veq.s32 v2, v11  }
0xfe: {  	s19 =	simm.s32 $0x10;
	v2 =	vld [tilespmem:$0x90];
	v11 =	vsel vm0, $0x2720, v11  }
.LBB2_3:
0xff: {  	p1 =	seq.s32 s19, $0x4E0;
	v12 =	vld [tilespmem:$0xF0];
	s22 =	smov.u32 s19;
	s19 =	sadd.s32 $0x10, s19  }
0x100: {  	vm0 =	veq.s32 v8, v3;
	[tilespmem:$0x120] =	vst v11;
	vm1 =	veq.s32 v10, v4;
	v8 =	vld [tilespmem:$0x70]  }
0x101: {  	v3 =	vsel vm0, $0x2720, v3;
	vm0 =	veq.s32 v5, v1;
	vm2 =	veq.s32 v7, v6;
	v7 =	vld [tilespmem:$0x10]  }
0x102: {  	v5 =	vsel vm2, $0x2720, v6;
	[tilespmem:$0x130] =	vst v3;
	v3 =	vsel vm1, $0x2720, v4;
	vm1 =	veq.s32 v9, v0  }
0x103: {  	v1 =	vsel vm0, $0x2720, v1;
	[tilespmem:$0x140] =	vst v3;
	v0 =	vsel vm1, $0x2720, v0  }
0x104: {  	[tilespmem:$0x150] =	vst v1  }
0x105: {  	[tilespmem:$0x160] =	vst v0;
	vm0 =	veq.s32 v8, v12  }
0x106: {  	[tilespmem:$0x100] =	vst v5;
	vm1 =	veq.s32 v7, v2;
	v0 =	vsel vm0, $0x2720, v12  }
0x107: {  	v1 =	vsel vm1, $0x2720, v2;
	[tilespmem:$0x170] =	vst v0  }
0x108: {  	[tilespmem:$0x110] =	vst v1  }
0x109: {  	[tilespmem:s7], [sflag:$0x1] =	stream.indirect.gather [hbm4b:s1+s6], $0x80, s4, s6, $0xb8;
	[tilespmem:$0x1C180] =	vst v63  }
0x10a: {  	_ =	swait.ge [sflag:s10], $0x4000  }
0x10b: {  	[sflag:s10] =	ssyncset.done $0x0  }
0x10c: {  	[sflag:s10] =	ssyncadd.s32 $0xFFFFC000  }
0x10d: {  	[spmem:s3] =	stream.indirect.scatter.add.f32 [tilespmem:s7], [sflag:$0x2], $0x80, s13, s6, $0xb8;
	[tilespmem:$0x1C180] =	vst v63  }
0x10e: {  	s26 =	sadd.s32 s22, s25;
	_ =	swait.ge [sflag:s2], $0x4000  }
0x10f: {  	[sflag:s2] =	ssyncset.done $0x0  }
0x110: {  	[sflag:s2] =	ssyncadd.s32 $0xFFFFC000  }
0x111: {  	[tilespmem:s4], [sflag:$0x2] =	stream.linear.gather [hbm4b:s26+s4], $0x80, $0x38;
	[tilespmem:$0x1C180] =	vst v63  }
0x112: {  	_ =	swait.ge [sflag:s2], $0x80  }
0x113: {  	[sflag:s2] =	ssyncset.done $0x0  }
0x114: {  	s22 =	sadd.s32 s22, s24;
	[sflag:s2] =	ssyncadd.s32 $0xFFFFFF80  }
0x115: {  	[tilespmem:s6], [sflag:$0x2] =	stream.linear.gather [hbm4b:s22+s4], $0x80, $0x38;
	[tilespmem:$0x1C180] =	vst v63  }
0x116: {  	_ =	swait.ge [sflag:s2], $0x80  }
0x117: {  	[sflag:s2] =	ssyncset.done $0x0  }
0x118: {  	[sflag:s2] =	ssyncadd.s32 $0xFFFFFF80  }
0x119: {  	v0 =	vld [tilespmem:$0xE0]  }
0x11a: {  	v1 =	vld [tilespmem:$0xD0]  }
0x11b: {  	v3 =	vld [tilespmem:$0xB0]  }
0x11c: {  	v11 =	vld [tilespmem:$0xA0]  }
0x11d: {  	v8 =	vld [tilespmem:$0x30]  }
0x11e: {  	v5 =	vld [tilespmem:$0x50]  }
0x11f: {  	v2 =	vld [tilespmem:$0x20]  }
0x120: {  	v4 =	vld [tilespmem:$0xC0]  }
.Ltmp5:
0x121: {  	v7 =	vld [tilespmem:$0x0];
	(pc) =	sbr.rel @!p1 .LBB2_3-.Ltmp5, $4  }
0x122: {  	v10 =	vld [tilespmem:$0x40]  }
0x123: {  	v6 =	vld [tilespmem:$0x80]  }
0x124: {  	vm0 =	veq.s32 v2, v11;
	v9 =	vld [tilespmem:$0x60]  }
0x125: {  	v2 =	vld [tilespmem:$0x90];
	v11 =	vsel vm0, $0x2720, v11  }
0x126: {  	v12 =	vld [tilespmem:$0xF0]  }
0x127: {  	vm0 =	veq.s32 v8, v3;
	v58 =	vld [tilespmem:$0x70]  }
0x128: {  	[tilespmem:$0x120] =	vst v11;
	v59 =	vld [tilespmem:$0x10];
	vm11 =	veq.s32 v5, v1;
	v3 =	vsel vm0, $0x2720, v3  }
0x129: {  	vm1 =	veq.s32 v10, v4;
	v1 =	vsel vm11, $0x2720, v1;
	[tilespmem:$0x130] =	vst v3  }
0x12a: {  	v60 =	vsel vm1, $0x2720, v4;
	vm13 =	veq.s32 v7, v6;
	[tilespmem:$0x150] =	vst v1  }
0x12b: {  	vm12 =	veq.s32 v9, v0;
	[tilespmem:$0x140] =	vst v60;
	v61 =	vsel vm13, $0x2720, v6  }
0x12c: {  	v0 =	vsel vm12, $0x2720, v0;
	[tilespmem:$0x100] =	vst v61;
	vm14 =	veq.s32 v58, v12  }
0x12d: {  	[tilespmem:$0x160] =	vst v0;
	vm15 =	veq.s32 v59, v2;
	v62 =	vsel vm14, $0x2720, v12  }
0x12e: {  	v63 =	vsel vm15, $0x2720, v2;
	[tilespmem:$0x170] =	vst v62  }
0x12f: {  	[tilespmem:$0x110] =	vst v63  }
0x130: {  	[tilespmem:s7], [sflag:$0x1] =	stream.indirect.gather [hbm4b:s1+s6], $0x80, s4, s6, $0xb8;
	[tilespmem:$0x1C180] =	vst v63  }
0x131: {  	_ =	swait.ge [sflag:s10], $0x4000  }
0x132: {  	[sflag:s10] =	ssyncset.done $0x0  }
.Ltmp6:
0x133: {  	[sflag:s10] =	ssyncadd.s32 $0xFFFFC000;
	(pc) =	sbr.rel .LBB2_8-.Ltmp6, $4  }
0x134: {  	[spmem:s3] =	stream.indirect.scatter.add.f32 [tilespmem:s7], [sflag:$0x2], $0x80, s13, s6, $0xb8;
	[tilespmem:$0x1C180] =	vst v63  }
0x135: {  	_ =	swait.ge [sflag:s2], $0x4000  }
0x136: {  	[sflag:s2] =	ssyncset.done $0x0  }
0x137: {  	s19 =	rddreg [dreg:$0x4];
	[sflag:s2] =	ssyncadd.s32 $0xFFFFC000  }
.LBB2_9:
0x138: {  	_ =	sfence.sel $0x180000  }
0x139: {  	[bflag:$0x0] =	sbarrier.arrive $0xFFFF  }
0x13a: {  	_ =	strace $0x9000004D  }
0x13b: {  	s0 =	stileid.u32;
	[bflag:$0x2] =	sbarrier.arrive $0xFFFF  }
0x13c: {  	p0 =	sne.s32 s0, $0x0;
	s0 =	rddreg [dreg:$0x3]  }
0x13d: {  	s0 =	sadd.s32 @!p0 $0x100000, s0  }
0x13e: {  	[sflag:s0] =	ssyncadd.tile.s32 @!p0 $0x1;
	_ =	shalt  }
.Lfunc_end2:
_tile_overlayer_lowered:
.L_overlay_start_2:
0x13f: {  	(tag) =	ssettag $0x2  }
0x140: {  	s0 =	rddreg [dreg:$0x0];
	s2 =	stileid.u32  }
0x141: {  	s1 =	rddreg [dreg:$0x1];
	p0 =	sne.s32 s2, $0x0  }
0x142: {  	s3 =	rddreg [dreg:$0x2];
	[bflag:$0x3] =	sbarrier.arrive $0xFFFF;
	s2 =	simm.s32 @!p0 $0x1C02  }
0x143: {  	[timem:s3], [sflag:s2] =	dma.local @!p0 [hbm:s0], s1  }
0x144: {  	s0 =	simm.s32 @!p0 $0x2  }
0x145: {  	_ =	swait.ge @!p0 [sflag:s0], s1  }
0x146: {  	s1 =	ssub.s32 @!p0 $0x0, s1;
	[sflag:s0] =	ssyncset.done @!p0 $0x0  }
0x147: {  	[sflag:s0] =	ssyncadd.s32 @!p0 s1  }
0x148: {  	[bflag:$0x3] =	sbarrier.arrive $0xFFFF  }
0x149: {  	_ =	shalt  }

// kernel: kernel.19.cloned.1.call-start
scs
__scs_entry_jumppad:
0x0: {  	(pc) =	sbr.rel $0x88, $3  }
0x1: {  	(tag) =	ssettag $0x0;
	lr =	simm.s32 $0x1  }
0x2: {  	[smem:$0x3F99] =	sst lr;
	_ =	strace $0xD0000000  }
0x3: {  	_ = 	snop  }
0x4: {  	_ = 	snop  }
0x5: {  	_ = 	snop  }
0x6: {  	_ = 	snop  }
0x7: {  	_ = 	snop  }
__scs_overlays_trampoline_lowered:
0x8: {  	[smem:$0x3FA8] =	sst s0  }
0x9: {  	[smem:$0x3FA9] =	sst s1  }
0xa: {  	[smem:$0x3FAA] =	sst s2  }
0xb: {  	[smem:$0x3FAB] =	sst s3  }
0xc: {  	[smem:$0x3FAC] =	sst s4  }
0xd: {  	[smem:$0x3FAD] =	sst s5  }
0xe: {  	[smem:$0x3FAE] =	sst s6  }
0xf: {  	[smem:$0x3FAF] =	sst s7  }
0x10: {  	[smem:$0x3FB0] =	sst s8  }
0x11: {  	[smem:$0x3FB1] =	sst s9;
	s0 =	simm.s32 @!p0 $0x0  }
0x12: {  	s1 =	sld [smem:$0x3F97];
	s0 =	simm.s32 @p0 $0x1  }
0x13: {  	[smem:$0x3FB2] =	sst s0;
	s0 =	simm.s32 @!p1 $0x0  }
0x14: {  	s2 =	sld [smem:$0x3F96];
	s0 =	simm.s32 @p1 $0x1  }
0x15: {  	[smem:$0x3FB3] =	sst s0;
	s0 =	simm.s32 @!p2 $0x0  }
0x16: {  	s3 =	sld [smem:$0x3FDB];
	s0 =	simm.s32 @p2 $0x1  }
0x17: {  	s4 =	simm.s32 $0x1BF5;
	[smem:$0x3FB5] =	sst s0  }
0x18: {  	s0 =	sld [smem:$0x3F98];
	_ =	swait.ge [sflag:s4], $0x0  }
0x19: {  	s7 =	sld [smem:$0x3F99]  }
0x1a: {  	s8 =	sadd.s32 $0xFFFFE003, lr  }
0x1b: {  	s9 =	sadd.s32 $0xFFFFFEF7, lr;
	s5 =	simm.s32 $0xFFFFFFFF;
	p2 =	slt.u32 s8, $0xFFFFF086  }
0x1c: {  	p1 =	slt.u32 s9, $0xF7A;
	s5 =	simm.s32 @!p2 $0x0  }
0x1d: {  	s5 =	simm.s32 @p1 $0x1;
	p0 =	seq.s32 s7, s2  }
0x1e: {  	s7 =	smul.u32 @!p0 $0xF7A, s2;
	p2 =	seq.s32 @!p0 s5, $0x0  }
0x1f: {  	s9 =	smul.u32 $0xF7A, s1;
	s8 =	simm.s32 @!p0 $0x1BF5;
	p2 =	por !p2, p0  }
0x20: {  	[sflag:s8] =	ssyncset.s32 @!p0 $0xFFFFF086;
	s6 =	sadd.s32 @!p0 s3, s7;
	s7 =	simm.s32 @!p0 $0x108  }
0x21: {  	s3 =	sadd.s32 s3, s9;
	s6 =	sadd.s32 @!p0 $0x88, s6;
	s7 =	simm.s32 @p2 $0x1082  }
0x22: {  	[simem:s7], [sflag:s8] =	dma.local @!p0 [hbm:s6], $0xF7A  }
0x23: {  	s9 =	sor.u32 $0xD0000000, s2;
	s6 =	simm.s32 $0x108;
	_ =	swait.ge @!p0 [sflag:s8], $0x0  }
0x24: {  	s3 =	sadd.s32 $0x88, s3;
	s6 =	simm.s32 @!p1 $0x1082;
	[sflag:s4] =	ssyncset.s32 $0xFFFFF086  }
0x25: {  	[simem:s6], [sflag:s4] =	dma.local [hbm:s3], $0xF7A  }
0x26: {  	[smem:$0x3F99] =	sst s1;
	(tag) =	ssettag s2;
	_ =	strace s9  }
0x27: {  	s1 =	sld [smem:$0x3FA9]  }
0x28: {  	s2 =	sld [smem:$0x3FAA]  }
0x29: {  	s4 =	sld [smem:$0x3FAC]  }
0x2a: {  	p0 =	seq.s32 s5, $0x0;
	s5 =	sld [smem:$0x3FAD]  }
0x2b: {  	s6 =	sld [smem:$0x3FAE]  }
0x2c: {  	s7 =	sld [smem:$0x3FAF]  }
0x2d: {  	s3 =	simm.s32 $0x108;
	s8 =	sld [smem:$0x3FB0]  }
0x2e: {  	s3 =	simm.s32 @!p0 $0x1082;
	s9 =	sld [smem:$0x3FB1]  }
0x2f: {  	lr =	sadd.s32 s0, s3;
	s0 =	sld [smem:$0x3FA8]  }
0x30: {  	s3 =	sld [smem:$0x3FAB]  }
0x31: {  	[smem:$0x3FB4] =	sst s10  }
0x32: {  	s10 =	sld [smem:$0x3FB2];
	_ =	sdelay $0x3  }
0x33: {  	p0 =	seq.s32 s10, $0x1;
	s10 =	sld [smem:$0x3FB4];
	_ =	sdelay $0x3  }
0x34: {  	[smem:$0x3FB4] =	sst s10  }
0x35: {  	s10 =	sld [smem:$0x3FB3];
	_ =	sdelay $0x3  }
0x36: {  	p1 =	seq.s32 s10, $0x1;
	s10 =	sld [smem:$0x3FB4];
	_ =	sdelay $0x3  }
0x37: {  	[smem:$0x3FB4] =	sst s10  }
0x38: {  	s10 =	sld [smem:$0x3FB5]  }
0x39: {  	_ = 	snop;
	(pc) =	sbr.ind lr, $3  }
0x3a: {  	_ = 	snop  }
0x3b: {  	_ = 	snop  }
0x3c: {  	p2 =	seq.s32 s10, $0x1;
	s10 =	sld [smem:$0x3FB4]  }
0x3d: {  	_ =	shalt  }
0x3e: {  	_ =	shalt  }
0x3f: {  	_ =	shalt  }
0x40: {  	_ =	shalt  }
0x41: {  	_ =	shalt  }
0x42: {  	_ =	shalt  }
0x43: {  	_ =	shalt  }
0x44: {  	_ =	shalt  }
0x45: {  	_ =	shalt  }
0x46: {  	_ =	shalt  }
0x47: {  	_ =	shalt  }
0x48: {  	_ =	shalt  }
0x49: {  	_ =	shalt  }
0x4a: {  	_ =	shalt  }
0x4b: {  	_ =	shalt  }
0x4c: {  	_ =	shalt  }
0x4d: {  	_ =	shalt  }
0x4e: {  	_ =	shalt  }
0x4f: {  	_ =	shalt  }
0x50: {  	_ =	shalt  }
0x51: {  	_ =	shalt  }
0x52: {  	_ =	shalt  }
0x53: {  	_ =	shalt  }
0x54: {  	_ =	shalt  }
0x55: {  	_ =	shalt  }
0x56: {  	_ =	shalt  }
0x57: {  	_ =	shalt  }
0x58: {  	_ =	shalt  }
0x59: {  	_ =	shalt  }
0x5a: {  	_ =	shalt  }
0x5b: {  	_ =	shalt  }
0x5c: {  	_ =	shalt  }
0x5d: {  	_ =	shalt  }
0x5e: {  	_ =	shalt  }
0x5f: {  	_ =	shalt  }
0x60: {  	_ =	shalt  }
0x61: {  	_ =	shalt  }
0x62: {  	_ =	shalt  }
0x63: {  	_ =	shalt  }
0x64: {  	_ =	shalt  }
0x65: {  	_ =	shalt  }
0x66: {  	_ =	shalt  }
0x67: {  	_ =	shalt  }
0x68: {  	_ =	shalt  }
0x69: {  	_ =	shalt  }
0x6a: {  	_ =	shalt  }
0x6b: {  	_ =	shalt  }
0x6c: {  	_ =	shalt  }
0x6d: {  	_ =	shalt  }
0x6e: {  	_ =	shalt  }
0x6f: {  	_ =	shalt  }
0x70: {  	_ =	shalt  }
0x71: {  	_ =	shalt  }
0x72: {  	_ =	shalt  }
0x73: {  	_ =	shalt  }
0x74: {  	_ =	shalt  }
0x75: {  	_ =	shalt  }
0x76: {  	_ =	shalt  }
0x77: {  	_ =	shalt  }
0x78: {  	_ =	shalt  }
0x79: {  	_ =	shalt  }
0x7a: {  	_ =	shalt  }
0x7b: {  	_ =	shalt  }
0x7c: {  	_ =	shalt  }
0x7d: {  	_ =	shalt  }
0x7e: {  	_ =	shalt  }
0x7f: {  	_ =	shalt  }
0x80: {  	_ =	shalt  }
0x81: {  	_ =	shalt  }
0x82: {  	_ =	shalt  }
0x83: {  	_ =	shalt  }
0x84: {  	_ =	shalt  }
0x85: {  	_ =	shalt  }
0x86: {  	_ =	shalt  }
0x87: {  	_ =	shalt  }
.Lfunc_end0:
.L_simem_size_0:
called_computation.3_lowered:
.L_overlay_start_0:
0x88: {  	s2 =	sld [smem:$0x3FD9]  }
0x89: {  	s3 =	sld [smem:$0x3FFE];
	_ =	sdelay $0x1  }
0x8a: {  	s1 =	srdreg.scid  }
0x8b: {  	s0 =	sand.u32 $0x1, s1  }
0x8c: {  	s17 =	sshll.u32 s0, $0xA;
	s2 =	sadd.s32 s3, s2  }
0x8d: {  	s2 =	sadd.s32 s2, s17  }
0x8e: {  	[smem:$0x3FC0] =	sst s2  }
0x8f: {  	_ = 	snop  }
0x90: {  	s2 =	sld [smem:$0x3FD0];
	(tm) =	ssettm $0x1  }
0x91: {  	s18 =	sld [smem:$0x3FFB];
	_ =	sdelay $0x3  }
0x92: {  	_ =	strace s18  }
0x93: {  	s3 =	sld [smem:$0x3FFC];
	_ =	sdelay $0x3  }
0x94: {  	_ =	strace s3  }
0x95: {  	s3 =	sld [smem:$0x3FFD];
	_ =	sdelay $0x3  }
0x96: {  	_ =	strace s3  }
0x97: {  	_ =	strace $0x8FFFFFFF  }
0x98: {  	s19 =	sld [smem:$0x3FDB];
	_ =	sdelay $0x1  }
0x99: {  	s4 =	simm.s32 $_scs_section_size  }
0x9a: {  	s5 =	simm.s32 $_size__tile_overlayer_lowered;
	s6 =	simm.s32 $_tile_overlayer_lowered  }
0x9b: {  	s22 =	simm.s32 $0x1BFF;
	s21 =	sshll.u32 s6, $0x1;
	s3 =	sadd.s32 s4, s19  }
0x9c: {  	s7 =	simm.s32 $0x0;
	s20 =	sshll.u32 s5, $0x1;
	s5 =	sadd.s32 s21, s3  }
0x9d: {  	[timem:s7], [sflag:s22] =	dma.local [hbm:s5], s20  }
0x9e: {  	_ =	swait.ge [sflag:s22], s20  }
0x9f: {  	s4 =	ssub.s32 $0x0, s20;
	[sflag:s22] =	ssyncset.done $0x0  }
0xa0: {  	[sflag:s22] =	ssyncadd.s32 s4;
	_ =	sdelay $0x1  }
0xa1: {  	s23 =	simm.s32 $0x1B8B  }
0xa2: {  	_ =	swait.ge [sflag:s23], $0x1  }
0xa3: {  	[sflag:s23] =	ssyncset.done $0x0  }
0xa4: {  	s25 =	simm.s32 $0x1B8E;
	s24 =	sld [smem:$0x3FFE];
	[sflag:s23] =	ssyncadd.s32 $0xFFFFFFFF  }
0xa5: {  	s26 =	simm.s32 $execute0_lowered;
	[smem:$0x3FD2] =	sst s25  }
0xa6: {  	s5 =	sshll.u32 s26, $0x1;
	_ =	strace $0x8000004F;
	[dreg:$0x1] =	wrdreg $0xFFFFFFFF  }
0xa7: {  	s28 =	simm.s32 $_size_execute0_lowered;
	s3 =	sadd.s32 s3, s5;
	[dreg:$0x0] =	wrdreg $0x0  }
0xa8: {  	s5 =	sshll.u32 s28, $0x1;
	[dreg:$0x2] =	wrdreg s3  }
0xa9: {  	[dreg:$0x3] =	wrdreg s5  }
0xaa: {  	[dreg:$0x4] =	wrdreg $0xC0  }
0xab: {  	_ =	task [dreg:s7], $0x5FFFF  }
0xac: {  	[dreg:$0x1] =	wrdreg $0xFFFFFFFF  }
0xad: {  	[dreg:$0x0] =	wrdreg $0x60  }
0xae: {  	[dreg:$0x2] =	wrdreg s2  }
0xaf: {  	[dreg:$0x3] =	wrdreg s24  }
0xb0: {  	[dreg:$0x4] =	wrdreg $0x81800  }
0xb1: {  	[dreg:$0x5] =	wrdreg $0x9  }
0xb2: {  	_ =	task.clear_ibuf [dreg:s7], $0x6FFFF;
	_ =	strace $0x9000004F  }
0xb3: {  	s29 =	simm.s32 $0x9;
	_ =	strace $0x80000051  }
0xb4: {  	_ =	swait.ge [sflag:s29], $0x1  }
0xb5: {  	[sflag:s29] =	ssyncadd.s32 $0xFFFFFFFF  }
0xb6: {  	_ =	strace $0x90000051  }
0xb7: {  	_ =	sfence  }
0xb8: {  	s30 =	sld [smem:$0x0];
	_ =	sdelay $0x2  }
0xb9: {  	s31 =	sshll.u32 s1, $0xD;
	s1 =	sshrl.u32 s1, $0x2  }
0xba: {  	s3 =	sand.u32 $0x4000, s31;
	s1 =	sadd.s32 s1, s30  }
0xbb: {  	s0 =	sor.u32 s3, s0;
	s1 =	sshll.u32 s1, $0x11  }
0xbc: {  	s0 =	sor.u32 s1, s0  }
0xbd: {  	s0 =	sadd.s32 $0x8F2B, s0  }
0xbe: {  	[sflag:s0] =	ssyncadd.remote.s32 $0x1  }
0xbf: {  	_ =	sfence.sel $0xFFFF  }
0xc0: {  	[dreg:$0x0] =	wrdreg $0xFFFFFFFF;
	(pc) =	sbr.abs _section_cstart, $3  }
0xc1: {  	[dreg:$0x1] =	wrdreg $0xFFFFFFFF  }
0xc2: {  	_ =	task.clear_ibuf [dreg:s7], $0x2FFFF;
	_ =	strace $0x9FFFFFFF  }
0xc3: {  	(tm) =	ssettm $0x7FFFFFFF  }
tec
execute0_lowered:
.L_overlay_start_1:
0x0: {  	(tag) =	ssettag $0x1  }
0x1: {  	s1 =	rddreg [dreg:$0x0]  }
0x2: {  	s0 =	rddreg [dreg:$0x1]  }
0x3: {  	s3 =	rddreg [dreg:$0x2]  }
0x4: {  	s4 =	simm.s32 $0x0;
	s9 =	stileid.u32;
	s6 =	srdreg.scid  }
0x5: {  	[smem:$0x7FF] =	sst s4;
	s2 =	smul.u32 $0x4F0, s9  }
0x6: {  	s5 =	sadd.s32 $0xEC00, s0;
	s6 =	sand.u32 $0x1, s6;
	s10 =	smul.u32 $0x280, s9  }
0x7: {  	s8 =	sadd.s32 $0x5EC00, s0;
	s11 =	smul.u32 $0x50000, s9;
	_ =	strace $0x80000050  }
0x8: {  	s7 =	ssub.s32 $0x2, s6;
	[dreg:$0x4] =	wrdreg s8;
	s8 =	smul.u32 $0x2800, s9  }
0x9: {  	p0 =	seq.s32 s6, $0x1;
	s2 =	sadd.s32 s2, s0;
	s13 =	sshrl.u32 s7, $0x1  }
0xa: {  	s0 =	sadd.s32 $0x86C00, s0;
	s15 =	sshrl.u32 s11, $0x2;
	s17 =	sadd.s32 $0x80, s10  }
0xb: {  	s18 =	sadd.s32 $0x100, s10;
	s22 =	sadd.s32 $0x180, s10;
	s23 =	sadd.s32 $0x200, s10  }
0xc: {  	s10 =	simm.s32 $0x1;
	[dreg:$0x5] =	wrdreg s0;
	s14 =	ssub.s32 s7, s13  }
0xd: {  	s16 =	sadd.s32 s1, s8;
	s11 =	sadd.s32 s15, s3;
	s12 =	sshll.u32 s17, $0x4  }
0xe: {  	s0 =	sshll.u32 s17, $0x7;
	s15 =	sshll.u32 s18, $0x4;
	s21 =	sshll.u32 s18, $0x7  }
0xf: {  	s18 =	sshll.u32 s22, $0x4;
	s6 =	sshll.u32 s22, $0x7;
	s26 =	sadd.s32 s5, s8  }
0x10: {  	s7 =	simm.s32 $0x180;
	s13 =	simm.s32 $0x100;
	s9 =	smax.u32 s14, $0x1  }
0x11: {  	[dreg:$0x6] =	wrdreg s16;
	s19 =	sadd.s32 s1, s12;
	s14 =	sadd.s32 s0, s3  }
0x12: {  	s20 =	sadd.s32 s1, s15;
	s17 =	sadd.s32 s21, s3;
	s24 =	sadd.s32 s1, s18  }
0x13: {  	s21 =	sadd.s32 s6, s3;
	s0 =	sshll.u32 s23, $0x7;
	[dreg:$0xb] =	wrdreg s26  }
0x14: {  	s28 =	sadd.s32 s5, s12;
	s29 =	sadd.s32 s5, s15;
	[dreg:$0x7] =	wrdreg s19  }
.Ltmp0:
0x15: {  	s30 =	sadd.s32 s5, s18;
	[dreg:$0x8] =	wrdreg s20;
	(pc) =	sbr.rel .LBB2_1-.Ltmp0, $4  }
0x16: {  	s6 =	simm.s32 $0x80;
	s16 =	simm.s32 $0x0;
	[dreg:$0x9] =	wrdreg s24  }
0x17: {  	s20 =	sshll.u32 s23, $0x4;
	s23 =	sadd.s32 s0, s3;
	s24 =	sadd.s32 $0x4C00, s2  }
0x18: {  	s0 =	simm.s32 $0x4180;
	s25 =	sadd.s32 s1, s20;
	s31 =	sadd.s32 s5, s20  }
0x19: {  	[dreg:$0xa] =	wrdreg s25;
	s25 =	sadd.s32 $0x9C00, s2;
	s2 =	simm.s32 $0x2  }
.LBB2_7:
0x1a: {  	v12 =	vld [tilespmem:$0xF0]  }
0x1b: {  	vm0 =	veq.s32 v8, v3;
	v58 =	vld [tilespmem:$0x70]  }
0x1c: {  	[tilespmem:$0x120] =	vst v11;
	vm1 =	veq.s32 v10, v4;
	v59 =	vld [tilespmem:$0x10];
	v3 =	vsel vm0, $0x2720, v3  }
0x1d: {  	vm11 =	veq.s32 v5, v1;
	v60 =	vsel vm1, $0x2720, v4;
	[tilespmem:$0x130] =	vst v3  }
0x1e: {  	vm12 =	veq.s32 v9, v0;
	v1 =	vsel vm11, $0x2720, v1;
	[tilespmem:$0x140] =	vst v60  }
0x1f: {  	vm13 =	veq.s32 v7, v6;
	v0 =	vsel vm12, $0x2720, v0;
	[tilespmem:$0x150] =	vst v1  }
0x20: {  	v61 =	vsel vm13, $0x2720, v6;
	[tilespmem:$0x160] =	vst v0;
	vm14 =	veq.s32 v58, v12  }
0x21: {  	[tilespmem:$0x100] =	vst v61;
	vm15 =	veq.s32 v59, v2;
	v62 =	vsel vm14, $0x2720, v12  }
0x22: {  	v63 =	vsel vm15, $0x2720, v2;
	[tilespmem:$0x170] =	vst v62  }
0x23: {  	[tilespmem:$0x110] =	vst v63  }
0x24: {  	[tilespmem:s7], [sflag:$0x1] =	stream.indirect.gather [hbm4b:s5+s6], $0x80, s4, s6, $0xb8;
	[tilespmem:$0x1C180] =	vst v63  }
0x25: {  	_ =	swait.ge [sflag:s10], $0x4000  }
0x26: {  	[sflag:s10] =	ssyncset.done $0x0  }
0x27: {  	[sflag:s10] =	ssyncadd.s32 $0xFFFFC000  }
0x28: {  	[spmem:s3] =	stream.indirect.scatter.add.f32 [tilespmem:s7], [sflag:$0x2], $0x80, s13, s6, $0xb8;
	[tilespmem:$0x1C180] =	vst v63  }
0x29: {  	_ =	swait.ge [sflag:s2], $0x4000  }
0x2a: {  	[sflag:s2] =	ssyncset.done $0x0  }
0x2b: {  	s19 =	rddreg [dreg:$0x5];
	[sflag:s2] =	ssyncadd.s32 $0xFFFFC000  }
.LBB2_8:
0x2c: {  	[bflag:$0x0] =	sbarrier.arrive $0xFFFF  }
0x2d: {  	[tilespmem:s0], [sflag:$0x2] =	stream.linear.gather [spmem:s11], $0x4000, $0x38;
	[tilespmem:$0x1C180] =	vst v63  }
0x2e: {  	_ =	swait.ge [sflag:s2], $0x4000  }
0x2f: {  	[sflag:s2] =	ssyncset.done $0x0  }
0x30: {  	s22 =	sadd.s32 s19, s8;
	[sflag:s2] =	ssyncadd.s32 $0xFFFFC000  }
0x31: {  	[hbm4b:s22+s4] =	stream.linear.scatter [tilespmem:s0], [sflag:$0x2], $0x4000, $0x38;
	[tilespmem:$0x1C180] =	vst v63  }
0x32: {  	_ =	swait.ge [sflag:s2], $0x4000  }
0x33: {  	[sflag:s2] =	ssyncset.done $0x0  }
0x34: {  	[sflag:s2] =	ssyncadd.s32 $0xFFFFC000  }
0x35: {  	[tilespmem:s0], [sflag:$0x2] =	stream.linear.gather [spmem:s14], $0x4000, $0x38;
	[tilespmem:$0x1C180] =	vst v63  }
0x36: {  	_ =	swait.ge [sflag:s2], $0x4000  }
0x37: {  	[sflag:s2] =	ssyncset.done $0x0  }
0x38: {  	s26 =	sadd.s32 s19, s12;
	[sflag:s2] =	ssyncadd.s32 $0xFFFFC000  }
0x39: {  	[hbm4b:s26+s4] =	stream.linear.scatter [tilespmem:s0], [sflag:$0x2], $0x4000, $0x38;
	[tilespmem:$0x1C180] =	vst v63  }
0x3a: {  	_ =	swait.ge [sflag:s2], $0x4000  }
0x3b: {  	[sflag:s2] =	ssyncset.done $0x0  }
0x3c: {  	[sflag:s2] =	ssyncadd.s32 $0xFFFFC000  }
0x3d: {  	[tilespmem:s0], [sflag:$0x2] =	stream.linear.gather [spmem:s17], $0x4000, $0x38;
	[tilespmem:$0x1C180] =	vst v63  }
0x3e: {  	_ =	swait.ge [sflag:s2], $0x4000  }
0x3f: {  	[sflag:s2] =	ssyncset.done $0x0  }
0x40: {  	s26 =	sadd.s32 s19, s15;
	[sflag:s2] =	ssyncadd.s32 $0xFFFFC000  }
0x41: {  	[hbm4b:s26+s4] =	stream.linear.scatter [tilespmem:s0], [sflag:$0x2], $0x4000, $0x38;
	[tilespmem:$0x1C180] =	vst v63  }
0x42: {  	_ =	swait.ge [sflag:s2], $0x4000  }
0x43: {  	[sflag:s2] =	ssyncset.done $0x0  }
0x44: {  	[sflag:s2] =	ssyncadd.s32 $0xFFFFC000  }
0x45: {  	[tilespmem:s0], [sflag:$0x2] =	stream.linear.gather [spmem:s21], $0x4000, $0x38;
	[tilespmem:$0x1C180] =	vst v63  }
0x46: {  	_ =	swait.ge [sflag:s2], $0x4000  }
0x47: {  	[sflag:s2] =	ssyncset.done $0x0  }
0x48: {  	s26 =	sadd.s32 s19, s18;
	[sflag:s2] =	ssyncadd.s32 $0xFFFFC000  }
0x49: {  	[hbm4b:s26+s4] =	stream.linear.scatter [tilespmem:s0], [sflag:$0x2], $0x4000, $0x38;
	[tilespmem:$0x1C180] =	vst v63  }
0x4a: {  	_ =	swait.ge [sflag:s2], $0x4000  }
0x4b: {  	[sflag:s2] =	ssyncset.done $0x0  }
0x4c: {  	[sflag:s2] =	ssyncadd.s32 $0xFFFFC000  }
0x4d: {  	[tilespmem:s0], [sflag:$0x2] =	stream.linear.gather [spmem:s23], $0x4000, $0x38;
	[tilespmem:$0x1C180] =	vst v63  }
0x4e: {  	s16 =	sadd.s32 $0x1, s16;
	_ =	swait.ge [sflag:s2], $0x4000  }
0x4f: {  	p1 =	sne.s32 s16, s9;
	[sflag:s2] =	ssyncset.done $0x0  }
.Ltmp1:
0x50: {  	s26 =	sadd.s32 s19, s20;
	[sflag:s2] =	ssyncadd.s32 $0xFFFFC000;
	(pc) =	sbr.rel @!p1 .LBB2_9-.Ltmp1, $4  }
0x51: {  	[hbm4b:s26+s4] =	stream.linear.scatter [tilespmem:s0], [sflag:$0x2], $0x4000, $0x38;
	[tilespmem:$0x1C180] =	vst v63  }
0x52: {  	_ =	swait.ge [sflag:s2], $0x4000  }
0x53: {  	[sflag:s2] =	ssyncset.done $0x0  }
0x54: {  	[sflag:s2] =	ssyncadd.s32 $0xFFFFC000  }
.LBB2_1:
.Ltmp2:
0x55: {  	(pc) =	sbr.rel @!p0 .LBB2_2-.Ltmp2, $2  }
0x56: {  	_ =	sdelay $0x2  }
0x57: {  	s19 =	simm.s32 $0x0  }
0x58: {  	s22 =	rddreg [dreg:$0xb]  }
0x59: {  	[tilespmem:s0], [sflag:$0x2] =	stream.linear.gather [hbm4b:s22+s19], $0x4000, $0x38;
	[tilespmem:$0x1C180] =	vst v63  }
0x5a: {  	_ =	swait.ge [sflag:s2], $0x4000  }
0x5b: {  	[sflag:s2] =	ssyncset.done $0x0  }
0x5c: {  	[sflag:s2] =	ssyncadd.s32 $0xFFFFC000  }
0x5d: {  	[spmem:s11] =	stream.linear.scatter [tilespmem:s0], [sflag:$0x2], $0x4000, $0x38;
	[tilespmem:$0x1C180] =	vst v63  }
0x5e: {  	_ =	swait.ge [sflag:s2], $0x4000  }
0x5f: {  	[sflag:s2] =	ssyncset.done $0x0  }
0x60: {  	[sflag:s2] =	ssyncadd.s32 $0xFFFFC000  }
0x61: {  	[tilespmem:s0], [sflag:$0x2] =	stream.linear.gather [hbm4b:s28+s19], $0x4000, $0x38;
	[tilespmem:$0x1C180] =	vst v63  }
0x62: {  	_ =	swait.ge [sflag:s2], $0x4000  }
0x63: {  	[sflag:s2] =	ssyncset.done $0x0  }
0x64: {  	[sflag:s2] =	ssyncadd.s32 $0xFFFFC000  }
0x65: {  	[spmem:s14] =	stream.linear.scatter [tilespmem:s0], [sflag:$0x2], $0x4000, $0x38;
	[tilespmem:$0x1C180] =	vst v63  }
0x66: {  	_ =	swait.ge [sflag:s2], $0x4000  }
0x67: {  	[sflag:s2] =	ssyncset.done $0x0  }
0x68: {  	[sflag:s2] =	ssyncadd.s32 $0xFFFFC000  }
0x69: {  	[tilespmem:s0], [sflag:$0x2] =	stream.linear.gather [hbm4b:s29+s19], $0x4000, $0x38;
	[tilespmem:$0x1C180] =	vst v63  }
0x6a: {  	_ =	swait.ge [sflag:s2], $0x4000  }
0x6b: {  	[sflag:s2] =	ssyncset.done $0x0  }
0x6c: {  	[sflag:s2] =	ssyncadd.s32 $0xFFFFC000  }
0x6d: {  	[spmem:s17] =	stream.linear.scatter [tilespmem:s0], [sflag:$0x2], $0x4000, $0x38;
	[tilespmem:$0x1C180] =	vst v63  }
0x6e: {  	_ =	swait.ge [sflag:s2], $0x4000  }
0x6f: {  	[sflag:s2] =	ssyncset.done $0x0  }
0x70: {  	[sflag:s2] =	ssyncadd.s32 $0xFFFFC000  }
0x71: {  	[tilespmem:s0], [sflag:$0x2] =	stream.linear.gather [hbm4b:s30+s19], $0x4000, $0x38;
	[tilespmem:$0x1C180] =	vst v63  }
0x72: {  	_ =	swait.ge [sflag:s2], $0x4000  }
0x73: {  	[sflag:s2] =	ssyncset.done $0x0  }
0x74: {  	[sflag:s2] =	ssyncadd.s32 $0xFFFFC000  }
0x75: {  	[spmem:s21] =	stream.linear.scatter [tilespmem:s0], [sflag:$0x2], $0x4000, $0x38;
	[tilespmem:$0x1C180] =	vst v63  }
0x76: {  	_ =	swait.ge [sflag:s2], $0x4000  }
0x77: {  	[sflag:s2] =	ssyncset.done $0x0  }
0x78: {  	[sflag:s2] =	ssyncadd.s32 $0xFFFFC000  }
0x79: {  	[tilespmem:s0], [sflag:$0x2] =	stream.linear.gather [hbm4b:s31+s19], $0x4000, $0x38;
	[tilespmem:$0x1C180] =	vst v63  }
0x7a: {  	_ =	swait.ge [sflag:s2], $0x4000  }
0x7b: {  	[sflag:s2] =	ssyncset.done $0x0  }
0x7c: {  	[sflag:s2] =	ssyncadd.s32 $0xFFFFC000  }
0x7d: {  	[spmem:s23] =	stream.linear.scatter [tilespmem:s0], [sflag:$0x2], $0x4000, $0x38;
	[tilespmem:$0x1C180] =	vst v63  }
0x7e: {  	_ =	swait.ge [sflag:s2], $0x4000  }
0x7f: {  	[sflag:s2] =	ssyncset.done $0x0  }
0x80: {  	[sflag:s2] =	ssyncadd.s32 $0xFFFFC000  }
0x81: {  	s22 =	sadd.s32 $0x0, s25;
	[bflag:$0x0] =	sbarrier.arrive $0xFFFF  }
0x82: {  	[tilespmem:s4], [sflag:$0x2] =	stream.linear.gather [hbm4b:s22+s4], $0x80, $0x38;
	[tilespmem:$0x1C180] =	vst v63  }
0x83: {  	_ =	swait.ge [sflag:s2], $0x80  }
0x84: {  	[sflag:s2] =	ssyncset.done $0x0  }
0x85: {  	s26 =	sadd.s32 $0x0, s24;
	[sflag:s2] =	ssyncadd.s32 $0xFFFFFF80  }
0x86: {  	[tilespmem:s6], [sflag:$0x2] =	stream.linear.gather [hbm4b:s26+s4], $0x80, $0x38;
	[tilespmem:$0x1C180] =	vst v63  }
0x87: {  	_ =	swait.ge [sflag:s2], $0x80  }
0x88: {  	[sflag:s2] =	ssyncset.done $0x0  }
0x89: {  	[sflag:s2] =	ssyncadd.s32 $0xFFFFFF80  }
0x8a: {  	v0 =	vld [tilespmem:$0xE0]  }
0x8b: {  	v1 =	vld [tilespmem:$0xD0]  }
0x8c: {  	v3 =	vld [tilespmem:$0xB0]  }
0x8d: {  	v11 =	vld [tilespmem:$0xA0]  }
0x8e: {  	v8 =	vld [tilespmem:$0x30]  }
0x8f: {  	v5 =	vld [tilespmem:$0x50]  }
0x90: {  	v2 =	vld [tilespmem:$0x20]  }
0x91: {  	v4 =	vld [tilespmem:$0xC0]  }
0x92: {  	v7 =	vld [tilespmem:$0x0]  }
0x93: {  	v10 =	vld [tilespmem:$0x40]  }
0x94: {  	v6 =	vld [tilespmem:$0x80]  }
0x95: {  	v9 =	vld [tilespmem:$0x60];
	vm0 =	veq.s32 v2, v11  }
0x96: {  	s19 =	simm.s32 $0x10;
	v2 =	vld [tilespmem:$0x90];
	v11 =	vsel vm0, $0x2720, v11  }
.LBB2_6:
0x97: {  	p1 =	sne.s32 s19, $0x4E0;
	v12 =	vld [tilespmem:$0xF0];
	s22 =	smov.u32 s19;
	s19 =	sadd.s32 $0x10, s19  }
0x98: {  	vm0 =	veq.s32 v8, v3;
	vm1 =	veq.s32 v10, v4;
	[tilespmem:$0x120] =	vst v11;
	v8 =	vld [tilespmem:$0x70]  }
0x99: {  	vm2 =	veq.s32 v7, v6;
	v3 =	vsel vm0, $0x2720, v3;
	vm0 =	veq.s32 v5, v1;
	v7 =	vld [tilespmem:$0x10]  }
0x9a: {  	v5 =	vsel vm2, $0x2720, v6;
	[tilespmem:$0x130] =	vst v3;
	v3 =	vsel vm1, $0x2720, v4;
	vm1 =	veq.s32 v9, v0  }
0x9b: {  	v1 =	vsel vm0, $0x2720, v1;
	[tilespmem:$0x140] =	vst v3;
	v0 =	vsel vm1, $0x2720, v0  }
0x9c: {  	[tilespmem:$0x150] =	vst v1  }
0x9d: {  	[tilespmem:$0x160] =	vst v0;
	vm0 =	veq.s32 v8, v12  }
0x9e: {  	[tilespmem:$0x100] =	vst v5;
	vm1 =	veq.s32 v7, v2;
	v0 =	vsel vm0, $0x2720, v12  }
0x9f: {  	v1 =	vsel vm1, $0x2720, v2;
	[tilespmem:$0x170] =	vst v0  }
0xa0: {  	[tilespmem:$0x110] =	vst v1  }
0xa1: {  	[tilespmem:s7], [sflag:$0x1] =	stream.indirect.gather [hbm4b:s5+s6], $0x80, s4, s6, $0xb8;
	[tilespmem:$0x1C180] =	vst v63  }
0xa2: {  	_ =	swait.ge [sflag:s10], $0x4000  }
0xa3: {  	[sflag:s10] =	ssyncset.done $0x0  }
0xa4: {  	[sflag:s10] =	ssyncadd.s32 $0xFFFFC000  }
0xa5: {  	[spmem:s3] =	stream.indirect.scatter.add.f32 [tilespmem:s7], [sflag:$0x2], $0x80, s13, s6, $0xb8;
	[tilespmem:$0x1C180] =	vst v63  }
0xa6: {  	s26 =	sadd.s32 s22, s25;
	_ =	swait.ge [sflag:s2], $0x4000  }
0xa7: {  	[sflag:s2] =	ssyncset.done $0x0  }
0xa8: {  	[sflag:s2] =	ssyncadd.s32 $0xFFFFC000  }
0xa9: {  	[tilespmem:s4], [sflag:$0x2] =	stream.linear.gather [hbm4b:s26+s4], $0x80, $0x38;
	[tilespmem:$0x1C180] =	vst v63  }
0xaa: {  	_ =	swait.ge [sflag:s2], $0x80  }
0xab: {  	[sflag:s2] =	ssyncset.done $0x0  }
0xac: {  	s22 =	sadd.s32 s22, s24;
	[sflag:s2] =	ssyncadd.s32 $0xFFFFFF80  }
0xad: {  	[tilespmem:s6], [sflag:$0x2] =	stream.linear.gather [hbm4b:s22+s4], $0x80, $0x38;
	[tilespmem:$0x1C180] =	vst v63  }
0xae: {  	_ =	swait.ge [sflag:s2], $0x80  }
0xaf: {  	[sflag:s2] =	ssyncset.done $0x0  }
0xb0: {  	[sflag:s2] =	ssyncadd.s32 $0xFFFFFF80  }
0xb1: {  	v0 =	vld [tilespmem:$0xE0]  }
0xb2: {  	v1 =	vld [tilespmem:$0xD0]  }
0xb3: {  	v3 =	vld [tilespmem:$0xB0]  }
0xb4: {  	v11 =	vld [tilespmem:$0xA0]  }
0xb5: {  	v8 =	vld [tilespmem:$0x30]  }
0xb6: {  	v5 =	vld [tilespmem:$0x50]  }
0xb7: {  	v2 =	vld [tilespmem:$0x20]  }
0xb8: {  	v4 =	vld [tilespmem:$0xC0]  }
.Ltmp3:
0xb9: {  	v7 =	vld [tilespmem:$0x0];
	(pc) =	sbr.rel @p1 .LBB2_6-.Ltmp3, $4  }
0xba: {  	v10 =	vld [tilespmem:$0x40]  }
0xbb: {  	v6 =	vld [tilespmem:$0x80]  }
0xbc: {  	vm0 =	veq.s32 v2, v11;
	v9 =	vld [tilespmem:$0x60]  }
0xbd: {  	v2 =	vld [tilespmem:$0x90];
	v11 =	vsel vm0, $0x2720, v11  }
.Ltmp4:
0xbe: {  	_ = 	snop;
	(pc) =	sbr.rel .LBB2_7-.Ltmp4, $1  }
0xbf: {  	_ =	sdelay $0x3  }
.LBB2_2:
0xc0: {  	s22 =	rddreg [dreg:$0x6]  }
0xc1: {  	[tilespmem:s0], [sflag:$0x2] =	stream.linear.gather [hbm4b:s22+s19], $0x4000, $0x38;
	[tilespmem:$0x1C180] =	vst v63  }
0xc2: {  	_ =	swait.ge [sflag:s2], $0x4000  }
0xc3: {  	[sflag:s2] =	ssyncset.done $0x0  }
0xc4: {  	[sflag:s2] =	ssyncadd.s32 $0xFFFFC000  }
0xc5: {  	[spmem:s11] =	stream.linear.scatter [tilespmem:s0], [sflag:$0x2], $0x4000, $0x38;
	[tilespmem:$0x1C180] =	vst v63  }
0xc6: {  	_ =	swait.ge [sflag:s2], $0x4000  }
0xc7: {  	[sflag:s2] =	ssyncset.done $0x0  }
0xc8: {  	s26 =	rddreg [dreg:$0x7];
	[sflag:s2] =	ssyncadd.s32 $0xFFFFC000  }
0xc9: {  	[tilespmem:s0], [sflag:$0x2] =	stream.linear.gather [hbm4b:s26+s19], $0x4000, $0x38;
	[tilespmem:$0x1C180] =	vst v63  }
0xca: {  	_ =	swait.ge [sflag:s2], $0x4000  }
0xcb: {  	[sflag:s2] =	ssyncset.done $0x0  }
0xcc: {  	[sflag:s2] =	ssyncadd.s32 $0xFFFFC000  }
0xcd: {  	[spmem:s14] =	stream.linear.scatter [tilespmem:s0], [sflag:$0x2], $0x4000, $0x38;
	[tilespmem:$0x1C180] =	vst v63  }
0xce: {  	_ =	swait.ge [sflag:s2], $0x4000  }
0xcf: {  	[sflag:s2] =	ssyncset.done $0x0  }
0xd0: {  	s26 =	rddreg [dreg:$0x8];
	[sflag:s2] =	ssyncadd.s32 $0xFFFFC000  }
0xd1: {  	[tilespmem:s0], [sflag:$0x2] =	stream.linear.gather [hbm4b:s26+s19], $0x4000, $0x38;
	[tilespmem:$0x1C180] =	vst v63  }
0xd2: {  	_ =	swait.ge [sflag:s2], $0x4000  }
0xd3: {  	[sflag:s2] =	ssyncset.done $0x0  }
0xd4: {  	[sflag:s2] =	ssyncadd.s32 $0xFFFFC000  }
0xd5: {  	[spmem:s17] =	stream.linear.scatter [tilespmem:s0], [sflag:$0x2], $0x4000, $0x38;
	[tilespmem:$0x1C180] =	vst v63  }
0xd6: {  	_ =	swait.ge [sflag:s2], $0x4000  }
0xd7: {  	[sflag:s2] =	ssyncset.done $0x0  }
0xd8: {  	s26 =	rddreg [dreg:$0x9];
	[sflag:s2] =	ssyncadd.s32 $0xFFFFC000  }
0xd9: {  	[tilespmem:s0], [sflag:$0x2] =	stream.linear.gather [hbm4b:s26+s19], $0x4000, $0x38;
	[tilespmem:$0x1C180] =	vst v63  }
0xda: {  	_ =	swait.ge [sflag:s2], $0x4000  }
0xdb: {  	[sflag:s2] =	ssyncset.done $0x0  }
0xdc: {  	[sflag:s2] =	ssyncadd.s32 $0xFFFFC000  }
0xdd: {  	[spmem:s21] =	stream.linear.scatter [tilespmem:s0], [sflag:$0x2], $0x4000, $0x38;
	[tilespmem:$0x1C180] =	vst v63  }
0xde: {  	_ =	swait.ge [sflag:s2], $0x4000  }
0xdf: {  	[sflag:s2] =	ssyncset.done $0x0  }
0xe0: {  	s26 =	rddreg [dreg:$0xa];
	[sflag:s2] =	ssyncadd.s32 $0xFFFFC000  }
0xe1: {  	[tilespmem:s0], [sflag:$0x2] =	stream.linear.gather [hbm4b:s26+s19], $0x4000, $0x38;
	[tilespmem:$0x1C180] =	vst v63  }
0xe2: {  	_ =	swait.ge [sflag:s2], $0x4000  }
0xe3: {  	[sflag:s2] =	ssyncset.done $0x0  }
0xe4: {  	[sflag:s2] =	ssyncadd.s32 $0xFFFFC000  }
0xe5: {  	[spmem:s23] =	stream.linear.scatter [tilespmem:s0], [sflag:$0x2], $0x4000, $0x38;
	[tilespmem:$0x1C180] =	vst v63  }
0xe6: {  	_ =	swait.ge [sflag:s2], $0x4000  }
0xe7: {  	[sflag:s2] =	ssyncset.done $0x0  }
0xe8: {  	[sflag:s2] =	ssyncadd.s32 $0xFFFFC000  }
0xe9: {  	s22 =	sadd.s32 $0x0, s25;
	[bflag:$0x0] =	sbarrier.arrive $0xFFFF  }
0xea: {  	[tilespmem:s4], [sflag:$0x2] =	stream.linear.gather [hbm4b:s22+s4], $0x80, $0x38;
	[tilespmem:$0x1C180] =	vst v63  }
0xeb: {  	_ =	swait.ge [sflag:s2], $0x80  }
0xec: {  	[sflag:s2] =	ssyncset.done $0x0  }
0xed: {  	s26 =	sadd.s32 $0x0, s24;
	[sflag:s2] =	ssyncadd.s32 $0xFFFFFF80  }
0xee: {  	[tilespmem:s6], [sflag:$0x2] =	stream.linear.gather [hbm4b:s26+s4], $0x80, $0x38;
	[tilespmem:$0x1C180] =	vst v63  }
0xef: {  	_ =	swait.ge [sflag:s2], $0x80  }
0xf0: {  	[sflag:s2] =	ssyncset.done $0x0  }
0xf1: {  	[sflag:s2] =	ssyncadd.s32 $0xFFFFFF80  }
0xf2: {  	v0 =	vld [tilespmem:$0xE0]  }
0xf3: {  	v1 =	vld [tilespmem:$0xD0]  }
0xf4: {  	v3 =	vld [tilespmem:$0xB0]  }
0xf5: {  	v11 =	vld [tilespmem:$0xA0]  }
0xf6: {  	v8 =	vld [tilespmem:$0x30]  }
0xf7: {  	v5 =	vld [tilespmem:$0x50]  }
0xf8: {  	v2 =	vld [tilespmem:$0x20]  }
0xf9: {  	v4 =	vld [tilespmem:$0xC0]  }
0xfa: {  	v7 =	vld [tilespmem:$0x0]  }
0xfb: {  	v10 =	vld [tilespmem:$0x40]  }
0xfc: {  	v6 =	vld [tilespmem:$0x80]  }
0xfd: {  	v9 =	vld [tilespmem:$0x60];
	vm0 =	veq.s32 v2, v11  }
0xfe: {  	s19 =	simm.s32 $0x10;
	v2 =	vld [tilespmem:$0x90];
	v11 =	vsel vm0, $0x2720, v11  }
.LBB2_3:
0xff: {  	p1 =	seq.s32 s19, $0x4E0;
	v12 =	vld [tilespmem:$0xF0];
	s22 =	smov.u32 s19;
	s19 =	sadd.s32 $0x10, s19  }
0x100: {  	vm0 =	veq.s32 v8, v3;
	[tilespmem:$0x120] =	vst v11;
	vm1 =	veq.s32 v10, v4;
	v8 =	vld [tilespmem:$0x70]  }
0x101: {  	v3 =	vsel vm0, $0x2720, v3;
	vm0 =	veq.s32 v5, v1;
	vm2 =	veq.s32 v7, v6;
	v7 =	vld [tilespmem:$0x10]  }
0x102: {  	v5 =	vsel vm2, $0x2720, v6;
	[tilespmem:$0x130] =	vst v3;
	v3 =	vsel vm1, $0x2720, v4;
	vm1 =	veq.s32 v9, v0  }
0x103: {  	v1 =	vsel vm0, $0x2720, v1;
	[tilespmem:$0x140] =	vst v3;
	v0 =	vsel vm1, $0x2720, v0  }
0x104: {  	[tilespmem:$0x150] =	vst v1  }
0x105: {  	[tilespmem:$0x160] =	vst v0;
	vm0 =	veq.s32 v8, v12  }
0x106: {  	[tilespmem:$0x100] =	vst v5;
	vm1 =	veq.s32 v7, v2;
	v0 =	vsel vm0, $0x2720, v12  }
0x107: {  	v1 =	vsel vm1, $0x2720, v2;
	[tilespmem:$0x170] =	vst v0  }
0x108: {  	[tilespmem:$0x110] =	vst v1  }
0x109: {  	[tilespmem:s7], [sflag:$0x1] =	stream.indirect.gather [hbm4b:s1+s6], $0x80, s4, s6, $0xb8;
	[tilespmem:$0x1C180] =	vst v63  }
0x10a: {  	_ =	swait.ge [sflag:s10], $0x4000  }
0x10b: {  	[sflag:s10] =	ssyncset.done $0x0  }
0x10c: {  	[sflag:s10] =	ssyncadd.s32 $0xFFFFC000  }
0x10d: {  	[spmem:s3] =	stream.indirect.scatter.add.f32 [tilespmem:s7], [sflag:$0x2], $0x80, s13, s6, $0xb8;
	[tilespmem:$0x1C180] =	vst v63  }
0x10e: {  	s26 =	sadd.s32 s22, s25;
	_ =	swait.ge [sflag:s2], $0x4000  }
0x10f: {  	[sflag:s2] =	ssyncset.done $0x0  }
0x110: {  	[sflag:s2] =	ssyncadd.s32 $0xFFFFC000  }
0x111: {  	[tilespmem:s4], [sflag:$0x2] =	stream.linear.gather [hbm4b:s26+s4], $0x80, $0x38;
	[tilespmem:$0x1C180] =	vst v63  }
0x112: {  	_ =	swait.ge [sflag:s2], $0x80  }
0x113: {  	[sflag:s2] =	ssyncset.done $0x0  }
0x114: {  	s22 =	sadd.s32 s22, s24;
	[sflag:s2] =	ssyncadd.s32 $0xFFFFFF80  }
0x115: {  	[tilespmem:s6], [sflag:$0x2] =	stream.linear.gather [hbm4b:s22+s4], $0x80, $0x38;
	[tilespmem:$0x1C180] =	vst v63  }
0x116: {  	_ =	swait.ge [sflag:s2], $0x80  }
0x117: {  	[sflag:s2] =	ssyncset.done $0x0  }
0x118: {  	[sflag:s2] =	ssyncadd.s32 $0xFFFFFF80  }
0x119: {  	v0 =	vld [tilespmem:$0xE0]  }
0x11a: {  	v1 =	vld [tilespmem:$0xD0]  }
0x11b: {  	v3 =	vld [tilespmem:$0xB0]  }
0x11c: {  	v11 =	vld [tilespmem:$0xA0]  }
0x11d: {  	v8 =	vld [tilespmem:$0x30]  }
0x11e: {  	v5 =	vld [tilespmem:$0x50]  }
0x11f: {  	v2 =	vld [tilespmem:$0x20]  }
0x120: {  	v4 =	vld [tilespmem:$0xC0]  }
.Ltmp5:
0x121: {  	v7 =	vld [tilespmem:$0x0];
	(pc) =	sbr.rel @!p1 .LBB2_3-.Ltmp5, $4  }
0x122: {  	v10 =	vld [tilespmem:$0x40]  }
0x123: {  	v6 =	vld [tilespmem:$0x80]  }
0x124: {  	vm0 =	veq.s32 v2, v11;
	v9 =	vld [tilespmem:$0x60]  }
0x125: {  	v2 =	vld [tilespmem:$0x90];
	v11 =	vsel vm0, $0x2720, v11  }
0x126: {  	v12 =	vld [tilespmem:$0xF0]  }
0x127: {  	vm0 =	veq.s32 v8, v3;
	v58 =	vld [tilespmem:$0x70]  }
0x128: {  	[tilespmem:$0x120] =	vst v11;
	v59 =	vld [tilespmem:$0x10];
	vm11 =	veq.s32 v5, v1;
	v3 =	vsel vm0, $0x2720, v3  }
0x129: {  	vm1 =	veq.s32 v10, v4;
	v1 =	vsel vm11, $0x2720, v1;
	[tilespmem:$0x130] =	vst v3  }
0x12a: {  	v60 =	vsel vm1, $0x2720, v4;
	vm13 =	veq.s32 v7, v6;
	[tilespmem:$0x150] =	vst v1  }
0x12b: {  	vm12 =	veq.s32 v9, v0;
	[tilespmem:$0x140] =	vst v60;
	v61 =	vsel vm13, $0x2720, v6  }
0x12c: {  	v0 =	vsel vm12, $0x2720, v0;
	[tilespmem:$0x100] =	vst v61;
	vm14 =	veq.s32 v58, v12  }
0x12d: {  	[tilespmem:$0x160] =	vst v0;
	vm15 =	veq.s32 v59, v2;
	v62 =	vsel vm14, $0x2720, v12  }
0x12e: {  	v63 =	vsel vm15, $0x2720, v2;
	[tilespmem:$0x170] =	vst v62  }
0x12f: {  	[tilespmem:$0x110] =	vst v63  }
0x130: {  	[tilespmem:s7], [sflag:$0x1] =	stream.indirect.gather [hbm4b:s1+s6], $0x80, s4, s6, $0xb8;
	[tilespmem:$0x1C180] =	vst v63  }
0x131: {  	_ =	swait.ge [sflag:s10], $0x4000  }
0x132: {  	[sflag:s10] =	ssyncset.done $0x0  }
.Ltmp6:
0x133: {  	[sflag:s10] =	ssyncadd.s32 $0xFFFFC000;
	(pc) =	sbr.rel .LBB2_8-.Ltmp6, $4  }
0x134: {  	[spmem:s3] =	stream.indirect.scatter.add.f32 [tilespmem:s7], [sflag:$0x2], $0x80, s13, s6, $0xb8;
	[tilespmem:$0x1C180] =	vst v63  }
0x135: {  	_ =	swait.ge [sflag:s2], $0x4000  }
0x136: {  	[sflag:s2] =	ssyncset.done $0x0  }
0x137: {  	s19 =	rddreg [dreg:$0x4];
	[sflag:s2] =	ssyncadd.s32 $0xFFFFC000  }
.LBB2_9:
0x138: {  	_ =	sfence.sel $0x180000  }
0x139: {  	[bflag:$0x0] =	sbarrier.arrive $0xFFFF  }
0x13a: {  	_ =	strace $0x90000050  }
0x13b: {  	s0 =	stileid.u32;
	[bflag:$0x2] =	sbarrier.arrive $0xFFFF  }
0x13c: {  	p0 =	sne.s32 s0, $0x0;
	s0 =	rddreg [dreg:$0x3]  }
0x13d: {  	s0 =	sadd.s32 @!p0 $0x100000, s0  }
0x13e: {  	[sflag:s0] =	ssyncadd.tile.s32 @!p0 $0x1;
	_ =	shalt  }
.Lfunc_end2:
_tile_overlayer_lowered:
.L_overlay_start_2:
0x13f: {  	(tag) =	ssettag $0x2  }
0x140: {  	s0 =	rddreg [dreg:$0x0];
	s2 =	stileid.u32  }
0x141: {  	s1 =	rddreg [dreg:$0x1];
	p0 =	sne.s32 s2, $0x0  }
0x142: {  	s3 =	rddreg [dreg:$0x2];
	[bflag:$0x3] =	sbarrier.arrive $0xFFFF;
	s2 =	simm.s32 @!p0 $0x1C02  }
0x143: {  	[timem:s3], [sflag:s2] =	dma.local @!p0 [hbm:s0], s1  }
0x144: {  	s0 =	simm.s32 @!p0 $0x2  }
0x145: {  	_ =	swait.ge @!p0 [sflag:s0], s1  }
0x146: {  	s1 =	ssub.s32 @!p0 $0x0, s1;
	[sflag:s0] =	ssyncset.done @!p0 $0x0  }
0x147: {  	[sflag:s0] =	ssyncadd.s32 @!p0 s1  }
0x148: {  	[bflag:$0x3] =	sbarrier.arrive $0xFFFF  }
0x149: {  	_ =	shalt  }

</sc_bundles>
